<compile_context>
chip_gen: v7x
topology: tpu7x:2x2x1
jax: 0.10.2.dev20260603
libtpu: 0.0.44.dev20260713+nightly
codegen_flags: <defaults>
</compile_context>

<pallas_src>
import jax
import jax.numpy as jnp
from jax import lax
from jax.experimental import pallas as pl
from jax.experimental.pallas import tpu as pltpu
from jax.experimental.pallas import tpu_sc as plsc

WI, WH = 5, 4
INPUT_DIM, WIDTH, OUT_DIM = 128, 16, 16
BATCH = 32
NHID = 4
NF, NH, NL = 2048, 256, 256
NETS = NF + NHID * NH + NL
NGROUPS = 6 * 16
LANES = 16

_MASK = -65536


def _bfr(z):
    u = lax.bitcast_convert_type(z, jnp.int32)
    u = u + jnp.int32(0x7FFF) + ((u >> 16) & jnp.int32(1))
    return lax.bitcast_convert_type(u & jnp.int32(_MASK), jnp.float32)


def _net_tables(w0_ref, w1_ref, w2_ref, mu):
    w0 = _bfr(w0_ref[...])
    w1 = _bfr(w1_ref[...])
    w2 = _bfr(w2_ref[...])
    p = [_bfr(w0[:, WI * c + WI - 1:WI * c + WI] * mu) for c in range(WH)]
    q = []
    for r in range(WH):
        s = w1[:, 4 * r:4 * r + 1] * p[0]
        for c in range(1, WH):
            s = s + w1[:, 4 * r + c:4 * r + c + 1] * p[c]
        q.append(_bfr(s))
    f = w2[:, 0:1] * q[0]
    for r in range(1, WH):
        f = f + w2[:, r:r + 1] * q[r]
    return f


def _tables_body(fw0, fw1, fw2, hw0, hw1, hw2, lw0, lw1, lw2, ft_ref):
    k = lax.broadcasted_iota(jnp.int32, (1, 128), 1)
    mu = 1.0 + k.astype(jnp.float32) * jnp.float32(1.0 / 128.0)

    f0 = _net_tables(fw0, fw1, fw2, mu)
    fh = _net_tables(hw0, hw1, hw2, mu)
    fl = _net_tables(lw0, lw1, lw2, mu)

    def emit(l, rows):
        blk = jnp.concatenate(rows, axis=0)
        ft_ref[pl.ds(128 * l, 128), :] = blk.T

    emit(0, [jnp.sum(f0[128 * v:128 * (v + 1), :], axis=0, keepdims=True)
             for v in range(16)])
    for l in range(1, 5):
        base = NH * (l - 1)
        emit(l, [jnp.sum(fh[base + 16 * v:base + 16 * (v + 1), :],
                         axis=0, keepdims=True) for v in range(16)])
    emit(5, [jnp.sum(fl[16 * v:16 * (v + 1), :], axis=0, keepdims=True)
             for v in range(16)])


def _build_tables(ws):
    return pl.pallas_call(
        _tables_body,
        out_shape=jax.ShapeDtypeStruct((6 * 128, 16), jnp.float32),
    )(*ws)


def _bucketize(vec):
    u = lax.bitcast_convert_type(vec, jnp.int32)
    u = u + jnp.int32(0x7FFF) + ((u >> 16) & jnp.int32(1))
    u = u & jnp.int32(_MASK)
    kk = (u >> 16) & jnp.int32(0x7F)
    scale = lax.bitcast_convert_type(u & jnp.int32(-8388608), jnp.float32)
    return kk, scale


def _sc_body(x_h, ft_h, out_h, xb, ftb, ob):
    c = lax.axis_index("c")
    s = lax.axis_index("s")
    b = c * 16 + s

    pltpu.sync_copy(x_h.at[pl.ds(b * INPUT_DIM, INPUT_DIM)], xb)
    pltpu.sync_copy(ft_h, ftb)

    def eval_from_buckets(l, kk, scale, acc):
        base = l * 2048
        for i in range(LANES):
            row = ftb[pl.ds(base + kk[i] * 16, 16)]
            acc = acc + row * scale[i]
        return acc

    acc = jnp.zeros((LANES,), jnp.float32)
    for g in range(INPUT_DIM // LANES):
        kk, scale = _bucketize(xb[pl.ds(g * LANES, LANES)])
        acc = eval_from_buckets(0, kk, scale, acc)
    t0 = acc

    def layer(l, tin):
        kk, scale = _bucketize(tin)
        return eval_from_buckets(l, kk, scale, jnp.zeros((LANES,), jnp.float32))

    t1 = layer(1, t0)
    t2 = layer(2, t1) + t0
    t3 = layer(3, t2)
    t4 = layer(4, t3) + t2
    t5 = layer(5, t4)

    ob[...] = t5
    pltpu.sync_copy(ob, out_h.at[pl.ds(b * OUT_DIM, OUT_DIM)])


def _run_sc(xf, ft):
    mesh = plsc.VectorSubcoreMesh(
        core_axis_name="c", subcore_axis_name="s",
        num_cores=2, num_subcores=16)
    run = pl.kernel(
        _sc_body,
        out_type=jax.ShapeDtypeStruct((BATCH * OUT_DIM,), jnp.float32),
        mesh=mesh,
        compiler_params=pltpu.CompilerParams(needs_layout_passes=False),
        scratch_types=[
            pltpu.VMEM((INPUT_DIM,), jnp.float32),
            pltpu.VMEM((6 * 128 * 16,), jnp.float32),
            pltpu.VMEM((OUT_DIM,), jnp.float32),
        ],
    )
    return run(xf, ft)


@jax.jit
def kernel(x, fw0, fw1, fw2, hw0, hw1, hw2, lw0, lw1, lw2):
    ws = (fw0.reshape(NF, WH * WI), fw1.reshape(NF, WH * WH),
          fw2.reshape(NF, WH),
          hw0.reshape(NHID * NH, WH * WI), hw1.reshape(NHID * NH, WH * WH),
          hw2.reshape(NHID * NH, WH),
          lw0.reshape(NL, WH * WI), lw1.reshape(NL, WH * WH),
          lw2.reshape(NL, WH))
    ft = _build_tables(ws).reshape(-1)
    out = _run_sc(x.reshape(-1), ft)
    return out.reshape(BATCH, OUT_DIM)

# --- scband reference (transcript-rebuilt; emitter-appended) ---
"""Pipeline reference for scband-sparse-network-16801912062197 (READ-ONLY COPY).

The authoritative reference and input builder live on the scoring server;
editing this copy changes nothing except your own understanding.
"""

import jax, jax.numpy as jnp
import numpy as np

WI, WH, WO = 5, 4, 1
INPUT_DIM, DEPTH, WIDTH, OUT = 128, 6, 16, 16
BATCH = 32
NF = INPUT_DIM * WIDTH
NH = WIDTH * WIDTH
NL = WIDTH * OUT
NHID = DEPTH - 2

def setup_inputs(seed: int = 0):
    key = jax.random.key(seed)
    ks = jax.random.split(key, 10)
    return {
        'x': jax.random.normal(ks[0], (BATCH, INPUT_DIM), dtype=jnp.float32),
        'fw0': jax.random.normal(ks[1], (NF * WH * WI,), dtype=jnp.float32),
        'fw1': jax.random.normal(ks[2], (NF * WH * WH,), dtype=jnp.float32),
        'fw2': jax.random.normal(ks[3], (NF * WO * WH,), dtype=jnp.float32),
        'hw0': jax.random.normal(ks[4], (NHID, NH * WH * WI), dtype=jnp.float32),
        'hw1': jax.random.normal(ks[5], (NHID, NH * WH * WH), dtype=jnp.float32),
        'hw2': jax.random.normal(ks[6], (NHID, NH * WO * WH), dtype=jnp.float32),
        'lw0': jax.random.normal(ks[7], (NL * WH * WI,), dtype=jnp.float32),
        'lw1': jax.random.normal(ks[8], (NL * WH * WH,), dtype=jnp.float32),
        'lw2': jax.random.normal(ks[9], (NL * WO * WH,), dtype=jnp.float32),
    }

def _sparse_layer_forward(x, w0, w1, w2, n, view_dim):
    # Faithful translation of SparseNetwork.sparse_layer_forward for batched x.
    # embed_batch: x -> [B, D, 5] (4 zeros + value), tiled n times along last axis.
    B, D = x.shape
    e = jnp.concatenate([jnp.zeros((B, D, WI - 1), x.dtype), x[..., None]], axis=2)
    e = jnp.tile(e, (1, 1, n))  # [B, D, WI*n]
    h = jnp.transpose(e, (0, 2, 1))  # [B, WI*n, D] == inpt.T per batch element
    # SparseLayer.__call__: three block-diagonal sparse mms. Block i of sub-layer
    # (r, c) occupies rows i*r:(i+1)*r and cols i*c:(i+1)*c, with flat weight values
    # laid out row-major per block (np.argwhere ordering) -> reshape(n, r, c).
    for w, (r, c) in zip((w0, w1, w2), ((WH, WI), (WH, WH), (WO, WH))):
        wb = w.reshape(n, r, c)
        hb = h.reshape(B, n, c, D)
        h = jnp.einsum('nrc,bncd->bnrd', wb, hb).reshape(B, n * r, D)
    out = h.sum(axis=2)  # .sum(dim=1) over the D columns -> [B, n*WO]
    return out.reshape(B, view_dim, D).sum(axis=2)  # .view(view_dim, D).sum(dim=1)

def reference(x, fw0, fw1, fw2, hw0, hw1, hw2, lw0, lw1, lw2):
    t = _sparse_layer_forward(x, fw0, fw1, fw2, NF, WIDTH)
    residual = t
    for i in range(NHID):
        if i % 2 == 0:
            residual = t
        t = _sparse_layer_forward(t, hw0[i], hw1[i], hw2[i], NH, WIDTH)
        if i % 2 != 0:
            t = t + residual
    t = _sparse_layer_forward(t, lw0, lw1, lw2, NL, OUT)
    return t

if __name__ == "__main__":
    import jax
    _d = setup_inputs()
    print(jax.jit(kernel)(*tuple(_d.values())))

</pallas_src>

<mosaic_0001>
#map = affine_map<(d0, d1) -> (0)>
module attributes {stable_mosaic.version = 14 : i64} {
  func.func @_sc_body(%arg0: i32, %arg1: i32, %arg2: memref<4096xf32, #tpu.memory_space<hbm>>, %arg3: memref<12288xf32, #tpu.memory_space<hbm>>, %arg4: memref<512xf32, #tpu.memory_space<hbm>>, %arg5: memref<128xf32, #tpu.memory_space<vmem>>, %arg6: memref<12288xf32, #tpu.memory_space<vmem>>, %arg7: memref<16xf32, #tpu.memory_space<vmem>>) attributes {dimension_semantics = [#tpu.dimension_semantics<core_parallel>, #tpu.dimension_semantics<subcore_parallel>], iteration_bounds = array<i64: 2, 16>, scalar_prefetch = 0 : i64, scratch_operands = 3 : i64, tpu.core_type = #tpu.core_type<sc_vector_subcore>, window_params = [{transform_indices = #map}, {transform_indices = #map}, {transform_indices = #map}]} {
    %mul3A = arith.constant 16 : i32
    %mul3A_0 = arith.muli %arg0, %mul3A : i32
    %add3A = arith.addi %mul3A_0, %arg1 : i32
    %mul3A_1 = arith.constant 128 : i32
    %mul3A_2 = arith.muli %add3A, %mul3A_1 : i32
    "tpu.region"() ({
      %run_scoped3A = tpu.sem_alloc : memref<!tpu.dma_semaphore, #tpu.memory_space<semaphore_mem>>
      %dma_start3A = tpu.memref_slice %arg2[%mul3A_2] : memref<4096xf32, #tpu.memory_space<hbm>> -> memref<128xf32, #tpu.memory_space<hbm>>
      %dma_start3A_3045 = tpu.memref_slice %arg2[%mul3A_2] : memref<4096xf32, #tpu.memory_space<hbm>> -> memref<128xf32, #tpu.memory_space<hbm>>
      tpu.enqueue_dma source(%dma_start3A_3045 : memref<128xf32, #tpu.memory_space<hbm>>) target(%arg5 : memref<128xf32, #tpu.memory_space<vmem>>) target_semaphore(%run_scoped3A : memref<!tpu.dma_semaphore, #tpu.memory_space<semaphore_mem>>)
      %dma_wait3A = tpu.memref_slice %arg2[%mul3A_2] : memref<4096xf32, #tpu.memory_space<hbm>> -> memref<128xf32, #tpu.memory_space<hbm>>
      %dma_wait3A_3046 = tpu.memref_slice %arg2[%mul3A_2] : memref<4096xf32, #tpu.memory_space<hbm>> -> memref<128xf32, #tpu.memory_space<hbm>>
      tpu.wait_dma2 semaphore(%run_scoped3A : memref<!tpu.dma_semaphore, #tpu.memory_space<semaphore_mem>>) src(%dma_wait3A_3046 : memref<128xf32, #tpu.memory_space<hbm>>) dst(%arg5 : memref<128xf32, #tpu.memory_space<vmem>>)
      tpu.yield
    }) : () -> ()
    "tpu.region"() ({
      %run_scoped3A = tpu.sem_alloc : memref<!tpu.dma_semaphore, #tpu.memory_space<semaphore_mem>>
      tpu.enqueue_dma source(%arg3 : memref<12288xf32, #tpu.memory_space<hbm>>) target(%arg6 : memref<12288xf32, #tpu.memory_space<vmem>>) target_semaphore(%run_scoped3A : memref<!tpu.dma_semaphore, #tpu.memory_space<semaphore_mem>>)
      tpu.wait_dma2 semaphore(%run_scoped3A : memref<!tpu.dma_semaphore, #tpu.memory_space<semaphore_mem>>) src(%arg3 : memref<12288xf32, #tpu.memory_space<hbm>>) dst(%arg6 : memref<12288xf32, #tpu.memory_space<vmem>>)
      tpu.yield
    }) : () -> ()
    %broadcast_in_dim3A = arith.constant 0.000000e+00 : f32
    %broadcast_in_dim3A_3 = vector.broadcast %broadcast_in_dim3A : f32 to vector<16xf32>
    %get3A = arith.constant 0 : index
    %get3A_4 = tpu.vector_load %arg5[%get3A] {strides = array<i32>} : memref<128xf32, #tpu.memory_space<vmem>>, vector<16xf32>,
    %bitcast_convert_type3A = tpu.bitcast %get3A_4 : vector<16xf32> -> vector<16xi32>
    %add3A_5 = arith.constant 32767 : i32
    %add3A_6 = vector.broadcast %add3A_5 : i32 to vector<16xi32>
    %add3A_7 = arith.addi %bitcast_convert_type3A, %add3A_6 : vector<16xi32>
    %shift_right_arithmetic3A = arith.constant 16 : i32
    %shift_right_arithmetic3A_8 = vector.broadcast %shift_right_arithmetic3A : i32 to vector<16xi32>
    %shift_right_arithmetic3A_9 = arith.shrsi %bitcast_convert_type3A, %shift_right_arithmetic3A_8 : vector<16xi32>
    %and3A = arith.constant 1 : i32
    %and3A_10 = vector.broadcast %and3A : i32 to vector<16xi32>
    %and3A_11 = arith.andi %shift_right_arithmetic3A_9, %and3A_10 : vector<16xi32>
    %add3A_12 = arith.addi %add3A_7, %and3A_11 : vector<16xi32>
    %and3A_13 = arith.constant -65536 : i32
    %and3A_14 = vector.broadcast %and3A_13 : i32 to vector<16xi32>
    %and3A_15 = arith.andi %add3A_12, %and3A_14 : vector<16xi32>
    %shift_right_arithmetic3A_16 = arith.constant 16 : i32
    %shift_right_arithmetic3A_17 = vector.broadcast %shift_right_arithmetic3A_16 : i32 to vector<16xi32>
    %shift_right_arithmetic3A_18 = arith.shrsi %and3A_15, %shift_right_arithmetic3A_17 : vector<16xi32>
    %and3A_19 = arith.constant 127 : i32
    %and3A_20 = vector.broadcast %and3A_19 : i32 to vector<16xi32>
    %and3A_21 = arith.andi %shift_right_arithmetic3A_18, %and3A_20 : vector<16xi32>
    %and3A_22 = arith.constant -8388608 : i32
    %and3A_23 = vector.broadcast %and3A_22 : i32 to vector<16xi32>
    %and3A_24 = arith.andi %and3A_15, %and3A_23 : vector<16xi32>
    %bitcast_convert_type3A_25 = tpu.bitcast %and3A_24 : vector<16xi32> -> vector<16xf32>
    %slice3A = vector.extract_strided_slice %and3A_21 {offsets = [0], sizes = [1], strides = [1]} : vector<16xi32> to vector<1xi32>
    %squeeze3A = vector.extract %slice3A[0] : i32 from vector<1xi32>
    %mul3A_26 = arith.constant 16 : i32
    %mul3A_27 = arith.muli %squeeze3A, %mul3A_26 : i32
    %add3A_28 = arith.constant 0 : i32
    %add3A_29 = arith.addi %add3A_28, %mul3A_27 : i32
    %get3A_30 = arith.index_cast %add3A_29 : i32 to index
    %get3A_31 = tpu.vector_load %arg6[%get3A_30] {strides = array<i32>} : memref<12288xf32, #tpu.memory_space<vmem>>, vector<16xf32>,
    %slice3A_32 = vector.extract_strided_slice %bitcast_convert_type3A_25 {offsets = [0], sizes = [1], strides = [1]} : vector<16xf32> to vector<1xf32>
    %squeeze3A_33 = vector.extract %slice3A_32[0] : f32 from vector<1xf32>
    %mul3A_34 = vector.broadcast %squeeze3A_33 : f32 to vector<16xf32>
    %mul3A_35 = arith.mulf %get3A_31, %mul3A_34 : vector<16xf32>
    %add3A_36 = arith.addf %broadcast_in_dim3A_3, %mul3A_35 : vector<16xf32>
    %slice3A_37 = vector.extract_strided_slice %and3A_21 {offsets = [1], sizes = [1], strides = [1]} : vector<16xi32> to vector<1xi32>
    %squeeze3A_38 = vector.extract %slice3A_37[0] : i32 from vector<1xi32>
    %mul3A_39 = arith.constant 16 : i32
    %mul3A_40 = arith.muli %squeeze3A_38, %mul3A_39 : i32
    %add3A_41 = arith.constant 0 : i32
    %add3A_42 = arith.addi %add3A_41, %mul3A_40 : i32
    %get3A_43 = arith.index_cast %add3A_42 : i32 to index
    %get3A_44 = tpu.vector_load %arg6[%get3A_43] {strides = array<i32>} : memref<12288xf32, #tpu.memory_space<vmem>>, vector<16xf32>,
    %slice3A_45 = vector.extract_strided_slice %bitcast_convert_type3A_25 {offsets = [1], sizes = [1], strides = [1]} : vector<16xf32> to vector<1xf32>
    %squeeze3A_46 = vector.extract %slice3A_45[0] : f32 from vector<1xf32>
    %mul3A_47 = vector.broadcast %squeeze3A_46 : f32 to vector<16xf32>
    %mul3A_48 = arith.mulf %get3A_44, %mul3A_47 : vector<16xf32>
    %add3A_49 = arith.addf %add3A_36, %mul3A_48 : vector<16xf32>
    %slice3A_50 = vector.extract_strided_slice %and3A_21 {offsets = [2], sizes = [1], strides = [1]} : vector<16xi32> to vector<1xi32>
    %squeeze3A_51 = vector.extract %slice3A_50[0] : i32 from vector<1xi32>
    %mul3A_52 = arith.constant 16 : i32
    %mul3A_53 = arith.muli %squeeze3A_51, %mul3A_52 : i32
    %add3A_54 = arith.constant 0 : i32
    %add3A_55 = arith.addi %add3A_54, %mul3A_53 : i32
    %get3A_56 = arith.index_cast %add3A_55 : i32 to index
    %get3A_57 = tpu.vector_load %arg6[%get3A_56] {strides = array<i32>} : memref<12288xf32, #tpu.memory_space<vmem>>, vector<16xf32>,
    %slice3A_58 = vector.extract_strided_slice %bitcast_convert_type3A_25 {offsets = [2], sizes = [1], strides = [1]} : vector<16xf32> to vector<1xf32>
    %squeeze3A_59 = vector.extract %slice3A_58[0] : f32 from vector<1xf32>
    %mul3A_60 = vector.broadcast %squeeze3A_59 : f32 to vector<16xf32>
    %mul3A_61 = arith.mulf %get3A_57, %mul3A_60 : vector<16xf32>
    %add3A_62 = arith.addf %add3A_49, %mul3A_61 : vector<16xf32>
    %slice3A_63 = vector.extract_strided_slice %and3A_21 {offsets = [3], sizes = [1], strides = [1]} : vector<16xi32> to vector<1xi32>
    %squeeze3A_64 = vector.extract %slice3A_63[0] : i32 from vector<1xi32>
    %mul3A_65 = arith.constant 16 : i32
    %mul3A_66 = arith.muli %squeeze3A_64, %mul3A_65 : i32
    %add3A_67 = arith.constant 0 : i32
    %add3A_68 = arith.addi %add3A_67, %mul3A_66 : i32
    %get3A_69 = arith.index_cast %add3A_68 : i32 to index
    %get3A_70 = tpu.vector_load %arg6[%get3A_69] {strides = array<i32>} : memref<12288xf32, #tpu.memory_space<vmem>>, vector<16xf32>,
    %slice3A_71 = vector.extract_strided_slice %bitcast_convert_type3A_25 {offsets = [3], sizes = [1], strides = [1]} : vector<16xf32> to vector<1xf32>
    %squeeze3A_72 = vector.extract %slice3A_71[0] : f32 from vector<1xf32>
    %mul3A_73 = vector.broadcast %squeeze3A_72 : f32 to vector<16xf32>
    %mul3A_74 = arith.mulf %get3A_70, %mul3A_73 : vector<16xf32>
    %add3A_75 = arith.addf %add3A_62, %mul3A_74 : vector<16xf32>
    %slice3A_76 = vector.extract_strided_slice %and3A_21 {offsets = [4], sizes = [1], strides = [1]} : vector<16xi32> to vector<1xi32>
    %squeeze3A_77 = vector.extract %slice3A_76[0] : i32 from vector<1xi32>
    %mul3A_78 = arith.constant 16 : i32
    %mul3A_79 = arith.muli %squeeze3A_77, %mul3A_78 : i32
    %add3A_80 = arith.constant 0 : i32
    %add3A_81 = arith.addi %add3A_80, %mul3A_79 : i32
    %get3A_82 = arith.index_cast %add3A_81 : i32 to index
    %get3A_83 = tpu.vector_load %arg6[%get3A_82] {strides = array<i32>} : memref<12288xf32, #tpu.memory_space<vmem>>, vector<16xf32>,
    %slice3A_84 = vector.extract_strided_slice %bitcast_convert_type3A_25 {offsets = [4], sizes = [1], strides = [1]} : vector<16xf32> to vector<1xf32>
    %squeeze3A_85 = vector.extract %slice3A_84[0] : f32 from vector<1xf32>
    %mul3A_86 = vector.broadcast %squeeze3A_85 : f32 to vector<16xf32>
    %mul3A_87 = arith.mulf %get3A_83, %mul3A_86 : vector<16xf32>
    %add3A_88 = arith.addf %add3A_75, %mul3A_87 : vector<16xf32>
    %slice3A_89 = vector.extract_strided_slice %and3A_21 {offsets = [5], sizes = [1], strides = [1]} : vector<16xi32> to vector<1xi32>
    %squeeze3A_90 = vector.extract %slice3A_89[0] : i32 from vector<1xi32>
    %mul3A_91 = arith.constant 16 : i32
    %mul3A_92 = arith.muli %squeeze3A_90, %mul3A_91 : i32
    %add3A_93 = arith.constant 0 : i32
    %add3A_94 = arith.addi %add3A_93, %mul3A_92 : i32
    %get3A_95 = arith.index_cast %add3A_94 : i32 to index
    %get3A_96 = tpu.vector_load %arg6[%get3A_95] {strides = array<i32>} : memref<12288xf32, #tpu.memory_space<vmem>>, vector<16xf32>,
    %slice3A_97 = vector.extract_strided_slice %bitcast_convert_type3A_25 {offsets = [5], sizes = [1], strides = [1]} : vector<16xf32> to vector<1xf32>
    %squeeze3A_98 = vector.extract %slice3A_97[0] : f32 from vector<1xf32>
    %mul3A_99 = vector.broadcast %squeeze3A_98 : f32 to vector<16xf32>
    %mul3A_100 = arith.mulf %get3A_96, %mul3A_99 : vector<16xf32>
    %add3A_101 = arith.addf %add3A_88, %mul3A_100 : vector<16xf32>
    %slice3A_102 = vector.extract_strided_slice %and3A_21 {offsets = [6], sizes = [1], strides = [1]} : vector<16xi32> to vector<1xi32>
    %squeeze3A_103 = vector.extract %slice3A_102[0] : i32 from vector<1xi32>
    %mul3A_104 = arith.constant 16 : i32
    %mul3A_105 = arith.muli %squeeze3A_103, %mul3A_104 : i32
    %add3A_106 = arith.constant 0 : i32
    %add3A_107 = arith.addi %add3A_106, %mul3A_105 : i32
    %get3A_108 = arith.index_cast %add3A_107 : i32 to index
    %get3A_109 = tpu.vector_load %arg6[%get3A_108] {strides = array<i32>} : memref<12288xf32, #tpu.memory_space<vmem>>, vector<16xf32>,
    %slice3A_110 = vector.extract_strided_slice %bitcast_convert_type3A_25 {offsets = [6], sizes = [1], strides = [1]} : vector<16xf32> to vector<1xf32>
    %squeeze3A_111 = vector.extract %slice3A_110[0] : f32 from vector<1xf32>
    %mul3A_112 = vector.broadcast %squeeze3A_111 : f32 to vector<16xf32>
    %mul3A_113 = arith.mulf %get3A_109, %mul3A_112 : vector<16xf32>
    %add3A_114 = arith.addf %add3A_101, %mul3A_113 : vector<16xf32>
    %slice3A_115 = vector.extract_strided_slice %and3A_21 {offsets = [7], sizes = [1], strides = [1]} : vector<16xi32> to vector<1xi32>
    %squeeze3A_116 = vector.extract %slice3A_115[0] : i32 from vector<1xi32>
    %mul3A_117 = arith.constant 16 : i32
    %mul3A_118 = arith.muli %squeeze3A_116, %mul3A_117 : i32
    %add3A_119 = arith.constant 0 : i32
    %add3A_120 = arith.addi %add3A_119, %mul3A_118 : i32
    %get3A_121 = arith.index_cast %add3A_120 : i32 to index
    %get3A_122 = tpu.vector_load %arg6[%get3A_121] {strides = array<i32>} : memref<12288xf32, #tpu.memory_space<vmem>>, vector<16xf32>,
    %slice3A_123 = vector.extract_strided_slice %bitcast_convert_type3A_25 {offsets = [7], sizes = [1], strides = [1]} : vector<16xf32> to vector<1xf32>
    %squeeze3A_124 = vector.extract %slice3A_123[0] : f32 from vector<1xf32>
    %mul3A_125 = vector.broadcast %squeeze3A_124 : f32 to vector<16xf32>
    %mul3A_126 = arith.mulf %get3A_122, %mul3A_125 : vector<16xf32>
    %add3A_127 = arith.addf %add3A_114, %mul3A_126 : vector<16xf32>
    %slice3A_128 = vector.extract_strided_slice %and3A_21 {offsets = [8], sizes = [1], strides = [1]} : vector<16xi32> to vector<1xi32>
    %squeeze3A_129 = vector.extract %slice3A_128[0] : i32 from vector<1xi32>
    %mul3A_130 = arith.constant 16 : i32
    %mul3A_131 = arith.muli %squeeze3A_129, %mul3A_130 : i32
    %add3A_132 = arith.constant 0 : i32
    %add3A_133 = arith.addi %add3A_132, %mul3A_131 : i32
    %get3A_134 = arith.index_cast %add3A_133 : i32 to index
    %get3A_135 = tpu.vector_load %arg6[%get3A_134] {strides = array<i32>} : memref<12288xf32, #tpu.memory_space<vmem>>, vector<16xf32>,
    %slice3A_136 = vector.extract_strided_slice %bitcast_convert_type3A_25 {offsets = [8], sizes = [1], strides = [1]} : vector<16xf32> to vector<1xf32>
    %squeeze3A_137 = vector.extract %slice3A_136[0] : f32 from vector<1xf32>
    %mul3A_138 = vector.broadcast %squeeze3A_137 : f32 to vector<16xf32>
    %mul3A_139 = arith.mulf %get3A_135, %mul3A_138 : vector<16xf32>
    %add3A_140 = arith.addf %add3A_127, %mul3A_139 : vector<16xf32>
    %slice3A_141 = vector.extract_strided_slice %and3A_21 {offsets = [9], sizes = [1], strides = [1]} : vector<16xi32> to vector<1xi32>
    %squeeze3A_142 = vector.extract %slice3A_141[0] : i32 from vector<1xi32>
    %mul3A_143 = arith.constant 16 : i32
    %mul3A_144 = arith.muli %squeeze3A_142, %mul3A_143 : i32
    %add3A_145 = arith.constant 0 : i32
    %add3A_146 = arith.addi %add3A_145, %mul3A_144 : i32
    %get3A_147 = arith.index_cast %add3A_146 : i32 to index
    %get3A_148 = tpu.vector_load %arg6[%get3A_147] {strides = array<i32>} : memref<12288xf32, #tpu.memory_space<vmem>>, vector<16xf32>,
    %slice3A_149 = vector.extract_strided_slice %bitcast_convert_type3A_25 {offsets = [9], sizes = [1], strides = [1]} : vector<16xf32> to vector<1xf32>
    %squeeze3A_150 = vector.extract %slice3A_149[0] : f32 from vector<1xf32>
    %mul3A_151 = vector.broadcast %squeeze3A_150 : f32 to vector<16xf32>
    %mul3A_152 = arith.mulf %get3A_148, %mul3A_151 : vector<16xf32>
    %add3A_153 = arith.addf %add3A_140, %mul3A_152 : vector<16xf32>
    %slice3A_154 = vector.extract_strided_slice %and3A_21 {offsets = [10], sizes = [1], strides = [1]} : vector<16xi32> to vector<1xi32>
    %squeeze3A_155 = vector.extract %slice3A_154[0] : i32 from vector<1xi32>
    %mul3A_156 = arith.constant 16 : i32
    %mul3A_157 = arith.muli %squeeze3A_155, %mul3A_156 : i32
    %add3A_158 = arith.constant 0 : i32
    %add3A_159 = arith.addi %add3A_158, %mul3A_157 : i32
    %get3A_160 = arith.index_cast %add3A_159 : i32 to index
    %get3A_161 = tpu.vector_load %arg6[%get3A_160] {strides = array<i32>} : memref<12288xf32, #tpu.memory_space<vmem>>, vector<16xf32>,
    %slice3A_162 = vector.extract_strided_slice %bitcast_convert_type3A_25 {offsets = [10], sizes = [1], strides = [1]} : vector<16xf32> to vector<1xf32>
    %squeeze3A_163 = vector.extract %slice3A_162[0] : f32 from vector<1xf32>
    %mul3A_164 = vector.broadcast %squeeze3A_163 : f32 to vector<16xf32>
    %mul3A_165 = arith.mulf %get3A_161, %mul3A_164 : vector<16xf32>
    %add3A_166 = arith.addf %add3A_153, %mul3A_165 : vector<16xf32>
    %slice3A_167 = vector.extract_strided_slice %and3A_21 {offsets = [11], sizes = [1], strides = [1]} : vector<16xi32> to vector<1xi32>
    %squeeze3A_168 = vector.extract %slice3A_167[0] : i32 from vector<1xi32>
    %mul3A_169 = arith.constant 16 : i32
    %mul3A_170 = arith.muli %squeeze3A_168, %mul3A_169 : i32
    %add3A_171 = arith.constant 0 : i32
    %add3A_172 = arith.addi %add3A_171, %mul3A_170 : i32
    %get3A_173 = arith.index_cast %add3A_172 : i32 to index
    %get3A_174 = tpu.vector_load %arg6[%get3A_173] {strides = array<i32>} : memref<12288xf32, #tpu.memory_space<vmem>>, vector<16xf32>,
    %slice3A_175 = vector.extract_strided_slice %bitcast_convert_type3A_25 {offsets = [11], sizes = [1], strides = [1]} : vector<16xf32> to vector<1xf32>
    %squeeze3A_176 = vector.extract %slice3A_175[0] : f32 from vector<1xf32>
    %mul3A_177 = vector.broadcast %squeeze3A_176 : f32 to vector<16xf32>
    %mul3A_178 = arith.mulf %get3A_174, %mul3A_177 : vector<16xf32>
    %add3A_179 = arith.addf %add3A_166, %mul3A_178 : vector<16xf32>
    %slice3A_180 = vector.extract_strided_slice %and3A_21 {offsets = [12], sizes = [1], strides = [1]} : vector<16xi32> to vector<1xi32>
    %squeeze3A_181 = vector.extract %slice3A_180[0] : i32 from vector<1xi32>
    %mul3A_182 = arith.constant 16 : i32
    %mul3A_183 = arith.muli %squeeze3A_181, %mul3A_182 : i32
    %add3A_184 = arith.constant 0 : i32
    %add3A_185 = arith.addi %add3A_184, %mul3A_183 : i32
    %get3A_186 = arith.index_cast %add3A_185 : i32 to index
    %get3A_187 = tpu.vector_load %arg6[%get3A_186] {strides = array<i32>} : memref<12288xf32, #tpu.memory_space<vmem>>, vector<16xf32>,
    %slice3A_188 = vector.extract_strided_slice %bitcast_convert_type3A_25 {offsets = [12], sizes = [1], strides = [1]} : vector<16xf32> to vector<1xf32>
    %squeeze3A_189 = vector.extract %slice3A_188[0] : f32 from vector<1xf32>
    %mul3A_190 = vector.broadcast %squeeze3A_189 : f32 to vector<16xf32>
    %mul3A_191 = arith.mulf %get3A_187, %mul3A_190 : vector<16xf32>
    %add3A_192 = arith.addf %add3A_179, %mul3A_191 : vector<16xf32>
    %slice3A_193 = vector.extract_strided_slice %and3A_21 {offsets = [13], sizes = [1], strides = [1]} : vector<16xi32> to vector<1xi32>
    %squeeze3A_194 = vector.extract %slice3A_193[0] : i32 from vector<1xi32>
    %mul3A_195 = arith.constant 16 : i32
    %mul3A_196 = arith.muli %squeeze3A_194, %mul3A_195 : i32
    %add3A_197 = arith.constant 0 : i32
    %add3A_198 = arith.addi %add3A_197, %mul3A_196 : i32
    %get3A_199 = arith.index_cast %add3A_198 : i32 to index
    %get3A_200 = tpu.vector_load %arg6[%get3A_199] {strides = array<i32>} : memref<12288xf32, #tpu.memory_space<vmem>>, vector<16xf32>,
    %slice3A_201 = vector.extract_strided_slice %bitcast_convert_type3A_25 {offsets = [13], sizes = [1], strides = [1]} : vector<16xf32> to vector<1xf32>
    %squeeze3A_202 = vector.extract %slice3A_201[0] : f32 from vector<1xf32>
    %mul3A_203 = vector.broadcast %squeeze3A_202 : f32 to vector<16xf32>
    %mul3A_204 = arith.mulf %get3A_200, %mul3A_203 : vector<16xf32>
    %add3A_205 = arith.addf %add3A_192, %mul3A_204 : vector<16xf32>
    %slice3A_206 = vector.extract_strided_slice %and3A_21 {offsets = [14], sizes = [1], strides = [1]} : vector<16xi32> to vector<1xi32>
    %squeeze3A_207 = vector.extract %slice3A_206[0] : i32 from vector<1xi32>
    %mul3A_208 = arith.constant 16 : i32
    %mul3A_209 = arith.muli %squeeze3A_207, %mul3A_208 : i32
    %add3A_210 = arith.constant 0 : i32
    %add3A_211 = arith.addi %add3A_210, %mul3A_209 : i32
    %get3A_212 = arith.index_cast %add3A_211 : i32 to index
    %get3A_213 = tpu.vector_load %arg6[%get3A_212] {strides = array<i32>} : memref<12288xf32, #tpu.memory_space<vmem>>, vector<16xf32>,
    %slice3A_214 = vector.extract_strided_slice %bitcast_convert_type3A_25 {offsets = [14], sizes = [1], strides = [1]} : vector<16xf32> to vector<1xf32>
    %squeeze3A_215 = vector.extract %slice3A_214[0] : f32 from vector<1xf32>
    %mul3A_216 = vector.broadcast %squeeze3A_215 : f32 to vector<16xf32>
    %mul3A_217 = arith.mulf %get3A_213, %mul3A_216 : vector<16xf32>
    %add3A_218 = arith.addf %add3A_205, %mul3A_217 : vector<16xf32>
    %slice3A_219 = vector.extract_strided_slice %and3A_21 {offsets = [15], sizes = [1], strides = [1]} : vector<16xi32> to vector<1xi32>
    %squeeze3A_220 = vector.extract %slice3A_219[0] : i32 from vector<1xi32>
    %mul3A_221 = arith.constant 16 : i32
    %mul3A_222 = arith.muli %squeeze3A_220, %mul3A_221 : i32
    %add3A_223 = arith.constant 0 : i32
    %add3A_224 = arith.addi %add3A_223, %mul3A_222 : i32
    %get3A_225 = arith.index_cast %add3A_224 : i32 to index
    %get3A_226 = tpu.vector_load %arg6[%get3A_225] {strides = array<i32>} : memref<12288xf32, #tpu.memory_space<vmem>>, vector<16xf32>,
    %slice3A_227 = vector.extract_strided_slice %bitcast_convert_type3A_25 {offsets = [15], sizes = [1], strides = [1]} : vector<16xf32> to vector<1xf32>
    %squeeze3A_228 = vector.extract %slice3A_227[0] : f32 from vector<1xf32>
    %mul3A_229 = vector.broadcast %squeeze3A_228 : f32 to vector<16xf32>
    %mul3A_230 = arith.mulf %get3A_226, %mul3A_229 : vector<16xf32>
    %add3A_231 = arith.addf %add3A_218, %mul3A_230 : vector<16xf32>
    %get3A_232 = arith.constant 16 : index
    %get3A_233 = tpu.vector_load %arg5[%get3A_232] {strides = array<i32>} : memref<128xf32, #tpu.memory_space<vmem>>, vector<16xf32>,
    %bitcast_convert_type3A_234 = tpu.bitcast %get3A_233 : vector<16xf32> -> vector<16xi32>
    %add3A_235 = arith.constant 32767 : i32
    %add3A_236 = vector.broadcast %add3A_235 : i32 to vector<16xi32>
    %add3A_237 = arith.addi %bitcast_convert_type3A_234, %add3A_236 : vector<16xi32>
    %shift_right_arithmetic3A_238 = arith.constant 16 : i32
    %shift_right_arithmetic3A_239 = vector.broadcast %shift_right_arithmetic3A_238 : i32 to vector<16xi32>
    %shift_right_arithmetic3A_240 = arith.shrsi %bitcast_convert_type3A_234, %shift_right_arithmetic3A_239 : vector<16xi32>
    %and3A_241 = arith.constant 1 : i32
    %and3A_242 = vector.broadcast %and3A_241 : i32 to vector<16xi32>
    %and3A_243 = arith.andi %shift_right_arithmetic3A_240, %and3A_242 : vector<16xi32>
    %add3A_244 = arith.addi %add3A_237, %and3A_243 : vector<16xi32>
    %and3A_245 = arith.constant -65536 : i32
    %and3A_246 = vector.broadcast %and3A_245 : i32 to vector<16xi32>
    %and3A_247 = arith.andi %add3A_244, %and3A_246 : vector<16xi32>
    %shift_right_arithmetic3A_248 = arith.constant 16 : i32
    %shift_right_arithmetic3A_249 = vector.broadcast %shift_right_arithmetic3A_248 : i32 to vector<16xi32>
    %shift_right_arithmetic3A_250 = arith.shrsi %and3A_247, %shift_right_arithmetic3A_249 : vector<16xi32>
    %and3A_251 = arith.constant 127 : i32
    %and3A_252 = vector.broadcast %and3A_251 : i32 to vector<16xi32>
    %and3A_253 = arith.andi %shift_right_arithmetic3A_250, %and3A_252 : vector<16xi32>
    %and3A_254 = arith.constant -8388608 : i32
    %and3A_255 = vector.broadcast %and3A_254 : i32 to vector<16xi32>
    %and3A_256 = arith.andi %and3A_247, %and3A_255 : vector<16xi32>
    %bitcast_convert_type3A_257 = tpu.bitcast %and3A_256 : vector<16xi32> -> vector<16xf32>
    %slice3A_258 = vector.extract_strided_slice %and3A_253 {offsets = [0], sizes = [1], strides = [1]} : vector<16xi32> to vector<1xi32>
    %squeeze3A_259 = vector.extract %slice3A_258[0] : i32 from vector<1xi32>
    %mul3A_260 = arith.constant 16 : i32
    %mul3A_261 = arith.muli %squeeze3A_259, %mul3A_260 : i32
    %add3A_262 = arith.constant 0 : i32
    %add3A_263 = arith.addi %add3A_262, %mul3A_261 : i32
    %get3A_264 = arith.index_cast %add3A_263 : i32 to index
    %get3A_265 = tpu.vector_load %arg6[%get3A_264] {strides = array<i32>} : memref<12288xf32, #tpu.memory_space<vmem>>, vector<16xf32>,
    %slice3A_266 = vector.extract_strided_slice %bitcast_convert_type3A_257 {offsets = [0], sizes = [1], strides = [1]} : vector<16xf32> to vector<1xf32>
    %squeeze3A_267 = vector.extract %slice3A_266[0] : f32 from vector<1xf32>
    %mul3A_268 = vector.broadcast %squeeze3A_267 : f32 to vector<16xf32>
    %mul3A_269 = arith.mulf %get3A_265, %mul3A_268 : vector<16xf32>
    %add3A_270 = arith.addf %add3A_231, %mul3A_269 : vector<16xf32>
    %slice3A_271 = vector.extract_strided_slice %and3A_253 {offsets = [1], sizes = [1], strides = [1]} : vector<16xi32> to vector<1xi32>
    %squeeze3A_272 = vector.extract %slice3A_271[0] : i32 from vector<1xi32>
    %mul3A_273 = arith.constant 16 : i32
    %mul3A_274 = arith.muli %squeeze3A_272, %mul3A_273 : i32
    %add3A_275 = arith.constant 0 : i32
    %add3A_276 = arith.addi %add3A_275, %mul3A_274 : i32
    %get3A_277 = arith.index_cast %add3A_276 : i32 to index
    %get3A_278 = tpu.vector_load %arg6[%get3A_277] {strides = array<i32>} : memref<12288xf32, #tpu.memory_space<vmem>>, vector<16xf32>,
    %slice3A_279 = vector.extract_strided_slice %bitcast_convert_type3A_257 {offsets = [1], sizes = [1], strides = [1]} : vector<16xf32> to vector<1xf32>
    %squeeze3A_280 = vector.extract %slice3A_279[0] : f32 from vector<1xf32>
    %mul3A_281 = vector.broadcast %squeeze3A_280 : f32 to vector<16xf32>
    %mul3A_282 = arith.mulf %get3A_278, %mul3A_281 : vector<16xf32>
    %add3A_283 = arith.addf %add3A_270, %mul3A_282 : vector<16xf32>
    %slice3A_284 = vector.extract_strided_slice %and3A_253 {offsets = [2], sizes = [1], strides = [1]} : vector<16xi32> to vector<1xi32>
    %squeeze3A_285 = vector.extract %slice3A_284[0] : i32 from vector<1xi32>
    %mul3A_286 = arith.constant 16 : i32
    %mul3A_287 = arith.muli %squeeze3A_285, %mul3A_286 : i32
    %add3A_288 = arith.constant 0 : i32
    %add3A_289 = arith.addi %add3A_288, %mul3A_287 : i32
    %get3A_290 = arith.index_cast %add3A_289 : i32 to index
    %get3A_291 = tpu.vector_load %arg6[%get3A_290] {strides = array<i32>} : memref<12288xf32, #tpu.memory_space<vmem>>, vector<16xf32>,
    %slice3A_292 = vector.extract_strided_slice %bitcast_convert_type3A_257 {offsets = [2], sizes = [1], strides = [1]} : vector<16xf32> to vector<1xf32>
    %squeeze3A_293 = vector.extract %slice3A_292[0] : f32 from vector<1xf32>
    %mul3A_294 = vector.broadcast %squeeze3A_293 : f32 to vector<16xf32>
    %mul3A_295 = arith.mulf %get3A_291, %mul3A_294 : vector<16xf32>
    %add3A_296 = arith.addf %add3A_283, %mul3A_295 : vector<16xf32>
    %slice3A_297 = vector.extract_strided_slice %and3A_253 {offsets = [3], sizes = [1], strides = [1]} : vector<16xi32> to vector<1xi32>
    %squeeze3A_298 = vector.extract %slice3A_297[0] : i32 from vector<1xi32>
    %mul3A_299 = arith.constant 16 : i32
    %mul3A_300 = arith.muli %squeeze3A_298, %mul3A_299 : i32
    %add3A_301 = arith.constant 0 : i32
    %add3A_302 = arith.addi %add3A_301, %mul3A_300 : i32
    %get3A_303 = arith.index_cast %add3A_302 : i32 to index
    %get3A_304 = tpu.vector_load %arg6[%get3A_303] {strides = array<i32>} : memref<12288xf32, #tpu.memory_space<vmem>>, vector<16xf32>,
    %slice3A_305 = vector.extract_strided_slice %bitcast_convert_type3A_257 {offsets = [3], sizes = [1], strides = [1]} : vector<16xf32> to vector<1xf32>
    %squeeze3A_306 = vector.extract %slice3A_305[0] : f32 from vector<1xf32>
    %mul3A_307 = vector.broadcast %squeeze3A_306 : f32 to vector<16xf32>
    %mul3A_308 = arith.mulf %get3A_304, %mul3A_307 : vector<16xf32>
    %add3A_309 = arith.addf %add3A_296, %mul3A_308 : vector<16xf32>
    %slice3A_310 = vector.extract_strided_slice %and3A_253 {offsets = [4], sizes = [1], strides = [1]} : vector<16xi32> to vector<1xi32>
    %squeeze3A_311 = vector.extract %slice3A_310[0] : i32 from vector<1xi32>
    %mul3A_312 = arith.constant 16 : i32
    %mul3A_313 = arith.muli %squeeze3A_311, %mul3A_312 : i32
    %add3A_314 = arith.constant 0 : i32
    %add3A_315 = arith.addi %add3A_314, %mul3A_313 : i32
    %get3A_316 = arith.index_cast %add3A_315 : i32 to index
    %get3A_317 = tpu.vector_load %arg6[%get3A_316] {strides = array<i32>} : memref<12288xf32, #tpu.memory_space<vmem>>, vector<16xf32>,
    %slice3A_318 = vector.extract_strided_slice %bitcast_convert_type3A_257 {offsets = [4], sizes = [1], strides = [1]} : vector<16xf32> to vector<1xf32>
    %squeeze3A_319 = vector.extract %slice3A_318[0] : f32 from vector<1xf32>
    %mul3A_320 = vector.broadcast %squeeze3A_319 : f32 to vector<16xf32>
    %mul3A_321 = arith.mulf %get3A_317, %mul3A_320 : vector<16xf32>
    %add3A_322 = arith.addf %add3A_309, %mul3A_321 : vector<16xf32>
    %slice3A_323 = vector.extract_strided_slice %and3A_253 {offsets = [5], sizes = [1], strides = [1]} : vector<16xi32> to vector<1xi32>
    %squeeze3A_324 = vector.extract %slice3A_323[0] : i32 from vector<1xi32>
    %mul3A_325 = arith.constant 16 : i32
    %mul3A_326 = arith.muli %squeeze3A_324, %mul3A_325 : i32
    %add3A_327 = arith.constant 0 : i32
    %add3A_328 = arith.addi %add3A_327, %mul3A_326 : i32
    %get3A_329 = arith.index_cast %add3A_328 : i32 to index
    %get3A_330 = tpu.vector_load %arg6[%get3A_329] {strides = array<i32>} : memref<12288xf32, #tpu.memory_space<vmem>>, vector<16xf32>,
    %slice3A_331 = vector.extract_strided_slice %bitcast_convert_type3A_257 {offsets = [5], sizes = [1], strides = [1]} : vector<16xf32> to vector<1xf32>
    %squeeze3A_332 = vector.extract %slice3A_331[0] : f32 from vector<1xf32>
    %mul3A_333 = vector.broadcast %squeeze3A_332 : f32 to vector<16xf32>
    %mul3A_334 = arith.mulf %get3A_330, %mul3A_333 : vector<16xf32>
    %add3A_335 = arith.addf %add3A_322, %mul3A_334 : vector<16xf32>
    %slice3A_336 = vector.extract_strided_slice %and3A_253 {offsets = [6], sizes = [1], strides = [1]} : vector<16xi32> to vector<1xi32>
    %squeeze3A_337 = vector.extract %slice3A_336[0] : i32 from vector<1xi32>
    %mul3A_338 = arith.constant 16 : i32
    %mul3A_339 = arith.muli %squeeze3A_337, %mul3A_338 : i32
    %add3A_340 = arith.constant 0 : i32
    %add3A_341 = arith.addi %add3A_340, %mul3A_339 : i32
    %get3A_342 = arith.index_cast %add3A_341 : i32 to index
    %get3A_343 = tpu.vector_load %arg6[%get3A_342] {strides = array<i32>} : memref<12288xf32, #tpu.memory_space<vmem>>, vector<16xf32>,
    %slice3A_344 = vector.extract_strided_slice %bitcast_convert_type3A_257 {offsets = [6], sizes = [1], strides = [1]} : vector<16xf32> to vector<1xf32>
    %squeeze3A_345 = vector.extract %slice3A_344[0] : f32 from vector<1xf32>
    %mul3A_346 = vector.broadcast %squeeze3A_345 : f32 to vector<16xf32>
    %mul3A_347 = arith.mulf %get3A_343, %mul3A_346 : vector<16xf32>
    %add3A_348 = arith.addf %add3A_335, %mul3A_347 : vector<16xf32>
    %slice3A_349 = vector.extract_strided_slice %and3A_253 {offsets = [7], sizes = [1], strides = [1]} : vector<16xi32> to vector<1xi32>
    %squeeze3A_350 = vector.extract %slice3A_349[0] : i32 from vector<1xi32>
    %mul3A_351 = arith.constant 16 : i32
    %mul3A_352 = arith.muli %squeeze3A_350, %mul3A_351 : i32
    %add3A_353 = arith.constant 0 : i32
    %add3A_354 = arith.addi %add3A_353, %mul3A_352 : i32
    %get3A_355 = arith.index_cast %add3A_354 : i32 to index
    %get3A_356 = tpu.vector_load %arg6[%get3A_355] {strides = array<i32>} : memref<12288xf32, #tpu.memory_space<vmem>>, vector<16xf32>,
    %slice3A_357 = vector.extract_strided_slice %bitcast_convert_type3A_257 {offsets = [7], sizes = [1], strides = [1]} : vector<16xf32> to vector<1xf32>
    %squeeze3A_358 = vector.extract %slice3A_357[0] : f32 from vector<1xf32>
    %mul3A_359 = vector.broadcast %squeeze3A_358 : f32 to vector<16xf32>
    %mul3A_360 = arith.mulf %get3A_356, %mul3A_359 : vector<16xf32>
    %add3A_361 = arith.addf %add3A_348, %mul3A_360 : vector<16xf32>
    %slice3A_362 = vector.extract_strided_slice %and3A_253 {offsets = [8], sizes = [1], strides = [1]} : vector<16xi32> to vector<1xi32>
    %squeeze3A_363 = vector.extract %slice3A_362[0] : i32 from vector<1xi32>
    %mul3A_364 = arith.constant 16 : i32
    %mul3A_365 = arith.muli %squeeze3A_363, %mul3A_364 : i32
    %add3A_366 = arith.constant 0 : i32
    %add3A_367 = arith.addi %add3A_366, %mul3A_365 : i32
    %get3A_368 = arith.index_cast %add3A_367 : i32 to index
    %get3A_369 = tpu.vector_load %arg6[%get3A_368] {strides = array<i32>} : memref<12288xf32, #tpu.memory_space<vmem>>, vector<16xf32>,
    %slice3A_370 = vector.extract_strided_slice %bitcast_convert_type3A_257 {offsets = [8], sizes = [1], strides = [1]} : vector<16xf32> to vector<1xf32>
    %squeeze3A_371 = vector.extract %slice3A_370[0] : f32 from vector<1xf32>
    %mul3A_372 = vector.broadcast %squeeze3A_371 : f32 to vector<16xf32>
    %mul3A_373 = arith.mulf %get3A_369, %mul3A_372 : vector<16xf32>
    %add3A_374 = arith.addf %add3A_361, %mul3A_373 : vector<16xf32>
    %slice3A_375 = vector.extract_strided_slice %and3A_253 {offsets = [9], sizes = [1], strides = [1]} : vector<16xi32> to vector<1xi32>
    %squeeze3A_376 = vector.extract %slice3A_375[0] : i32 from vector<1xi32>
    %mul3A_377 = arith.constant 16 : i32
    %mul3A_378 = arith.muli %squeeze3A_376, %mul3A_377 : i32
    %add3A_379 = arith.constant 0 : i32
    %add3A_380 = arith.addi %add3A_379, %mul3A_378 : i32
    %get3A_381 = arith.index_cast %add3A_380 : i32 to index
    %get3A_382 = tpu.vector_load %arg6[%get3A_381] {strides = array<i32>} : memref<12288xf32, #tpu.memory_space<vmem>>, vector<16xf32>,
    %slice3A_383 = vector.extract_strided_slice %bitcast_convert_type3A_257 {offsets = [9], sizes = [1], strides = [1]} : vector<16xf32> to vector<1xf32>
    %squeeze3A_384 = vector.extract %slice3A_383[0] : f32 from vector<1xf32>
    %mul3A_385 = vector.broadcast %squeeze3A_384 : f32 to vector<16xf32>
    %mul3A_386 = arith.mulf %get3A_382, %mul3A_385 : vector<16xf32>
    %add3A_387 = arith.addf %add3A_374, %mul3A_386 : vector<16xf32>
    %slice3A_388 = vector.extract_strided_slice %and3A_253 {offsets = [10], sizes = [1], strides = [1]} : vector<16xi32> to vector<1xi32>
    %squeeze3A_389 = vector.extract %slice3A_388[0] : i32 from vector<1xi32>
    %mul3A_390 = arith.constant 16 : i32
    %mul3A_391 = arith.muli %squeeze3A_389, %mul3A_390 : i32
    %add3A_392 = arith.constant 0 : i32
    %add3A_393 = arith.addi %add3A_392, %mul3A_391 : i32
    %get3A_394 = arith.index_cast %add3A_393 : i32 to index
    %get3A_395 = tpu.vector_load %arg6[%get3A_394] {strides = array<i32>} : memref<12288xf32, #tpu.memory_space<vmem>>, vector<16xf32>,
    %slice3A_396 = vector.extract_strided_slice %bitcast_convert_type3A_257 {offsets = [10], sizes = [1], strides = [1]} : vector<16xf32> to vector<1xf32>
    %squeeze3A_397 = vector.extract %slice3A_396[0] : f32 from vector<1xf32>
    %mul3A_398 = vector.broadcast %squeeze3A_397 : f32 to vector<16xf32>
    %mul3A_399 = arith.mulf %get3A_395, %mul3A_398 : vector<16xf32>
    %add3A_400 = arith.addf %add3A_387, %mul3A_399 : vector<16xf32>
    %slice3A_401 = vector.extract_strided_slice %and3A_253 {offsets = [11], sizes = [1], strides = [1]} : vector<16xi32> to vector<1xi32>
    %squeeze3A_402 = vector.extract %slice3A_401[0] : i32 from vector<1xi32>
    %mul3A_403 = arith.constant 16 : i32
    %mul3A_404 = arith.muli %squeeze3A_402, %mul3A_403 : i32
    %add3A_405 = arith.constant 0 : i32
    %add3A_406 = arith.addi %add3A_405, %mul3A_404 : i32
    %get3A_407 = arith.index_cast %add3A_406 : i32 to index
    %get3A_408 = tpu.vector_load %arg6[%get3A_407] {strides = array<i32>} : memref<12288xf32, #tpu.memory_space<vmem>>, vector<16xf32>,
    %slice3A_409 = vector.extract_strided_slice %bitcast_convert_type3A_257 {offsets = [11], sizes = [1], strides = [1]} : vector<16xf32> to vector<1xf32>
    %squeeze3A_410 = vector.extract %slice3A_409[0] : f32 from vector<1xf32>
    %mul3A_411 = vector.broadcast %squeeze3A_410 : f32 to vector<16xf32>
    %mul3A_412 = arith.mulf %get3A_408, %mul3A_411 : vector<16xf32>
    %add3A_413 = arith.addf %add3A_400, %mul3A_412 : vector<16xf32>
    %slice3A_414 = vector.extract_strided_slice %and3A_253 {offsets = [12], sizes = [1], strides = [1]} : vector<16xi32> to vector<1xi32>
    %squeeze3A_415 = vector.extract %slice3A_414[0] : i32 from vector<1xi32>
    %mul3A_416 = arith.constant 16 : i32
    %mul3A_417 = arith.muli %squeeze3A_415, %mul3A_416 : i32
    %add3A_418 = arith.constant 0 : i32
    %add3A_419 = arith.addi %add3A_418, %mul3A_417 : i32
    %get3A_420 = arith.index_cast %add3A_419 : i32 to index
    %get3A_421 = tpu.vector_load %arg6[%get3A_420] {strides = array<i32>} : memref<12288xf32, #tpu.memory_space<vmem>>, vector<16xf32>,
    %slice3A_422 = vector.extract_strided_slice %bitcast_convert_type3A_257 {offsets = [12], sizes = [1], strides = [1]} : vector<16xf32> to vector<1xf32>
    %squeeze3A_423 = vector.extract %slice3A_422[0] : f32 from vector<1xf32>
    %mul3A_424 = vector.broadcast %squeeze3A_423 : f32 to vector<16xf32>
    %mul3A_425 = arith.mulf %get3A_421, %mul3A_424 : vector<16xf32>
    %add3A_426 = arith.addf %add3A_413, %mul3A_425 : vector<16xf32>
    %slice3A_427 = vector.extract_strided_slice %and3A_253 {offsets = [13], sizes = [1], strides = [1]} : vector<16xi32> to vector<1xi32>
    %squeeze3A_428 = vector.extract %slice3A_427[0] : i32 from vector<1xi32>
    %mul3A_429 = arith.constant 16 : i32
    %mul3A_430 = arith.muli %squeeze3A_428, %mul3A_429 : i32
    %add3A_431 = arith.constant 0 : i32
    %add3A_432 = arith.addi %add3A_431, %mul3A_430 : i32
    %get3A_433 = arith.index_cast %add3A_432 : i32 to index
    %get3A_434 = tpu.vector_load %arg6[%get3A_433] {strides = array<i32>} : memref<12288xf32, #tpu.memory_space<vmem>>, vector<16xf32>,
    %slice3A_435 = vector.extract_strided_slice %bitcast_convert_type3A_257 {offsets = [13], sizes = [1], strides = [1]} : vector<16xf32> to vector<1xf32>
    %squeeze3A_436 = vector.extract %slice3A_435[0] : f32 from vector<1xf32>
    %mul3A_437 = vector.broadcast %squeeze3A_436 : f32 to vector<16xf32>
    %mul3A_438 = arith.mulf %get3A_434, %mul3A_437 : vector<16xf32>
    %add3A_439 = arith.addf %add3A_426, %mul3A_438 : vector<16xf32>
    %slice3A_440 = vector.extract_strided_slice %and3A_253 {offsets = [14], sizes = [1], strides = [1]} : vector<16xi32> to vector<1xi32>
    %squeeze3A_441 = vector.extract %slice3A_440[0] : i32 from vector<1xi32>
    %mul3A_442 = arith.constant 16 : i32
    %mul3A_443 = arith.muli %squeeze3A_441, %mul3A_442 : i32
    %add3A_444 = arith.constant 0 : i32
    %add3A_445 = arith.addi %add3A_444, %mul3A_443 : i32
    %get3A_446 = arith.index_cast %add3A_445 : i32 to index
    %get3A_447 = tpu.vector_load %arg6[%get3A_446] {strides = array<i32>} : memref<12288xf32, #tpu.memory_space<vmem>>, vector<16xf32>,
    %slice3A_448 = vector.extract_strided_slice %bitcast_convert_type3A_257 {offsets = [14], sizes = [1], strides = [1]} : vector<16xf32> to vector<1xf32>
    %squeeze3A_449 = vector.extract %slice3A_448[0] : f32 from vector<1xf32>
    %mul3A_450 = vector.broadcast %squeeze3A_449 : f32 to vector<16xf32>
    %mul3A_451 = arith.mulf %get3A_447, %mul3A_450 : vector<16xf32>
    %add3A_452 = arith.addf %add3A_439, %mul3A_451 : vector<16xf32>
    %slice3A_453 = vector.extract_strided_slice %and3A_253 {offsets = [15], sizes = [1], strides = [1]} : vector<16xi32> to vector<1xi32>
    %squeeze3A_454 = vector.extract %slice3A_453[0] : i32 from vector<1xi32>
    %mul3A_455 = arith.constant 16 : i32
    %mul3A_456 = arith.muli %squeeze3A_454, %mul3A_455 : i32
    %add3A_457 = arith.constant 0 : i32
    %add3A_458 = arith.addi %add3A_457, %mul3A_456 : i32
    %get3A_459 = arith.index_cast %add3A_458 : i32 to index
    %get3A_460 = tpu.vector_load %arg6[%get3A_459] {strides = array<i32>} : memref<12288xf32, #tpu.memory_space<vmem>>, vector<16xf32>,
    %slice3A_461 = vector.extract_strided_slice %bitcast_convert_type3A_257 {offsets = [15], sizes = [1], strides = [1]} : vector<16xf32> to vector<1xf32>
    %squeeze3A_462 = vector.extract %slice3A_461[0] : f32 from vector<1xf32>
    %mul3A_463 = vector.broadcast %squeeze3A_462 : f32 to vector<16xf32>
    %mul3A_464 = arith.mulf %get3A_460, %mul3A_463 : vector<16xf32>
    %add3A_465 = arith.addf %add3A_452, %mul3A_464 : vector<16xf32>
    %get3A_466 = arith.constant 32 : index
    %get3A_467 = tpu.vector_load %arg5[%get3A_466] {strides = array<i32>} : memref<128xf32, #tpu.memory_space<vmem>>, vector<16xf32>,
    %bitcast_convert_type3A_468 = tpu.bitcast %get3A_467 : vector<16xf32> -> vector<16xi32>
    %add3A_469 = arith.constant 32767 : i32
    %add3A_470 = vector.broadcast %add3A_469 : i32 to vector<16xi32>
    %add3A_471 = arith.addi %bitcast_convert_type3A_468, %add3A_470 : vector<16xi32>
    %shift_right_arithmetic3A_472 = arith.constant 16 : i32
    %shift_right_arithmetic3A_473 = vector.broadcast %shift_right_arithmetic3A_472 : i32 to vector<16xi32>
    %shift_right_arithmetic3A_474 = arith.shrsi %bitcast_convert_type3A_468, %shift_right_arithmetic3A_473 : vector<16xi32>
    %and3A_475 = arith.constant 1 : i32
    %and3A_476 = vector.broadcast %and3A_475 : i32 to vector<16xi32>
    %and3A_477 = arith.andi %shift_right_arithmetic3A_474, %and3A_476 : vector<16xi32>
    %add3A_478 = arith.addi %add3A_471, %and3A_477 : vector<16xi32>
    %and3A_479 = arith.constant -65536 : i32
    %and3A_480 = vector.broadcast %and3A_479 : i32 to vector<16xi32>
    %and3A_481 = arith.andi %add3A_478, %and3A_480 : vector<16xi32>
    %shift_right_arithmetic3A_482 = arith.constant 16 : i32
    %shift_right_arithmetic3A_483 = vector.broadcast %shift_right_arithmetic3A_482 : i32 to vector<16xi32>
    %shift_right_arithmetic3A_484 = arith.shrsi %and3A_481, %shift_right_arithmetic3A_483 : vector<16xi32>
    %and3A_485 = arith.constant 127 : i32
    %and3A_486 = vector.broadcast %and3A_485 : i32 to vector<16xi32>
    %and3A_487 = arith.andi %shift_right_arithmetic3A_484, %and3A_486 : vector<16xi32>
    %and3A_488 = arith.constant -8388608 : i32
    %and3A_489 = vector.broadcast %and3A_488 : i32 to vector<16xi32>
    %and3A_490 = arith.andi %and3A_481, %and3A_489 : vector<16xi32>
    %bitcast_convert_type3A_491 = tpu.bitcast %and3A_490 : vector<16xi32> -> vector<16xf32>
    %slice3A_492 = vector.extract_strided_slice %and3A_487 {offsets = [0], sizes = [1], strides = [1]} : vector<16xi32> to vector<1xi32>
    %squeeze3A_493 = vector.extract %slice3A_492[0] : i32 from vector<1xi32>
    %mul3A_494 = arith.constant 16 : i32
    %mul3A_495 = arith.muli %squeeze3A_493, %mul3A_494 : i32
    %add3A_496 = arith.constant 0 : i32
    %add3A_497 = arith.addi %add3A_496, %mul3A_495 : i32
    %get3A_498 = arith.index_cast %add3A_497 : i32 to index
    %get3A_499 = tpu.vector_load %arg6[%get3A_498] {strides = array<i32>} : memref<12288xf32, #tpu.memory_space<vmem>>, vector<16xf32>,
    %slice3A_500 = vector.extract_strided_slice %bitcast_convert_type3A_491 {offsets = [0], sizes = [1], strides = [1]} : vector<16xf32> to vector<1xf32>
    %squeeze3A_501 = vector.extract %slice3A_500[0] : f32 from vector<1xf32>
    %mul3A_502 = vector.broadcast %squeeze3A_501 : f32 to vector<16xf32>
    %mul3A_503 = arith.mulf %get3A_499, %mul3A_502 : vector<16xf32>
    %add3A_504 = arith.addf %add3A_465, %mul3A_503 : vector<16xf32>
    %slice3A_505 = vector.extract_strided_slice %and3A_487 {offsets = [1], sizes = [1], strides = [1]} : vector<16xi32> to vector<1xi32>
    %squeeze3A_506 = vector.extract %slice3A_505[0] : i32 from vector<1xi32>
    %mul3A_507 = arith.constant 16 : i32
    %mul3A_508 = arith.muli %squeeze3A_506, %mul3A_507 : i32
    %add3A_509 = arith.constant 0 : i32
    %add3A_510 = arith.addi %add3A_509, %mul3A_508 : i32
    %get3A_511 = arith.index_cast %add3A_510 : i32 to index
    %get3A_512 = tpu.vector_load %arg6[%get3A_511] {strides = array<i32>} : memref<12288xf32, #tpu.memory_space<vmem>>, vector<16xf32>,
    %slice3A_513 = vector.extract_strided_slice %bitcast_convert_type3A_491 {offsets = [1], sizes = [1], strides = [1]} : vector<16xf32> to vector<1xf32>
    %squeeze3A_514 = vector.extract %slice3A_513[0] : f32 from vector<1xf32>
    %mul3A_515 = vector.broadcast %squeeze3A_514 : f32 to vector<16xf32>
    %mul3A_516 = arith.mulf %get3A_512, %mul3A_515 : vector<16xf32>
    %add3A_517 = arith.addf %add3A_504, %mul3A_516 : vector<16xf32>
    %slice3A_518 = vector.extract_strided_slice %and3A_487 {offsets = [2], sizes = [1], strides = [1]} : vector<16xi32> to vector<1xi32>
    %squeeze3A_519 = vector.extract %slice3A_518[0] : i32 from vector<1xi32>
    %mul3A_520 = arith.constant 16 : i32
    %mul3A_521 = arith.muli %squeeze3A_519, %mul3A_520 : i32
    %add3A_522 = arith.constant 0 : i32
    %add3A_523 = arith.addi %add3A_522, %mul3A_521 : i32
    %get3A_524 = arith.index_cast %add3A_523 : i32 to index
    %get3A_525 = tpu.vector_load %arg6[%get3A_524] {strides = array<i32>} : memref<12288xf32, #tpu.memory_space<vmem>>, vector<16xf32>,
    %slice3A_526 = vector.extract_strided_slice %bitcast_convert_type3A_491 {offsets = [2], sizes = [1], strides = [1]} : vector<16xf32> to vector<1xf32>
    %squeeze3A_527 = vector.extract %slice3A_526[0] : f32 from vector<1xf32>
    %mul3A_528 = vector.broadcast %squeeze3A_527 : f32 to vector<16xf32>
    %mul3A_529 = arith.mulf %get3A_525, %mul3A_528 : vector<16xf32>
    %add3A_530 = arith.addf %add3A_517, %mul3A_529 : vector<16xf32>
    %slice3A_531 = vector.extract_strided_slice %and3A_487 {offsets = [3], sizes = [1], strides = [1]} : vector<16xi32> to vector<1xi32>
    %squeeze3A_532 = vector.extract %slice3A_531[0] : i32 from vector<1xi32>
    %mul3A_533 = arith.constant 16 : i32
    %mul3A_534 = arith.muli %squeeze3A_532, %mul3A_533 : i32
    %add3A_535 = arith.constant 0 : i32
    %add3A_536 = arith.addi %add3A_535, %mul3A_534 : i32
    %get3A_537 = arith.index_cast %add3A_536 : i32 to index
    %get3A_538 = tpu.vector_load %arg6[%get3A_537] {strides = array<i32>} : memref<12288xf32, #tpu.memory_space<vmem>>, vector<16xf32>,
    %slice3A_539 = vector.extract_strided_slice %bitcast_convert_type3A_491 {offsets = [3], sizes = [1], strides = [1]} : vector<16xf32> to vector<1xf32>
    %squeeze3A_540 = vector.extract %slice3A_539[0] : f32 from vector<1xf32>
    %mul3A_541 = vector.broadcast %squeeze3A_540 : f32 to vector<16xf32>
    %mul3A_542 = arith.mulf %get3A_538, %mul3A_541 : vector<16xf32>
    %add3A_543 = arith.addf %add3A_530, %mul3A_542 : vector<16xf32>
    %slice3A_544 = vector.extract_strided_slice %and3A_487 {offsets = [4], sizes = [1], strides = [1]} : vector<16xi32> to vector<1xi32>
    %squeeze3A_545 = vector.extract %slice3A_544[0] : i32 from vector<1xi32>
    %mul3A_546 = arith.constant 16 : i32
    %mul3A_547 = arith.muli %squeeze3A_545, %mul3A_546 : i32
    %add3A_548 = arith.constant 0 : i32
    %add3A_549 = arith.addi %add3A_548, %mul3A_547 : i32
    %get3A_550 = arith.index_cast %add3A_549 : i32 to index
    %get3A_551 = tpu.vector_load %arg6[%get3A_550] {strides = array<i32>} : memref<12288xf32, #tpu.memory_space<vmem>>, vector<16xf32>,
    %slice3A_552 = vector.extract_strided_slice %bitcast_convert_type3A_491 {offsets = [4], sizes = [1], strides = [1]} : vector<16xf32> to vector<1xf32>
    %squeeze3A_553 = vector.extract %slice3A_552[0] : f32 from vector<1xf32>
    %mul3A_554 = vector.broadcast %squeeze3A_553 : f32 to vector<16xf32>
    %mul3A_555 = arith.mulf %get3A_551, %mul3A_554 : vector<16xf32>
    %add3A_556 = arith.addf %add3A_543, %mul3A_555 : vector<16xf32>
    %slice3A_557 = vector.extract_strided_slice %and3A_487 {offsets = [5], sizes = [1], strides = [1]} : vector<16xi32> to vector<1xi32>
    %squeeze3A_558 = vector.extract %slice3A_557[0] : i32 from vector<1xi32>
    %mul3A_559 = arith.constant 16 : i32
    %mul3A_560 = arith.muli %squeeze3A_558, %mul3A_559 : i32
    %add3A_561 = arith.constant 0 : i32
    %add3A_562 = arith.addi %add3A_561, %mul3A_560 : i32
    %get3A_563 = arith.index_cast %add3A_562 : i32 to index
    %get3A_564 = tpu.vector_load %arg6[%get3A_563] {strides = array<i32>} : memref<12288xf32, #tpu.memory_space<vmem>>, vector<16xf32>,
    %slice3A_565 = vector.extract_strided_slice %bitcast_convert_type3A_491 {offsets = [5], sizes = [1], strides = [1]} : vector<16xf32> to vector<1xf32>
    %squeeze3A_566 = vector.extract %slice3A_565[0] : f32 from vector<1xf32>
    %mul3A_567 = vector.broadcast %squeeze3A_566 : f32 to vector<16xf32>
    %mul3A_568 = arith.mulf %get3A_564, %mul3A_567 : vector<16xf32>
    %add3A_569 = arith.addf %add3A_556, %mul3A_568 : vector<16xf32>
    %slice3A_570 = vector.extract_strided_slice %and3A_487 {offsets = [6], sizes = [1], strides = [1]} : vector<16xi32> to vector<1xi32>
    %squeeze3A_571 = vector.extract %slice3A_570[0] : i32 from vector<1xi32>
    %mul3A_572 = arith.constant 16 : i32
    %mul3A_573 = arith.muli %squeeze3A_571, %mul3A_572 : i32
    %add3A_574 = arith.constant 0 : i32
    %add3A_575 = arith.addi %add3A_574, %mul3A_573 : i32
    %get3A_576 = arith.index_cast %add3A_575 : i32 to index
    %get3A_577 = tpu.vector_load %arg6[%get3A_576] {strides = array<i32>} : memref<12288xf32, #tpu.memory_space<vmem>>, vector<16xf32>,
    %slice3A_578 = vector.extract_strided_slice %bitcast_convert_type3A_491 {offsets = [6], sizes = [1], strides = [1]} : vector<16xf32> to vector<1xf32>
    %squeeze3A_579 = vector.extract %slice3A_578[0] : f32 from vector<1xf32>
    %mul3A_580 = vector.broadcast %squeeze3A_579 : f32 to vector<16xf32>
    %mul3A_581 = arith.mulf %get3A_577, %mul3A_580 : vector<16xf32>
    %add3A_582 = arith.addf %add3A_569, %mul3A_581 : vector<16xf32>
    %slice3A_583 = vector.extract_strided_slice %and3A_487 {offsets = [7], sizes = [1], strides = [1]} : vector<16xi32> to vector<1xi32>
    %squeeze3A_584 = vector.extract %slice3A_583[0] : i32 from vector<1xi32>
    %mul3A_585 = arith.constant 16 : i32
    %mul3A_586 = arith.muli %squeeze3A_584, %mul3A_585 : i32
    %add3A_587 = arith.constant 0 : i32
    %add3A_588 = arith.addi %add3A_587, %mul3A_586 : i32
    %get3A_589 = arith.index_cast %add3A_588 : i32 to index
    %get3A_590 = tpu.vector_load %arg6[%get3A_589] {strides = array<i32>} : memref<12288xf32, #tpu.memory_space<vmem>>, vector<16xf32>,
    %slice3A_591 = vector.extract_strided_slice %bitcast_convert_type3A_491 {offsets = [7], sizes = [1], strides = [1]} : vector<16xf32> to vector<1xf32>
    %squeeze3A_592 = vector.extract %slice3A_591[0] : f32 from vector<1xf32>
    %mul3A_593 = vector.broadcast %squeeze3A_592 : f32 to vector<16xf32>
    %mul3A_594 = arith.mulf %get3A_590, %mul3A_593 : vector<16xf32>
    %add3A_595 = arith.addf %add3A_582, %mul3A_594 : vector<16xf32>
    %slice3A_596 = vector.extract_strided_slice %and3A_487 {offsets = [8], sizes = [1], strides = [1]} : vector<16xi32> to vector<1xi32>
    %squeeze3A_597 = vector.extract %slice3A_596[0] : i32 from vector<1xi32>
    %mul3A_598 = arith.constant 16 : i32
    %mul3A_599 = arith.muli %squeeze3A_597, %mul3A_598 : i32
    %add3A_600 = arith.constant 0 : i32
    %add3A_601 = arith.addi %add3A_600, %mul3A_599 : i32
    %get3A_602 = arith.index_cast %add3A_601 : i32 to index
    %get3A_603 = tpu.vector_load %arg6[%get3A_602] {strides = array<i32>} : memref<12288xf32, #tpu.memory_space<vmem>>, vector<16xf32>,
    %slice3A_604 = vector.extract_strided_slice %bitcast_convert_type3A_491 {offsets = [8], sizes = [1], strides = [1]} : vector<16xf32> to vector<1xf32>
    %squeeze3A_605 = vector.extract %slice3A_604[0] : f32 from vector<1xf32>
    %mul3A_606 = vector.broadcast %squeeze3A_605 : f32 to vector<16xf32>
    %mul3A_607 = arith.mulf %get3A_603, %mul3A_606 : vector<16xf32>
    %add3A_608 = arith.addf %add3A_595, %mul3A_607 : vector<16xf32>
    %slice3A_609 = vector.extract_strided_slice %and3A_487 {offsets = [9], sizes = [1], strides = [1]} : vector<16xi32> to vector<1xi32>
    %squeeze3A_610 = vector.extract %slice3A_609[0] : i32 from vector<1xi32>
    %mul3A_611 = arith.constant 16 : i32
    %mul3A_612 = arith.muli %squeeze3A_610, %mul3A_611 : i32
    %add3A_613 = arith.constant 0 : i32
    %add3A_614 = arith.addi %add3A_613, %mul3A_612 : i32
    %get3A_615 = arith.index_cast %add3A_614 : i32 to index
    %get3A_616 = tpu.vector_load %arg6[%get3A_615] {strides = array<i32>} : memref<12288xf32, #tpu.memory_space<vmem>>, vector<16xf32>,
    %slice3A_617 = vector.extract_strided_slice %bitcast_convert_type3A_491 {offsets = [9], sizes = [1], strides = [1]} : vector<16xf32> to vector<1xf32>
    %squeeze3A_618 = vector.extract %slice3A_617[0] : f32 from vector<1xf32>
    %mul3A_619 = vector.broadcast %squeeze3A_618 : f32 to vector<16xf32>
    %mul3A_620 = arith.mulf %get3A_616, %mul3A_619 : vector<16xf32>
    %add3A_621 = arith.addf %add3A_608, %mul3A_620 : vector<16xf32>
    %slice3A_622 = vector.extract_strided_slice %and3A_487 {offsets = [10], sizes = [1], strides = [1]} : vector<16xi32> to vector<1xi32>
    %squeeze3A_623 = vector.extract %slice3A_622[0] : i32 from vector<1xi32>
    %mul3A_624 = arith.constant 16 : i32
    %mul3A_625 = arith.muli %squeeze3A_623, %mul3A_624 : i32
    %add3A_626 = arith.constant 0 : i32
    %add3A_627 = arith.addi %add3A_626, %mul3A_625 : i32
    %get3A_628 = arith.index_cast %add3A_627 : i32 to index
    %get3A_629 = tpu.vector_load %arg6[%get3A_628] {strides = array<i32>} : memref<12288xf32, #tpu.memory_space<vmem>>, vector<16xf32>,
    %slice3A_630 = vector.extract_strided_slice %bitcast_convert_type3A_491 {offsets = [10], sizes = [1], strides = [1]} : vector<16xf32> to vector<1xf32>
    %squeeze3A_631 = vector.extract %slice3A_630[0] : f32 from vector<1xf32>
    %mul3A_632 = vector.broadcast %squeeze3A_631 : f32 to vector<16xf32>
    %mul3A_633 = arith.mulf %get3A_629, %mul3A_632 : vector<16xf32>
    %add3A_634 = arith.addf %add3A_621, %mul3A_633 : vector<16xf32>
    %slice3A_635 = vector.extract_strided_slice %and3A_487 {offsets = [11], sizes = [1], strides = [1]} : vector<16xi32> to vector<1xi32>
    %squeeze3A_636 = vector.extract %slice3A_635[0] : i32 from vector<1xi32>
    %mul3A_637 = arith.constant 16 : i32
    %mul3A_638 = arith.muli %squeeze3A_636, %mul3A_637 : i32
    %add3A_639 = arith.constant 0 : i32
    %add3A_640 = arith.addi %add3A_639, %mul3A_638 : i32
    %get3A_641 = arith.index_cast %add3A_640 : i32 to index
    %get3A_642 = tpu.vector_load %arg6[%get3A_641] {strides = array<i32>} : memref<12288xf32, #tpu.memory_space<vmem>>, vector<16xf32>,
    %slice3A_643 = vector.extract_strided_slice %bitcast_convert_type3A_491 {offsets = [11], sizes = [1], strides = [1]} : vector<16xf32> to vector<1xf32>
    %squeeze3A_644 = vector.extract %slice3A_643[0] : f32 from vector<1xf32>
    %mul3A_645 = vector.broadcast %squeeze3A_644 : f32 to vector<16xf32>
    %mul3A_646 = arith.mulf %get3A_642, %mul3A_645 : vector<16xf32>
    %add3A_647 = arith.addf %add3A_634, %mul3A_646 : vector<16xf32>
    %slice3A_648 = vector.extract_strided_slice %and3A_487 {offsets = [12], sizes = [1], strides = [1]} : vector<16xi32> to vector<1xi32>
    %squeeze3A_649 = vector.extract %slice3A_648[0] : i32 from vector<1xi32>
    %mul3A_650 = arith.constant 16 : i32
    %mul3A_651 = arith.muli %squeeze3A_649, %mul3A_650 : i32
    %add3A_652 = arith.constant 0 : i32
    %add3A_653 = arith.addi %add3A_652, %mul3A_651 : i32
    %get3A_654 = arith.index_cast %add3A_653 : i32 to index
    %get3A_655 = tpu.vector_load %arg6[%get3A_654] {strides = array<i32>} : memref<12288xf32, #tpu.memory_space<vmem>>, vector<16xf32>,
    %slice3A_656 = vector.extract_strided_slice %bitcast_convert_type3A_491 {offsets = [12], sizes = [1], strides = [1]} : vector<16xf32> to vector<1xf32>
    %squeeze3A_657 = vector.extract %slice3A_656[0] : f32 from vector<1xf32>
    %mul3A_658 = vector.broadcast %squeeze3A_657 : f32 to vector<16xf32>
    %mul3A_659 = arith.mulf %get3A_655, %mul3A_658 : vector<16xf32>
    %add3A_660 = arith.addf %add3A_647, %mul3A_659 : vector<16xf32>
    %slice3A_661 = vector.extract_strided_slice %and3A_487 {offsets = [13], sizes = [1], strides = [1]} : vector<16xi32> to vector<1xi32>
    %squeeze3A_662 = vector.extract %slice3A_661[0] : i32 from vector<1xi32>
    %mul3A_663 = arith.constant 16 : i32
    %mul3A_664 = arith.muli %squeeze3A_662, %mul3A_663 : i32
    %add3A_665 = arith.constant 0 : i32
    %add3A_666 = arith.addi %add3A_665, %mul3A_664 : i32
    %get3A_667 = arith.index_cast %add3A_666 : i32 to index
    %get3A_668 = tpu.vector_load %arg6[%get3A_667] {strides = array<i32>} : memref<12288xf32, #tpu.memory_space<vmem>>, vector<16xf32>,
    %slice3A_669 = vector.extract_strided_slice %bitcast_convert_type3A_491 {offsets = [13], sizes = [1], strides = [1]} : vector<16xf32> to vector<1xf32>
    %squeeze3A_670 = vector.extract %slice3A_669[0] : f32 from vector<1xf32>
    %mul3A_671 = vector.broadcast %squeeze3A_670 : f32 to vector<16xf32>
    %mul3A_672 = arith.mulf %get3A_668, %mul3A_671 : vector<16xf32>
    %add3A_673 = arith.addf %add3A_660, %mul3A_672 : vector<16xf32>
    %slice3A_674 = vector.extract_strided_slice %and3A_487 {offsets = [14], sizes = [1], strides = [1]} : vector<16xi32> to vector<1xi32>
    %squeeze3A_675 = vector.extract %slice3A_674[0] : i32 from vector<1xi32>
    %mul3A_676 = arith.constant 16 : i32
    %mul3A_677 = arith.muli %squeeze3A_675, %mul3A_676 : i32
    %add3A_678 = arith.constant 0 : i32
    %add3A_679 = arith.addi %add3A_678, %mul3A_677 : i32
    %get3A_680 = arith.index_cast %add3A_679 : i32 to index
    %get3A_681 = tpu.vector_load %arg6[%get3A_680] {strides = array<i32>} : memref<12288xf32, #tpu.memory_space<vmem>>, vector<16xf32>,
    %slice3A_682 = vector.extract_strided_slice %bitcast_convert_type3A_491 {offsets = [14], sizes = [1], strides = [1]} : vector<16xf32> to vector<1xf32>
    %squeeze3A_683 = vector.extract %slice3A_682[0] : f32 from vector<1xf32>
    %mul3A_684 = vector.broadcast %squeeze3A_683 : f32 to vector<16xf32>
    %mul3A_685 = arith.mulf %get3A_681, %mul3A_684 : vector<16xf32>
    %add3A_686 = arith.addf %add3A_673, %mul3A_685 : vector<16xf32>
    %slice3A_687 = vector.extract_strided_slice %and3A_487 {offsets = [15], sizes = [1], strides = [1]} : vector<16xi32> to vector<1xi32>
    %squeeze3A_688 = vector.extract %slice3A_687[0] : i32 from vector<1xi32>
    %mul3A_689 = arith.constant 16 : i32
    %mul3A_690 = arith.muli %squeeze3A_688, %mul3A_689 : i32
    %add3A_691 = arith.constant 0 : i32
    %add3A_692 = arith.addi %add3A_691, %mul3A_690 : i32
    %get3A_693 = arith.index_cast %add3A_692 : i32 to index
    %get3A_694 = tpu.vector_load %arg6[%get3A_693] {strides = array<i32>} : memref<12288xf32, #tpu.memory_space<vmem>>, vector<16xf32>,
    %slice3A_695 = vector.extract_strided_slice %bitcast_convert_type3A_491 {offsets = [15], sizes = [1], strides = [1]} : vector<16xf32> to vector<1xf32>
    %squeeze3A_696 = vector.extract %slice3A_695[0] : f32 from vector<1xf32>
    %mul3A_697 = vector.broadcast %squeeze3A_696 : f32 to vector<16xf32>
    %mul3A_698 = arith.mulf %get3A_694, %mul3A_697 : vector<16xf32>
    %add3A_699 = arith.addf %add3A_686, %mul3A_698 : vector<16xf32>
    %get3A_700 = arith.constant 48 : index
    %get3A_701 = tpu.vector_load %arg5[%get3A_700] {strides = array<i32>} : memref<128xf32, #tpu.memory_space<vmem>>, vector<16xf32>,
    %bitcast_convert_type3A_702 = tpu.bitcast %get3A_701 : vector<16xf32> -> vector<16xi32>
    %add3A_703 = arith.constant 32767 : i32
    %add3A_704 = vector.broadcast %add3A_703 : i32 to vector<16xi32>
    %add3A_705 = arith.addi %bitcast_convert_type3A_702, %add3A_704 : vector<16xi32>
    %shift_right_arithmetic3A_706 = arith.constant 16 : i32
    %shift_right_arithmetic3A_707 = vector.broadcast %shift_right_arithmetic3A_706 : i32 to vector<16xi32>
    %shift_right_arithmetic3A_708 = arith.shrsi %bitcast_convert_type3A_702, %shift_right_arithmetic3A_707 : vector<16xi32>
    %and3A_709 = arith.constant 1 : i32
    %and3A_710 = vector.broadcast %and3A_709 : i32 to vector<16xi32>
    %and3A_711 = arith.andi %shift_right_arithmetic3A_708, %and3A_710 : vector<16xi32>
    %add3A_712 = arith.addi %add3A_705, %and3A_711 : vector<16xi32>
    %and3A_713 = arith.constant -65536 : i32
    %and3A_714 = vector.broadcast %and3A_713 : i32 to vector<16xi32>
    %and3A_715 = arith.andi %add3A_712, %and3A_714 : vector<16xi32>
    %shift_right_arithmetic3A_716 = arith.constant 16 : i32
    %shift_right_arithmetic3A_717 = vector.broadcast %shift_right_arithmetic3A_716 : i32 to vector<16xi32>
    %shift_right_arithmetic3A_718 = arith.shrsi %and3A_715, %shift_right_arithmetic3A_717 : vector<16xi32>
    %and3A_719 = arith.constant 127 : i32
    %and3A_720 = vector.broadcast %and3A_719 : i32 to vector<16xi32>
    %and3A_721 = arith.andi %shift_right_arithmetic3A_718, %and3A_720 : vector<16xi32>
    %and3A_722 = arith.constant -8388608 : i32
    %and3A_723 = vector.broadcast %and3A_722 : i32 to vector<16xi32>
    %and3A_724 = arith.andi %and3A_715, %and3A_723 : vector<16xi32>
    %bitcast_convert_type3A_725 = tpu.bitcast %and3A_724 : vector<16xi32> -> vector<16xf32>
    %slice3A_726 = vector.extract_strided_slice %and3A_721 {offsets = [0], sizes = [1], strides = [1]} : vector<16xi32> to vector<1xi32>
    %squeeze3A_727 = vector.extract %slice3A_726[0] : i32 from vector<1xi32>
    %mul3A_728 = arith.constant 16 : i32
    %mul3A_729 = arith.muli %squeeze3A_727, %mul3A_728 : i32
    %add3A_730 = arith.constant 0 : i32
    %add3A_731 = arith.addi %add3A_730, %mul3A_729 : i32
    %get3A_732 = arith.index_cast %add3A_731 : i32 to index
    %get3A_733 = tpu.vector_load %arg6[%get3A_732] {strides = array<i32>} : memref<12288xf32, #tpu.memory_space<vmem>>, vector<16xf32>,
    %slice3A_734 = vector.extract_strided_slice %bitcast_convert_type3A_725 {offsets = [0], sizes = [1], strides = [1]} : vector<16xf32> to vector<1xf32>
    %squeeze3A_735 = vector.extract %slice3A_734[0] : f32 from vector<1xf32>
    %mul3A_736 = vector.broadcast %squeeze3A_735 : f32 to vector<16xf32>
    %mul3A_737 = arith.mulf %get3A_733, %mul3A_736 : vector<16xf32>
    %add3A_738 = arith.addf %add3A_699, %mul3A_737 : vector<16xf32>
    %slice3A_739 = vector.extract_strided_slice %and3A_721 {offsets = [1], sizes = [1], strides = [1]} : vector<16xi32> to vector<1xi32>
    %squeeze3A_740 = vector.extract %slice3A_739[0] : i32 from vector<1xi32>
    %mul3A_741 = arith.constant 16 : i32
    %mul3A_742 = arith.muli %squeeze3A_740, %mul3A_741 : i32
    %add3A_743 = arith.constant 0 : i32
    %add3A_744 = arith.addi %add3A_743, %mul3A_742 : i32
    %get3A_745 = arith.index_cast %add3A_744 : i32 to index
    %get3A_746 = tpu.vector_load %arg6[%get3A_745] {strides = array<i32>} : memref<12288xf32, #tpu.memory_space<vmem>>, vector<16xf32>,
    %slice3A_747 = vector.extract_strided_slice %bitcast_convert_type3A_725 {offsets = [1], sizes = [1], strides = [1]} : vector<16xf32> to vector<1xf32>
    %squeeze3A_748 = vector.extract %slice3A_747[0] : f32 from vector<1xf32>
    %mul3A_749 = vector.broadcast %squeeze3A_748 : f32 to vector<16xf32>
    %mul3A_750 = arith.mulf %get3A_746, %mul3A_749 : vector<16xf32>
    %add3A_751 = arith.addf %add3A_738, %mul3A_750 : vector<16xf32>
    %slice3A_752 = vector.extract_strided_slice %and3A_721 {offsets = [2], sizes = [1], strides = [1]} : vector<16xi32> to vector<1xi32>
    %squeeze3A_753 = vector.extract %slice3A_752[0] : i32 from vector<1xi32>
    %mul3A_754 = arith.constant 16 : i32
    %mul3A_755 = arith.muli %squeeze3A_753, %mul3A_754 : i32
    %add3A_756 = arith.constant 0 : i32
    %add3A_757 = arith.addi %add3A_756, %mul3A_755 : i32
    %get3A_758 = arith.index_cast %add3A_757 : i32 to index
    %get3A_759 = tpu.vector_load %arg6[%get3A_758] {strides = array<i32>} : memref<12288xf32, #tpu.memory_space<vmem>>, vector<16xf32>,
    %slice3A_760 = vector.extract_strided_slice %bitcast_convert_type3A_725 {offsets = [2], sizes = [1], strides = [1]} : vector<16xf32> to vector<1xf32>
    %squeeze3A_761 = vector.extract %slice3A_760[0] : f32 from vector<1xf32>
    %mul3A_762 = vector.broadcast %squeeze3A_761 : f32 to vector<16xf32>
    %mul3A_763 = arith.mulf %get3A_759, %mul3A_762 : vector<16xf32>
    %add3A_764 = arith.addf %add3A_751, %mul3A_763 : vector<16xf32>
    %slice3A_765 = vector.extract_strided_slice %and3A_721 {offsets = [3], sizes = [1], strides = [1]} : vector<16xi32> to vector<1xi32>
    %squeeze3A_766 = vector.extract %slice3A_765[0] : i32 from vector<1xi32>
    %mul3A_767 = arith.constant 16 : i32
    %mul3A_768 = arith.muli %squeeze3A_766, %mul3A_767 : i32
    %add3A_769 = arith.constant 0 : i32
    %add3A_770 = arith.addi %add3A_769, %mul3A_768 : i32
    %get3A_771 = arith.index_cast %add3A_770 : i32 to index
    %get3A_772 = tpu.vector_load %arg6[%get3A_771] {strides = array<i32>} : memref<12288xf32, #tpu.memory_space<vmem>>, vector<16xf32>,
    %slice3A_773 = vector.extract_strided_slice %bitcast_convert_type3A_725 {offsets = [3], sizes = [1], strides = [1]} : vector<16xf32> to vector<1xf32>
    %squeeze3A_774 = vector.extract %slice3A_773[0] : f32 from vector<1xf32>
    %mul3A_775 = vector.broadcast %squeeze3A_774 : f32 to vector<16xf32>
    %mul3A_776 = arith.mulf %get3A_772, %mul3A_775 : vector<16xf32>
    %add3A_777 = arith.addf %add3A_764, %mul3A_776 : vector<16xf32>
    %slice3A_778 = vector.extract_strided_slice %and3A_721 {offsets = [4], sizes = [1], strides = [1]} : vector<16xi32> to vector<1xi32>
    %squeeze3A_779 = vector.extract %slice3A_778[0] : i32 from vector<1xi32>
    %mul3A_780 = arith.constant 16 : i32
    %mul3A_781 = arith.muli %squeeze3A_779, %mul3A_780 : i32
    %add3A_782 = arith.constant 0 : i32
    %add3A_783 = arith.addi %add3A_782, %mul3A_781 : i32
    %get3A_784 = arith.index_cast %add3A_783 : i32 to index
    %get3A_785 = tpu.vector_load %arg6[%get3A_784] {strides = array<i32>} : memref<12288xf32, #tpu.memory_space<vmem>>, vector<16xf32>,
    %slice3A_786 = vector.extract_strided_slice %bitcast_convert_type3A_725 {offsets = [4], sizes = [1], strides = [1]} : vector<16xf32> to vector<1xf32>
    %squeeze3A_787 = vector.extract %slice3A_786[0] : f32 from vector<1xf32>
    %mul3A_788 = vector.broadcast %squeeze3A_787 : f32 to vector<16xf32>
    %mul3A_789 = arith.mulf %get3A_785, %mul3A_788 : vector<16xf32>
    %add3A_790 = arith.addf %add3A_777, %mul3A_789 : vector<16xf32>
    %slice3A_791 = vector.extract_strided_slice %and3A_721 {offsets = [5], sizes = [1], strides = [1]} : vector<16xi32> to vector<1xi32>
    %squeeze3A_792 = vector.extract %slice3A_791[0] : i32 from vector<1xi32>
    %mul3A_793 = arith.constant 16 : i32
    %mul3A_794 = arith.muli %squeeze3A_792, %mul3A_793 : i32
    %add3A_795 = arith.constant 0 : i32
    %add3A_796 = arith.addi %add3A_795, %mul3A_794 : i32
    %get3A_797 = arith.index_cast %add3A_796 : i32 to index
    %get3A_798 = tpu.vector_load %arg6[%get3A_797] {strides = array<i32>} : memref<12288xf32, #tpu.memory_space<vmem>>, vector<16xf32>,
    %slice3A_799 = vector.extract_strided_slice %bitcast_convert_type3A_725 {offsets = [5], sizes = [1], strides = [1]} : vector<16xf32> to vector<1xf32>
    %squeeze3A_800 = vector.extract %slice3A_799[0] : f32 from vector<1xf32>
    %mul3A_801 = vector.broadcast %squeeze3A_800 : f32 to vector<16xf32>
    %mul3A_802 = arith.mulf %get3A_798, %mul3A_801 : vector<16xf32>
    %add3A_803 = arith.addf %add3A_790, %mul3A_802 : vector<16xf32>
    %slice3A_804 = vector.extract_strided_slice %and3A_721 {offsets = [6], sizes = [1], strides = [1]} : vector<16xi32> to vector<1xi32>
    %squeeze3A_805 = vector.extract %slice3A_804[0] : i32 from vector<1xi32>
    %mul3A_806 = arith.constant 16 : i32
    %mul3A_807 = arith.muli %squeeze3A_805, %mul3A_806 : i32
    %add3A_808 = arith.constant 0 : i32
    %add3A_809 = arith.addi %add3A_808, %mul3A_807 : i32
    %get3A_810 = arith.index_cast %add3A_809 : i32 to index
    %get3A_811 = tpu.vector_load %arg6[%get3A_810] {strides = array<i32>} : memref<12288xf32, #tpu.memory_space<vmem>>, vector<16xf32>,
    %slice3A_812 = vector.extract_strided_slice %bitcast_convert_type3A_725 {offsets = [6], sizes = [1], strides = [1]} : vector<16xf32> to vector<1xf32>
    %squeeze3A_813 = vector.extract %slice3A_812[0] : f32 from vector<1xf32>
    %mul3A_814 = vector.broadcast %squeeze3A_813 : f32 to vector<16xf32>
    %mul3A_815 = arith.mulf %get3A_811, %mul3A_814 : vector<16xf32>
    %add3A_816 = arith.addf %add3A_803, %mul3A_815 : vector<16xf32>
    %slice3A_817 = vector.extract_strided_slice %and3A_721 {offsets = [7], sizes = [1], strides = [1]} : vector<16xi32> to vector<1xi32>
    %squeeze3A_818 = vector.extract %slice3A_817[0] : i32 from vector<1xi32>
    %mul3A_819 = arith.constant 16 : i32
    %mul3A_820 = arith.muli %squeeze3A_818, %mul3A_819 : i32
    %add3A_821 = arith.constant 0 : i32
    %add3A_822 = arith.addi %add3A_821, %mul3A_820 : i32
    %get3A_823 = arith.index_cast %add3A_822 : i32 to index
    %get3A_824 = tpu.vector_load %arg6[%get3A_823] {strides = array<i32>} : memref<12288xf32, #tpu.memory_space<vmem>>, vector<16xf32>,
    %slice3A_825 = vector.extract_strided_slice %bitcast_convert_type3A_725 {offsets = [7], sizes = [1], strides = [1]} : vector<16xf32> to vector<1xf32>
    %squeeze3A_826 = vector.extract %slice3A_825[0] : f32 from vector<1xf32>
    %mul3A_827 = vector.broadcast %squeeze3A_826 : f32 to vector<16xf32>
    %mul3A_828 = arith.mulf %get3A_824, %mul3A_827 : vector<16xf32>
    %add3A_829 = arith.addf %add3A_816, %mul3A_828 : vector<16xf32>
    %slice3A_830 = vector.extract_strided_slice %and3A_721 {offsets = [8], sizes = [1], strides = [1]} : vector<16xi32> to vector<1xi32>
    %squeeze3A_831 = vector.extract %slice3A_830[0] : i32 from vector<1xi32>
    %mul3A_832 = arith.constant 16 : i32
    %mul3A_833 = arith.muli %squeeze3A_831, %mul3A_832 : i32
    %add3A_834 = arith.constant 0 : i32
    %add3A_835 = arith.addi %add3A_834, %mul3A_833 : i32
    %get3A_836 = arith.index_cast %add3A_835 : i32 to index
    %get3A_837 = tpu.vector_load %arg6[%get3A_836] {strides = array<i32>} : memref<12288xf32, #tpu.memory_space<vmem>>, vector<16xf32>,
    %slice3A_838 = vector.extract_strided_slice %bitcast_convert_type3A_725 {offsets = [8], sizes = [1], strides = [1]} : vector<16xf32> to vector<1xf32>
    %squeeze3A_839 = vector.extract %slice3A_838[0] : f32 from vector<1xf32>
    %mul3A_840 = vector.broadcast %squeeze3A_839 : f32 to vector<16xf32>
    %mul3A_841 = arith.mulf %get3A_837, %mul3A_840 : vector<16xf32>
    %add3A_842 = arith.addf %add3A_829, %mul3A_841 : vector<16xf32>
    %slice3A_843 = vector.extract_strided_slice %and3A_721 {offsets = [9], sizes = [1], strides = [1]} : vector<16xi32> to vector<1xi32>
    %squeeze3A_844 = vector.extract %slice3A_843[0] : i32 from vector<1xi32>
    %mul3A_845 = arith.constant 16 : i32
    %mul3A_846 = arith.muli %squeeze3A_844, %mul3A_845 : i32
    %add3A_847 = arith.constant 0 : i32
    %add3A_848 = arith.addi %add3A_847, %mul3A_846 : i32
    %get3A_849 = arith.index_cast %add3A_848 : i32 to index
    %get3A_850 = tpu.vector_load %arg6[%get3A_849] {strides = array<i32>} : memref<12288xf32, #tpu.memory_space<vmem>>, vector<16xf32>,
    %slice3A_851 = vector.extract_strided_slice %bitcast_convert_type3A_725 {offsets = [9], sizes = [1], strides = [1]} : vector<16xf32> to vector<1xf32>
    %squeeze3A_852 = vector.extract %slice3A_851[0] : f32 from vector<1xf32>
    %mul3A_853 = vector.broadcast %squeeze3A_852 : f32 to vector<16xf32>
    %mul3A_854 = arith.mulf %get3A_850, %mul3A_853 : vector<16xf32>
    %add3A_855 = arith.addf %add3A_842, %mul3A_854 : vector<16xf32>
    %slice3A_856 = vector.extract_strided_slice %and3A_721 {offsets = [10], sizes = [1], strides = [1]} : vector<16xi32> to vector<1xi32>
    %squeeze3A_857 = vector.extract %slice3A_856[0] : i32 from vector<1xi32>
    %mul3A_858 = arith.constant 16 : i32
    %mul3A_859 = arith.muli %squeeze3A_857, %mul3A_858 : i32
    %add3A_860 = arith.constant 0 : i32
    %add3A_861 = arith.addi %add3A_860, %mul3A_859 : i32
    %get3A_862 = arith.index_cast %add3A_861 : i32 to index
    %get3A_863 = tpu.vector_load %arg6[%get3A_862] {strides = array<i32>} : memref<12288xf32, #tpu.memory_space<vmem>>, vector<16xf32>,
    %slice3A_864 = vector.extract_strided_slice %bitcast_convert_type3A_725 {offsets = [10], sizes = [1], strides = [1]} : vector<16xf32> to vector<1xf32>
    %squeeze3A_865 = vector.extract %slice3A_864[0] : f32 from vector<1xf32>
    %mul3A_866 = vector.broadcast %squeeze3A_865 : f32 to vector<16xf32>
    %mul3A_867 = arith.mulf %get3A_863, %mul3A_866 : vector<16xf32>
    %add3A_868 = arith.addf %add3A_855, %mul3A_867 : vector<16xf32>
    %slice3A_869 = vector.extract_strided_slice %and3A_721 {offsets = [11], sizes = [1], strides = [1]} : vector<16xi32> to vector<1xi32>
    %squeeze3A_870 = vector.extract %slice3A_869[0] : i32 from vector<1xi32>
    %mul3A_871 = arith.constant 16 : i32
    %mul3A_872 = arith.muli %squeeze3A_870, %mul3A_871 : i32
    %add3A_873 = arith.constant 0 : i32
    %add3A_874 = arith.addi %add3A_873, %mul3A_872 : i32
    %get3A_875 = arith.index_cast %add3A_874 : i32 to index
    %get3A_876 = tpu.vector_load %arg6[%get3A_875] {strides = array<i32>} : memref<12288xf32, #tpu.memory_space<vmem>>, vector<16xf32>,
    %slice3A_877 = vector.extract_strided_slice %bitcast_convert_type3A_725 {offsets = [11], sizes = [1], strides = [1]} : vector<16xf32> to vector<1xf32>
    %squeeze3A_878 = vector.extract %slice3A_877[0] : f32 from vector<1xf32>
    %mul3A_879 = vector.broadcast %squeeze3A_878 : f32 to vector<16xf32>
    %mul3A_880 = arith.mulf %get3A_876, %mul3A_879 : vector<16xf32>
    %add3A_881 = arith.addf %add3A_868, %mul3A_880 : vector<16xf32>
    %slice3A_882 = vector.extract_strided_slice %and3A_721 {offsets = [12], sizes = [1], strides = [1]} : vector<16xi32> to vector<1xi32>
    %squeeze3A_883 = vector.extract %slice3A_882[0] : i32 from vector<1xi32>
    %mul3A_884 = arith.constant 16 : i32
    %mul3A_885 = arith.muli %squeeze3A_883, %mul3A_884 : i32
    %add3A_886 = arith.constant 0 : i32
    %add3A_887 = arith.addi %add3A_886, %mul3A_885 : i32
    %get3A_888 = arith.index_cast %add3A_887 : i32 to index
    %get3A_889 = tpu.vector_load %arg6[%get3A_888] {strides = array<i32>} : memref<12288xf32, #tpu.memory_space<vmem>>, vector<16xf32>,
    %slice3A_890 = vector.extract_strided_slice %bitcast_convert_type3A_725 {offsets = [12], sizes = [1], strides = [1]} : vector<16xf32> to vector<1xf32>
    %squeeze3A_891 = vector.extract %slice3A_890[0] : f32 from vector<1xf32>
    %mul3A_892 = vector.broadcast %squeeze3A_891 : f32 to vector<16xf32>
    %mul3A_893 = arith.mulf %get3A_889, %mul3A_892 : vector<16xf32>
    %add3A_894 = arith.addf %add3A_881, %mul3A_893 : vector<16xf32>
    %slice3A_895 = vector.extract_strided_slice %and3A_721 {offsets = [13], sizes = [1], strides = [1]} : vector<16xi32> to vector<1xi32>
    %squeeze3A_896 = vector.extract %slice3A_895[0] : i32 from vector<1xi32>
    %mul3A_897 = arith.constant 16 : i32
    %mul3A_898 = arith.muli %squeeze3A_896, %mul3A_897 : i32
    %add3A_899 = arith.constant 0 : i32
    %add3A_900 = arith.addi %add3A_899, %mul3A_898 : i32
    %get3A_901 = arith.index_cast %add3A_900 : i32 to index
    %get3A_902 = tpu.vector_load %arg6[%get3A_901] {strides = array<i32>} : memref<12288xf32, #tpu.memory_space<vmem>>, vector<16xf32>,
    %slice3A_903 = vector.extract_strided_slice %bitcast_convert_type3A_725 {offsets = [13], sizes = [1], strides = [1]} : vector<16xf32> to vector<1xf32>
    %squeeze3A_904 = vector.extract %slice3A_903[0] : f32 from vector<1xf32>
    %mul3A_905 = vector.broadcast %squeeze3A_904 : f32 to vector<16xf32>
    %mul3A_906 = arith.mulf %get3A_902, %mul3A_905 : vector<16xf32>
    %add3A_907 = arith.addf %add3A_894, %mul3A_906 : vector<16xf32>
    %slice3A_908 = vector.extract_strided_slice %and3A_721 {offsets = [14], sizes = [1], strides = [1]} : vector<16xi32> to vector<1xi32>
    %squeeze3A_909 = vector.extract %slice3A_908[0] : i32 from vector<1xi32>
    %mul3A_910 = arith.constant 16 : i32
    %mul3A_911 = arith.muli %squeeze3A_909, %mul3A_910 : i32
    %add3A_912 = arith.constant 0 : i32
    %add3A_913 = arith.addi %add3A_912, %mul3A_911 : i32
    %get3A_914 = arith.index_cast %add3A_913 : i32 to index
    %get3A_915 = tpu.vector_load %arg6[%get3A_914] {strides = array<i32>} : memref<12288xf32, #tpu.memory_space<vmem>>, vector<16xf32>,
    %slice3A_916 = vector.extract_strided_slice %bitcast_convert_type3A_725 {offsets = [14], sizes = [1], strides = [1]} : vector<16xf32> to vector<1xf32>
    %squeeze3A_917 = vector.extract %slice3A_916[0] : f32 from vector<1xf32>
    %mul3A_918 = vector.broadcast %squeeze3A_917 : f32 to vector<16xf32>
    %mul3A_919 = arith.mulf %get3A_915, %mul3A_918 : vector<16xf32>
    %add3A_920 = arith.addf %add3A_907, %mul3A_919 : vector<16xf32>
    %slice3A_921 = vector.extract_strided_slice %and3A_721 {offsets = [15], sizes = [1], strides = [1]} : vector<16xi32> to vector<1xi32>
    %squeeze3A_922 = vector.extract %slice3A_921[0] : i32 from vector<1xi32>
    %mul3A_923 = arith.constant 16 : i32
    %mul3A_924 = arith.muli %squeeze3A_922, %mul3A_923 : i32
    %add3A_925 = arith.constant 0 : i32
    %add3A_926 = arith.addi %add3A_925, %mul3A_924 : i32
    %get3A_927 = arith.index_cast %add3A_926 : i32 to index
    %get3A_928 = tpu.vector_load %arg6[%get3A_927] {strides = array<i32>} : memref<12288xf32, #tpu.memory_space<vmem>>, vector<16xf32>,
    %slice3A_929 = vector.extract_strided_slice %bitcast_convert_type3A_725 {offsets = [15], sizes = [1], strides = [1]} : vector<16xf32> to vector<1xf32>
    %squeeze3A_930 = vector.extract %slice3A_929[0] : f32 from vector<1xf32>
    %mul3A_931 = vector.broadcast %squeeze3A_930 : f32 to vector<16xf32>
    %mul3A_932 = arith.mulf %get3A_928, %mul3A_931 : vector<16xf32>
    %add3A_933 = arith.addf %add3A_920, %mul3A_932 : vector<16xf32>
    %get3A_934 = arith.constant 64 : index
    %get3A_935 = tpu.vector_load %arg5[%get3A_934] {strides = array<i32>} : memref<128xf32, #tpu.memory_space<vmem>>, vector<16xf32>,
    %bitcast_convert_type3A_936 = tpu.bitcast %get3A_935 : vector<16xf32> -> vector<16xi32>
    %add3A_937 = arith.constant 32767 : i32
    %add3A_938 = vector.broadcast %add3A_937 : i32 to vector<16xi32>
    %add3A_939 = arith.addi %bitcast_convert_type3A_936, %add3A_938 : vector<16xi32>
    %shift_right_arithmetic3A_940 = arith.constant 16 : i32
    %shift_right_arithmetic3A_941 = vector.broadcast %shift_right_arithmetic3A_940 : i32 to vector<16xi32>
    %shift_right_arithmetic3A_942 = arith.shrsi %bitcast_convert_type3A_936, %shift_right_arithmetic3A_941 : vector<16xi32>
    %and3A_943 = arith.constant 1 : i32
    %and3A_944 = vector.broadcast %and3A_943 : i32 to vector<16xi32>
    %and3A_945 = arith.andi %shift_right_arithmetic3A_942, %and3A_944 : vector<16xi32>
    %add3A_946 = arith.addi %add3A_939, %and3A_945 : vector<16xi32>
    %and3A_947 = arith.constant -65536 : i32
    %and3A_948 = vector.broadcast %and3A_947 : i32 to vector<16xi32>
    %and3A_949 = arith.andi %add3A_946, %and3A_948 : vector<16xi32>
    %shift_right_arithmetic3A_950 = arith.constant 16 : i32
    %shift_right_arithmetic3A_951 = vector.broadcast %shift_right_arithmetic3A_950 : i32 to vector<16xi32>
    %shift_right_arithmetic3A_952 = arith.shrsi %and3A_949, %shift_right_arithmetic3A_951 : vector<16xi32>
    %and3A_953 = arith.constant 127 : i32
    %and3A_954 = vector.broadcast %and3A_953 : i32 to vector<16xi32>
    %and3A_955 = arith.andi %shift_right_arithmetic3A_952, %and3A_954 : vector<16xi32>
    %and3A_956 = arith.constant -8388608 : i32
    %and3A_957 = vector.broadcast %and3A_956 : i32 to vector<16xi32>
    %and3A_958 = arith.andi %and3A_949, %and3A_957 : vector<16xi32>
    %bitcast_convert_type3A_959 = tpu.bitcast %and3A_958 : vector<16xi32> -> vector<16xf32>
    %slice3A_960 = vector.extract_strided_slice %and3A_955 {offsets = [0], sizes = [1], strides = [1]} : vector<16xi32> to vector<1xi32>
    %squeeze3A_961 = vector.extract %slice3A_960[0] : i32 from vector<1xi32>
    %mul3A_962 = arith.constant 16 : i32
    %mul3A_963 = arith.muli %squeeze3A_961, %mul3A_962 : i32
    %add3A_964 = arith.constant 0 : i32
    %add3A_965 = arith.addi %add3A_964, %mul3A_963 : i32
    %get3A_966 = arith.index_cast %add3A_965 : i32 to index
    %get3A_967 = tpu.vector_load %arg6[%get3A_966] {strides = array<i32>} : memref<12288xf32, #tpu.memory_space<vmem>>, vector<16xf32>,
    %slice3A_968 = vector.extract_strided_slice %bitcast_convert_type3A_959 {offsets = [0], sizes = [1], strides = [1]} : vector<16xf32> to vector<1xf32>
    %squeeze3A_969 = vector.extract %slice3A_968[0] : f32 from vector<1xf32>
    %mul3A_970 = vector.broadcast %squeeze3A_969 : f32 to vector<16xf32>
    %mul3A_971 = arith.mulf %get3A_967, %mul3A_970 : vector<16xf32>
    %add3A_972 = arith.addf %add3A_933, %mul3A_971 : vector<16xf32>
    %slice3A_973 = vector.extract_strided_slice %and3A_955 {offsets = [1], sizes = [1], strides = [1]} : vector<16xi32> to vector<1xi32>
    %squeeze3A_974 = vector.extract %slice3A_973[0] : i32 from vector<1xi32>
    %mul3A_975 = arith.constant 16 : i32
    %mul3A_976 = arith.muli %squeeze3A_974, %mul3A_975 : i32
    %add3A_977 = arith.constant 0 : i32
    %add3A_978 = arith.addi %add3A_977, %mul3A_976 : i32
    %get3A_979 = arith.index_cast %add3A_978 : i32 to index
    %get3A_980 = tpu.vector_load %arg6[%get3A_979] {strides = array<i32>} : memref<12288xf32, #tpu.memory_space<vmem>>, vector<16xf32>,
    %slice3A_981 = vector.extract_strided_slice %bitcast_convert_type3A_959 {offsets = [1], sizes = [1], strides = [1]} : vector<16xf32> to vector<1xf32>
    %squeeze3A_982 = vector.extract %slice3A_981[0] : f32 from vector<1xf32>
    %mul3A_983 = vector.broadcast %squeeze3A_982 : f32 to vector<16xf32>
    %mul3A_984 = arith.mulf %get3A_980, %mul3A_983 : vector<16xf32>
    %add3A_985 = arith.addf %add3A_972, %mul3A_984 : vector<16xf32>
    %slice3A_986 = vector.extract_strided_slice %and3A_955 {offsets = [2], sizes = [1], strides = [1]} : vector<16xi32> to vector<1xi32>
    %squeeze3A_987 = vector.extract %slice3A_986[0] : i32 from vector<1xi32>
    %mul3A_988 = arith.constant 16 : i32
    %mul3A_989 = arith.muli %squeeze3A_987, %mul3A_988 : i32
    %add3A_990 = arith.constant 0 : i32
    %add3A_991 = arith.addi %add3A_990, %mul3A_989 : i32
    %get3A_992 = arith.index_cast %add3A_991 : i32 to index
    %get3A_993 = tpu.vector_load %arg6[%get3A_992] {strides = array<i32>} : memref<12288xf32, #tpu.memory_space<vmem>>, vector<16xf32>,
    %slice3A_994 = vector.extract_strided_slice %bitcast_convert_type3A_959 {offsets = [2], sizes = [1], strides = [1]} : vector<16xf32> to vector<1xf32>
    %squeeze3A_995 = vector.extract %slice3A_994[0] : f32 from vector<1xf32>
    %mul3A_996 = vector.broadcast %squeeze3A_995 : f32 to vector<16xf32>
    %mul3A_997 = arith.mulf %get3A_993, %mul3A_996 : vector<16xf32>
    %add3A_998 = arith.addf %add3A_985, %mul3A_997 : vector<16xf32>
    %slice3A_999 = vector.extract_strided_slice %and3A_955 {offsets = [3], sizes = [1], strides = [1]} : vector<16xi32> to vector<1xi32>
    %squeeze3A_1000 = vector.extract %slice3A_999[0] : i32 from vector<1xi32>
    %mul3A_1001 = arith.constant 16 : i32
    %mul3A_1002 = arith.muli %squeeze3A_1000, %mul3A_1001 : i32
    %add3A_1003 = arith.constant 0 : i32
    %add3A_1004 = arith.addi %add3A_1003, %mul3A_1002 : i32
    %get3A_1005 = arith.index_cast %add3A_1004 : i32 to index
    %get3A_1006 = tpu.vector_load %arg6[%get3A_1005] {strides = array<i32>} : memref<12288xf32, #tpu.memory_space<vmem>>, vector<16xf32>,
    %slice3A_1007 = vector.extract_strided_slice %bitcast_convert_type3A_959 {offsets = [3], sizes = [1], strides = [1]} : vector<16xf32> to vector<1xf32>
    %squeeze3A_1008 = vector.extract %slice3A_1007[0] : f32 from vector<1xf32>
    %mul3A_1009 = vector.broadcast %squeeze3A_1008 : f32 to vector<16xf32>
    %mul3A_1010 = arith.mulf %get3A_1006, %mul3A_1009 : vector<16xf32>
    %add3A_1011 = arith.addf %add3A_998, %mul3A_1010 : vector<16xf32>
    %slice3A_1012 = vector.extract_strided_slice %and3A_955 {offsets = [4], sizes = [1], strides = [1]} : vector<16xi32> to vector<1xi32>
    %squeeze3A_1013 = vector.extract %slice3A_1012[0] : i32 from vector<1xi32>
    %mul3A_1014 = arith.constant 16 : i32
    %mul3A_1015 = arith.muli %squeeze3A_1013, %mul3A_1014 : i32
    %add3A_1016 = arith.constant 0 : i32
    %add3A_1017 = arith.addi %add3A_1016, %mul3A_1015 : i32
    %get3A_1018 = arith.index_cast %add3A_1017 : i32 to index
    %get3A_1019 = tpu.vector_load %arg6[%get3A_1018] {strides = array<i32>} : memref<12288xf32, #tpu.memory_space<vmem>>, vector<16xf32>,
    %slice3A_1020 = vector.extract_strided_slice %bitcast_convert_type3A_959 {offsets = [4], sizes = [1], strides = [1]} : vector<16xf32> to vector<1xf32>
    %squeeze3A_1021 = vector.extract %slice3A_1020[0] : f32 from vector<1xf32>
    %mul3A_1022 = vector.broadcast %squeeze3A_1021 : f32 to vector<16xf32>
    %mul3A_1023 = arith.mulf %get3A_1019, %mul3A_1022 : vector<16xf32>
    %add3A_1024 = arith.addf %add3A_1011, %mul3A_1023 : vector<16xf32>
    %slice3A_1025 = vector.extract_strided_slice %and3A_955 {offsets = [5], sizes = [1], strides = [1]} : vector<16xi32> to vector<1xi32>
    %squeeze3A_1026 = vector.extract %slice3A_1025[0] : i32 from vector<1xi32>
    %mul3A_1027 = arith.constant 16 : i32
    %mul3A_1028 = arith.muli %squeeze3A_1026, %mul3A_1027 : i32
    %add3A_1029 = arith.constant 0 : i32
    %add3A_1030 = arith.addi %add3A_1029, %mul3A_1028 : i32
    %get3A_1031 = arith.index_cast %add3A_1030 : i32 to index
    %get3A_1032 = tpu.vector_load %arg6[%get3A_1031] {strides = array<i32>} : memref<12288xf32, #tpu.memory_space<vmem>>, vector<16xf32>,
    %slice3A_1033 = vector.extract_strided_slice %bitcast_convert_type3A_959 {offsets = [5], sizes = [1], strides = [1]} : vector<16xf32> to vector<1xf32>
    %squeeze3A_1034 = vector.extract %slice3A_1033[0] : f32 from vector<1xf32>
    %mul3A_1035 = vector.broadcast %squeeze3A_1034 : f32 to vector<16xf32>
    %mul3A_1036 = arith.mulf %get3A_1032, %mul3A_1035 : vector<16xf32>
    %add3A_1037 = arith.addf %add3A_1024, %mul3A_1036 : vector<16xf32>
    %slice3A_1038 = vector.extract_strided_slice %and3A_955 {offsets = [6], sizes = [1], strides = [1]} : vector<16xi32> to vector<1xi32>
    %squeeze3A_1039 = vector.extract %slice3A_1038[0] : i32 from vector<1xi32>
    %mul3A_1040 = arith.constant 16 : i32
    %mul3A_1041 = arith.muli %squeeze3A_1039, %mul3A_1040 : i32
    %add3A_1042 = arith.constant 0 : i32
    %add3A_1043 = arith.addi %add3A_1042, %mul3A_1041 : i32
    %get3A_1044 = arith.index_cast %add3A_1043 : i32 to index
    %get3A_1045 = tpu.vector_load %arg6[%get3A_1044] {strides = array<i32>} : memref<12288xf32, #tpu.memory_space<vmem>>, vector<16xf32>,
    %slice3A_1046 = vector.extract_strided_slice %bitcast_convert_type3A_959 {offsets = [6], sizes = [1], strides = [1]} : vector<16xf32> to vector<1xf32>
    %squeeze3A_1047 = vector.extract %slice3A_1046[0] : f32 from vector<1xf32>
    %mul3A_1048 = vector.broadcast %squeeze3A_1047 : f32 to vector<16xf32>
    %mul3A_1049 = arith.mulf %get3A_1045, %mul3A_1048 : vector<16xf32>
    %add3A_1050 = arith.addf %add3A_1037, %mul3A_1049 : vector<16xf32>
    %slice3A_1051 = vector.extract_strided_slice %and3A_955 {offsets = [7], sizes = [1], strides = [1]} : vector<16xi32> to vector<1xi32>
    %squeeze3A_1052 = vector.extract %slice3A_1051[0] : i32 from vector<1xi32>
    %mul3A_1053 = arith.constant 16 : i32
    %mul3A_1054 = arith.muli %squeeze3A_1052, %mul3A_1053 : i32
    %add3A_1055 = arith.constant 0 : i32
    %add3A_1056 = arith.addi %add3A_1055, %mul3A_1054 : i32
    %get3A_1057 = arith.index_cast %add3A_1056 : i32 to index
    %get3A_1058 = tpu.vector_load %arg6[%get3A_1057] {strides = array<i32>} : memref<12288xf32, #tpu.memory_space<vmem>>, vector<16xf32>,
    %slice3A_1059 = vector.extract_strided_slice %bitcast_convert_type3A_959 {offsets = [7], sizes = [1], strides = [1]} : vector<16xf32> to vector<1xf32>
    %squeeze3A_1060 = vector.extract %slice3A_1059[0] : f32 from vector<1xf32>
    %mul3A_1061 = vector.broadcast %squeeze3A_1060 : f32 to vector<16xf32>
    %mul3A_1062 = arith.mulf %get3A_1058, %mul3A_1061 : vector<16xf32>
    %add3A_1063 = arith.addf %add3A_1050, %mul3A_1062 : vector<16xf32>
    %slice3A_1064 = vector.extract_strided_slice %and3A_955 {offsets = [8], sizes = [1], strides = [1]} : vector<16xi32> to vector<1xi32>
    %squeeze3A_1065 = vector.extract %slice3A_1064[0] : i32 from vector<1xi32>
    %mul3A_1066 = arith.constant 16 : i32
    %mul3A_1067 = arith.muli %squeeze3A_1065, %mul3A_1066 : i32
    %add3A_1068 = arith.constant 0 : i32
    %add3A_1069 = arith.addi %add3A_1068, %mul3A_1067 : i32
    %get3A_1070 = arith.index_cast %add3A_1069 : i32 to index
    %get3A_1071 = tpu.vector_load %arg6[%get3A_1070] {strides = array<i32>} : memref<12288xf32, #tpu.memory_space<vmem>>, vector<16xf32>,
    %slice3A_1072 = vector.extract_strided_slice %bitcast_convert_type3A_959 {offsets = [8], sizes = [1], strides = [1]} : vector<16xf32> to vector<1xf32>
    %squeeze3A_1073 = vector.extract %slice3A_1072[0] : f32 from vector<1xf32>
    %mul3A_1074 = vector.broadcast %squeeze3A_1073 : f32 to vector<16xf32>
    %mul3A_1075 = arith.mulf %get3A_1071, %mul3A_1074 : vector<16xf32>
    %add3A_1076 = arith.addf %add3A_1063, %mul3A_1075 : vector<16xf32>
    %slice3A_1077 = vector.extract_strided_slice %and3A_955 {offsets = [9], sizes = [1], strides = [1]} : vector<16xi32> to vector<1xi32>
    %squeeze3A_1078 = vector.extract %slice3A_1077[0] : i32 from vector<1xi32>
    %mul3A_1079 = arith.constant 16 : i32
    %mul3A_1080 = arith.muli %squeeze3A_1078, %mul3A_1079 : i32
    %add3A_1081 = arith.constant 0 : i32
    %add3A_1082 = arith.addi %add3A_1081, %mul3A_1080 : i32
    %get3A_1083 = arith.index_cast %add3A_1082 : i32 to index
    %get3A_1084 = tpu.vector_load %arg6[%get3A_1083] {strides = array<i32>} : memref<12288xf32, #tpu.memory_space<vmem>>, vector<16xf32>,
    %slice3A_1085 = vector.extract_strided_slice %bitcast_convert_type3A_959 {offsets = [9], sizes = [1], strides = [1]} : vector<16xf32> to vector<1xf32>
    %squeeze3A_1086 = vector.extract %slice3A_1085[0] : f32 from vector<1xf32>
    %mul3A_1087 = vector.broadcast %squeeze3A_1086 : f32 to vector<16xf32>
    %mul3A_1088 = arith.mulf %get3A_1084, %mul3A_1087 : vector<16xf32>
    %add3A_1089 = arith.addf %add3A_1076, %mul3A_1088 : vector<16xf32>
    %slice3A_1090 = vector.extract_strided_slice %and3A_955 {offsets = [10], sizes = [1], strides = [1]} : vector<16xi32> to vector<1xi32>
    %squeeze3A_1091 = vector.extract %slice3A_1090[0] : i32 from vector<1xi32>
    %mul3A_1092 = arith.constant 16 : i32
    %mul3A_1093 = arith.muli %squeeze3A_1091, %mul3A_1092 : i32
    %add3A_1094 = arith.constant 0 : i32
    %add3A_1095 = arith.addi %add3A_1094, %mul3A_1093 : i32
    %get3A_1096 = arith.index_cast %add3A_1095 : i32 to index
    %get3A_1097 = tpu.vector_load %arg6[%get3A_1096] {strides = array<i32>} : memref<12288xf32, #tpu.memory_space<vmem>>, vector<16xf32>,
    %slice3A_1098 = vector.extract_strided_slice %bitcast_convert_type3A_959 {offsets = [10], sizes = [1], strides = [1]} : vector<16xf32> to vector<1xf32>
    %squeeze3A_1099 = vector.extract %slice3A_1098[0] : f32 from vector<1xf32>
    %mul3A_1100 = vector.broadcast %squeeze3A_1099 : f32 to vector<16xf32>
    %mul3A_1101 = arith.mulf %get3A_1097, %mul3A_1100 : vector<16xf32>
    %add3A_1102 = arith.addf %add3A_1089, %mul3A_1101 : vector<16xf32>
    %slice3A_1103 = vector.extract_strided_slice %and3A_955 {offsets = [11], sizes = [1], strides = [1]} : vector<16xi32> to vector<1xi32>
    %squeeze3A_1104 = vector.extract %slice3A_1103[0] : i32 from vector<1xi32>
    %mul3A_1105 = arith.constant 16 : i32
    %mul3A_1106 = arith.muli %squeeze3A_1104, %mul3A_1105 : i32
    %add3A_1107 = arith.constant 0 : i32
    %add3A_1108 = arith.addi %add3A_1107, %mul3A_1106 : i32
    %get3A_1109 = arith.index_cast %add3A_1108 : i32 to index
    %get3A_1110 = tpu.vector_load %arg6[%get3A_1109] {strides = array<i32>} : memref<12288xf32, #tpu.memory_space<vmem>>, vector<16xf32>,
    %slice3A_1111 = vector.extract_strided_slice %bitcast_convert_type3A_959 {offsets = [11], sizes = [1], strides = [1]} : vector<16xf32> to vector<1xf32>
    %squeeze3A_1112 = vector.extract %slice3A_1111[0] : f32 from vector<1xf32>
    %mul3A_1113 = vector.broadcast %squeeze3A_1112 : f32 to vector<16xf32>
    %mul3A_1114 = arith.mulf %get3A_1110, %mul3A_1113 : vector<16xf32>
    %add3A_1115 = arith.addf %add3A_1102, %mul3A_1114 : vector<16xf32>
    %slice3A_1116 = vector.extract_strided_slice %and3A_955 {offsets = [12], sizes = [1], strides = [1]} : vector<16xi32> to vector<1xi32>
    %squeeze3A_1117 = vector.extract %slice3A_1116[0] : i32 from vector<1xi32>
    %mul3A_1118 = arith.constant 16 : i32
    %mul3A_1119 = arith.muli %squeeze3A_1117, %mul3A_1118 : i32
    %add3A_1120 = arith.constant 0 : i32
    %add3A_1121 = arith.addi %add3A_1120, %mul3A_1119 : i32
    %get3A_1122 = arith.index_cast %add3A_1121 : i32 to index
    %get3A_1123 = tpu.vector_load %arg6[%get3A_1122] {strides = array<i32>} : memref<12288xf32, #tpu.memory_space<vmem>>, vector<16xf32>,
    %slice3A_1124 = vector.extract_strided_slice %bitcast_convert_type3A_959 {offsets = [12], sizes = [1], strides = [1]} : vector<16xf32> to vector<1xf32>
    %squeeze3A_1125 = vector.extract %slice3A_1124[0] : f32 from vector<1xf32>
    %mul3A_1126 = vector.broadcast %squeeze3A_1125 : f32 to vector<16xf32>
    %mul3A_1127 = arith.mulf %get3A_1123, %mul3A_1126 : vector<16xf32>
    %add3A_1128 = arith.addf %add3A_1115, %mul3A_1127 : vector<16xf32>
    %slice3A_1129 = vector.extract_strided_slice %and3A_955 {offsets = [13], sizes = [1], strides = [1]} : vector<16xi32> to vector<1xi32>
    %squeeze3A_1130 = vector.extract %slice3A_1129[0] : i32 from vector<1xi32>
    %mul3A_1131 = arith.constant 16 : i32
    %mul3A_1132 = arith.muli %squeeze3A_1130, %mul3A_1131 : i32
    %add3A_1133 = arith.constant 0 : i32
    %add3A_1134 = arith.addi %add3A_1133, %mul3A_1132 : i32
    %get3A_1135 = arith.index_cast %add3A_1134 : i32 to index
    %get3A_1136 = tpu.vector_load %arg6[%get3A_1135] {strides = array<i32>} : memref<12288xf32, #tpu.memory_space<vmem>>, vector<16xf32>,
    %slice3A_1137 = vector.extract_strided_slice %bitcast_convert_type3A_959 {offsets = [13], sizes = [1], strides = [1]} : vector<16xf32> to vector<1xf32>
    %squeeze3A_1138 = vector.extract %slice3A_1137[0] : f32 from vector<1xf32>
    %mul3A_1139 = vector.broadcast %squeeze3A_1138 : f32 to vector<16xf32>
    %mul3A_1140 = arith.mulf %get3A_1136, %mul3A_1139 : vector<16xf32>
    %add3A_1141 = arith.addf %add3A_1128, %mul3A_1140 : vector<16xf32>
    %slice3A_1142 = vector.extract_strided_slice %and3A_955 {offsets = [14], sizes = [1], strides = [1]} : vector<16xi32> to vector<1xi32>
    %squeeze3A_1143 = vector.extract %slice3A_1142[0] : i32 from vector<1xi32>
    %mul3A_1144 = arith.constant 16 : i32
    %mul3A_1145 = arith.muli %squeeze3A_1143, %mul3A_1144 : i32
    %add3A_1146 = arith.constant 0 : i32
    %add3A_1147 = arith.addi %add3A_1146, %mul3A_1145 : i32
    %get3A_1148 = arith.index_cast %add3A_1147 : i32 to index
    %get3A_1149 = tpu.vector_load %arg6[%get3A_1148] {strides = array<i32>} : memref<12288xf32, #tpu.memory_space<vmem>>, vector<16xf32>,
    %slice3A_1150 = vector.extract_strided_slice %bitcast_convert_type3A_959 {offsets = [14], sizes = [1], strides = [1]} : vector<16xf32> to vector<1xf32>
    %squeeze3A_1151 = vector.extract %slice3A_1150[0] : f32 from vector<1xf32>
    %mul3A_1152 = vector.broadcast %squeeze3A_1151 : f32 to vector<16xf32>
    %mul3A_1153 = arith.mulf %get3A_1149, %mul3A_1152 : vector<16xf32>
    %add3A_1154 = arith.addf %add3A_1141, %mul3A_1153 : vector<16xf32>
    %slice3A_1155 = vector.extract_strided_slice %and3A_955 {offsets = [15], sizes = [1], strides = [1]} : vector<16xi32> to vector<1xi32>
    %squeeze3A_1156 = vector.extract %slice3A_1155[0] : i32 from vector<1xi32>
    %mul3A_1157 = arith.constant 16 : i32
    %mul3A_1158 = arith.muli %squeeze3A_1156, %mul3A_1157 : i32
    %add3A_1159 = arith.constant 0 : i32
    %add3A_1160 = arith.addi %add3A_1159, %mul3A_1158 : i32
    %get3A_1161 = arith.index_cast %add3A_1160 : i32 to index
    %get3A_1162 = tpu.vector_load %arg6[%get3A_1161] {strides = array<i32>} : memref<12288xf32, #tpu.memory_space<vmem>>, vector<16xf32>,
    %slice3A_1163 = vector.extract_strided_slice %bitcast_convert_type3A_959 {offsets = [15], sizes = [1], strides = [1]} : vector<16xf32> to vector<1xf32>
    %squeeze3A_1164 = vector.extract %slice3A_1163[0] : f32 from vector<1xf32>
    %mul3A_1165 = vector.broadcast %squeeze3A_1164 : f32 to vector<16xf32>
    %mul3A_1166 = arith.mulf %get3A_1162, %mul3A_1165 : vector<16xf32>
    %add3A_1167 = arith.addf %add3A_1154, %mul3A_1166 : vector<16xf32>
    %get3A_1168 = arith.constant 80 : index
    %get3A_1169 = tpu.vector_load %arg5[%get3A_1168] {strides = array<i32>} : memref<128xf32, #tpu.memory_space<vmem>>, vector<16xf32>,
    %bitcast_convert_type3A_1170 = tpu.bitcast %get3A_1169 : vector<16xf32> -> vector<16xi32>
    %add3A_1171 = arith.constant 32767 : i32
    %add3A_1172 = vector.broadcast %add3A_1171 : i32 to vector<16xi32>
    %add3A_1173 = arith.addi %bitcast_convert_type3A_1170, %add3A_1172 : vector<16xi32>
    %shift_right_arithmetic3A_1174 = arith.constant 16 : i32
    %shift_right_arithmetic3A_1175 = vector.broadcast %shift_right_arithmetic3A_1174 : i32 to vector<16xi32>
    %shift_right_arithmetic3A_1176 = arith.shrsi %bitcast_convert_type3A_1170, %shift_right_arithmetic3A_1175 : vector<16xi32>
    %and3A_1177 = arith.constant 1 : i32
    %and3A_1178 = vector.broadcast %and3A_1177 : i32 to vector<16xi32>
    %and3A_1179 = arith.andi %shift_right_arithmetic3A_1176, %and3A_1178 : vector<16xi32>
    %add3A_1180 = arith.addi %add3A_1173, %and3A_1179 : vector<16xi32>
    %and3A_1181 = arith.constant -65536 : i32
    %and3A_1182 = vector.broadcast %and3A_1181 : i32 to vector<16xi32>
    %and3A_1183 = arith.andi %add3A_1180, %and3A_1182 : vector<16xi32>
    %shift_right_arithmetic3A_1184 = arith.constant 16 : i32
    %shift_right_arithmetic3A_1185 = vector.broadcast %shift_right_arithmetic3A_1184 : i32 to vector<16xi32>
    %shift_right_arithmetic3A_1186 = arith.shrsi %and3A_1183, %shift_right_arithmetic3A_1185 : vector<16xi32>
    %and3A_1187 = arith.constant 127 : i32
    %and3A_1188 = vector.broadcast %and3A_1187 : i32 to vector<16xi32>
    %and3A_1189 = arith.andi %shift_right_arithmetic3A_1186, %and3A_1188 : vector<16xi32>
    %and3A_1190 = arith.constant -8388608 : i32
    %and3A_1191 = vector.broadcast %and3A_1190 : i32 to vector<16xi32>
    %and3A_1192 = arith.andi %and3A_1183, %and3A_1191 : vector<16xi32>
    %bitcast_convert_type3A_1193 = tpu.bitcast %and3A_1192 : vector<16xi32> -> vector<16xf32>
    %slice3A_1194 = vector.extract_strided_slice %and3A_1189 {offsets = [0], sizes = [1], strides = [1]} : vector<16xi32> to vector<1xi32>
    %squeeze3A_1195 = vector.extract %slice3A_1194[0] : i32 from vector<1xi32>
    %mul3A_1196 = arith.constant 16 : i32
    %mul3A_1197 = arith.muli %squeeze3A_1195, %mul3A_1196 : i32
    %add3A_1198 = arith.constant 0 : i32
    %add3A_1199 = arith.addi %add3A_1198, %mul3A_1197 : i32
    %get3A_1200 = arith.index_cast %add3A_1199 : i32 to index
    %get3A_1201 = tpu.vector_load %arg6[%get3A_1200] {strides = array<i32>} : memref<12288xf32, #tpu.memory_space<vmem>>, vector<16xf32>,
    %slice3A_1202 = vector.extract_strided_slice %bitcast_convert_type3A_1193 {offsets = [0], sizes = [1], strides = [1]} : vector<16xf32> to vector<1xf32>
    %squeeze3A_1203 = vector.extract %slice3A_1202[0] : f32 from vector<1xf32>
    %mul3A_1204 = vector.broadcast %squeeze3A_1203 : f32 to vector<16xf32>
    %mul3A_1205 = arith.mulf %get3A_1201, %mul3A_1204 : vector<16xf32>
    %add3A_1206 = arith.addf %add3A_1167, %mul3A_1205 : vector<16xf32>
    %slice3A_1207 = vector.extract_strided_slice %and3A_1189 {offsets = [1], sizes = [1], strides = [1]} : vector<16xi32> to vector<1xi32>
    %squeeze3A_1208 = vector.extract %slice3A_1207[0] : i32 from vector<1xi32>
    %mul3A_1209 = arith.constant 16 : i32
    %mul3A_1210 = arith.muli %squeeze3A_1208, %mul3A_1209 : i32
    %add3A_1211 = arith.constant 0 : i32
    %add3A_1212 = arith.addi %add3A_1211, %mul3A_1210 : i32
    %get3A_1213 = arith.index_cast %add3A_1212 : i32 to index
    %get3A_1214 = tpu.vector_load %arg6[%get3A_1213] {strides = array<i32>} : memref<12288xf32, #tpu.memory_space<vmem>>, vector<16xf32>,
    %slice3A_1215 = vector.extract_strided_slice %bitcast_convert_type3A_1193 {offsets = [1], sizes = [1], strides = [1]} : vector<16xf32> to vector<1xf32>
    %squeeze3A_1216 = vector.extract %slice3A_1215[0] : f32 from vector<1xf32>
    %mul3A_1217 = vector.broadcast %squeeze3A_1216 : f32 to vector<16xf32>
    %mul3A_1218 = arith.mulf %get3A_1214, %mul3A_1217 : vector<16xf32>
    %add3A_1219 = arith.addf %add3A_1206, %mul3A_1218 : vector<16xf32>
    %slice3A_1220 = vector.extract_strided_slice %and3A_1189 {offsets = [2], sizes = [1], strides = [1]} : vector<16xi32> to vector<1xi32>
    %squeeze3A_1221 = vector.extract %slice3A_1220[0] : i32 from vector<1xi32>
    %mul3A_1222 = arith.constant 16 : i32
    %mul3A_1223 = arith.muli %squeeze3A_1221, %mul3A_1222 : i32
    %add3A_1224 = arith.constant 0 : i32
    %add3A_1225 = arith.addi %add3A_1224, %mul3A_1223 : i32
    %get3A_1226 = arith.index_cast %add3A_1225 : i32 to index
    %get3A_1227 = tpu.vector_load %arg6[%get3A_1226] {strides = array<i32>} : memref<12288xf32, #tpu.memory_space<vmem>>, vector<16xf32>,
    %slice3A_1228 = vector.extract_strided_slice %bitcast_convert_type3A_1193 {offsets = [2], sizes = [1], strides = [1]} : vector<16xf32> to vector<1xf32>
    %squeeze3A_1229 = vector.extract %slice3A_1228[0] : f32 from vector<1xf32>
    %mul3A_1230 = vector.broadcast %squeeze3A_1229 : f32 to vector<16xf32>
    %mul3A_1231 = arith.mulf %get3A_1227, %mul3A_1230 : vector<16xf32>
    %add3A_1232 = arith.addf %add3A_1219, %mul3A_1231 : vector<16xf32>
    %slice3A_1233 = vector.extract_strided_slice %and3A_1189 {offsets = [3], sizes = [1], strides = [1]} : vector<16xi32> to vector<1xi32>
    %squeeze3A_1234 = vector.extract %slice3A_1233[0] : i32 from vector<1xi32>
    %mul3A_1235 = arith.constant 16 : i32
    %mul3A_1236 = arith.muli %squeeze3A_1234, %mul3A_1235 : i32
    %add3A_1237 = arith.constant 0 : i32
    %add3A_1238 = arith.addi %add3A_1237, %mul3A_1236 : i32
    %get3A_1239 = arith.index_cast %add3A_1238 : i32 to index
    %get3A_1240 = tpu.vector_load %arg6[%get3A_1239] {strides = array<i32>} : memref<12288xf32, #tpu.memory_space<vmem>>, vector<16xf32>,
    %slice3A_1241 = vector.extract_strided_slice %bitcast_convert_type3A_1193 {offsets = [3], sizes = [1], strides = [1]} : vector<16xf32> to vector<1xf32>
    %squeeze3A_1242 = vector.extract %slice3A_1241[0] : f32 from vector<1xf32>
    %mul3A_1243 = vector.broadcast %squeeze3A_1242 : f32 to vector<16xf32>
    %mul3A_1244 = arith.mulf %get3A_1240, %mul3A_1243 : vector<16xf32>
    %add3A_1245 = arith.addf %add3A_1232, %mul3A_1244 : vector<16xf32>
    %slice3A_1246 = vector.extract_strided_slice %and3A_1189 {offsets = [4], sizes = [1], strides = [1]} : vector<16xi32> to vector<1xi32>
    %squeeze3A_1247 = vector.extract %slice3A_1246[0] : i32 from vector<1xi32>
    %mul3A_1248 = arith.constant 16 : i32
    %mul3A_1249 = arith.muli %squeeze3A_1247, %mul3A_1248 : i32
    %add3A_1250 = arith.constant 0 : i32
    %add3A_1251 = arith.addi %add3A_1250, %mul3A_1249 : i32
    %get3A_1252 = arith.index_cast %add3A_1251 : i32 to index
    %get3A_1253 = tpu.vector_load %arg6[%get3A_1252] {strides = array<i32>} : memref<12288xf32, #tpu.memory_space<vmem>>, vector<16xf32>,
    %slice3A_1254 = vector.extract_strided_slice %bitcast_convert_type3A_1193 {offsets = [4], sizes = [1], strides = [1]} : vector<16xf32> to vector<1xf32>
    %squeeze3A_1255 = vector.extract %slice3A_1254[0] : f32 from vector<1xf32>
    %mul3A_1256 = vector.broadcast %squeeze3A_1255 : f32 to vector<16xf32>
    %mul3A_1257 = arith.mulf %get3A_1253, %mul3A_1256 : vector<16xf32>
    %add3A_1258 = arith.addf %add3A_1245, %mul3A_1257 : vector<16xf32>
    %slice3A_1259 = vector.extract_strided_slice %and3A_1189 {offsets = [5], sizes = [1], strides = [1]} : vector<16xi32> to vector<1xi32>
    %squeeze3A_1260 = vector.extract %slice3A_1259[0] : i32 from vector<1xi32>
    %mul3A_1261 = arith.constant 16 : i32
    %mul3A_1262 = arith.muli %squeeze3A_1260, %mul3A_1261 : i32
    %add3A_1263 = arith.constant 0 : i32
    %add3A_1264 = arith.addi %add3A_1263, %mul3A_1262 : i32
    %get3A_1265 = arith.index_cast %add3A_1264 : i32 to index
    %get3A_1266 = tpu.vector_load %arg6[%get3A_1265] {strides = array<i32>} : memref<12288xf32, #tpu.memory_space<vmem>>, vector<16xf32>,
    %slice3A_1267 = vector.extract_strided_slice %bitcast_convert_type3A_1193 {offsets = [5], sizes = [1], strides = [1]} : vector<16xf32> to vector<1xf32>
    %squeeze3A_1268 = vector.extract %slice3A_1267[0] : f32 from vector<1xf32>
    %mul3A_1269 = vector.broadcast %squeeze3A_1268 : f32 to vector<16xf32>
    %mul3A_1270 = arith.mulf %get3A_1266, %mul3A_1269 : vector<16xf32>
    %add3A_1271 = arith.addf %add3A_1258, %mul3A_1270 : vector<16xf32>
    %slice3A_1272 = vector.extract_strided_slice %and3A_1189 {offsets = [6], sizes = [1], strides = [1]} : vector<16xi32> to vector<1xi32>
    %squeeze3A_1273 = vector.extract %slice3A_1272[0] : i32 from vector<1xi32>
    %mul3A_1274 = arith.constant 16 : i32
    %mul3A_1275 = arith.muli %squeeze3A_1273, %mul3A_1274 : i32
    %add3A_1276 = arith.constant 0 : i32
    %add3A_1277 = arith.addi %add3A_1276, %mul3A_1275 : i32
    %get3A_1278 = arith.index_cast %add3A_1277 : i32 to index
    %get3A_1279 = tpu.vector_load %arg6[%get3A_1278] {strides = array<i32>} : memref<12288xf32, #tpu.memory_space<vmem>>, vector<16xf32>,
    %slice3A_1280 = vector.extract_strided_slice %bitcast_convert_type3A_1193 {offsets = [6], sizes = [1], strides = [1]} : vector<16xf32> to vector<1xf32>
    %squeeze3A_1281 = vector.extract %slice3A_1280[0] : f32 from vector<1xf32>
    %mul3A_1282 = vector.broadcast %squeeze3A_1281 : f32 to vector<16xf32>
    %mul3A_1283 = arith.mulf %get3A_1279, %mul3A_1282 : vector<16xf32>
    %add3A_1284 = arith.addf %add3A_1271, %mul3A_1283 : vector<16xf32>
    %slice3A_1285 = vector.extract_strided_slice %and3A_1189 {offsets = [7], sizes = [1], strides = [1]} : vector<16xi32> to vector<1xi32>
    %squeeze3A_1286 = vector.extract %slice3A_1285[0] : i32 from vector<1xi32>
    %mul3A_1287 = arith.constant 16 : i32
    %mul3A_1288 = arith.muli %squeeze3A_1286, %mul3A_1287 : i32
    %add3A_1289 = arith.constant 0 : i32
    %add3A_1290 = arith.addi %add3A_1289, %mul3A_1288 : i32
    %get3A_1291 = arith.index_cast %add3A_1290 : i32 to index
    %get3A_1292 = tpu.vector_load %arg6[%get3A_1291] {strides = array<i32>} : memref<12288xf32, #tpu.memory_space<vmem>>, vector<16xf32>,
    %slice3A_1293 = vector.extract_strided_slice %bitcast_convert_type3A_1193 {offsets = [7], sizes = [1], strides = [1]} : vector<16xf32> to vector<1xf32>
    %squeeze3A_1294 = vector.extract %slice3A_1293[0] : f32 from vector<1xf32>
    %mul3A_1295 = vector.broadcast %squeeze3A_1294 : f32 to vector<16xf32>
    %mul3A_1296 = arith.mulf %get3A_1292, %mul3A_1295 : vector<16xf32>
    %add3A_1297 = arith.addf %add3A_1284, %mul3A_1296 : vector<16xf32>
    %slice3A_1298 = vector.extract_strided_slice %and3A_1189 {offsets = [8], sizes = [1], strides = [1]} : vector<16xi32> to vector<1xi32>
    %squeeze3A_1299 = vector.extract %slice3A_1298[0] : i32 from vector<1xi32>
    %mul3A_1300 = arith.constant 16 : i32
    %mul3A_1301 = arith.muli %squeeze3A_1299, %mul3A_1300 : i32
    %add3A_1302 = arith.constant 0 : i32
    %add3A_1303 = arith.addi %add3A_1302, %mul3A_1301 : i32
    %get3A_1304 = arith.index_cast %add3A_1303 : i32 to index
    %get3A_1305 = tpu.vector_load %arg6[%get3A_1304] {strides = array<i32>} : memref<12288xf32, #tpu.memory_space<vmem>>, vector<16xf32>,
    %slice3A_1306 = vector.extract_strided_slice %bitcast_convert_type3A_1193 {offsets = [8], sizes = [1], strides = [1]} : vector<16xf32> to vector<1xf32>
    %squeeze3A_1307 = vector.extract %slice3A_1306[0] : f32 from vector<1xf32>
    %mul3A_1308 = vector.broadcast %squeeze3A_1307 : f32 to vector<16xf32>
    %mul3A_1309 = arith.mulf %get3A_1305, %mul3A_1308 : vector<16xf32>
    %add3A_1310 = arith.addf %add3A_1297, %mul3A_1309 : vector<16xf32>
    %slice3A_1311 = vector.extract_strided_slice %and3A_1189 {offsets = [9], sizes = [1], strides = [1]} : vector<16xi32> to vector<1xi32>
    %squeeze3A_1312 = vector.extract %slice3A_1311[0] : i32 from vector<1xi32>
    %mul3A_1313 = arith.constant 16 : i32
    %mul3A_1314 = arith.muli %squeeze3A_1312, %mul3A_1313 : i32
    %add3A_1315 = arith.constant 0 : i32
    %add3A_1316 = arith.addi %add3A_1315, %mul3A_1314 : i32
    %get3A_1317 = arith.index_cast %add3A_1316 : i32 to index
    %get3A_1318 = tpu.vector_load %arg6[%get3A_1317] {strides = array<i32>} : memref<12288xf32, #tpu.memory_space<vmem>>, vector<16xf32>,
    %slice3A_1319 = vector.extract_strided_slice %bitcast_convert_type3A_1193 {offsets = [9], sizes = [1], strides = [1]} : vector<16xf32> to vector<1xf32>
    %squeeze3A_1320 = vector.extract %slice3A_1319[0] : f32 from vector<1xf32>
    %mul3A_1321 = vector.broadcast %squeeze3A_1320 : f32 to vector<16xf32>
    %mul3A_1322 = arith.mulf %get3A_1318, %mul3A_1321 : vector<16xf32>
    %add3A_1323 = arith.addf %add3A_1310, %mul3A_1322 : vector<16xf32>
    %slice3A_1324 = vector.extract_strided_slice %and3A_1189 {offsets = [10], sizes = [1], strides = [1]} : vector<16xi32> to vector<1xi32>
    %squeeze3A_1325 = vector.extract %slice3A_1324[0] : i32 from vector<1xi32>
    %mul3A_1326 = arith.constant 16 : i32
    %mul3A_1327 = arith.muli %squeeze3A_1325, %mul3A_1326 : i32
    %add3A_1328 = arith.constant 0 : i32
    %add3A_1329 = arith.addi %add3A_1328, %mul3A_1327 : i32
    %get3A_1330 = arith.index_cast %add3A_1329 : i32 to index
    %get3A_1331 = tpu.vector_load %arg6[%get3A_1330] {strides = array<i32>} : memref<12288xf32, #tpu.memory_space<vmem>>, vector<16xf32>,
    %slice3A_1332 = vector.extract_strided_slice %bitcast_convert_type3A_1193 {offsets = [10], sizes = [1], strides = [1]} : vector<16xf32> to vector<1xf32>
    %squeeze3A_1333 = vector.extract %slice3A_1332[0] : f32 from vector<1xf32>
    %mul3A_1334 = vector.broadcast %squeeze3A_1333 : f32 to vector<16xf32>
    %mul3A_1335 = arith.mulf %get3A_1331, %mul3A_1334 : vector<16xf32>
    %add3A_1336 = arith.addf %add3A_1323, %mul3A_1335 : vector<16xf32>
    %slice3A_1337 = vector.extract_strided_slice %and3A_1189 {offsets = [11], sizes = [1], strides = [1]} : vector<16xi32> to vector<1xi32>
    %squeeze3A_1338 = vector.extract %slice3A_1337[0] : i32 from vector<1xi32>
    %mul3A_1339 = arith.constant 16 : i32
    %mul3A_1340 = arith.muli %squeeze3A_1338, %mul3A_1339 : i32
    %add3A_1341 = arith.constant 0 : i32
    %add3A_1342 = arith.addi %add3A_1341, %mul3A_1340 : i32
    %get3A_1343 = arith.index_cast %add3A_1342 : i32 to index
    %get3A_1344 = tpu.vector_load %arg6[%get3A_1343] {strides = array<i32>} : memref<12288xf32, #tpu.memory_space<vmem>>, vector<16xf32>,
    %slice3A_1345 = vector.extract_strided_slice %bitcast_convert_type3A_1193 {offsets = [11], sizes = [1], strides = [1]} : vector<16xf32> to vector<1xf32>
    %squeeze3A_1346 = vector.extract %slice3A_1345[0] : f32 from vector<1xf32>
    %mul3A_1347 = vector.broadcast %squeeze3A_1346 : f32 to vector<16xf32>
    %mul3A_1348 = arith.mulf %get3A_1344, %mul3A_1347 : vector<16xf32>
    %add3A_1349 = arith.addf %add3A_1336, %mul3A_1348 : vector<16xf32>
    %slice3A_1350 = vector.extract_strided_slice %and3A_1189 {offsets = [12], sizes = [1], strides = [1]} : vector<16xi32> to vector<1xi32>
    %squeeze3A_1351 = vector.extract %slice3A_1350[0] : i32 from vector<1xi32>
    %mul3A_1352 = arith.constant 16 : i32
    %mul3A_1353 = arith.muli %squeeze3A_1351, %mul3A_1352 : i32
    %add3A_1354 = arith.constant 0 : i32
    %add3A_1355 = arith.addi %add3A_1354, %mul3A_1353 : i32
    %get3A_1356 = arith.index_cast %add3A_1355 : i32 to index
    %get3A_1357 = tpu.vector_load %arg6[%get3A_1356] {strides = array<i32>} : memref<12288xf32, #tpu.memory_space<vmem>>, vector<16xf32>,
    %slice3A_1358 = vector.extract_strided_slice %bitcast_convert_type3A_1193 {offsets = [12], sizes = [1], strides = [1]} : vector<16xf32> to vector<1xf32>
    %squeeze3A_1359 = vector.extract %slice3A_1358[0] : f32 from vector<1xf32>
    %mul3A_1360 = vector.broadcast %squeeze3A_1359 : f32 to vector<16xf32>
    %mul3A_1361 = arith.mulf %get3A_1357, %mul3A_1360 : vector<16xf32>
    %add3A_1362 = arith.addf %add3A_1349, %mul3A_1361 : vector<16xf32>
    %slice3A_1363 = vector.extract_strided_slice %and3A_1189 {offsets = [13], sizes = [1], strides = [1]} : vector<16xi32> to vector<1xi32>
    %squeeze3A_1364 = vector.extract %slice3A_1363[0] : i32 from vector<1xi32>
    %mul3A_1365 = arith.constant 16 : i32
    %mul3A_1366 = arith.muli %squeeze3A_1364, %mul3A_1365 : i32
    %add3A_1367 = arith.constant 0 : i32
    %add3A_1368 = arith.addi %add3A_1367, %mul3A_1366 : i32
    %get3A_1369 = arith.index_cast %add3A_1368 : i32 to index
    %get3A_1370 = tpu.vector_load %arg6[%get3A_1369] {strides = array<i32>} : memref<12288xf32, #tpu.memory_space<vmem>>, vector<16xf32>,
    %slice3A_1371 = vector.extract_strided_slice %bitcast_convert_type3A_1193 {offsets = [13], sizes = [1], strides = [1]} : vector<16xf32> to vector<1xf32>
    %squeeze3A_1372 = vector.extract %slice3A_1371[0] : f32 from vector<1xf32>
    %mul3A_1373 = vector.broadcast %squeeze3A_1372 : f32 to vector<16xf32>
    %mul3A_1374 = arith.mulf %get3A_1370, %mul3A_1373 : vector<16xf32>
    %add3A_1375 = arith.addf %add3A_1362, %mul3A_1374 : vector<16xf32>
    %slice3A_1376 = vector.extract_strided_slice %and3A_1189 {offsets = [14], sizes = [1], strides = [1]} : vector<16xi32> to vector<1xi32>
    %squeeze3A_1377 = vector.extract %slice3A_1376[0] : i32 from vector<1xi32>
    %mul3A_1378 = arith.constant 16 : i32
    %mul3A_1379 = arith.muli %squeeze3A_1377, %mul3A_1378 : i32
    %add3A_1380 = arith.constant 0 : i32
    %add3A_1381 = arith.addi %add3A_1380, %mul3A_1379 : i32
    %get3A_1382 = arith.index_cast %add3A_1381 : i32 to index
    %get3A_1383 = tpu.vector_load %arg6[%get3A_1382] {strides = array<i32>} : memref<12288xf32, #tpu.memory_space<vmem>>, vector<16xf32>,
    %slice3A_1384 = vector.extract_strided_slice %bitcast_convert_type3A_1193 {offsets = [14], sizes = [1], strides = [1]} : vector<16xf32> to vector<1xf32>
    %squeeze3A_1385 = vector.extract %slice3A_1384[0] : f32 from vector<1xf32>
    %mul3A_1386 = vector.broadcast %squeeze3A_1385 : f32 to vector<16xf32>
    %mul3A_1387 = arith.mulf %get3A_1383, %mul3A_1386 : vector<16xf32>
    %add3A_1388 = arith.addf %add3A_1375, %mul3A_1387 : vector<16xf32>
    %slice3A_1389 = vector.extract_strided_slice %and3A_1189 {offsets = [15], sizes = [1], strides = [1]} : vector<16xi32> to vector<1xi32>
    %squeeze3A_1390 = vector.extract %slice3A_1389[0] : i32 from vector<1xi32>
    %mul3A_1391 = arith.constant 16 : i32
    %mul3A_1392 = arith.muli %squeeze3A_1390, %mul3A_1391 : i32
    %add3A_1393 = arith.constant 0 : i32
    %add3A_1394 = arith.addi %add3A_1393, %mul3A_1392 : i32
    %get3A_1395 = arith.index_cast %add3A_1394 : i32 to index
    %get3A_1396 = tpu.vector_load %arg6[%get3A_1395] {strides = array<i32>} : memref<12288xf32, #tpu.memory_space<vmem>>, vector<16xf32>,
    %slice3A_1397 = vector.extract_strided_slice %bitcast_convert_type3A_1193 {offsets = [15], sizes = [1], strides = [1]} : vector<16xf32> to vector<1xf32>
    %squeeze3A_1398 = vector.extract %slice3A_1397[0] : f32 from vector<1xf32>
    %mul3A_1399 = vector.broadcast %squeeze3A_1398 : f32 to vector<16xf32>
    %mul3A_1400 = arith.mulf %get3A_1396, %mul3A_1399 : vector<16xf32>
    %add3A_1401 = arith.addf %add3A_1388, %mul3A_1400 : vector<16xf32>
    %get3A_1402 = arith.constant 96 : index
    %get3A_1403 = tpu.vector_load %arg5[%get3A_1402] {strides = array<i32>} : memref<128xf32, #tpu.memory_space<vmem>>, vector<16xf32>,
    %bitcast_convert_type3A_1404 = tpu.bitcast %get3A_1403 : vector<16xf32> -> vector<16xi32>
    %add3A_1405 = arith.constant 32767 : i32
    %add3A_1406 = vector.broadcast %add3A_1405 : i32 to vector<16xi32>
    %add3A_1407 = arith.addi %bitcast_convert_type3A_1404, %add3A_1406 : vector<16xi32>
    %shift_right_arithmetic3A_1408 = arith.constant 16 : i32
    %shift_right_arithmetic3A_1409 = vector.broadcast %shift_right_arithmetic3A_1408 : i32 to vector<16xi32>
    %shift_right_arithmetic3A_1410 = arith.shrsi %bitcast_convert_type3A_1404, %shift_right_arithmetic3A_1409 : vector<16xi32>
    %and3A_1411 = arith.constant 1 : i32
    %and3A_1412 = vector.broadcast %and3A_1411 : i32 to vector<16xi32>
    %and3A_1413 = arith.andi %shift_right_arithmetic3A_1410, %and3A_1412 : vector<16xi32>
    %add3A_1414 = arith.addi %add3A_1407, %and3A_1413 : vector<16xi32>
    %and3A_1415 = arith.constant -65536 : i32
    %and3A_1416 = vector.broadcast %and3A_1415 : i32 to vector<16xi32>
    %and3A_1417 = arith.andi %add3A_1414, %and3A_1416 : vector<16xi32>
    %shift_right_arithmetic3A_1418 = arith.constant 16 : i32
    %shift_right_arithmetic3A_1419 = vector.broadcast %shift_right_arithmetic3A_1418 : i32 to vector<16xi32>
    %shift_right_arithmetic3A_1420 = arith.shrsi %and3A_1417, %shift_right_arithmetic3A_1419 : vector<16xi32>
    %and3A_1421 = arith.constant 127 : i32
    %and3A_1422 = vector.broadcast %and3A_1421 : i32 to vector<16xi32>
    %and3A_1423 = arith.andi %shift_right_arithmetic3A_1420, %and3A_1422 : vector<16xi32>
    %and3A_1424 = arith.constant -8388608 : i32
    %and3A_1425 = vector.broadcast %and3A_1424 : i32 to vector<16xi32>
    %and3A_1426 = arith.andi %and3A_1417, %and3A_1425 : vector<16xi32>
    %bitcast_convert_type3A_1427 = tpu.bitcast %and3A_1426 : vector<16xi32> -> vector<16xf32>
    %slice3A_1428 = vector.extract_strided_slice %and3A_1423 {offsets = [0], sizes = [1], strides = [1]} : vector<16xi32> to vector<1xi32>
    %squeeze3A_1429 = vector.extract %slice3A_1428[0] : i32 from vector<1xi32>
    %mul3A_1430 = arith.constant 16 : i32
    %mul3A_1431 = arith.muli %squeeze3A_1429, %mul3A_1430 : i32
    %add3A_1432 = arith.constant 0 : i32
    %add3A_1433 = arith.addi %add3A_1432, %mul3A_1431 : i32
    %get3A_1434 = arith.index_cast %add3A_1433 : i32 to index
    %get3A_1435 = tpu.vector_load %arg6[%get3A_1434] {strides = array<i32>} : memref<12288xf32, #tpu.memory_space<vmem>>, vector<16xf32>,
    %slice3A_1436 = vector.extract_strided_slice %bitcast_convert_type3A_1427 {offsets = [0], sizes = [1], strides = [1]} : vector<16xf32> to vector<1xf32>
    %squeeze3A_1437 = vector.extract %slice3A_1436[0] : f32 from vector<1xf32>
    %mul3A_1438 = vector.broadcast %squeeze3A_1437 : f32 to vector<16xf32>
    %mul3A_1439 = arith.mulf %get3A_1435, %mul3A_1438 : vector<16xf32>
    %add3A_1440 = arith.addf %add3A_1401, %mul3A_1439 : vector<16xf32>
    %slice3A_1441 = vector.extract_strided_slice %and3A_1423 {offsets = [1], sizes = [1], strides = [1]} : vector<16xi32> to vector<1xi32>
    %squeeze3A_1442 = vector.extract %slice3A_1441[0] : i32 from vector<1xi32>
    %mul3A_1443 = arith.constant 16 : i32
    %mul3A_1444 = arith.muli %squeeze3A_1442, %mul3A_1443 : i32
    %add3A_1445 = arith.constant 0 : i32
    %add3A_1446 = arith.addi %add3A_1445, %mul3A_1444 : i32
    %get3A_1447 = arith.index_cast %add3A_1446 : i32 to index
    %get3A_1448 = tpu.vector_load %arg6[%get3A_1447] {strides = array<i32>} : memref<12288xf32, #tpu.memory_space<vmem>>, vector<16xf32>,
    %slice3A_1449 = vector.extract_strided_slice %bitcast_convert_type3A_1427 {offsets = [1], sizes = [1], strides = [1]} : vector<16xf32> to vector<1xf32>
    %squeeze3A_1450 = vector.extract %slice3A_1449[0] : f32 from vector<1xf32>
    %mul3A_1451 = vector.broadcast %squeeze3A_1450 : f32 to vector<16xf32>
    %mul3A_1452 = arith.mulf %get3A_1448, %mul3A_1451 : vector<16xf32>
    %add3A_1453 = arith.addf %add3A_1440, %mul3A_1452 : vector<16xf32>
    %slice3A_1454 = vector.extract_strided_slice %and3A_1423 {offsets = [2], sizes = [1], strides = [1]} : vector<16xi32> to vector<1xi32>
    %squeeze3A_1455 = vector.extract %slice3A_1454[0] : i32 from vector<1xi32>
    %mul3A_1456 = arith.constant 16 : i32
    %mul3A_1457 = arith.muli %squeeze3A_1455, %mul3A_1456 : i32
    %add3A_1458 = arith.constant 0 : i32
    %add3A_1459 = arith.addi %add3A_1458, %mul3A_1457 : i32
    %get3A_1460 = arith.index_cast %add3A_1459 : i32 to index
    %get3A_1461 = tpu.vector_load %arg6[%get3A_1460] {strides = array<i32>} : memref<12288xf32, #tpu.memory_space<vmem>>, vector<16xf32>,
    %slice3A_1462 = vector.extract_strided_slice %bitcast_convert_type3A_1427 {offsets = [2], sizes = [1], strides = [1]} : vector<16xf32> to vector<1xf32>
    %squeeze3A_1463 = vector.extract %slice3A_1462[0] : f32 from vector<1xf32>
    %mul3A_1464 = vector.broadcast %squeeze3A_1463 : f32 to vector<16xf32>
    %mul3A_1465 = arith.mulf %get3A_1461, %mul3A_1464 : vector<16xf32>
    %add3A_1466 = arith.addf %add3A_1453, %mul3A_1465 : vector<16xf32>
    %slice3A_1467 = vector.extract_strided_slice %and3A_1423 {offsets = [3], sizes = [1], strides = [1]} : vector<16xi32> to vector<1xi32>
    %squeeze3A_1468 = vector.extract %slice3A_1467[0] : i32 from vector<1xi32>
    %mul3A_1469 = arith.constant 16 : i32
    %mul3A_1470 = arith.muli %squeeze3A_1468, %mul3A_1469 : i32
    %add3A_1471 = arith.constant 0 : i32
    %add3A_1472 = arith.addi %add3A_1471, %mul3A_1470 : i32
    %get3A_1473 = arith.index_cast %add3A_1472 : i32 to index
    %get3A_1474 = tpu.vector_load %arg6[%get3A_1473] {strides = array<i32>} : memref<12288xf32, #tpu.memory_space<vmem>>, vector<16xf32>,
    %slice3A_1475 = vector.extract_strided_slice %bitcast_convert_type3A_1427 {offsets = [3], sizes = [1], strides = [1]} : vector<16xf32> to vector<1xf32>
    %squeeze3A_1476 = vector.extract %slice3A_1475[0] : f32 from vector<1xf32>
    %mul3A_1477 = vector.broadcast %squeeze3A_1476 : f32 to vector<16xf32>
    %mul3A_1478 = arith.mulf %get3A_1474, %mul3A_1477 : vector<16xf32>
    %add3A_1479 = arith.addf %add3A_1466, %mul3A_1478 : vector<16xf32>
    %slice3A_1480 = vector.extract_strided_slice %and3A_1423 {offsets = [4], sizes = [1], strides = [1]} : vector<16xi32> to vector<1xi32>
    %squeeze3A_1481 = vector.extract %slice3A_1480[0] : i32 from vector<1xi32>
    %mul3A_1482 = arith.constant 16 : i32
    %mul3A_1483 = arith.muli %squeeze3A_1481, %mul3A_1482 : i32
    %add3A_1484 = arith.constant 0 : i32
    %add3A_1485 = arith.addi %add3A_1484, %mul3A_1483 : i32
    %get3A_1486 = arith.index_cast %add3A_1485 : i32 to index
    %get3A_1487 = tpu.vector_load %arg6[%get3A_1486] {strides = array<i32>} : memref<12288xf32, #tpu.memory_space<vmem>>, vector<16xf32>,
    %slice3A_1488 = vector.extract_strided_slice %bitcast_convert_type3A_1427 {offsets = [4], sizes = [1], strides = [1]} : vector<16xf32> to vector<1xf32>
    %squeeze3A_1489 = vector.extract %slice3A_1488[0] : f32 from vector<1xf32>
    %mul3A_1490 = vector.broadcast %squeeze3A_1489 : f32 to vector<16xf32>
    %mul3A_1491 = arith.mulf %get3A_1487, %mul3A_1490 : vector<16xf32>
    %add3A_1492 = arith.addf %add3A_1479, %mul3A_1491 : vector<16xf32>
    %slice3A_1493 = vector.extract_strided_slice %and3A_1423 {offsets = [5], sizes = [1], strides = [1]} : vector<16xi32> to vector<1xi32>
    %squeeze3A_1494 = vector.extract %slice3A_1493[0] : i32 from vector<1xi32>
    %mul3A_1495 = arith.constant 16 : i32
    %mul3A_1496 = arith.muli %squeeze3A_1494, %mul3A_1495 : i32
    %add3A_1497 = arith.constant 0 : i32
    %add3A_1498 = arith.addi %add3A_1497, %mul3A_1496 : i32
    %get3A_1499 = arith.index_cast %add3A_1498 : i32 to index
    %get3A_1500 = tpu.vector_load %arg6[%get3A_1499] {strides = array<i32>} : memref<12288xf32, #tpu.memory_space<vmem>>, vector<16xf32>,
    %slice3A_1501 = vector.extract_strided_slice %bitcast_convert_type3A_1427 {offsets = [5], sizes = [1], strides = [1]} : vector<16xf32> to vector<1xf32>
    %squeeze3A_1502 = vector.extract %slice3A_1501[0] : f32 from vector<1xf32>
    %mul3A_1503 = vector.broadcast %squeeze3A_1502 : f32 to vector<16xf32>
    %mul3A_1504 = arith.mulf %get3A_1500, %mul3A_1503 : vector<16xf32>
    %add3A_1505 = arith.addf %add3A_1492, %mul3A_1504 : vector<16xf32>
    %slice3A_1506 = vector.extract_strided_slice %and3A_1423 {offsets = [6], sizes = [1], strides = [1]} : vector<16xi32> to vector<1xi32>
    %squeeze3A_1507 = vector.extract %slice3A_1506[0] : i32 from vector<1xi32>
    %mul3A_1508 = arith.constant 16 : i32
    %mul3A_1509 = arith.muli %squeeze3A_1507, %mul3A_1508 : i32
    %add3A_1510 = arith.constant 0 : i32
    %add3A_1511 = arith.addi %add3A_1510, %mul3A_1509 : i32
    %get3A_1512 = arith.index_cast %add3A_1511 : i32 to index
    %get3A_1513 = tpu.vector_load %arg6[%get3A_1512] {strides = array<i32>} : memref<12288xf32, #tpu.memory_space<vmem>>, vector<16xf32>,
    %slice3A_1514 = vector.extract_strided_slice %bitcast_convert_type3A_1427 {offsets = [6], sizes = [1], strides = [1]} : vector<16xf32> to vector<1xf32>
    %squeeze3A_1515 = vector.extract %slice3A_1514[0] : f32 from vector<1xf32>
    %mul3A_1516 = vector.broadcast %squeeze3A_1515 : f32 to vector<16xf32>
    %mul3A_1517 = arith.mulf %get3A_1513, %mul3A_1516 : vector<16xf32>
    %add3A_1518 = arith.addf %add3A_1505, %mul3A_1517 : vector<16xf32>
    %slice3A_1519 = vector.extract_strided_slice %and3A_1423 {offsets = [7], sizes = [1], strides = [1]} : vector<16xi32> to vector<1xi32>
    %squeeze3A_1520 = vector.extract %slice3A_1519[0] : i32 from vector<1xi32>
    %mul3A_1521 = arith.constant 16 : i32
    %mul3A_1522 = arith.muli %squeeze3A_1520, %mul3A_1521 : i32
    %add3A_1523 = arith.constant 0 : i32
    %add3A_1524 = arith.addi %add3A_1523, %mul3A_1522 : i32
    %get3A_1525 = arith.index_cast %add3A_1524 : i32 to index
    %get3A_1526 = tpu.vector_load %arg6[%get3A_1525] {strides = array<i32>} : memref<12288xf32, #tpu.memory_space<vmem>>, vector<16xf32>,
    %slice3A_1527 = vector.extract_strided_slice %bitcast_convert_type3A_1427 {offsets = [7], sizes = [1], strides = [1]} : vector<16xf32> to vector<1xf32>
    %squeeze3A_1528 = vector.extract %slice3A_1527[0] : f32 from vector<1xf32>
    %mul3A_1529 = vector.broadcast %squeeze3A_1528 : f32 to vector<16xf32>
    %mul3A_1530 = arith.mulf %get3A_1526, %mul3A_1529 : vector<16xf32>
    %add3A_1531 = arith.addf %add3A_1518, %mul3A_1530 : vector<16xf32>
    %slice3A_1532 = vector.extract_strided_slice %and3A_1423 {offsets = [8], sizes = [1], strides = [1]} : vector<16xi32> to vector<1xi32>
    %squeeze3A_1533 = vector.extract %slice3A_1532[0] : i32 from vector<1xi32>
    %mul3A_1534 = arith.constant 16 : i32
    %mul3A_1535 = arith.muli %squeeze3A_1533, %mul3A_1534 : i32
    %add3A_1536 = arith.constant 0 : i32
    %add3A_1537 = arith.addi %add3A_1536, %mul3A_1535 : i32
    %get3A_1538 = arith.index_cast %add3A_1537 : i32 to index
    %get3A_1539 = tpu.vector_load %arg6[%get3A_1538] {strides = array<i32>} : memref<12288xf32, #tpu.memory_space<vmem>>, vector<16xf32>,
    %slice3A_1540 = vector.extract_strided_slice %bitcast_convert_type3A_1427 {offsets = [8], sizes = [1], strides = [1]} : vector<16xf32> to vector<1xf32>
    %squeeze3A_1541 = vector.extract %slice3A_1540[0] : f32 from vector<1xf32>
    %mul3A_1542 = vector.broadcast %squeeze3A_1541 : f32 to vector<16xf32>
    %mul3A_1543 = arith.mulf %get3A_1539, %mul3A_1542 : vector<16xf32>
    %add3A_1544 = arith.addf %add3A_1531, %mul3A_1543 : vector<16xf32>
    %slice3A_1545 = vector.extract_strided_slice %and3A_1423 {offsets = [9], sizes = [1], strides = [1]} : vector<16xi32> to vector<1xi32>
    %squeeze3A_1546 = vector.extract %slice3A_1545[0] : i32 from vector<1xi32>
    %mul3A_1547 = arith.constant 16 : i32
    %mul3A_1548 = arith.muli %squeeze3A_1546, %mul3A_1547 : i32
    %add3A_1549 = arith.constant 0 : i32
    %add3A_1550 = arith.addi %add3A_1549, %mul3A_1548 : i32
    %get3A_1551 = arith.index_cast %add3A_1550 : i32 to index
    %get3A_1552 = tpu.vector_load %arg6[%get3A_1551] {strides = array<i32>} : memref<12288xf32, #tpu.memory_space<vmem>>, vector<16xf32>,
    %slice3A_1553 = vector.extract_strided_slice %bitcast_convert_type3A_1427 {offsets = [9], sizes = [1], strides = [1]} : vector<16xf32> to vector<1xf32>
    %squeeze3A_1554 = vector.extract %slice3A_1553[0] : f32 from vector<1xf32>
    %mul3A_1555 = vector.broadcast %squeeze3A_1554 : f32 to vector<16xf32>
    %mul3A_1556 = arith.mulf %get3A_1552, %mul3A_1555 : vector<16xf32>
    %add3A_1557 = arith.addf %add3A_1544, %mul3A_1556 : vector<16xf32>
    %slice3A_1558 = vector.extract_strided_slice %and3A_1423 {offsets = [10], sizes = [1], strides = [1]} : vector<16xi32> to vector<1xi32>
    %squeeze3A_1559 = vector.extract %slice3A_1558[0] : i32 from vector<1xi32>
    %mul3A_1560 = arith.constant 16 : i32
    %mul3A_1561 = arith.muli %squeeze3A_1559, %mul3A_1560 : i32
    %add3A_1562 = arith.constant 0 : i32
    %add3A_1563 = arith.addi %add3A_1562, %mul3A_1561 : i32
    %get3A_1564 = arith.index_cast %add3A_1563 : i32 to index
    %get3A_1565 = tpu.vector_load %arg6[%get3A_1564] {strides = array<i32>} : memref<12288xf32, #tpu.memory_space<vmem>>, vector<16xf32>,
    %slice3A_1566 = vector.extract_strided_slice %bitcast_convert_type3A_1427 {offsets = [10], sizes = [1], strides = [1]} : vector<16xf32> to vector<1xf32>
    %squeeze3A_1567 = vector.extract %slice3A_1566[0] : f32 from vector<1xf32>
    %mul3A_1568 = vector.broadcast %squeeze3A_1567 : f32 to vector<16xf32>
    %mul3A_1569 = arith.mulf %get3A_1565, %mul3A_1568 : vector<16xf32>
    %add3A_1570 = arith.addf %add3A_1557, %mul3A_1569 : vector<16xf32>
    %slice3A_1571 = vector.extract_strided_slice %and3A_1423 {offsets = [11], sizes = [1], strides = [1]} : vector<16xi32> to vector<1xi32>
    %squeeze3A_1572 = vector.extract %slice3A_1571[0] : i32 from vector<1xi32>
    %mul3A_1573 = arith.constant 16 : i32
    %mul3A_1574 = arith.muli %squeeze3A_1572, %mul3A_1573 : i32
    %add3A_1575 = arith.constant 0 : i32
    %add3A_1576 = arith.addi %add3A_1575, %mul3A_1574 : i32
    %get3A_1577 = arith.index_cast %add3A_1576 : i32 to index
    %get3A_1578 = tpu.vector_load %arg6[%get3A_1577] {strides = array<i32>} : memref<12288xf32, #tpu.memory_space<vmem>>, vector<16xf32>,
    %slice3A_1579 = vector.extract_strided_slice %bitcast_convert_type3A_1427 {offsets = [11], sizes = [1], strides = [1]} : vector<16xf32> to vector<1xf32>
    %squeeze3A_1580 = vector.extract %slice3A_1579[0] : f32 from vector<1xf32>
    %mul3A_1581 = vector.broadcast %squeeze3A_1580 : f32 to vector<16xf32>
    %mul3A_1582 = arith.mulf %get3A_1578, %mul3A_1581 : vector<16xf32>
    %add3A_1583 = arith.addf %add3A_1570, %mul3A_1582 : vector<16xf32>
    %slice3A_1584 = vector.extract_strided_slice %and3A_1423 {offsets = [12], sizes = [1], strides = [1]} : vector<16xi32> to vector<1xi32>
    %squeeze3A_1585 = vector.extract %slice3A_1584[0] : i32 from vector<1xi32>
    %mul3A_1586 = arith.constant 16 : i32
    %mul3A_1587 = arith.muli %squeeze3A_1585, %mul3A_1586 : i32
    %add3A_1588 = arith.constant 0 : i32
    %add3A_1589 = arith.addi %add3A_1588, %mul3A_1587 : i32
    %get3A_1590 = arith.index_cast %add3A_1589 : i32 to index
    %get3A_1591 = tpu.vector_load %arg6[%get3A_1590] {strides = array<i32>} : memref<12288xf32, #tpu.memory_space<vmem>>, vector<16xf32>,
    %slice3A_1592 = vector.extract_strided_slice %bitcast_convert_type3A_1427 {offsets = [12], sizes = [1], strides = [1]} : vector<16xf32> to vector<1xf32>
    %squeeze3A_1593 = vector.extract %slice3A_1592[0] : f32 from vector<1xf32>
    %mul3A_1594 = vector.broadcast %squeeze3A_1593 : f32 to vector<16xf32>
    %mul3A_1595 = arith.mulf %get3A_1591, %mul3A_1594 : vector<16xf32>
    %add3A_1596 = arith.addf %add3A_1583, %mul3A_1595 : vector<16xf32>
    %slice3A_1597 = vector.extract_strided_slice %and3A_1423 {offsets = [13], sizes = [1], strides = [1]} : vector<16xi32> to vector<1xi32>
    %squeeze3A_1598 = vector.extract %slice3A_1597[0] : i32 from vector<1xi32>
    %mul3A_1599 = arith.constant 16 : i32
    %mul3A_1600 = arith.muli %squeeze3A_1598, %mul3A_1599 : i32
    %add3A_1601 = arith.constant 0 : i32
    %add3A_1602 = arith.addi %add3A_1601, %mul3A_1600 : i32
    %get3A_1603 = arith.index_cast %add3A_1602 : i32 to index
    %get3A_1604 = tpu.vector_load %arg6[%get3A_1603] {strides = array<i32>} : memref<12288xf32, #tpu.memory_space<vmem>>, vector<16xf32>,
    %slice3A_1605 = vector.extract_strided_slice %bitcast_convert_type3A_1427 {offsets = [13], sizes = [1], strides = [1]} : vector<16xf32> to vector<1xf32>
    %squeeze3A_1606 = vector.extract %slice3A_1605[0] : f32 from vector<1xf32>
    %mul3A_1607 = vector.broadcast %squeeze3A_1606 : f32 to vector<16xf32>
    %mul3A_1608 = arith.mulf %get3A_1604, %mul3A_1607 : vector<16xf32>
    %add3A_1609 = arith.addf %add3A_1596, %mul3A_1608 : vector<16xf32>
    %slice3A_1610 = vector.extract_strided_slice %and3A_1423 {offsets = [14], sizes = [1], strides = [1]} : vector<16xi32> to vector<1xi32>
    %squeeze3A_1611 = vector.extract %slice3A_1610[0] : i32 from vector<1xi32>
    %mul3A_1612 = arith.constant 16 : i32
    %mul3A_1613 = arith.muli %squeeze3A_1611, %mul3A_1612 : i32
    %add3A_1614 = arith.constant 0 : i32
    %add3A_1615 = arith.addi %add3A_1614, %mul3A_1613 : i32
    %get3A_1616 = arith.index_cast %add3A_1615 : i32 to index
    %get3A_1617 = tpu.vector_load %arg6[%get3A_1616] {strides = array<i32>} : memref<12288xf32, #tpu.memory_space<vmem>>, vector<16xf32>,
    %slice3A_1618 = vector.extract_strided_slice %bitcast_convert_type3A_1427 {offsets = [14], sizes = [1], strides = [1]} : vector<16xf32> to vector<1xf32>
    %squeeze3A_1619 = vector.extract %slice3A_1618[0] : f32 from vector<1xf32>
    %mul3A_1620 = vector.broadcast %squeeze3A_1619 : f32 to vector<16xf32>
    %mul3A_1621 = arith.mulf %get3A_1617, %mul3A_1620 : vector<16xf32>
    %add3A_1622 = arith.addf %add3A_1609, %mul3A_1621 : vector<16xf32>
    %slice3A_1623 = vector.extract_strided_slice %and3A_1423 {offsets = [15], sizes = [1], strides = [1]} : vector<16xi32> to vector<1xi32>
    %squeeze3A_1624 = vector.extract %slice3A_1623[0] : i32 from vector<1xi32>
    %mul3A_1625 = arith.constant 16 : i32
    %mul3A_1626 = arith.muli %squeeze3A_1624, %mul3A_1625 : i32
    %add3A_1627 = arith.constant 0 : i32
    %add3A_1628 = arith.addi %add3A_1627, %mul3A_1626 : i32
    %get3A_1629 = arith.index_cast %add3A_1628 : i32 to index
    %get3A_1630 = tpu.vector_load %arg6[%get3A_1629] {strides = array<i32>} : memref<12288xf32, #tpu.memory_space<vmem>>, vector<16xf32>,
    %slice3A_1631 = vector.extract_strided_slice %bitcast_convert_type3A_1427 {offsets = [15], sizes = [1], strides = [1]} : vector<16xf32> to vector<1xf32>
    %squeeze3A_1632 = vector.extract %slice3A_1631[0] : f32 from vector<1xf32>
    %mul3A_1633 = vector.broadcast %squeeze3A_1632 : f32 to vector<16xf32>
    %mul3A_1634 = arith.mulf %get3A_1630, %mul3A_1633 : vector<16xf32>
    %add3A_1635 = arith.addf %add3A_1622, %mul3A_1634 : vector<16xf32>
    %get3A_1636 = arith.constant 112 : index
    %get3A_1637 = tpu.vector_load %arg5[%get3A_1636] {strides = array<i32>} : memref<128xf32, #tpu.memory_space<vmem>>, vector<16xf32>,
    %bitcast_convert_type3A_1638 = tpu.bitcast %get3A_1637 : vector<16xf32> -> vector<16xi32>
    %add3A_1639 = arith.constant 32767 : i32
    %add3A_1640 = vector.broadcast %add3A_1639 : i32 to vector<16xi32>
    %add3A_1641 = arith.addi %bitcast_convert_type3A_1638, %add3A_1640 : vector<16xi32>
    %shift_right_arithmetic3A_1642 = arith.constant 16 : i32
    %shift_right_arithmetic3A_1643 = vector.broadcast %shift_right_arithmetic3A_1642 : i32 to vector<16xi32>
    %shift_right_arithmetic3A_1644 = arith.shrsi %bitcast_convert_type3A_1638, %shift_right_arithmetic3A_1643 : vector<16xi32>
    %and3A_1645 = arith.constant 1 : i32
    %and3A_1646 = vector.broadcast %and3A_1645 : i32 to vector<16xi32>
    %and3A_1647 = arith.andi %shift_right_arithmetic3A_1644, %and3A_1646 : vector<16xi32>
    %add3A_1648 = arith.addi %add3A_1641, %and3A_1647 : vector<16xi32>
    %and3A_1649 = arith.constant -65536 : i32
    %and3A_1650 = vector.broadcast %and3A_1649 : i32 to vector<16xi32>
    %and3A_1651 = arith.andi %add3A_1648, %and3A_1650 : vector<16xi32>
    %shift_right_arithmetic3A_1652 = arith.constant 16 : i32
    %shift_right_arithmetic3A_1653 = vector.broadcast %shift_right_arithmetic3A_1652 : i32 to vector<16xi32>
    %shift_right_arithmetic3A_1654 = arith.shrsi %and3A_1651, %shift_right_arithmetic3A_1653 : vector<16xi32>
    %and3A_1655 = arith.constant 127 : i32
    %and3A_1656 = vector.broadcast %and3A_1655 : i32 to vector<16xi32>
    %and3A_1657 = arith.andi %shift_right_arithmetic3A_1654, %and3A_1656 : vector<16xi32>
    %and3A_1658 = arith.constant -8388608 : i32
    %and3A_1659 = vector.broadcast %and3A_1658 : i32 to vector<16xi32>
    %and3A_1660 = arith.andi %and3A_1651, %and3A_1659 : vector<16xi32>
    %bitcast_convert_type3A_1661 = tpu.bitcast %and3A_1660 : vector<16xi32> -> vector<16xf32>
    %slice3A_1662 = vector.extract_strided_slice %and3A_1657 {offsets = [0], sizes = [1], strides = [1]} : vector<16xi32> to vector<1xi32>
    %squeeze3A_1663 = vector.extract %slice3A_1662[0] : i32 from vector<1xi32>
    %mul3A_1664 = arith.constant 16 : i32
    %mul3A_1665 = arith.muli %squeeze3A_1663, %mul3A_1664 : i32
    %add3A_1666 = arith.constant 0 : i32
    %add3A_1667 = arith.addi %add3A_1666, %mul3A_1665 : i32
    %get3A_1668 = arith.index_cast %add3A_1667 : i32 to index
    %get3A_1669 = tpu.vector_load %arg6[%get3A_1668] {strides = array<i32>} : memref<12288xf32, #tpu.memory_space<vmem>>, vector<16xf32>,
    %slice3A_1670 = vector.extract_strided_slice %bitcast_convert_type3A_1661 {offsets = [0], sizes = [1], strides = [1]} : vector<16xf32> to vector<1xf32>
    %squeeze3A_1671 = vector.extract %slice3A_1670[0] : f32 from vector<1xf32>
    %mul3A_1672 = vector.broadcast %squeeze3A_1671 : f32 to vector<16xf32>
    %mul3A_1673 = arith.mulf %get3A_1669, %mul3A_1672 : vector<16xf32>
    %add3A_1674 = arith.addf %add3A_1635, %mul3A_1673 : vector<16xf32>
    %slice3A_1675 = vector.extract_strided_slice %and3A_1657 {offsets = [1], sizes = [1], strides = [1]} : vector<16xi32> to vector<1xi32>
    %squeeze3A_1676 = vector.extract %slice3A_1675[0] : i32 from vector<1xi32>
    %mul3A_1677 = arith.constant 16 : i32
    %mul3A_1678 = arith.muli %squeeze3A_1676, %mul3A_1677 : i32
    %add3A_1679 = arith.constant 0 : i32
    %add3A_1680 = arith.addi %add3A_1679, %mul3A_1678 : i32
    %get3A_1681 = arith.index_cast %add3A_1680 : i32 to index
    %get3A_1682 = tpu.vector_load %arg6[%get3A_1681] {strides = array<i32>} : memref<12288xf32, #tpu.memory_space<vmem>>, vector<16xf32>,
    %slice3A_1683 = vector.extract_strided_slice %bitcast_convert_type3A_1661 {offsets = [1], sizes = [1], strides = [1]} : vector<16xf32> to vector<1xf32>
    %squeeze3A_1684 = vector.extract %slice3A_1683[0] : f32 from vector<1xf32>
    %mul3A_1685 = vector.broadcast %squeeze3A_1684 : f32 to vector<16xf32>
    %mul3A_1686 = arith.mulf %get3A_1682, %mul3A_1685 : vector<16xf32>
    %add3A_1687 = arith.addf %add3A_1674, %mul3A_1686 : vector<16xf32>
    %slice3A_1688 = vector.extract_strided_slice %and3A_1657 {offsets = [2], sizes = [1], strides = [1]} : vector<16xi32> to vector<1xi32>
    %squeeze3A_1689 = vector.extract %slice3A_1688[0] : i32 from vector<1xi32>
    %mul3A_1690 = arith.constant 16 : i32
    %mul3A_1691 = arith.muli %squeeze3A_1689, %mul3A_1690 : i32
    %add3A_1692 = arith.constant 0 : i32
    %add3A_1693 = arith.addi %add3A_1692, %mul3A_1691 : i32
    %get3A_1694 = arith.index_cast %add3A_1693 : i32 to index
    %get3A_1695 = tpu.vector_load %arg6[%get3A_1694] {strides = array<i32>} : memref<12288xf32, #tpu.memory_space<vmem>>, vector<16xf32>,
    %slice3A_1696 = vector.extract_strided_slice %bitcast_convert_type3A_1661 {offsets = [2], sizes = [1], strides = [1]} : vector<16xf32> to vector<1xf32>
    %squeeze3A_1697 = vector.extract %slice3A_1696[0] : f32 from vector<1xf32>
    %mul3A_1698 = vector.broadcast %squeeze3A_1697 : f32 to vector<16xf32>
    %mul3A_1699 = arith.mulf %get3A_1695, %mul3A_1698 : vector<16xf32>
    %add3A_1700 = arith.addf %add3A_1687, %mul3A_1699 : vector<16xf32>
    %slice3A_1701 = vector.extract_strided_slice %and3A_1657 {offsets = [3], sizes = [1], strides = [1]} : vector<16xi32> to vector<1xi32>
    %squeeze3A_1702 = vector.extract %slice3A_1701[0] : i32 from vector<1xi32>
    %mul3A_1703 = arith.constant 16 : i32
    %mul3A_1704 = arith.muli %squeeze3A_1702, %mul3A_1703 : i32
    %add3A_1705 = arith.constant 0 : i32
    %add3A_1706 = arith.addi %add3A_1705, %mul3A_1704 : i32
    %get3A_1707 = arith.index_cast %add3A_1706 : i32 to index
    %get3A_1708 = tpu.vector_load %arg6[%get3A_1707] {strides = array<i32>} : memref<12288xf32, #tpu.memory_space<vmem>>, vector<16xf32>,
    %slice3A_1709 = vector.extract_strided_slice %bitcast_convert_type3A_1661 {offsets = [3], sizes = [1], strides = [1]} : vector<16xf32> to vector<1xf32>
    %squeeze3A_1710 = vector.extract %slice3A_1709[0] : f32 from vector<1xf32>
    %mul3A_1711 = vector.broadcast %squeeze3A_1710 : f32 to vector<16xf32>
    %mul3A_1712 = arith.mulf %get3A_1708, %mul3A_1711 : vector<16xf32>
    %add3A_1713 = arith.addf %add3A_1700, %mul3A_1712 : vector<16xf32>
    %slice3A_1714 = vector.extract_strided_slice %and3A_1657 {offsets = [4], sizes = [1], strides = [1]} : vector<16xi32> to vector<1xi32>
    %squeeze3A_1715 = vector.extract %slice3A_1714[0] : i32 from vector<1xi32>
    %mul3A_1716 = arith.constant 16 : i32
    %mul3A_1717 = arith.muli %squeeze3A_1715, %mul3A_1716 : i32
    %add3A_1718 = arith.constant 0 : i32
    %add3A_1719 = arith.addi %add3A_1718, %mul3A_1717 : i32
    %get3A_1720 = arith.index_cast %add3A_1719 : i32 to index
    %get3A_1721 = tpu.vector_load %arg6[%get3A_1720] {strides = array<i32>} : memref<12288xf32, #tpu.memory_space<vmem>>, vector<16xf32>,
    %slice3A_1722 = vector.extract_strided_slice %bitcast_convert_type3A_1661 {offsets = [4], sizes = [1], strides = [1]} : vector<16xf32> to vector<1xf32>
    %squeeze3A_1723 = vector.extract %slice3A_1722[0] : f32 from vector<1xf32>
    %mul3A_1724 = vector.broadcast %squeeze3A_1723 : f32 to vector<16xf32>
    %mul3A_1725 = arith.mulf %get3A_1721, %mul3A_1724 : vector<16xf32>
    %add3A_1726 = arith.addf %add3A_1713, %mul3A_1725 : vector<16xf32>
    %slice3A_1727 = vector.extract_strided_slice %and3A_1657 {offsets = [5], sizes = [1], strides = [1]} : vector<16xi32> to vector<1xi32>
    %squeeze3A_1728 = vector.extract %slice3A_1727[0] : i32 from vector<1xi32>
    %mul3A_1729 = arith.constant 16 : i32
    %mul3A_1730 = arith.muli %squeeze3A_1728, %mul3A_1729 : i32
    %add3A_1731 = arith.constant 0 : i32
    %add3A_1732 = arith.addi %add3A_1731, %mul3A_1730 : i32
    %get3A_1733 = arith.index_cast %add3A_1732 : i32 to index
    %get3A_1734 = tpu.vector_load %arg6[%get3A_1733] {strides = array<i32>} : memref<12288xf32, #tpu.memory_space<vmem>>, vector<16xf32>,
    %slice3A_1735 = vector.extract_strided_slice %bitcast_convert_type3A_1661 {offsets = [5], sizes = [1], strides = [1]} : vector<16xf32> to vector<1xf32>
    %squeeze3A_1736 = vector.extract %slice3A_1735[0] : f32 from vector<1xf32>
    %mul3A_1737 = vector.broadcast %squeeze3A_1736 : f32 to vector<16xf32>
    %mul3A_1738 = arith.mulf %get3A_1734, %mul3A_1737 : vector<16xf32>
    %add3A_1739 = arith.addf %add3A_1726, %mul3A_1738 : vector<16xf32>
    %slice3A_1740 = vector.extract_strided_slice %and3A_1657 {offsets = [6], sizes = [1], strides = [1]} : vector<16xi32> to vector<1xi32>
    %squeeze3A_1741 = vector.extract %slice3A_1740[0] : i32 from vector<1xi32>
    %mul3A_1742 = arith.constant 16 : i32
    %mul3A_1743 = arith.muli %squeeze3A_1741, %mul3A_1742 : i32
    %add3A_1744 = arith.constant 0 : i32
    %add3A_1745 = arith.addi %add3A_1744, %mul3A_1743 : i32
    %get3A_1746 = arith.index_cast %add3A_1745 : i32 to index
    %get3A_1747 = tpu.vector_load %arg6[%get3A_1746] {strides = array<i32>} : memref<12288xf32, #tpu.memory_space<vmem>>, vector<16xf32>,
    %slice3A_1748 = vector.extract_strided_slice %bitcast_convert_type3A_1661 {offsets = [6], sizes = [1], strides = [1]} : vector<16xf32> to vector<1xf32>
    %squeeze3A_1749 = vector.extract %slice3A_1748[0] : f32 from vector<1xf32>
    %mul3A_1750 = vector.broadcast %squeeze3A_1749 : f32 to vector<16xf32>
    %mul3A_1751 = arith.mulf %get3A_1747, %mul3A_1750 : vector<16xf32>
    %add3A_1752 = arith.addf %add3A_1739, %mul3A_1751 : vector<16xf32>
    %slice3A_1753 = vector.extract_strided_slice %and3A_1657 {offsets = [7], sizes = [1], strides = [1]} : vector<16xi32> to vector<1xi32>
    %squeeze3A_1754 = vector.extract %slice3A_1753[0] : i32 from vector<1xi32>
    %mul3A_1755 = arith.constant 16 : i32
    %mul3A_1756 = arith.muli %squeeze3A_1754, %mul3A_1755 : i32
    %add3A_1757 = arith.constant 0 : i32
    %add3A_1758 = arith.addi %add3A_1757, %mul3A_1756 : i32
    %get3A_1759 = arith.index_cast %add3A_1758 : i32 to index
    %get3A_1760 = tpu.vector_load %arg6[%get3A_1759] {strides = array<i32>} : memref<12288xf32, #tpu.memory_space<vmem>>, vector<16xf32>,
    %slice3A_1761 = vector.extract_strided_slice %bitcast_convert_type3A_1661 {offsets = [7], sizes = [1], strides = [1]} : vector<16xf32> to vector<1xf32>
    %squeeze3A_1762 = vector.extract %slice3A_1761[0] : f32 from vector<1xf32>
    %mul3A_1763 = vector.broadcast %squeeze3A_1762 : f32 to vector<16xf32>
    %mul3A_1764 = arith.mulf %get3A_1760, %mul3A_1763 : vector<16xf32>
    %add3A_1765 = arith.addf %add3A_1752, %mul3A_1764 : vector<16xf32>
    %slice3A_1766 = vector.extract_strided_slice %and3A_1657 {offsets = [8], sizes = [1], strides = [1]} : vector<16xi32> to vector<1xi32>
    %squeeze3A_1767 = vector.extract %slice3A_1766[0] : i32 from vector<1xi32>
    %mul3A_1768 = arith.constant 16 : i32
    %mul3A_1769 = arith.muli %squeeze3A_1767, %mul3A_1768 : i32
    %add3A_1770 = arith.constant 0 : i32
    %add3A_1771 = arith.addi %add3A_1770, %mul3A_1769 : i32
    %get3A_1772 = arith.index_cast %add3A_1771 : i32 to index
    %get3A_1773 = tpu.vector_load %arg6[%get3A_1772] {strides = array<i32>} : memref<12288xf32, #tpu.memory_space<vmem>>, vector<16xf32>,
    %slice3A_1774 = vector.extract_strided_slice %bitcast_convert_type3A_1661 {offsets = [8], sizes = [1], strides = [1]} : vector<16xf32> to vector<1xf32>
    %squeeze3A_1775 = vector.extract %slice3A_1774[0] : f32 from vector<1xf32>
    %mul3A_1776 = vector.broadcast %squeeze3A_1775 : f32 to vector<16xf32>
    %mul3A_1777 = arith.mulf %get3A_1773, %mul3A_1776 : vector<16xf32>
    %add3A_1778 = arith.addf %add3A_1765, %mul3A_1777 : vector<16xf32>
    %slice3A_1779 = vector.extract_strided_slice %and3A_1657 {offsets = [9], sizes = [1], strides = [1]} : vector<16xi32> to vector<1xi32>
    %squeeze3A_1780 = vector.extract %slice3A_1779[0] : i32 from vector<1xi32>
    %mul3A_1781 = arith.constant 16 : i32
    %mul3A_1782 = arith.muli %squeeze3A_1780, %mul3A_1781 : i32
    %add3A_1783 = arith.constant 0 : i32
    %add3A_1784 = arith.addi %add3A_1783, %mul3A_1782 : i32
    %get3A_1785 = arith.index_cast %add3A_1784 : i32 to index
    %get3A_1786 = tpu.vector_load %arg6[%get3A_1785] {strides = array<i32>} : memref<12288xf32, #tpu.memory_space<vmem>>, vector<16xf32>,
    %slice3A_1787 = vector.extract_strided_slice %bitcast_convert_type3A_1661 {offsets = [9], sizes = [1], strides = [1]} : vector<16xf32> to vector<1xf32>
    %squeeze3A_1788 = vector.extract %slice3A_1787[0] : f32 from vector<1xf32>
    %mul3A_1789 = vector.broadcast %squeeze3A_1788 : f32 to vector<16xf32>
    %mul3A_1790 = arith.mulf %get3A_1786, %mul3A_1789 : vector<16xf32>
    %add3A_1791 = arith.addf %add3A_1778, %mul3A_1790 : vector<16xf32>
    %slice3A_1792 = vector.extract_strided_slice %and3A_1657 {offsets = [10], sizes = [1], strides = [1]} : vector<16xi32> to vector<1xi32>
    %squeeze3A_1793 = vector.extract %slice3A_1792[0] : i32 from vector<1xi32>
    %mul3A_1794 = arith.constant 16 : i32
    %mul3A_1795 = arith.muli %squeeze3A_1793, %mul3A_1794 : i32
    %add3A_1796 = arith.constant 0 : i32
    %add3A_1797 = arith.addi %add3A_1796, %mul3A_1795 : i32
    %get3A_1798 = arith.index_cast %add3A_1797 : i32 to index
    %get3A_1799 = tpu.vector_load %arg6[%get3A_1798] {strides = array<i32>} : memref<12288xf32, #tpu.memory_space<vmem>>, vector<16xf32>,
    %slice3A_1800 = vector.extract_strided_slice %bitcast_convert_type3A_1661 {offsets = [10], sizes = [1], strides = [1]} : vector<16xf32> to vector<1xf32>
    %squeeze3A_1801 = vector.extract %slice3A_1800[0] : f32 from vector<1xf32>
    %mul3A_1802 = vector.broadcast %squeeze3A_1801 : f32 to vector<16xf32>
    %mul3A_1803 = arith.mulf %get3A_1799, %mul3A_1802 : vector<16xf32>
    %add3A_1804 = arith.addf %add3A_1791, %mul3A_1803 : vector<16xf32>
    %slice3A_1805 = vector.extract_strided_slice %and3A_1657 {offsets = [11], sizes = [1], strides = [1]} : vector<16xi32> to vector<1xi32>
    %squeeze3A_1806 = vector.extract %slice3A_1805[0] : i32 from vector<1xi32>
    %mul3A_1807 = arith.constant 16 : i32
    %mul3A_1808 = arith.muli %squeeze3A_1806, %mul3A_1807 : i32
    %add3A_1809 = arith.constant 0 : i32
    %add3A_1810 = arith.addi %add3A_1809, %mul3A_1808 : i32
    %get3A_1811 = arith.index_cast %add3A_1810 : i32 to index
    %get3A_1812 = tpu.vector_load %arg6[%get3A_1811] {strides = array<i32>} : memref<12288xf32, #tpu.memory_space<vmem>>, vector<16xf32>,
    %slice3A_1813 = vector.extract_strided_slice %bitcast_convert_type3A_1661 {offsets = [11], sizes = [1], strides = [1]} : vector<16xf32> to vector<1xf32>
    %squeeze3A_1814 = vector.extract %slice3A_1813[0] : f32 from vector<1xf32>
    %mul3A_1815 = vector.broadcast %squeeze3A_1814 : f32 to vector<16xf32>
    %mul3A_1816 = arith.mulf %get3A_1812, %mul3A_1815 : vector<16xf32>
    %add3A_1817 = arith.addf %add3A_1804, %mul3A_1816 : vector<16xf32>
    %slice3A_1818 = vector.extract_strided_slice %and3A_1657 {offsets = [12], sizes = [1], strides = [1]} : vector<16xi32> to vector<1xi32>
    %squeeze3A_1819 = vector.extract %slice3A_1818[0] : i32 from vector<1xi32>
    %mul3A_1820 = arith.constant 16 : i32
    %mul3A_1821 = arith.muli %squeeze3A_1819, %mul3A_1820 : i32
    %add3A_1822 = arith.constant 0 : i32
    %add3A_1823 = arith.addi %add3A_1822, %mul3A_1821 : i32
    %get3A_1824 = arith.index_cast %add3A_1823 : i32 to index
    %get3A_1825 = tpu.vector_load %arg6[%get3A_1824] {strides = array<i32>} : memref<12288xf32, #tpu.memory_space<vmem>>, vector<16xf32>,
    %slice3A_1826 = vector.extract_strided_slice %bitcast_convert_type3A_1661 {offsets = [12], sizes = [1], strides = [1]} : vector<16xf32> to vector<1xf32>
    %squeeze3A_1827 = vector.extract %slice3A_1826[0] : f32 from vector<1xf32>
    %mul3A_1828 = vector.broadcast %squeeze3A_1827 : f32 to vector<16xf32>
    %mul3A_1829 = arith.mulf %get3A_1825, %mul3A_1828 : vector<16xf32>
    %add3A_1830 = arith.addf %add3A_1817, %mul3A_1829 : vector<16xf32>
    %slice3A_1831 = vector.extract_strided_slice %and3A_1657 {offsets = [13], sizes = [1], strides = [1]} : vector<16xi32> to vector<1xi32>
    %squeeze3A_1832 = vector.extract %slice3A_1831[0] : i32 from vector<1xi32>
    %mul3A_1833 = arith.constant 16 : i32
    %mul3A_1834 = arith.muli %squeeze3A_1832, %mul3A_1833 : i32
    %add3A_1835 = arith.constant 0 : i32
    %add3A_1836 = arith.addi %add3A_1835, %mul3A_1834 : i32
    %get3A_1837 = arith.index_cast %add3A_1836 : i32 to index
    %get3A_1838 = tpu.vector_load %arg6[%get3A_1837] {strides = array<i32>} : memref<12288xf32, #tpu.memory_space<vmem>>, vector<16xf32>,
    %slice3A_1839 = vector.extract_strided_slice %bitcast_convert_type3A_1661 {offsets = [13], sizes = [1], strides = [1]} : vector<16xf32> to vector<1xf32>
    %squeeze3A_1840 = vector.extract %slice3A_1839[0] : f32 from vector<1xf32>
    %mul3A_1841 = vector.broadcast %squeeze3A_1840 : f32 to vector<16xf32>
    %mul3A_1842 = arith.mulf %get3A_1838, %mul3A_1841 : vector<16xf32>
    %add3A_1843 = arith.addf %add3A_1830, %mul3A_1842 : vector<16xf32>
    %slice3A_1844 = vector.extract_strided_slice %and3A_1657 {offsets = [14], sizes = [1], strides = [1]} : vector<16xi32> to vector<1xi32>
    %squeeze3A_1845 = vector.extract %slice3A_1844[0] : i32 from vector<1xi32>
    %mul3A_1846 = arith.constant 16 : i32
    %mul3A_1847 = arith.muli %squeeze3A_1845, %mul3A_1846 : i32
    %add3A_1848 = arith.constant 0 : i32
    %add3A_1849 = arith.addi %add3A_1848, %mul3A_1847 : i32
    %get3A_1850 = arith.index_cast %add3A_1849 : i32 to index
    %get3A_1851 = tpu.vector_load %arg6[%get3A_1850] {strides = array<i32>} : memref<12288xf32, #tpu.memory_space<vmem>>, vector<16xf32>,
    %slice3A_1852 = vector.extract_strided_slice %bitcast_convert_type3A_1661 {offsets = [14], sizes = [1], strides = [1]} : vector<16xf32> to vector<1xf32>
    %squeeze3A_1853 = vector.extract %slice3A_1852[0] : f32 from vector<1xf32>
    %mul3A_1854 = vector.broadcast %squeeze3A_1853 : f32 to vector<16xf32>
    %mul3A_1855 = arith.mulf %get3A_1851, %mul3A_1854 : vector<16xf32>
    %add3A_1856 = arith.addf %add3A_1843, %mul3A_1855 : vector<16xf32>
    %slice3A_1857 = vector.extract_strided_slice %and3A_1657 {offsets = [15], sizes = [1], strides = [1]} : vector<16xi32> to vector<1xi32>
    %squeeze3A_1858 = vector.extract %slice3A_1857[0] : i32 from vector<1xi32>
    %mul3A_1859 = arith.constant 16 : i32
    %mul3A_1860 = arith.muli %squeeze3A_1858, %mul3A_1859 : i32
    %add3A_1861 = arith.constant 0 : i32
    %add3A_1862 = arith.addi %add3A_1861, %mul3A_1860 : i32
    %get3A_1863 = arith.index_cast %add3A_1862 : i32 to index
    %get3A_1864 = tpu.vector_load %arg6[%get3A_1863] {strides = array<i32>} : memref<12288xf32, #tpu.memory_space<vmem>>, vector<16xf32>,
    %slice3A_1865 = vector.extract_strided_slice %bitcast_convert_type3A_1661 {offsets = [15], sizes = [1], strides = [1]} : vector<16xf32> to vector<1xf32>
    %squeeze3A_1866 = vector.extract %slice3A_1865[0] : f32 from vector<1xf32>
    %mul3A_1867 = vector.broadcast %squeeze3A_1866 : f32 to vector<16xf32>
    %mul3A_1868 = arith.mulf %get3A_1864, %mul3A_1867 : vector<16xf32>
    %add3A_1869 = arith.addf %add3A_1856, %mul3A_1868 : vector<16xf32>
    %bitcast_convert_type3A_1870 = tpu.bitcast %add3A_1869 : vector<16xf32> -> vector<16xi32>
    %add3A_1871 = arith.constant 32767 : i32
    %add3A_1872 = vector.broadcast %add3A_1871 : i32 to vector<16xi32>
    %add3A_1873 = arith.addi %bitcast_convert_type3A_1870, %add3A_1872 : vector<16xi32>
    %shift_right_arithmetic3A_1874 = arith.constant 16 : i32
    %shift_right_arithmetic3A_1875 = vector.broadcast %shift_right_arithmetic3A_1874 : i32 to vector<16xi32>
    %shift_right_arithmetic3A_1876 = arith.shrsi %bitcast_convert_type3A_1870, %shift_right_arithmetic3A_1875 : vector<16xi32>
    %and3A_1877 = arith.constant 1 : i32
    %and3A_1878 = vector.broadcast %and3A_1877 : i32 to vector<16xi32>
    %and3A_1879 = arith.andi %shift_right_arithmetic3A_1876, %and3A_1878 : vector<16xi32>
    %add3A_1880 = arith.addi %add3A_1873, %and3A_1879 : vector<16xi32>
    %and3A_1881 = arith.constant -65536 : i32
    %and3A_1882 = vector.broadcast %and3A_1881 : i32 to vector<16xi32>
    %and3A_1883 = arith.andi %add3A_1880, %and3A_1882 : vector<16xi32>
    %shift_right_arithmetic3A_1884 = arith.constant 16 : i32
    %shift_right_arithmetic3A_1885 = vector.broadcast %shift_right_arithmetic3A_1884 : i32 to vector<16xi32>
    %shift_right_arithmetic3A_1886 = arith.shrsi %and3A_1883, %shift_right_arithmetic3A_1885 : vector<16xi32>
    %and3A_1887 = arith.constant 127 : i32
    %and3A_1888 = vector.broadcast %and3A_1887 : i32 to vector<16xi32>
    %and3A_1889 = arith.andi %shift_right_arithmetic3A_1886, %and3A_1888 : vector<16xi32>
    %and3A_1890 = arith.constant -8388608 : i32
    %and3A_1891 = vector.broadcast %and3A_1890 : i32 to vector<16xi32>
    %and3A_1892 = arith.andi %and3A_1883, %and3A_1891 : vector<16xi32>
    %bitcast_convert_type3A_1893 = tpu.bitcast %and3A_1892 : vector<16xi32> -> vector<16xf32>
    %broadcast_in_dim3A_1894 = arith.constant 0.000000e+00 : f32
    %broadcast_in_dim3A_1895 = vector.broadcast %broadcast_in_dim3A_1894 : f32 to vector<16xf32>
    %slice3A_1896 = vector.extract_strided_slice %and3A_1889 {offsets = [0], sizes = [1], strides = [1]} : vector<16xi32> to vector<1xi32>
    %squeeze3A_1897 = vector.extract %slice3A_1896[0] : i32 from vector<1xi32>
    %mul3A_1898 = arith.constant 16 : i32
    %mul3A_1899 = arith.muli %squeeze3A_1897, %mul3A_1898 : i32
    %add3A_1900 = arith.constant 2048 : i32
    %add3A_1901 = arith.addi %add3A_1900, %mul3A_1899 : i32
    %get3A_1902 = arith.index_cast %add3A_1901 : i32 to index
    %get3A_1903 = tpu.vector_load %arg6[%get3A_1902] {strides = array<i32>} : memref<12288xf32, #tpu.memory_space<vmem>>, vector<16xf32>,
    %slice3A_1904 = vector.extract_strided_slice %bitcast_convert_type3A_1893 {offsets = [0], sizes = [1], strides = [1]} : vector<16xf32> to vector<1xf32>
    %squeeze3A_1905 = vector.extract %slice3A_1904[0] : f32 from vector<1xf32>
    %mul3A_1906 = vector.broadcast %squeeze3A_1905 : f32 to vector<16xf32>
    %mul3A_1907 = arith.mulf %get3A_1903, %mul3A_1906 : vector<16xf32>
    %add3A_1908 = arith.addf %broadcast_in_dim3A_1895, %mul3A_1907 : vector<16xf32>
    %slice3A_1909 = vector.extract_strided_slice %and3A_1889 {offsets = [1], sizes = [1], strides = [1]} : vector<16xi32> to vector<1xi32>
    %squeeze3A_1910 = vector.extract %slice3A_1909[0] : i32 from vector<1xi32>
    %mul3A_1911 = arith.constant 16 : i32
    %mul3A_1912 = arith.muli %squeeze3A_1910, %mul3A_1911 : i32
    %add3A_1913 = arith.constant 2048 : i32
    %add3A_1914 = arith.addi %add3A_1913, %mul3A_1912 : i32
    %get3A_1915 = arith.index_cast %add3A_1914 : i32 to index
    %get3A_1916 = tpu.vector_load %arg6[%get3A_1915] {strides = array<i32>} : memref<12288xf32, #tpu.memory_space<vmem>>, vector<16xf32>,
    %slice3A_1917 = vector.extract_strided_slice %bitcast_convert_type3A_1893 {offsets = [1], sizes = [1], strides = [1]} : vector<16xf32> to vector<1xf32>
    %squeeze3A_1918 = vector.extract %slice3A_1917[0] : f32 from vector<1xf32>
    %mul3A_1919 = vector.broadcast %squeeze3A_1918 : f32 to vector<16xf32>
    %mul3A_1920 = arith.mulf %get3A_1916, %mul3A_1919 : vector<16xf32>
    %add3A_1921 = arith.addf %add3A_1908, %mul3A_1920 : vector<16xf32>
    %slice3A_1922 = vector.extract_strided_slice %and3A_1889 {offsets = [2], sizes = [1], strides = [1]} : vector<16xi32> to vector<1xi32>
    %squeeze3A_1923 = vector.extract %slice3A_1922[0] : i32 from vector<1xi32>
    %mul3A_1924 = arith.constant 16 : i32
    %mul3A_1925 = arith.muli %squeeze3A_1923, %mul3A_1924 : i32
    %add3A_1926 = arith.constant 2048 : i32
    %add3A_1927 = arith.addi %add3A_1926, %mul3A_1925 : i32
    %get3A_1928 = arith.index_cast %add3A_1927 : i32 to index
    %get3A_1929 = tpu.vector_load %arg6[%get3A_1928] {strides = array<i32>} : memref<12288xf32, #tpu.memory_space<vmem>>, vector<16xf32>,
    %slice3A_1930 = vector.extract_strided_slice %bitcast_convert_type3A_1893 {offsets = [2], sizes = [1], strides = [1]} : vector<16xf32> to vector<1xf32>
    %squeeze3A_1931 = vector.extract %slice3A_1930[0] : f32 from vector<1xf32>
    %mul3A_1932 = vector.broadcast %squeeze3A_1931 : f32 to vector<16xf32>
    %mul3A_1933 = arith.mulf %get3A_1929, %mul3A_1932 : vector<16xf32>
    %add3A_1934 = arith.addf %add3A_1921, %mul3A_1933 : vector<16xf32>
    %slice3A_1935 = vector.extract_strided_slice %and3A_1889 {offsets = [3], sizes = [1], strides = [1]} : vector<16xi32> to vector<1xi32>
    %squeeze3A_1936 = vector.extract %slice3A_1935[0] : i32 from vector<1xi32>
    %mul3A_1937 = arith.constant 16 : i32
    %mul3A_1938 = arith.muli %squeeze3A_1936, %mul3A_1937 : i32
    %add3A_1939 = arith.constant 2048 : i32
    %add3A_1940 = arith.addi %add3A_1939, %mul3A_1938 : i32
    %get3A_1941 = arith.index_cast %add3A_1940 : i32 to index
    %get3A_1942 = tpu.vector_load %arg6[%get3A_1941] {strides = array<i32>} : memref<12288xf32, #tpu.memory_space<vmem>>, vector<16xf32>,
    %slice3A_1943 = vector.extract_strided_slice %bitcast_convert_type3A_1893 {offsets = [3], sizes = [1], strides = [1]} : vector<16xf32> to vector<1xf32>
    %squeeze3A_1944 = vector.extract %slice3A_1943[0] : f32 from vector<1xf32>
    %mul3A_1945 = vector.broadcast %squeeze3A_1944 : f32 to vector<16xf32>
    %mul3A_1946 = arith.mulf %get3A_1942, %mul3A_1945 : vector<16xf32>
    %add3A_1947 = arith.addf %add3A_1934, %mul3A_1946 : vector<16xf32>
    %slice3A_1948 = vector.extract_strided_slice %and3A_1889 {offsets = [4], sizes = [1], strides = [1]} : vector<16xi32> to vector<1xi32>
    %squeeze3A_1949 = vector.extract %slice3A_1948[0] : i32 from vector<1xi32>
    %mul3A_1950 = arith.constant 16 : i32
    %mul3A_1951 = arith.muli %squeeze3A_1949, %mul3A_1950 : i32
    %add3A_1952 = arith.constant 2048 : i32
    %add3A_1953 = arith.addi %add3A_1952, %mul3A_1951 : i32
    %get3A_1954 = arith.index_cast %add3A_1953 : i32 to index
    %get3A_1955 = tpu.vector_load %arg6[%get3A_1954] {strides = array<i32>} : memref<12288xf32, #tpu.memory_space<vmem>>, vector<16xf32>,
    %slice3A_1956 = vector.extract_strided_slice %bitcast_convert_type3A_1893 {offsets = [4], sizes = [1], strides = [1]} : vector<16xf32> to vector<1xf32>
    %squeeze3A_1957 = vector.extract %slice3A_1956[0] : f32 from vector<1xf32>
    %mul3A_1958 = vector.broadcast %squeeze3A_1957 : f32 to vector<16xf32>
    %mul3A_1959 = arith.mulf %get3A_1955, %mul3A_1958 : vector<16xf32>
    %add3A_1960 = arith.addf %add3A_1947, %mul3A_1959 : vector<16xf32>
    %slice3A_1961 = vector.extract_strided_slice %and3A_1889 {offsets = [5], sizes = [1], strides = [1]} : vector<16xi32> to vector<1xi32>
    %squeeze3A_1962 = vector.extract %slice3A_1961[0] : i32 from vector<1xi32>
    %mul3A_1963 = arith.constant 16 : i32
    %mul3A_1964 = arith.muli %squeeze3A_1962, %mul3A_1963 : i32
    %add3A_1965 = arith.constant 2048 : i32
    %add3A_1966 = arith.addi %add3A_1965, %mul3A_1964 : i32
    %get3A_1967 = arith.index_cast %add3A_1966 : i32 to index
    %get3A_1968 = tpu.vector_load %arg6[%get3A_1967] {strides = array<i32>} : memref<12288xf32, #tpu.memory_space<vmem>>, vector<16xf32>,
    %slice3A_1969 = vector.extract_strided_slice %bitcast_convert_type3A_1893 {offsets = [5], sizes = [1], strides = [1]} : vector<16xf32> to vector<1xf32>
    %squeeze3A_1970 = vector.extract %slice3A_1969[0] : f32 from vector<1xf32>
    %mul3A_1971 = vector.broadcast %squeeze3A_1970 : f32 to vector<16xf32>
    %mul3A_1972 = arith.mulf %get3A_1968, %mul3A_1971 : vector<16xf32>
    %add3A_1973 = arith.addf %add3A_1960, %mul3A_1972 : vector<16xf32>
    %slice3A_1974 = vector.extract_strided_slice %and3A_1889 {offsets = [6], sizes = [1], strides = [1]} : vector<16xi32> to vector<1xi32>
    %squeeze3A_1975 = vector.extract %slice3A_1974[0] : i32 from vector<1xi32>
    %mul3A_1976 = arith.constant 16 : i32
    %mul3A_1977 = arith.muli %squeeze3A_1975, %mul3A_1976 : i32
    %add3A_1978 = arith.constant 2048 : i32
    %add3A_1979 = arith.addi %add3A_1978, %mul3A_1977 : i32
    %get3A_1980 = arith.index_cast %add3A_1979 : i32 to index
    %get3A_1981 = tpu.vector_load %arg6[%get3A_1980] {strides = array<i32>} : memref<12288xf32, #tpu.memory_space<vmem>>, vector<16xf32>,
    %slice3A_1982 = vector.extract_strided_slice %bitcast_convert_type3A_1893 {offsets = [6], sizes = [1], strides = [1]} : vector<16xf32> to vector<1xf32>
    %squeeze3A_1983 = vector.extract %slice3A_1982[0] : f32 from vector<1xf32>
    %mul3A_1984 = vector.broadcast %squeeze3A_1983 : f32 to vector<16xf32>
    %mul3A_1985 = arith.mulf %get3A_1981, %mul3A_1984 : vector<16xf32>
    %add3A_1986 = arith.addf %add3A_1973, %mul3A_1985 : vector<16xf32>
    %slice3A_1987 = vector.extract_strided_slice %and3A_1889 {offsets = [7], sizes = [1], strides = [1]} : vector<16xi32> to vector<1xi32>
    %squeeze3A_1988 = vector.extract %slice3A_1987[0] : i32 from vector<1xi32>
    %mul3A_1989 = arith.constant 16 : i32
    %mul3A_1990 = arith.muli %squeeze3A_1988, %mul3A_1989 : i32
    %add3A_1991 = arith.constant 2048 : i32
    %add3A_1992 = arith.addi %add3A_1991, %mul3A_1990 : i32
    %get3A_1993 = arith.index_cast %add3A_1992 : i32 to index
    %get3A_1994 = tpu.vector_load %arg6[%get3A_1993] {strides = array<i32>} : memref<12288xf32, #tpu.memory_space<vmem>>, vector<16xf32>,
    %slice3A_1995 = vector.extract_strided_slice %bitcast_convert_type3A_1893 {offsets = [7], sizes = [1], strides = [1]} : vector<16xf32> to vector<1xf32>
    %squeeze3A_1996 = vector.extract %slice3A_1995[0] : f32 from vector<1xf32>
    %mul3A_1997 = vector.broadcast %squeeze3A_1996 : f32 to vector<16xf32>
    %mul3A_1998 = arith.mulf %get3A_1994, %mul3A_1997 : vector<16xf32>
    %add3A_1999 = arith.addf %add3A_1986, %mul3A_1998 : vector<16xf32>
    %slice3A_2000 = vector.extract_strided_slice %and3A_1889 {offsets = [8], sizes = [1], strides = [1]} : vector<16xi32> to vector<1xi32>
    %squeeze3A_2001 = vector.extract %slice3A_2000[0] : i32 from vector<1xi32>
    %mul3A_2002 = arith.constant 16 : i32
    %mul3A_2003 = arith.muli %squeeze3A_2001, %mul3A_2002 : i32
    %add3A_2004 = arith.constant 2048 : i32
    %add3A_2005 = arith.addi %add3A_2004, %mul3A_2003 : i32
    %get3A_2006 = arith.index_cast %add3A_2005 : i32 to index
    %get3A_2007 = tpu.vector_load %arg6[%get3A_2006] {strides = array<i32>} : memref<12288xf32, #tpu.memory_space<vmem>>, vector<16xf32>,
    %slice3A_2008 = vector.extract_strided_slice %bitcast_convert_type3A_1893 {offsets = [8], sizes = [1], strides = [1]} : vector<16xf32> to vector<1xf32>
    %squeeze3A_2009 = vector.extract %slice3A_2008[0] : f32 from vector<1xf32>
    %mul3A_2010 = vector.broadcast %squeeze3A_2009 : f32 to vector<16xf32>
    %mul3A_2011 = arith.mulf %get3A_2007, %mul3A_2010 : vector<16xf32>
    %add3A_2012 = arith.addf %add3A_1999, %mul3A_2011 : vector<16xf32>
    %slice3A_2013 = vector.extract_strided_slice %and3A_1889 {offsets = [9], sizes = [1], strides = [1]} : vector<16xi32> to vector<1xi32>
    %squeeze3A_2014 = vector.extract %slice3A_2013[0] : i32 from vector<1xi32>
    %mul3A_2015 = arith.constant 16 : i32
    %mul3A_2016 = arith.muli %squeeze3A_2014, %mul3A_2015 : i32
    %add3A_2017 = arith.constant 2048 : i32
    %add3A_2018 = arith.addi %add3A_2017, %mul3A_2016 : i32
    %get3A_2019 = arith.index_cast %add3A_2018 : i32 to index
    %get3A_2020 = tpu.vector_load %arg6[%get3A_2019] {strides = array<i32>} : memref<12288xf32, #tpu.memory_space<vmem>>, vector<16xf32>,
    %slice3A_2021 = vector.extract_strided_slice %bitcast_convert_type3A_1893 {offsets = [9], sizes = [1], strides = [1]} : vector<16xf32> to vector<1xf32>
    %squeeze3A_2022 = vector.extract %slice3A_2021[0] : f32 from vector<1xf32>
    %mul3A_2023 = vector.broadcast %squeeze3A_2022 : f32 to vector<16xf32>
    %mul3A_2024 = arith.mulf %get3A_2020, %mul3A_2023 : vector<16xf32>
    %add3A_2025 = arith.addf %add3A_2012, %mul3A_2024 : vector<16xf32>
    %slice3A_2026 = vector.extract_strided_slice %and3A_1889 {offsets = [10], sizes = [1], strides = [1]} : vector<16xi32> to vector<1xi32>
    %squeeze3A_2027 = vector.extract %slice3A_2026[0] : i32 from vector<1xi32>
    %mul3A_2028 = arith.constant 16 : i32
    %mul3A_2029 = arith.muli %squeeze3A_2027, %mul3A_2028 : i32
    %add3A_2030 = arith.constant 2048 : i32
    %add3A_2031 = arith.addi %add3A_2030, %mul3A_2029 : i32
    %get3A_2032 = arith.index_cast %add3A_2031 : i32 to index
    %get3A_2033 = tpu.vector_load %arg6[%get3A_2032] {strides = array<i32>} : memref<12288xf32, #tpu.memory_space<vmem>>, vector<16xf32>,
    %slice3A_2034 = vector.extract_strided_slice %bitcast_convert_type3A_1893 {offsets = [10], sizes = [1], strides = [1]} : vector<16xf32> to vector<1xf32>
    %squeeze3A_2035 = vector.extract %slice3A_2034[0] : f32 from vector<1xf32>
    %mul3A_2036 = vector.broadcast %squeeze3A_2035 : f32 to vector<16xf32>
    %mul3A_2037 = arith.mulf %get3A_2033, %mul3A_2036 : vector<16xf32>
    %add3A_2038 = arith.addf %add3A_2025, %mul3A_2037 : vector<16xf32>
    %slice3A_2039 = vector.extract_strided_slice %and3A_1889 {offsets = [11], sizes = [1], strides = [1]} : vector<16xi32> to vector<1xi32>
    %squeeze3A_2040 = vector.extract %slice3A_2039[0] : i32 from vector<1xi32>
    %mul3A_2041 = arith.constant 16 : i32
    %mul3A_2042 = arith.muli %squeeze3A_2040, %mul3A_2041 : i32
    %add3A_2043 = arith.constant 2048 : i32
    %add3A_2044 = arith.addi %add3A_2043, %mul3A_2042 : i32
    %get3A_2045 = arith.index_cast %add3A_2044 : i32 to index
    %get3A_2046 = tpu.vector_load %arg6[%get3A_2045] {strides = array<i32>} : memref<12288xf32, #tpu.memory_space<vmem>>, vector<16xf32>,
    %slice3A_2047 = vector.extract_strided_slice %bitcast_convert_type3A_1893 {offsets = [11], sizes = [1], strides = [1]} : vector<16xf32> to vector<1xf32>
    %squeeze3A_2048 = vector.extract %slice3A_2047[0] : f32 from vector<1xf32>
    %mul3A_2049 = vector.broadcast %squeeze3A_2048 : f32 to vector<16xf32>
    %mul3A_2050 = arith.mulf %get3A_2046, %mul3A_2049 : vector<16xf32>
    %add3A_2051 = arith.addf %add3A_2038, %mul3A_2050 : vector<16xf32>
    %slice3A_2052 = vector.extract_strided_slice %and3A_1889 {offsets = [12], sizes = [1], strides = [1]} : vector<16xi32> to vector<1xi32>
    %squeeze3A_2053 = vector.extract %slice3A_2052[0] : i32 from vector<1xi32>
    %mul3A_2054 = arith.constant 16 : i32
    %mul3A_2055 = arith.muli %squeeze3A_2053, %mul3A_2054 : i32
    %add3A_2056 = arith.constant 2048 : i32
    %add3A_2057 = arith.addi %add3A_2056, %mul3A_2055 : i32
    %get3A_2058 = arith.index_cast %add3A_2057 : i32 to index
    %get3A_2059 = tpu.vector_load %arg6[%get3A_2058] {strides = array<i32>} : memref<12288xf32, #tpu.memory_space<vmem>>, vector<16xf32>,
    %slice3A_2060 = vector.extract_strided_slice %bitcast_convert_type3A_1893 {offsets = [12], sizes = [1], strides = [1]} : vector<16xf32> to vector<1xf32>
    %squeeze3A_2061 = vector.extract %slice3A_2060[0] : f32 from vector<1xf32>
    %mul3A_2062 = vector.broadcast %squeeze3A_2061 : f32 to vector<16xf32>
    %mul3A_2063 = arith.mulf %get3A_2059, %mul3A_2062 : vector<16xf32>
    %add3A_2064 = arith.addf %add3A_2051, %mul3A_2063 : vector<16xf32>
    %slice3A_2065 = vector.extract_strided_slice %and3A_1889 {offsets = [13], sizes = [1], strides = [1]} : vector<16xi32> to vector<1xi32>
    %squeeze3A_2066 = vector.extract %slice3A_2065[0] : i32 from vector<1xi32>
    %mul3A_2067 = arith.constant 16 : i32
    %mul3A_2068 = arith.muli %squeeze3A_2066, %mul3A_2067 : i32
    %add3A_2069 = arith.constant 2048 : i32
    %add3A_2070 = arith.addi %add3A_2069, %mul3A_2068 : i32
    %get3A_2071 = arith.index_cast %add3A_2070 : i32 to index
    %get3A_2072 = tpu.vector_load %arg6[%get3A_2071] {strides = array<i32>} : memref<12288xf32, #tpu.memory_space<vmem>>, vector<16xf32>,
    %slice3A_2073 = vector.extract_strided_slice %bitcast_convert_type3A_1893 {offsets = [13], sizes = [1], strides = [1]} : vector<16xf32> to vector<1xf32>
    %squeeze3A_2074 = vector.extract %slice3A_2073[0] : f32 from vector<1xf32>
    %mul3A_2075 = vector.broadcast %squeeze3A_2074 : f32 to vector<16xf32>
    %mul3A_2076 = arith.mulf %get3A_2072, %mul3A_2075 : vector<16xf32>
    %add3A_2077 = arith.addf %add3A_2064, %mul3A_2076 : vector<16xf32>
    %slice3A_2078 = vector.extract_strided_slice %and3A_1889 {offsets = [14], sizes = [1], strides = [1]} : vector<16xi32> to vector<1xi32>
    %squeeze3A_2079 = vector.extract %slice3A_2078[0] : i32 from vector<1xi32>
    %mul3A_2080 = arith.constant 16 : i32
    %mul3A_2081 = arith.muli %squeeze3A_2079, %mul3A_2080 : i32
    %add3A_2082 = arith.constant 2048 : i32
    %add3A_2083 = arith.addi %add3A_2082, %mul3A_2081 : i32
    %get3A_2084 = arith.index_cast %add3A_2083 : i32 to index
    %get3A_2085 = tpu.vector_load %arg6[%get3A_2084] {strides = array<i32>} : memref<12288xf32, #tpu.memory_space<vmem>>, vector<16xf32>,
    %slice3A_2086 = vector.extract_strided_slice %bitcast_convert_type3A_1893 {offsets = [14], sizes = [1], strides = [1]} : vector<16xf32> to vector<1xf32>
    %squeeze3A_2087 = vector.extract %slice3A_2086[0] : f32 from vector<1xf32>
    %mul3A_2088 = vector.broadcast %squeeze3A_2087 : f32 to vector<16xf32>
    %mul3A_2089 = arith.mulf %get3A_2085, %mul3A_2088 : vector<16xf32>
    %add3A_2090 = arith.addf %add3A_2077, %mul3A_2089 : vector<16xf32>
    %slice3A_2091 = vector.extract_strided_slice %and3A_1889 {offsets = [15], sizes = [1], strides = [1]} : vector<16xi32> to vector<1xi32>
    %squeeze3A_2092 = vector.extract %slice3A_2091[0] : i32 from vector<1xi32>
    %mul3A_2093 = arith.constant 16 : i32
    %mul3A_2094 = arith.muli %squeeze3A_2092, %mul3A_2093 : i32
    %add3A_2095 = arith.constant 2048 : i32
    %add3A_2096 = arith.addi %add3A_2095, %mul3A_2094 : i32
    %get3A_2097 = arith.index_cast %add3A_2096 : i32 to index
    %get3A_2098 = tpu.vector_load %arg6[%get3A_2097] {strides = array<i32>} : memref<12288xf32, #tpu.memory_space<vmem>>, vector<16xf32>,
    %slice3A_2099 = vector.extract_strided_slice %bitcast_convert_type3A_1893 {offsets = [15], sizes = [1], strides = [1]} : vector<16xf32> to vector<1xf32>
    %squeeze3A_2100 = vector.extract %slice3A_2099[0] : f32 from vector<1xf32>
    %mul3A_2101 = vector.broadcast %squeeze3A_2100 : f32 to vector<16xf32>
    %mul3A_2102 = arith.mulf %get3A_2098, %mul3A_2101 : vector<16xf32>
    %add3A_2103 = arith.addf %add3A_2090, %mul3A_2102 : vector<16xf32>
    %bitcast_convert_type3A_2104 = tpu.bitcast %add3A_2103 : vector<16xf32> -> vector<16xi32>
    %add3A_2105 = arith.constant 32767 : i32
    %add3A_2106 = vector.broadcast %add3A_2105 : i32 to vector<16xi32>
    %add3A_2107 = arith.addi %bitcast_convert_type3A_2104, %add3A_2106 : vector<16xi32>
    %shift_right_arithmetic3A_2108 = arith.constant 16 : i32
    %shift_right_arithmetic3A_2109 = vector.broadcast %shift_right_arithmetic3A_2108 : i32 to vector<16xi32>
    %shift_right_arithmetic3A_2110 = arith.shrsi %bitcast_convert_type3A_2104, %shift_right_arithmetic3A_2109 : vector<16xi32>
    %and3A_2111 = arith.constant 1 : i32
    %and3A_2112 = vector.broadcast %and3A_2111 : i32 to vector<16xi32>
    %and3A_2113 = arith.andi %shift_right_arithmetic3A_2110, %and3A_2112 : vector<16xi32>
    %add3A_2114 = arith.addi %add3A_2107, %and3A_2113 : vector<16xi32>
    %and3A_2115 = arith.constant -65536 : i32
    %and3A_2116 = vector.broadcast %and3A_2115 : i32 to vector<16xi32>
    %and3A_2117 = arith.andi %add3A_2114, %and3A_2116 : vector<16xi32>
    %shift_right_arithmetic3A_2118 = arith.constant 16 : i32
    %shift_right_arithmetic3A_2119 = vector.broadcast %shift_right_arithmetic3A_2118 : i32 to vector<16xi32>
    %shift_right_arithmetic3A_2120 = arith.shrsi %and3A_2117, %shift_right_arithmetic3A_2119 : vector<16xi32>
    %and3A_2121 = arith.constant 127 : i32
    %and3A_2122 = vector.broadcast %and3A_2121 : i32 to vector<16xi32>
    %and3A_2123 = arith.andi %shift_right_arithmetic3A_2120, %and3A_2122 : vector<16xi32>
    %and3A_2124 = arith.constant -8388608 : i32
    %and3A_2125 = vector.broadcast %and3A_2124 : i32 to vector<16xi32>
    %and3A_2126 = arith.andi %and3A_2117, %and3A_2125 : vector<16xi32>
    %bitcast_convert_type3A_2127 = tpu.bitcast %and3A_2126 : vector<16xi32> -> vector<16xf32>
    %broadcast_in_dim3A_2128 = arith.constant 0.000000e+00 : f32
    %broadcast_in_dim3A_2129 = vector.broadcast %broadcast_in_dim3A_2128 : f32 to vector<16xf32>
    %slice3A_2130 = vector.extract_strided_slice %and3A_2123 {offsets = [0], sizes = [1], strides = [1]} : vector<16xi32> to vector<1xi32>
    %squeeze3A_2131 = vector.extract %slice3A_2130[0] : i32 from vector<1xi32>
    %mul3A_2132 = arith.constant 16 : i32
    %mul3A_2133 = arith.muli %squeeze3A_2131, %mul3A_2132 : i32
    %add3A_2134 = arith.constant 4096 : i32
    %add3A_2135 = arith.addi %add3A_2134, %mul3A_2133 : i32
    %get3A_2136 = arith.index_cast %add3A_2135 : i32 to index
    %get3A_2137 = tpu.vector_load %arg6[%get3A_2136] {strides = array<i32>} : memref<12288xf32, #tpu.memory_space<vmem>>, vector<16xf32>,
    %slice3A_2138 = vector.extract_strided_slice %bitcast_convert_type3A_2127 {offsets = [0], sizes = [1], strides = [1]} : vector<16xf32> to vector<1xf32>
    %squeeze3A_2139 = vector.extract %slice3A_2138[0] : f32 from vector<1xf32>
    %mul3A_2140 = vector.broadcast %squeeze3A_2139 : f32 to vector<16xf32>
    %mul3A_2141 = arith.mulf %get3A_2137, %mul3A_2140 : vector<16xf32>
    %add3A_2142 = arith.addf %broadcast_in_dim3A_2129, %mul3A_2141 : vector<16xf32>
    %slice3A_2143 = vector.extract_strided_slice %and3A_2123 {offsets = [1], sizes = [1], strides = [1]} : vector<16xi32> to vector<1xi32>
    %squeeze3A_2144 = vector.extract %slice3A_2143[0] : i32 from vector<1xi32>
    %mul3A_2145 = arith.constant 16 : i32
    %mul3A_2146 = arith.muli %squeeze3A_2144, %mul3A_2145 : i32
    %add3A_2147 = arith.constant 4096 : i32
    %add3A_2148 = arith.addi %add3A_2147, %mul3A_2146 : i32
    %get3A_2149 = arith.index_cast %add3A_2148 : i32 to index
    %get3A_2150 = tpu.vector_load %arg6[%get3A_2149] {strides = array<i32>} : memref<12288xf32, #tpu.memory_space<vmem>>, vector<16xf32>,
    %slice3A_2151 = vector.extract_strided_slice %bitcast_convert_type3A_2127 {offsets = [1], sizes = [1], strides = [1]} : vector<16xf32> to vector<1xf32>
    %squeeze3A_2152 = vector.extract %slice3A_2151[0] : f32 from vector<1xf32>
    %mul3A_2153 = vector.broadcast %squeeze3A_2152 : f32 to vector<16xf32>
    %mul3A_2154 = arith.mulf %get3A_2150, %mul3A_2153 : vector<16xf32>
    %add3A_2155 = arith.addf %add3A_2142, %mul3A_2154 : vector<16xf32>
    %slice3A_2156 = vector.extract_strided_slice %and3A_2123 {offsets = [2], sizes = [1], strides = [1]} : vector<16xi32> to vector<1xi32>
    %squeeze3A_2157 = vector.extract %slice3A_2156[0] : i32 from vector<1xi32>
    %mul3A_2158 = arith.constant 16 : i32
    %mul3A_2159 = arith.muli %squeeze3A_2157, %mul3A_2158 : i32
    %add3A_2160 = arith.constant 4096 : i32
    %add3A_2161 = arith.addi %add3A_2160, %mul3A_2159 : i32
    %get3A_2162 = arith.index_cast %add3A_2161 : i32 to index
    %get3A_2163 = tpu.vector_load %arg6[%get3A_2162] {strides = array<i32>} : memref<12288xf32, #tpu.memory_space<vmem>>, vector<16xf32>,
    %slice3A_2164 = vector.extract_strided_slice %bitcast_convert_type3A_2127 {offsets = [2], sizes = [1], strides = [1]} : vector<16xf32> to vector<1xf32>
    %squeeze3A_2165 = vector.extract %slice3A_2164[0] : f32 from vector<1xf32>
    %mul3A_2166 = vector.broadcast %squeeze3A_2165 : f32 to vector<16xf32>
    %mul3A_2167 = arith.mulf %get3A_2163, %mul3A_2166 : vector<16xf32>
    %add3A_2168 = arith.addf %add3A_2155, %mul3A_2167 : vector<16xf32>
    %slice3A_2169 = vector.extract_strided_slice %and3A_2123 {offsets = [3], sizes = [1], strides = [1]} : vector<16xi32> to vector<1xi32>
    %squeeze3A_2170 = vector.extract %slice3A_2169[0] : i32 from vector<1xi32>
    %mul3A_2171 = arith.constant 16 : i32
    %mul3A_2172 = arith.muli %squeeze3A_2170, %mul3A_2171 : i32
    %add3A_2173 = arith.constant 4096 : i32
    %add3A_2174 = arith.addi %add3A_2173, %mul3A_2172 : i32
    %get3A_2175 = arith.index_cast %add3A_2174 : i32 to index
    %get3A_2176 = tpu.vector_load %arg6[%get3A_2175] {strides = array<i32>} : memref<12288xf32, #tpu.memory_space<vmem>>, vector<16xf32>,
    %slice3A_2177 = vector.extract_strided_slice %bitcast_convert_type3A_2127 {offsets = [3], sizes = [1], strides = [1]} : vector<16xf32> to vector<1xf32>
    %squeeze3A_2178 = vector.extract %slice3A_2177[0] : f32 from vector<1xf32>
    %mul3A_2179 = vector.broadcast %squeeze3A_2178 : f32 to vector<16xf32>
    %mul3A_2180 = arith.mulf %get3A_2176, %mul3A_2179 : vector<16xf32>
    %add3A_2181 = arith.addf %add3A_2168, %mul3A_2180 : vector<16xf32>
    %slice3A_2182 = vector.extract_strided_slice %and3A_2123 {offsets = [4], sizes = [1], strides = [1]} : vector<16xi32> to vector<1xi32>
    %squeeze3A_2183 = vector.extract %slice3A_2182[0] : i32 from vector<1xi32>
    %mul3A_2184 = arith.constant 16 : i32
    %mul3A_2185 = arith.muli %squeeze3A_2183, %mul3A_2184 : i32
    %add3A_2186 = arith.constant 4096 : i32
    %add3A_2187 = arith.addi %add3A_2186, %mul3A_2185 : i32
    %get3A_2188 = arith.index_cast %add3A_2187 : i32 to index
    %get3A_2189 = tpu.vector_load %arg6[%get3A_2188] {strides = array<i32>} : memref<12288xf32, #tpu.memory_space<vmem>>, vector<16xf32>,
    %slice3A_2190 = vector.extract_strided_slice %bitcast_convert_type3A_2127 {offsets = [4], sizes = [1], strides = [1]} : vector<16xf32> to vector<1xf32>
    %squeeze3A_2191 = vector.extract %slice3A_2190[0] : f32 from vector<1xf32>
    %mul3A_2192 = vector.broadcast %squeeze3A_2191 : f32 to vector<16xf32>
    %mul3A_2193 = arith.mulf %get3A_2189, %mul3A_2192 : vector<16xf32>
    %add3A_2194 = arith.addf %add3A_2181, %mul3A_2193 : vector<16xf32>
    %slice3A_2195 = vector.extract_strided_slice %and3A_2123 {offsets = [5], sizes = [1], strides = [1]} : vector<16xi32> to vector<1xi32>
    %squeeze3A_2196 = vector.extract %slice3A_2195[0] : i32 from vector<1xi32>
    %mul3A_2197 = arith.constant 16 : i32
    %mul3A_2198 = arith.muli %squeeze3A_2196, %mul3A_2197 : i32
    %add3A_2199 = arith.constant 4096 : i32
    %add3A_2200 = arith.addi %add3A_2199, %mul3A_2198 : i32
    %get3A_2201 = arith.index_cast %add3A_2200 : i32 to index
    %get3A_2202 = tpu.vector_load %arg6[%get3A_2201] {strides = array<i32>} : memref<12288xf32, #tpu.memory_space<vmem>>, vector<16xf32>,
    %slice3A_2203 = vector.extract_strided_slice %bitcast_convert_type3A_2127 {offsets = [5], sizes = [1], strides = [1]} : vector<16xf32> to vector<1xf32>
    %squeeze3A_2204 = vector.extract %slice3A_2203[0] : f32 from vector<1xf32>
    %mul3A_2205 = vector.broadcast %squeeze3A_2204 : f32 to vector<16xf32>
    %mul3A_2206 = arith.mulf %get3A_2202, %mul3A_2205 : vector<16xf32>
    %add3A_2207 = arith.addf %add3A_2194, %mul3A_2206 : vector<16xf32>
    %slice3A_2208 = vector.extract_strided_slice %and3A_2123 {offsets = [6], sizes = [1], strides = [1]} : vector<16xi32> to vector<1xi32>
    %squeeze3A_2209 = vector.extract %slice3A_2208[0] : i32 from vector<1xi32>
    %mul3A_2210 = arith.constant 16 : i32
    %mul3A_2211 = arith.muli %squeeze3A_2209, %mul3A_2210 : i32
    %add3A_2212 = arith.constant 4096 : i32
    %add3A_2213 = arith.addi %add3A_2212, %mul3A_2211 : i32
    %get3A_2214 = arith.index_cast %add3A_2213 : i32 to index
    %get3A_2215 = tpu.vector_load %arg6[%get3A_2214] {strides = array<i32>} : memref<12288xf32, #tpu.memory_space<vmem>>, vector<16xf32>,
    %slice3A_2216 = vector.extract_strided_slice %bitcast_convert_type3A_2127 {offsets = [6], sizes = [1], strides = [1]} : vector<16xf32> to vector<1xf32>
    %squeeze3A_2217 = vector.extract %slice3A_2216[0] : f32 from vector<1xf32>
    %mul3A_2218 = vector.broadcast %squeeze3A_2217 : f32 to vector<16xf32>
    %mul3A_2219 = arith.mulf %get3A_2215, %mul3A_2218 : vector<16xf32>
    %add3A_2220 = arith.addf %add3A_2207, %mul3A_2219 : vector<16xf32>
    %slice3A_2221 = vector.extract_strided_slice %and3A_2123 {offsets = [7], sizes = [1], strides = [1]} : vector<16xi32> to vector<1xi32>
    %squeeze3A_2222 = vector.extract %slice3A_2221[0] : i32 from vector<1xi32>
    %mul3A_2223 = arith.constant 16 : i32
    %mul3A_2224 = arith.muli %squeeze3A_2222, %mul3A_2223 : i32
    %add3A_2225 = arith.constant 4096 : i32
    %add3A_2226 = arith.addi %add3A_2225, %mul3A_2224 : i32
    %get3A_2227 = arith.index_cast %add3A_2226 : i32 to index
    %get3A_2228 = tpu.vector_load %arg6[%get3A_2227] {strides = array<i32>} : memref<12288xf32, #tpu.memory_space<vmem>>, vector<16xf32>,
    %slice3A_2229 = vector.extract_strided_slice %bitcast_convert_type3A_2127 {offsets = [7], sizes = [1], strides = [1]} : vector<16xf32> to vector<1xf32>
    %squeeze3A_2230 = vector.extract %slice3A_2229[0] : f32 from vector<1xf32>
    %mul3A_2231 = vector.broadcast %squeeze3A_2230 : f32 to vector<16xf32>
    %mul3A_2232 = arith.mulf %get3A_2228, %mul3A_2231 : vector<16xf32>
    %add3A_2233 = arith.addf %add3A_2220, %mul3A_2232 : vector<16xf32>
    %slice3A_2234 = vector.extract_strided_slice %and3A_2123 {offsets = [8], sizes = [1], strides = [1]} : vector<16xi32> to vector<1xi32>
    %squeeze3A_2235 = vector.extract %slice3A_2234[0] : i32 from vector<1xi32>
    %mul3A_2236 = arith.constant 16 : i32
    %mul3A_2237 = arith.muli %squeeze3A_2235, %mul3A_2236 : i32
    %add3A_2238 = arith.constant 4096 : i32
    %add3A_2239 = arith.addi %add3A_2238, %mul3A_2237 : i32
    %get3A_2240 = arith.index_cast %add3A_2239 : i32 to index
    %get3A_2241 = tpu.vector_load %arg6[%get3A_2240] {strides = array<i32>} : memref<12288xf32, #tpu.memory_space<vmem>>, vector<16xf32>,
    %slice3A_2242 = vector.extract_strided_slice %bitcast_convert_type3A_2127 {offsets = [8], sizes = [1], strides = [1]} : vector<16xf32> to vector<1xf32>
    %squeeze3A_2243 = vector.extract %slice3A_2242[0] : f32 from vector<1xf32>
    %mul3A_2244 = vector.broadcast %squeeze3A_2243 : f32 to vector<16xf32>
    %mul3A_2245 = arith.mulf %get3A_2241, %mul3A_2244 : vector<16xf32>
    %add3A_2246 = arith.addf %add3A_2233, %mul3A_2245 : vector<16xf32>
    %slice3A_2247 = vector.extract_strided_slice %and3A_2123 {offsets = [9], sizes = [1], strides = [1]} : vector<16xi32> to vector<1xi32>
    %squeeze3A_2248 = vector.extract %slice3A_2247[0] : i32 from vector<1xi32>
    %mul3A_2249 = arith.constant 16 : i32
    %mul3A_2250 = arith.muli %squeeze3A_2248, %mul3A_2249 : i32
    %add3A_2251 = arith.constant 4096 : i32
    %add3A_2252 = arith.addi %add3A_2251, %mul3A_2250 : i32
    %get3A_2253 = arith.index_cast %add3A_2252 : i32 to index
    %get3A_2254 = tpu.vector_load %arg6[%get3A_2253] {strides = array<i32>} : memref<12288xf32, #tpu.memory_space<vmem>>, vector<16xf32>,
    %slice3A_2255 = vector.extract_strided_slice %bitcast_convert_type3A_2127 {offsets = [9], sizes = [1], strides = [1]} : vector<16xf32> to vector<1xf32>
    %squeeze3A_2256 = vector.extract %slice3A_2255[0] : f32 from vector<1xf32>
    %mul3A_2257 = vector.broadcast %squeeze3A_2256 : f32 to vector<16xf32>
    %mul3A_2258 = arith.mulf %get3A_2254, %mul3A_2257 : vector<16xf32>
    %add3A_2259 = arith.addf %add3A_2246, %mul3A_2258 : vector<16xf32>
    %slice3A_2260 = vector.extract_strided_slice %and3A_2123 {offsets = [10], sizes = [1], strides = [1]} : vector<16xi32> to vector<1xi32>
    %squeeze3A_2261 = vector.extract %slice3A_2260[0] : i32 from vector<1xi32>
    %mul3A_2262 = arith.constant 16 : i32
    %mul3A_2263 = arith.muli %squeeze3A_2261, %mul3A_2262 : i32
    %add3A_2264 = arith.constant 4096 : i32
    %add3A_2265 = arith.addi %add3A_2264, %mul3A_2263 : i32
    %get3A_2266 = arith.index_cast %add3A_2265 : i32 to index
    %get3A_2267 = tpu.vector_load %arg6[%get3A_2266] {strides = array<i32>} : memref<12288xf32, #tpu.memory_space<vmem>>, vector<16xf32>,
    %slice3A_2268 = vector.extract_strided_slice %bitcast_convert_type3A_2127 {offsets = [10], sizes = [1], strides = [1]} : vector<16xf32> to vector<1xf32>
    %squeeze3A_2269 = vector.extract %slice3A_2268[0] : f32 from vector<1xf32>
    %mul3A_2270 = vector.broadcast %squeeze3A_2269 : f32 to vector<16xf32>
    %mul3A_2271 = arith.mulf %get3A_2267, %mul3A_2270 : vector<16xf32>
    %add3A_2272 = arith.addf %add3A_2259, %mul3A_2271 : vector<16xf32>
    %slice3A_2273 = vector.extract_strided_slice %and3A_2123 {offsets = [11], sizes = [1], strides = [1]} : vector<16xi32> to vector<1xi32>
    %squeeze3A_2274 = vector.extract %slice3A_2273[0] : i32 from vector<1xi32>
    %mul3A_2275 = arith.constant 16 : i32
    %mul3A_2276 = arith.muli %squeeze3A_2274, %mul3A_2275 : i32
    %add3A_2277 = arith.constant 4096 : i32
    %add3A_2278 = arith.addi %add3A_2277, %mul3A_2276 : i32
    %get3A_2279 = arith.index_cast %add3A_2278 : i32 to index
    %get3A_2280 = tpu.vector_load %arg6[%get3A_2279] {strides = array<i32>} : memref<12288xf32, #tpu.memory_space<vmem>>, vector<16xf32>,
    %slice3A_2281 = vector.extract_strided_slice %bitcast_convert_type3A_2127 {offsets = [11], sizes = [1], strides = [1]} : vector<16xf32> to vector<1xf32>
    %squeeze3A_2282 = vector.extract %slice3A_2281[0] : f32 from vector<1xf32>
    %mul3A_2283 = vector.broadcast %squeeze3A_2282 : f32 to vector<16xf32>
    %mul3A_2284 = arith.mulf %get3A_2280, %mul3A_2283 : vector<16xf32>
    %add3A_2285 = arith.addf %add3A_2272, %mul3A_2284 : vector<16xf32>
    %slice3A_2286 = vector.extract_strided_slice %and3A_2123 {offsets = [12], sizes = [1], strides = [1]} : vector<16xi32> to vector<1xi32>
    %squeeze3A_2287 = vector.extract %slice3A_2286[0] : i32 from vector<1xi32>
    %mul3A_2288 = arith.constant 16 : i32
    %mul3A_2289 = arith.muli %squeeze3A_2287, %mul3A_2288 : i32
    %add3A_2290 = arith.constant 4096 : i32
    %add3A_2291 = arith.addi %add3A_2290, %mul3A_2289 : i32
    %get3A_2292 = arith.index_cast %add3A_2291 : i32 to index
    %get3A_2293 = tpu.vector_load %arg6[%get3A_2292] {strides = array<i32>} : memref<12288xf32, #tpu.memory_space<vmem>>, vector<16xf32>,
    %slice3A_2294 = vector.extract_strided_slice %bitcast_convert_type3A_2127 {offsets = [12], sizes = [1], strides = [1]} : vector<16xf32> to vector<1xf32>
    %squeeze3A_2295 = vector.extract %slice3A_2294[0] : f32 from vector<1xf32>
    %mul3A_2296 = vector.broadcast %squeeze3A_2295 : f32 to vector<16xf32>
    %mul3A_2297 = arith.mulf %get3A_2293, %mul3A_2296 : vector<16xf32>
    %add3A_2298 = arith.addf %add3A_2285, %mul3A_2297 : vector<16xf32>
    %slice3A_2299 = vector.extract_strided_slice %and3A_2123 {offsets = [13], sizes = [1], strides = [1]} : vector<16xi32> to vector<1xi32>
    %squeeze3A_2300 = vector.extract %slice3A_2299[0] : i32 from vector<1xi32>
    %mul3A_2301 = arith.constant 16 : i32
    %mul3A_2302 = arith.muli %squeeze3A_2300, %mul3A_2301 : i32
    %add3A_2303 = arith.constant 4096 : i32
    %add3A_2304 = arith.addi %add3A_2303, %mul3A_2302 : i32
    %get3A_2305 = arith.index_cast %add3A_2304 : i32 to index
    %get3A_2306 = tpu.vector_load %arg6[%get3A_2305] {strides = array<i32>} : memref<12288xf32, #tpu.memory_space<vmem>>, vector<16xf32>,
    %slice3A_2307 = vector.extract_strided_slice %bitcast_convert_type3A_2127 {offsets = [13], sizes = [1], strides = [1]} : vector<16xf32> to vector<1xf32>
    %squeeze3A_2308 = vector.extract %slice3A_2307[0] : f32 from vector<1xf32>
    %mul3A_2309 = vector.broadcast %squeeze3A_2308 : f32 to vector<16xf32>
    %mul3A_2310 = arith.mulf %get3A_2306, %mul3A_2309 : vector<16xf32>
    %add3A_2311 = arith.addf %add3A_2298, %mul3A_2310 : vector<16xf32>
    %slice3A_2312 = vector.extract_strided_slice %and3A_2123 {offsets = [14], sizes = [1], strides = [1]} : vector<16xi32> to vector<1xi32>
    %squeeze3A_2313 = vector.extract %slice3A_2312[0] : i32 from vector<1xi32>
    %mul3A_2314 = arith.constant 16 : i32
    %mul3A_2315 = arith.muli %squeeze3A_2313, %mul3A_2314 : i32
    %add3A_2316 = arith.constant 4096 : i32
    %add3A_2317 = arith.addi %add3A_2316, %mul3A_2315 : i32
    %get3A_2318 = arith.index_cast %add3A_2317 : i32 to index
    %get3A_2319 = tpu.vector_load %arg6[%get3A_2318] {strides = array<i32>} : memref<12288xf32, #tpu.memory_space<vmem>>, vector<16xf32>,
    %slice3A_2320 = vector.extract_strided_slice %bitcast_convert_type3A_2127 {offsets = [14], sizes = [1], strides = [1]} : vector<16xf32> to vector<1xf32>
    %squeeze3A_2321 = vector.extract %slice3A_2320[0] : f32 from vector<1xf32>
    %mul3A_2322 = vector.broadcast %squeeze3A_2321 : f32 to vector<16xf32>
    %mul3A_2323 = arith.mulf %get3A_2319, %mul3A_2322 : vector<16xf32>
    %add3A_2324 = arith.addf %add3A_2311, %mul3A_2323 : vector<16xf32>
    %slice3A_2325 = vector.extract_strided_slice %and3A_2123 {offsets = [15], sizes = [1], strides = [1]} : vector<16xi32> to vector<1xi32>
    %squeeze3A_2326 = vector.extract %slice3A_2325[0] : i32 from vector<1xi32>
    %mul3A_2327 = arith.constant 16 : i32
    %mul3A_2328 = arith.muli %squeeze3A_2326, %mul3A_2327 : i32
    %add3A_2329 = arith.constant 4096 : i32
    %add3A_2330 = arith.addi %add3A_2329, %mul3A_2328 : i32
    %get3A_2331 = arith.index_cast %add3A_2330 : i32 to index
    %get3A_2332 = tpu.vector_load %arg6[%get3A_2331] {strides = array<i32>} : memref<12288xf32, #tpu.memory_space<vmem>>, vector<16xf32>,
    %slice3A_2333 = vector.extract_strided_slice %bitcast_convert_type3A_2127 {offsets = [15], sizes = [1], strides = [1]} : vector<16xf32> to vector<1xf32>
    %squeeze3A_2334 = vector.extract %slice3A_2333[0] : f32 from vector<1xf32>
    %mul3A_2335 = vector.broadcast %squeeze3A_2334 : f32 to vector<16xf32>
    %mul3A_2336 = arith.mulf %get3A_2332, %mul3A_2335 : vector<16xf32>
    %add3A_2337 = arith.addf %add3A_2324, %mul3A_2336 : vector<16xf32>
    %add3A_2338 = arith.addf %add3A_2337, %add3A_1869 : vector<16xf32>
    %bitcast_convert_type3A_2339 = tpu.bitcast %add3A_2338 : vector<16xf32> -> vector<16xi32>
    %add3A_2340 = arith.constant 32767 : i32
    %add3A_2341 = vector.broadcast %add3A_2340 : i32 to vector<16xi32>
    %add3A_2342 = arith.addi %bitcast_convert_type3A_2339, %add3A_2341 : vector<16xi32>
    %shift_right_arithmetic3A_2343 = arith.constant 16 : i32
    %shift_right_arithmetic3A_2344 = vector.broadcast %shift_right_arithmetic3A_2343 : i32 to vector<16xi32>
    %shift_right_arithmetic3A_2345 = arith.shrsi %bitcast_convert_type3A_2339, %shift_right_arithmetic3A_2344 : vector<16xi32>
    %and3A_2346 = arith.constant 1 : i32
    %and3A_2347 = vector.broadcast %and3A_2346 : i32 to vector<16xi32>
    %and3A_2348 = arith.andi %shift_right_arithmetic3A_2345, %and3A_2347 : vector<16xi32>
    %add3A_2349 = arith.addi %add3A_2342, %and3A_2348 : vector<16xi32>
    %and3A_2350 = arith.constant -65536 : i32
    %and3A_2351 = vector.broadcast %and3A_2350 : i32 to vector<16xi32>
    %and3A_2352 = arith.andi %add3A_2349, %and3A_2351 : vector<16xi32>
    %shift_right_arithmetic3A_2353 = arith.constant 16 : i32
    %shift_right_arithmetic3A_2354 = vector.broadcast %shift_right_arithmetic3A_2353 : i32 to vector<16xi32>
    %shift_right_arithmetic3A_2355 = arith.shrsi %and3A_2352, %shift_right_arithmetic3A_2354 : vector<16xi32>
    %and3A_2356 = arith.constant 127 : i32
    %and3A_2357 = vector.broadcast %and3A_2356 : i32 to vector<16xi32>
    %and3A_2358 = arith.andi %shift_right_arithmetic3A_2355, %and3A_2357 : vector<16xi32>
    %and3A_2359 = arith.constant -8388608 : i32
    %and3A_2360 = vector.broadcast %and3A_2359 : i32 to vector<16xi32>
    %and3A_2361 = arith.andi %and3A_2352, %and3A_2360 : vector<16xi32>
    %bitcast_convert_type3A_2362 = tpu.bitcast %and3A_2361 : vector<16xi32> -> vector<16xf32>
    %broadcast_in_dim3A_2363 = arith.constant 0.000000e+00 : f32
    %broadcast_in_dim3A_2364 = vector.broadcast %broadcast_in_dim3A_2363 : f32 to vector<16xf32>
    %slice3A_2365 = vector.extract_strided_slice %and3A_2358 {offsets = [0], sizes = [1], strides = [1]} : vector<16xi32> to vector<1xi32>
    %squeeze3A_2366 = vector.extract %slice3A_2365[0] : i32 from vector<1xi32>
    %mul3A_2367 = arith.constant 16 : i32
    %mul3A_2368 = arith.muli %squeeze3A_2366, %mul3A_2367 : i32
    %add3A_2369 = arith.constant 6144 : i32
    %add3A_2370 = arith.addi %add3A_2369, %mul3A_2368 : i32
    %get3A_2371 = arith.index_cast %add3A_2370 : i32 to index
    %get3A_2372 = tpu.vector_load %arg6[%get3A_2371] {strides = array<i32>} : memref<12288xf32, #tpu.memory_space<vmem>>, vector<16xf32>,
    %slice3A_2373 = vector.extract_strided_slice %bitcast_convert_type3A_2362 {offsets = [0], sizes = [1], strides = [1]} : vector<16xf32> to vector<1xf32>
    %squeeze3A_2374 = vector.extract %slice3A_2373[0] : f32 from vector<1xf32>
    %mul3A_2375 = vector.broadcast %squeeze3A_2374 : f32 to vector<16xf32>
    %mul3A_2376 = arith.mulf %get3A_2372, %mul3A_2375 : vector<16xf32>
    %add3A_2377 = arith.addf %broadcast_in_dim3A_2364, %mul3A_2376 : vector<16xf32>
    %slice3A_2378 = vector.extract_strided_slice %and3A_2358 {offsets = [1], sizes = [1], strides = [1]} : vector<16xi32> to vector<1xi32>
    %squeeze3A_2379 = vector.extract %slice3A_2378[0] : i32 from vector<1xi32>
    %mul3A_2380 = arith.constant 16 : i32
    %mul3A_2381 = arith.muli %squeeze3A_2379, %mul3A_2380 : i32
    %add3A_2382 = arith.constant 6144 : i32
    %add3A_2383 = arith.addi %add3A_2382, %mul3A_2381 : i32
    %get3A_2384 = arith.index_cast %add3A_2383 : i32 to index
    %get3A_2385 = tpu.vector_load %arg6[%get3A_2384] {strides = array<i32>} : memref<12288xf32, #tpu.memory_space<vmem>>, vector<16xf32>,
    %slice3A_2386 = vector.extract_strided_slice %bitcast_convert_type3A_2362 {offsets = [1], sizes = [1], strides = [1]} : vector<16xf32> to vector<1xf32>
    %squeeze3A_2387 = vector.extract %slice3A_2386[0] : f32 from vector<1xf32>
    %mul3A_2388 = vector.broadcast %squeeze3A_2387 : f32 to vector<16xf32>
    %mul3A_2389 = arith.mulf %get3A_2385, %mul3A_2388 : vector<16xf32>
    %add3A_2390 = arith.addf %add3A_2377, %mul3A_2389 : vector<16xf32>
    %slice3A_2391 = vector.extract_strided_slice %and3A_2358 {offsets = [2], sizes = [1], strides = [1]} : vector<16xi32> to vector<1xi32>
    %squeeze3A_2392 = vector.extract %slice3A_2391[0] : i32 from vector<1xi32>
    %mul3A_2393 = arith.constant 16 : i32
    %mul3A_2394 = arith.muli %squeeze3A_2392, %mul3A_2393 : i32
    %add3A_2395 = arith.constant 6144 : i32
    %add3A_2396 = arith.addi %add3A_2395, %mul3A_2394 : i32
    %get3A_2397 = arith.index_cast %add3A_2396 : i32 to index
    %get3A_2398 = tpu.vector_load %arg6[%get3A_2397] {strides = array<i32>} : memref<12288xf32, #tpu.memory_space<vmem>>, vector<16xf32>,
    %slice3A_2399 = vector.extract_strided_slice %bitcast_convert_type3A_2362 {offsets = [2], sizes = [1], strides = [1]} : vector<16xf32> to vector<1xf32>
    %squeeze3A_2400 = vector.extract %slice3A_2399[0] : f32 from vector<1xf32>
    %mul3A_2401 = vector.broadcast %squeeze3A_2400 : f32 to vector<16xf32>
    %mul3A_2402 = arith.mulf %get3A_2398, %mul3A_2401 : vector<16xf32>
    %add3A_2403 = arith.addf %add3A_2390, %mul3A_2402 : vector<16xf32>
    %slice3A_2404 = vector.extract_strided_slice %and3A_2358 {offsets = [3], sizes = [1], strides = [1]} : vector<16xi32> to vector<1xi32>
    %squeeze3A_2405 = vector.extract %slice3A_2404[0] : i32 from vector<1xi32>
    %mul3A_2406 = arith.constant 16 : i32
    %mul3A_2407 = arith.muli %squeeze3A_2405, %mul3A_2406 : i32
    %add3A_2408 = arith.constant 6144 : i32
    %add3A_2409 = arith.addi %add3A_2408, %mul3A_2407 : i32
    %get3A_2410 = arith.index_cast %add3A_2409 : i32 to index
    %get3A_2411 = tpu.vector_load %arg6[%get3A_2410] {strides = array<i32>} : memref<12288xf32, #tpu.memory_space<vmem>>, vector<16xf32>,
    %slice3A_2412 = vector.extract_strided_slice %bitcast_convert_type3A_2362 {offsets = [3], sizes = [1], strides = [1]} : vector<16xf32> to vector<1xf32>
    %squeeze3A_2413 = vector.extract %slice3A_2412[0] : f32 from vector<1xf32>
    %mul3A_2414 = vector.broadcast %squeeze3A_2413 : f32 to vector<16xf32>
    %mul3A_2415 = arith.mulf %get3A_2411, %mul3A_2414 : vector<16xf32>
    %add3A_2416 = arith.addf %add3A_2403, %mul3A_2415 : vector<16xf32>
    %slice3A_2417 = vector.extract_strided_slice %and3A_2358 {offsets = [4], sizes = [1], strides = [1]} : vector<16xi32> to vector<1xi32>
    %squeeze3A_2418 = vector.extract %slice3A_2417[0] : i32 from vector<1xi32>
    %mul3A_2419 = arith.constant 16 : i32
    %mul3A_2420 = arith.muli %squeeze3A_2418, %mul3A_2419 : i32
    %add3A_2421 = arith.constant 6144 : i32
    %add3A_2422 = arith.addi %add3A_2421, %mul3A_2420 : i32
    %get3A_2423 = arith.index_cast %add3A_2422 : i32 to index
    %get3A_2424 = tpu.vector_load %arg6[%get3A_2423] {strides = array<i32>} : memref<12288xf32, #tpu.memory_space<vmem>>, vector<16xf32>,
    %slice3A_2425 = vector.extract_strided_slice %bitcast_convert_type3A_2362 {offsets = [4], sizes = [1], strides = [1]} : vector<16xf32> to vector<1xf32>
    %squeeze3A_2426 = vector.extract %slice3A_2425[0] : f32 from vector<1xf32>
    %mul3A_2427 = vector.broadcast %squeeze3A_2426 : f32 to vector<16xf32>
    %mul3A_2428 = arith.mulf %get3A_2424, %mul3A_2427 : vector<16xf32>
    %add3A_2429 = arith.addf %add3A_2416, %mul3A_2428 : vector<16xf32>
    %slice3A_2430 = vector.extract_strided_slice %and3A_2358 {offsets = [5], sizes = [1], strides = [1]} : vector<16xi32> to vector<1xi32>
    %squeeze3A_2431 = vector.extract %slice3A_2430[0] : i32 from vector<1xi32>
    %mul3A_2432 = arith.constant 16 : i32
    %mul3A_2433 = arith.muli %squeeze3A_2431, %mul3A_2432 : i32
    %add3A_2434 = arith.constant 6144 : i32
    %add3A_2435 = arith.addi %add3A_2434, %mul3A_2433 : i32
    %get3A_2436 = arith.index_cast %add3A_2435 : i32 to index
    %get3A_2437 = tpu.vector_load %arg6[%get3A_2436] {strides = array<i32>} : memref<12288xf32, #tpu.memory_space<vmem>>, vector<16xf32>,
    %slice3A_2438 = vector.extract_strided_slice %bitcast_convert_type3A_2362 {offsets = [5], sizes = [1], strides = [1]} : vector<16xf32> to vector<1xf32>
    %squeeze3A_2439 = vector.extract %slice3A_2438[0] : f32 from vector<1xf32>
    %mul3A_2440 = vector.broadcast %squeeze3A_2439 : f32 to vector<16xf32>
    %mul3A_2441 = arith.mulf %get3A_2437, %mul3A_2440 : vector<16xf32>
    %add3A_2442 = arith.addf %add3A_2429, %mul3A_2441 : vector<16xf32>
    %slice3A_2443 = vector.extract_strided_slice %and3A_2358 {offsets = [6], sizes = [1], strides = [1]} : vector<16xi32> to vector<1xi32>
    %squeeze3A_2444 = vector.extract %slice3A_2443[0] : i32 from vector<1xi32>
    %mul3A_2445 = arith.constant 16 : i32
    %mul3A_2446 = arith.muli %squeeze3A_2444, %mul3A_2445 : i32
    %add3A_2447 = arith.constant 6144 : i32
    %add3A_2448 = arith.addi %add3A_2447, %mul3A_2446 : i32
    %get3A_2449 = arith.index_cast %add3A_2448 : i32 to index
    %get3A_2450 = tpu.vector_load %arg6[%get3A_2449] {strides = array<i32>} : memref<12288xf32, #tpu.memory_space<vmem>>, vector<16xf32>,
    %slice3A_2451 = vector.extract_strided_slice %bitcast_convert_type3A_2362 {offsets = [6], sizes = [1], strides = [1]} : vector<16xf32> to vector<1xf32>
    %squeeze3A_2452 = vector.extract %slice3A_2451[0] : f32 from vector<1xf32>
    %mul3A_2453 = vector.broadcast %squeeze3A_2452 : f32 to vector<16xf32>
    %mul3A_2454 = arith.mulf %get3A_2450, %mul3A_2453 : vector<16xf32>
    %add3A_2455 = arith.addf %add3A_2442, %mul3A_2454 : vector<16xf32>
    %slice3A_2456 = vector.extract_strided_slice %and3A_2358 {offsets = [7], sizes = [1], strides = [1]} : vector<16xi32> to vector<1xi32>
    %squeeze3A_2457 = vector.extract %slice3A_2456[0] : i32 from vector<1xi32>
    %mul3A_2458 = arith.constant 16 : i32
    %mul3A_2459 = arith.muli %squeeze3A_2457, %mul3A_2458 : i32
    %add3A_2460 = arith.constant 6144 : i32
    %add3A_2461 = arith.addi %add3A_2460, %mul3A_2459 : i32
    %get3A_2462 = arith.index_cast %add3A_2461 : i32 to index
    %get3A_2463 = tpu.vector_load %arg6[%get3A_2462] {strides = array<i32>} : memref<12288xf32, #tpu.memory_space<vmem>>, vector<16xf32>,
    %slice3A_2464 = vector.extract_strided_slice %bitcast_convert_type3A_2362 {offsets = [7], sizes = [1], strides = [1]} : vector<16xf32> to vector<1xf32>
    %squeeze3A_2465 = vector.extract %slice3A_2464[0] : f32 from vector<1xf32>
    %mul3A_2466 = vector.broadcast %squeeze3A_2465 : f32 to vector<16xf32>
    %mul3A_2467 = arith.mulf %get3A_2463, %mul3A_2466 : vector<16xf32>
    %add3A_2468 = arith.addf %add3A_2455, %mul3A_2467 : vector<16xf32>
    %slice3A_2469 = vector.extract_strided_slice %and3A_2358 {offsets = [8], sizes = [1], strides = [1]} : vector<16xi32> to vector<1xi32>
    %squeeze3A_2470 = vector.extract %slice3A_2469[0] : i32 from vector<1xi32>
    %mul3A_2471 = arith.constant 16 : i32
    %mul3A_2472 = arith.muli %squeeze3A_2470, %mul3A_2471 : i32
    %add3A_2473 = arith.constant 6144 : i32
    %add3A_2474 = arith.addi %add3A_2473, %mul3A_2472 : i32
    %get3A_2475 = arith.index_cast %add3A_2474 : i32 to index
    %get3A_2476 = tpu.vector_load %arg6[%get3A_2475] {strides = array<i32>} : memref<12288xf32, #tpu.memory_space<vmem>>, vector<16xf32>,
    %slice3A_2477 = vector.extract_strided_slice %bitcast_convert_type3A_2362 {offsets = [8], sizes = [1], strides = [1]} : vector<16xf32> to vector<1xf32>
    %squeeze3A_2478 = vector.extract %slice3A_2477[0] : f32 from vector<1xf32>
    %mul3A_2479 = vector.broadcast %squeeze3A_2478 : f32 to vector<16xf32>
    %mul3A_2480 = arith.mulf %get3A_2476, %mul3A_2479 : vector<16xf32>
    %add3A_2481 = arith.addf %add3A_2468, %mul3A_2480 : vector<16xf32>
    %slice3A_2482 = vector.extract_strided_slice %and3A_2358 {offsets = [9], sizes = [1], strides = [1]} : vector<16xi32> to vector<1xi32>
    %squeeze3A_2483 = vector.extract %slice3A_2482[0] : i32 from vector<1xi32>
    %mul3A_2484 = arith.constant 16 : i32
    %mul3A_2485 = arith.muli %squeeze3A_2483, %mul3A_2484 : i32
    %add3A_2486 = arith.constant 6144 : i32
    %add3A_2487 = arith.addi %add3A_2486, %mul3A_2485 : i32
    %get3A_2488 = arith.index_cast %add3A_2487 : i32 to index
    %get3A_2489 = tpu.vector_load %arg6[%get3A_2488] {strides = array<i32>} : memref<12288xf32, #tpu.memory_space<vmem>>, vector<16xf32>,
    %slice3A_2490 = vector.extract_strided_slice %bitcast_convert_type3A_2362 {offsets = [9], sizes = [1], strides = [1]} : vector<16xf32> to vector<1xf32>
    %squeeze3A_2491 = vector.extract %slice3A_2490[0] : f32 from vector<1xf32>
    %mul3A_2492 = vector.broadcast %squeeze3A_2491 : f32 to vector<16xf32>
    %mul3A_2493 = arith.mulf %get3A_2489, %mul3A_2492 : vector<16xf32>
    %add3A_2494 = arith.addf %add3A_2481, %mul3A_2493 : vector<16xf32>
    %slice3A_2495 = vector.extract_strided_slice %and3A_2358 {offsets = [10], sizes = [1], strides = [1]} : vector<16xi32> to vector<1xi32>
    %squeeze3A_2496 = vector.extract %slice3A_2495[0] : i32 from vector<1xi32>
    %mul3A_2497 = arith.constant 16 : i32
    %mul3A_2498 = arith.muli %squeeze3A_2496, %mul3A_2497 : i32
    %add3A_2499 = arith.constant 6144 : i32
    %add3A_2500 = arith.addi %add3A_2499, %mul3A_2498 : i32
    %get3A_2501 = arith.index_cast %add3A_2500 : i32 to index
    %get3A_2502 = tpu.vector_load %arg6[%get3A_2501] {strides = array<i32>} : memref<12288xf32, #tpu.memory_space<vmem>>, vector<16xf32>,
    %slice3A_2503 = vector.extract_strided_slice %bitcast_convert_type3A_2362 {offsets = [10], sizes = [1], strides = [1]} : vector<16xf32> to vector<1xf32>
    %squeeze3A_2504 = vector.extract %slice3A_2503[0] : f32 from vector<1xf32>
    %mul3A_2505 = vector.broadcast %squeeze3A_2504 : f32 to vector<16xf32>
    %mul3A_2506 = arith.mulf %get3A_2502, %mul3A_2505 : vector<16xf32>
    %add3A_2507 = arith.addf %add3A_2494, %mul3A_2506 : vector<16xf32>
    %slice3A_2508 = vector.extract_strided_slice %and3A_2358 {offsets = [11], sizes = [1], strides = [1]} : vector<16xi32> to vector<1xi32>
    %squeeze3A_2509 = vector.extract %slice3A_2508[0] : i32 from vector<1xi32>
    %mul3A_2510 = arith.constant 16 : i32
    %mul3A_2511 = arith.muli %squeeze3A_2509, %mul3A_2510 : i32
    %add3A_2512 = arith.constant 6144 : i32
    %add3A_2513 = arith.addi %add3A_2512, %mul3A_2511 : i32
    %get3A_2514 = arith.index_cast %add3A_2513 : i32 to index
    %get3A_2515 = tpu.vector_load %arg6[%get3A_2514] {strides = array<i32>} : memref<12288xf32, #tpu.memory_space<vmem>>, vector<16xf32>,
    %slice3A_2516 = vector.extract_strided_slice %bitcast_convert_type3A_2362 {offsets = [11], sizes = [1], strides = [1]} : vector<16xf32> to vector<1xf32>
    %squeeze3A_2517 = vector.extract %slice3A_2516[0] : f32 from vector<1xf32>
    %mul3A_2518 = vector.broadcast %squeeze3A_2517 : f32 to vector<16xf32>
    %mul3A_2519 = arith.mulf %get3A_2515, %mul3A_2518 : vector<16xf32>
    %add3A_2520 = arith.addf %add3A_2507, %mul3A_2519 : vector<16xf32>
    %slice3A_2521 = vector.extract_strided_slice %and3A_2358 {offsets = [12], sizes = [1], strides = [1]} : vector<16xi32> to vector<1xi32>
    %squeeze3A_2522 = vector.extract %slice3A_2521[0] : i32 from vector<1xi32>
    %mul3A_2523 = arith.constant 16 : i32
    %mul3A_2524 = arith.muli %squeeze3A_2522, %mul3A_2523 : i32
    %add3A_2525 = arith.constant 6144 : i32
    %add3A_2526 = arith.addi %add3A_2525, %mul3A_2524 : i32
    %get3A_2527 = arith.index_cast %add3A_2526 : i32 to index
    %get3A_2528 = tpu.vector_load %arg6[%get3A_2527] {strides = array<i32>} : memref<12288xf32, #tpu.memory_space<vmem>>, vector<16xf32>,
    %slice3A_2529 = vector.extract_strided_slice %bitcast_convert_type3A_2362 {offsets = [12], sizes = [1], strides = [1]} : vector<16xf32> to vector<1xf32>
    %squeeze3A_2530 = vector.extract %slice3A_2529[0] : f32 from vector<1xf32>
    %mul3A_2531 = vector.broadcast %squeeze3A_2530 : f32 to vector<16xf32>
    %mul3A_2532 = arith.mulf %get3A_2528, %mul3A_2531 : vector<16xf32>
    %add3A_2533 = arith.addf %add3A_2520, %mul3A_2532 : vector<16xf32>
    %slice3A_2534 = vector.extract_strided_slice %and3A_2358 {offsets = [13], sizes = [1], strides = [1]} : vector<16xi32> to vector<1xi32>
    %squeeze3A_2535 = vector.extract %slice3A_2534[0] : i32 from vector<1xi32>
    %mul3A_2536 = arith.constant 16 : i32
    %mul3A_2537 = arith.muli %squeeze3A_2535, %mul3A_2536 : i32
    %add3A_2538 = arith.constant 6144 : i32
    %add3A_2539 = arith.addi %add3A_2538, %mul3A_2537 : i32
    %get3A_2540 = arith.index_cast %add3A_2539 : i32 to index
    %get3A_2541 = tpu.vector_load %arg6[%get3A_2540] {strides = array<i32>} : memref<12288xf32, #tpu.memory_space<vmem>>, vector<16xf32>,
    %slice3A_2542 = vector.extract_strided_slice %bitcast_convert_type3A_2362 {offsets = [13], sizes = [1], strides = [1]} : vector<16xf32> to vector<1xf32>
    %squeeze3A_2543 = vector.extract %slice3A_2542[0] : f32 from vector<1xf32>
    %mul3A_2544 = vector.broadcast %squeeze3A_2543 : f32 to vector<16xf32>
    %mul3A_2545 = arith.mulf %get3A_2541, %mul3A_2544 : vector<16xf32>
    %add3A_2546 = arith.addf %add3A_2533, %mul3A_2545 : vector<16xf32>
    %slice3A_2547 = vector.extract_strided_slice %and3A_2358 {offsets = [14], sizes = [1], strides = [1]} : vector<16xi32> to vector<1xi32>
    %squeeze3A_2548 = vector.extract %slice3A_2547[0] : i32 from vector<1xi32>
    %mul3A_2549 = arith.constant 16 : i32
    %mul3A_2550 = arith.muli %squeeze3A_2548, %mul3A_2549 : i32
    %add3A_2551 = arith.constant 6144 : i32
    %add3A_2552 = arith.addi %add3A_2551, %mul3A_2550 : i32
    %get3A_2553 = arith.index_cast %add3A_2552 : i32 to index
    %get3A_2554 = tpu.vector_load %arg6[%get3A_2553] {strides = array<i32>} : memref<12288xf32, #tpu.memory_space<vmem>>, vector<16xf32>,
    %slice3A_2555 = vector.extract_strided_slice %bitcast_convert_type3A_2362 {offsets = [14], sizes = [1], strides = [1]} : vector<16xf32> to vector<1xf32>
    %squeeze3A_2556 = vector.extract %slice3A_2555[0] : f32 from vector<1xf32>
    %mul3A_2557 = vector.broadcast %squeeze3A_2556 : f32 to vector<16xf32>
    %mul3A_2558 = arith.mulf %get3A_2554, %mul3A_2557 : vector<16xf32>
    %add3A_2559 = arith.addf %add3A_2546, %mul3A_2558 : vector<16xf32>
    %slice3A_2560 = vector.extract_strided_slice %and3A_2358 {offsets = [15], sizes = [1], strides = [1]} : vector<16xi32> to vector<1xi32>
    %squeeze3A_2561 = vector.extract %slice3A_2560[0] : i32 from vector<1xi32>
    %mul3A_2562 = arith.constant 16 : i32
    %mul3A_2563 = arith.muli %squeeze3A_2561, %mul3A_2562 : i32
    %add3A_2564 = arith.constant 6144 : i32
    %add3A_2565 = arith.addi %add3A_2564, %mul3A_2563 : i32
    %get3A_2566 = arith.index_cast %add3A_2565 : i32 to index
    %get3A_2567 = tpu.vector_load %arg6[%get3A_2566] {strides = array<i32>} : memref<12288xf32, #tpu.memory_space<vmem>>, vector<16xf32>,
    %slice3A_2568 = vector.extract_strided_slice %bitcast_convert_type3A_2362 {offsets = [15], sizes = [1], strides = [1]} : vector<16xf32> to vector<1xf32>
    %squeeze3A_2569 = vector.extract %slice3A_2568[0] : f32 from vector<1xf32>
    %mul3A_2570 = vector.broadcast %squeeze3A_2569 : f32 to vector<16xf32>
    %mul3A_2571 = arith.mulf %get3A_2567, %mul3A_2570 : vector<16xf32>
    %add3A_2572 = arith.addf %add3A_2559, %mul3A_2571 : vector<16xf32>
    %bitcast_convert_type3A_2573 = tpu.bitcast %add3A_2572 : vector<16xf32> -> vector<16xi32>
    %add3A_2574 = arith.constant 32767 : i32
    %add3A_2575 = vector.broadcast %add3A_2574 : i32 to vector<16xi32>
    %add3A_2576 = arith.addi %bitcast_convert_type3A_2573, %add3A_2575 : vector<16xi32>
    %shift_right_arithmetic3A_2577 = arith.constant 16 : i32
    %shift_right_arithmetic3A_2578 = vector.broadcast %shift_right_arithmetic3A_2577 : i32 to vector<16xi32>
    %shift_right_arithmetic3A_2579 = arith.shrsi %bitcast_convert_type3A_2573, %shift_right_arithmetic3A_2578 : vector<16xi32>
    %and3A_2580 = arith.constant 1 : i32
    %and3A_2581 = vector.broadcast %and3A_2580 : i32 to vector<16xi32>
    %and3A_2582 = arith.andi %shift_right_arithmetic3A_2579, %and3A_2581 : vector<16xi32>
    %add3A_2583 = arith.addi %add3A_2576, %and3A_2582 : vector<16xi32>
    %and3A_2584 = arith.constant -65536 : i32
    %and3A_2585 = vector.broadcast %and3A_2584 : i32 to vector<16xi32>
    %and3A_2586 = arith.andi %add3A_2583, %and3A_2585 : vector<16xi32>
    %shift_right_arithmetic3A_2587 = arith.constant 16 : i32
    %shift_right_arithmetic3A_2588 = vector.broadcast %shift_right_arithmetic3A_2587 : i32 to vector<16xi32>
    %shift_right_arithmetic3A_2589 = arith.shrsi %and3A_2586, %shift_right_arithmetic3A_2588 : vector<16xi32>
    %and3A_2590 = arith.constant 127 : i32
    %and3A_2591 = vector.broadcast %and3A_2590 : i32 to vector<16xi32>
    %and3A_2592 = arith.andi %shift_right_arithmetic3A_2589, %and3A_2591 : vector<16xi32>
    %and3A_2593 = arith.constant -8388608 : i32
    %and3A_2594 = vector.broadcast %and3A_2593 : i32 to vector<16xi32>
    %and3A_2595 = arith.andi %and3A_2586, %and3A_2594 : vector<16xi32>
    %bitcast_convert_type3A_2596 = tpu.bitcast %and3A_2595 : vector<16xi32> -> vector<16xf32>
    %broadcast_in_dim3A_2597 = arith.constant 0.000000e+00 : f32
    %broadcast_in_dim3A_2598 = vector.broadcast %broadcast_in_dim3A_2597 : f32 to vector<16xf32>
    %slice3A_2599 = vector.extract_strided_slice %and3A_2592 {offsets = [0], sizes = [1], strides = [1]} : vector<16xi32> to vector<1xi32>
    %squeeze3A_2600 = vector.extract %slice3A_2599[0] : i32 from vector<1xi32>
    %mul3A_2601 = arith.constant 16 : i32
    %mul3A_2602 = arith.muli %squeeze3A_2600, %mul3A_2601 : i32
    %add3A_2603 = arith.constant 8192 : i32
    %add3A_2604 = arith.addi %add3A_2603, %mul3A_2602 : i32
    %get3A_2605 = arith.index_cast %add3A_2604 : i32 to index
    %get3A_2606 = tpu.vector_load %arg6[%get3A_2605] {strides = array<i32>} : memref<12288xf32, #tpu.memory_space<vmem>>, vector<16xf32>,
    %slice3A_2607 = vector.extract_strided_slice %bitcast_convert_type3A_2596 {offsets = [0], sizes = [1], strides = [1]} : vector<16xf32> to vector<1xf32>
    %squeeze3A_2608 = vector.extract %slice3A_2607[0] : f32 from vector<1xf32>
    %mul3A_2609 = vector.broadcast %squeeze3A_2608 : f32 to vector<16xf32>
    %mul3A_2610 = arith.mulf %get3A_2606, %mul3A_2609 : vector<16xf32>
    %add3A_2611 = arith.addf %broadcast_in_dim3A_2598, %mul3A_2610 : vector<16xf32>
    %slice3A_2612 = vector.extract_strided_slice %and3A_2592 {offsets = [1], sizes = [1], strides = [1]} : vector<16xi32> to vector<1xi32>
    %squeeze3A_2613 = vector.extract %slice3A_2612[0] : i32 from vector<1xi32>
    %mul3A_2614 = arith.constant 16 : i32
    %mul3A_2615 = arith.muli %squeeze3A_2613, %mul3A_2614 : i32
    %add3A_2616 = arith.constant 8192 : i32
    %add3A_2617 = arith.addi %add3A_2616, %mul3A_2615 : i32
    %get3A_2618 = arith.index_cast %add3A_2617 : i32 to index
    %get3A_2619 = tpu.vector_load %arg6[%get3A_2618] {strides = array<i32>} : memref<12288xf32, #tpu.memory_space<vmem>>, vector<16xf32>,
    %slice3A_2620 = vector.extract_strided_slice %bitcast_convert_type3A_2596 {offsets = [1], sizes = [1], strides = [1]} : vector<16xf32> to vector<1xf32>
    %squeeze3A_2621 = vector.extract %slice3A_2620[0] : f32 from vector<1xf32>
    %mul3A_2622 = vector.broadcast %squeeze3A_2621 : f32 to vector<16xf32>
    %mul3A_2623 = arith.mulf %get3A_2619, %mul3A_2622 : vector<16xf32>
    %add3A_2624 = arith.addf %add3A_2611, %mul3A_2623 : vector<16xf32>
    %slice3A_2625 = vector.extract_strided_slice %and3A_2592 {offsets = [2], sizes = [1], strides = [1]} : vector<16xi32> to vector<1xi32>
    %squeeze3A_2626 = vector.extract %slice3A_2625[0] : i32 from vector<1xi32>
    %mul3A_2627 = arith.constant 16 : i32
    %mul3A_2628 = arith.muli %squeeze3A_2626, %mul3A_2627 : i32
    %add3A_2629 = arith.constant 8192 : i32
    %add3A_2630 = arith.addi %add3A_2629, %mul3A_2628 : i32
    %get3A_2631 = arith.index_cast %add3A_2630 : i32 to index
    %get3A_2632 = tpu.vector_load %arg6[%get3A_2631] {strides = array<i32>} : memref<12288xf32, #tpu.memory_space<vmem>>, vector<16xf32>,
    %slice3A_2633 = vector.extract_strided_slice %bitcast_convert_type3A_2596 {offsets = [2], sizes = [1], strides = [1]} : vector<16xf32> to vector<1xf32>
    %squeeze3A_2634 = vector.extract %slice3A_2633[0] : f32 from vector<1xf32>
    %mul3A_2635 = vector.broadcast %squeeze3A_2634 : f32 to vector<16xf32>
    %mul3A_2636 = arith.mulf %get3A_2632, %mul3A_2635 : vector<16xf32>
    %add3A_2637 = arith.addf %add3A_2624, %mul3A_2636 : vector<16xf32>
    %slice3A_2638 = vector.extract_strided_slice %and3A_2592 {offsets = [3], sizes = [1], strides = [1]} : vector<16xi32> to vector<1xi32>
    %squeeze3A_2639 = vector.extract %slice3A_2638[0] : i32 from vector<1xi32>
    %mul3A_2640 = arith.constant 16 : i32
    %mul3A_2641 = arith.muli %squeeze3A_2639, %mul3A_2640 : i32
    %add3A_2642 = arith.constant 8192 : i32
    %add3A_2643 = arith.addi %add3A_2642, %mul3A_2641 : i32
    %get3A_2644 = arith.index_cast %add3A_2643 : i32 to index
    %get3A_2645 = tpu.vector_load %arg6[%get3A_2644] {strides = array<i32>} : memref<12288xf32, #tpu.memory_space<vmem>>, vector<16xf32>,
    %slice3A_2646 = vector.extract_strided_slice %bitcast_convert_type3A_2596 {offsets = [3], sizes = [1], strides = [1]} : vector<16xf32> to vector<1xf32>
    %squeeze3A_2647 = vector.extract %slice3A_2646[0] : f32 from vector<1xf32>
    %mul3A_2648 = vector.broadcast %squeeze3A_2647 : f32 to vector<16xf32>
    %mul3A_2649 = arith.mulf %get3A_2645, %mul3A_2648 : vector<16xf32>
    %add3A_2650 = arith.addf %add3A_2637, %mul3A_2649 : vector<16xf32>
    %slice3A_2651 = vector.extract_strided_slice %and3A_2592 {offsets = [4], sizes = [1], strides = [1]} : vector<16xi32> to vector<1xi32>
    %squeeze3A_2652 = vector.extract %slice3A_2651[0] : i32 from vector<1xi32>
    %mul3A_2653 = arith.constant 16 : i32
    %mul3A_2654 = arith.muli %squeeze3A_2652, %mul3A_2653 : i32
    %add3A_2655 = arith.constant 8192 : i32
    %add3A_2656 = arith.addi %add3A_2655, %mul3A_2654 : i32
    %get3A_2657 = arith.index_cast %add3A_2656 : i32 to index
    %get3A_2658 = tpu.vector_load %arg6[%get3A_2657] {strides = array<i32>} : memref<12288xf32, #tpu.memory_space<vmem>>, vector<16xf32>,
    %slice3A_2659 = vector.extract_strided_slice %bitcast_convert_type3A_2596 {offsets = [4], sizes = [1], strides = [1]} : vector<16xf32> to vector<1xf32>
    %squeeze3A_2660 = vector.extract %slice3A_2659[0] : f32 from vector<1xf32>
    %mul3A_2661 = vector.broadcast %squeeze3A_2660 : f32 to vector<16xf32>
    %mul3A_2662 = arith.mulf %get3A_2658, %mul3A_2661 : vector<16xf32>
    %add3A_2663 = arith.addf %add3A_2650, %mul3A_2662 : vector<16xf32>
    %slice3A_2664 = vector.extract_strided_slice %and3A_2592 {offsets = [5], sizes = [1], strides = [1]} : vector<16xi32> to vector<1xi32>
    %squeeze3A_2665 = vector.extract %slice3A_2664[0] : i32 from vector<1xi32>
    %mul3A_2666 = arith.constant 16 : i32
    %mul3A_2667 = arith.muli %squeeze3A_2665, %mul3A_2666 : i32
    %add3A_2668 = arith.constant 8192 : i32
    %add3A_2669 = arith.addi %add3A_2668, %mul3A_2667 : i32
    %get3A_2670 = arith.index_cast %add3A_2669 : i32 to index
    %get3A_2671 = tpu.vector_load %arg6[%get3A_2670] {strides = array<i32>} : memref<12288xf32, #tpu.memory_space<vmem>>, vector<16xf32>,
    %slice3A_2672 = vector.extract_strided_slice %bitcast_convert_type3A_2596 {offsets = [5], sizes = [1], strides = [1]} : vector<16xf32> to vector<1xf32>
    %squeeze3A_2673 = vector.extract %slice3A_2672[0] : f32 from vector<1xf32>
    %mul3A_2674 = vector.broadcast %squeeze3A_2673 : f32 to vector<16xf32>
    %mul3A_2675 = arith.mulf %get3A_2671, %mul3A_2674 : vector<16xf32>
    %add3A_2676 = arith.addf %add3A_2663, %mul3A_2675 : vector<16xf32>
    %slice3A_2677 = vector.extract_strided_slice %and3A_2592 {offsets = [6], sizes = [1], strides = [1]} : vector<16xi32> to vector<1xi32>
    %squeeze3A_2678 = vector.extract %slice3A_2677[0] : i32 from vector<1xi32>
    %mul3A_2679 = arith.constant 16 : i32
    %mul3A_2680 = arith.muli %squeeze3A_2678, %mul3A_2679 : i32
    %add3A_2681 = arith.constant 8192 : i32
    %add3A_2682 = arith.addi %add3A_2681, %mul3A_2680 : i32
    %get3A_2683 = arith.index_cast %add3A_2682 : i32 to index
    %get3A_2684 = tpu.vector_load %arg6[%get3A_2683] {strides = array<i32>} : memref<12288xf32, #tpu.memory_space<vmem>>, vector<16xf32>,
    %slice3A_2685 = vector.extract_strided_slice %bitcast_convert_type3A_2596 {offsets = [6], sizes = [1], strides = [1]} : vector<16xf32> to vector<1xf32>
    %squeeze3A_2686 = vector.extract %slice3A_2685[0] : f32 from vector<1xf32>
    %mul3A_2687 = vector.broadcast %squeeze3A_2686 : f32 to vector<16xf32>
    %mul3A_2688 = arith.mulf %get3A_2684, %mul3A_2687 : vector<16xf32>
    %add3A_2689 = arith.addf %add3A_2676, %mul3A_2688 : vector<16xf32>
    %slice3A_2690 = vector.extract_strided_slice %and3A_2592 {offsets = [7], sizes = [1], strides = [1]} : vector<16xi32> to vector<1xi32>
    %squeeze3A_2691 = vector.extract %slice3A_2690[0] : i32 from vector<1xi32>
    %mul3A_2692 = arith.constant 16 : i32
    %mul3A_2693 = arith.muli %squeeze3A_2691, %mul3A_2692 : i32
    %add3A_2694 = arith.constant 8192 : i32
    %add3A_2695 = arith.addi %add3A_2694, %mul3A_2693 : i32
    %get3A_2696 = arith.index_cast %add3A_2695 : i32 to index
    %get3A_2697 = tpu.vector_load %arg6[%get3A_2696] {strides = array<i32>} : memref<12288xf32, #tpu.memory_space<vmem>>, vector<16xf32>,
    %slice3A_2698 = vector.extract_strided_slice %bitcast_convert_type3A_2596 {offsets = [7], sizes = [1], strides = [1]} : vector<16xf32> to vector<1xf32>
    %squeeze3A_2699 = vector.extract %slice3A_2698[0] : f32 from vector<1xf32>
    %mul3A_2700 = vector.broadcast %squeeze3A_2699 : f32 to vector<16xf32>
    %mul3A_2701 = arith.mulf %get3A_2697, %mul3A_2700 : vector<16xf32>
    %add3A_2702 = arith.addf %add3A_2689, %mul3A_2701 : vector<16xf32>
    %slice3A_2703 = vector.extract_strided_slice %and3A_2592 {offsets = [8], sizes = [1], strides = [1]} : vector<16xi32> to vector<1xi32>
    %squeeze3A_2704 = vector.extract %slice3A_2703[0] : i32 from vector<1xi32>
    %mul3A_2705 = arith.constant 16 : i32
    %mul3A_2706 = arith.muli %squeeze3A_2704, %mul3A_2705 : i32
    %add3A_2707 = arith.constant 8192 : i32
    %add3A_2708 = arith.addi %add3A_2707, %mul3A_2706 : i32
    %get3A_2709 = arith.index_cast %add3A_2708 : i32 to index
    %get3A_2710 = tpu.vector_load %arg6[%get3A_2709] {strides = array<i32>} : memref<12288xf32, #tpu.memory_space<vmem>>, vector<16xf32>,
    %slice3A_2711 = vector.extract_strided_slice %bitcast_convert_type3A_2596 {offsets = [8], sizes = [1], strides = [1]} : vector<16xf32> to vector<1xf32>
    %squeeze3A_2712 = vector.extract %slice3A_2711[0] : f32 from vector<1xf32>
    %mul3A_2713 = vector.broadcast %squeeze3A_2712 : f32 to vector<16xf32>
    %mul3A_2714 = arith.mulf %get3A_2710, %mul3A_2713 : vector<16xf32>
    %add3A_2715 = arith.addf %add3A_2702, %mul3A_2714 : vector<16xf32>
    %slice3A_2716 = vector.extract_strided_slice %and3A_2592 {offsets = [9], sizes = [1], strides = [1]} : vector<16xi32> to vector<1xi32>
    %squeeze3A_2717 = vector.extract %slice3A_2716[0] : i32 from vector<1xi32>
    %mul3A_2718 = arith.constant 16 : i32
    %mul3A_2719 = arith.muli %squeeze3A_2717, %mul3A_2718 : i32
    %add3A_2720 = arith.constant 8192 : i32
    %add3A_2721 = arith.addi %add3A_2720, %mul3A_2719 : i32
    %get3A_2722 = arith.index_cast %add3A_2721 : i32 to index
    %get3A_2723 = tpu.vector_load %arg6[%get3A_2722] {strides = array<i32>} : memref<12288xf32, #tpu.memory_space<vmem>>, vector<16xf32>,
    %slice3A_2724 = vector.extract_strided_slice %bitcast_convert_type3A_2596 {offsets = [9], sizes = [1], strides = [1]} : vector<16xf32> to vector<1xf32>
    %squeeze3A_2725 = vector.extract %slice3A_2724[0] : f32 from vector<1xf32>
    %mul3A_2726 = vector.broadcast %squeeze3A_2725 : f32 to vector<16xf32>
    %mul3A_2727 = arith.mulf %get3A_2723, %mul3A_2726 : vector<16xf32>
    %add3A_2728 = arith.addf %add3A_2715, %mul3A_2727 : vector<16xf32>
    %slice3A_2729 = vector.extract_strided_slice %and3A_2592 {offsets = [10], sizes = [1], strides = [1]} : vector<16xi32> to vector<1xi32>
    %squeeze3A_2730 = vector.extract %slice3A_2729[0] : i32 from vector<1xi32>
    %mul3A_2731 = arith.constant 16 : i32
    %mul3A_2732 = arith.muli %squeeze3A_2730, %mul3A_2731 : i32
    %add3A_2733 = arith.constant 8192 : i32
    %add3A_2734 = arith.addi %add3A_2733, %mul3A_2732 : i32
    %get3A_2735 = arith.index_cast %add3A_2734 : i32 to index
    %get3A_2736 = tpu.vector_load %arg6[%get3A_2735] {strides = array<i32>} : memref<12288xf32, #tpu.memory_space<vmem>>, vector<16xf32>,
    %slice3A_2737 = vector.extract_strided_slice %bitcast_convert_type3A_2596 {offsets = [10], sizes = [1], strides = [1]} : vector<16xf32> to vector<1xf32>
    %squeeze3A_2738 = vector.extract %slice3A_2737[0] : f32 from vector<1xf32>
    %mul3A_2739 = vector.broadcast %squeeze3A_2738 : f32 to vector<16xf32>
    %mul3A_2740 = arith.mulf %get3A_2736, %mul3A_2739 : vector<16xf32>
    %add3A_2741 = arith.addf %add3A_2728, %mul3A_2740 : vector<16xf32>
    %slice3A_2742 = vector.extract_strided_slice %and3A_2592 {offsets = [11], sizes = [1], strides = [1]} : vector<16xi32> to vector<1xi32>
    %squeeze3A_2743 = vector.extract %slice3A_2742[0] : i32 from vector<1xi32>
    %mul3A_2744 = arith.constant 16 : i32
    %mul3A_2745 = arith.muli %squeeze3A_2743, %mul3A_2744 : i32
    %add3A_2746 = arith.constant 8192 : i32
    %add3A_2747 = arith.addi %add3A_2746, %mul3A_2745 : i32
    %get3A_2748 = arith.index_cast %add3A_2747 : i32 to index
    %get3A_2749 = tpu.vector_load %arg6[%get3A_2748] {strides = array<i32>} : memref<12288xf32, #tpu.memory_space<vmem>>, vector<16xf32>,
    %slice3A_2750 = vector.extract_strided_slice %bitcast_convert_type3A_2596 {offsets = [11], sizes = [1], strides = [1]} : vector<16xf32> to vector<1xf32>
    %squeeze3A_2751 = vector.extract %slice3A_2750[0] : f32 from vector<1xf32>
    %mul3A_2752 = vector.broadcast %squeeze3A_2751 : f32 to vector<16xf32>
    %mul3A_2753 = arith.mulf %get3A_2749, %mul3A_2752 : vector<16xf32>
    %add3A_2754 = arith.addf %add3A_2741, %mul3A_2753 : vector<16xf32>
    %slice3A_2755 = vector.extract_strided_slice %and3A_2592 {offsets = [12], sizes = [1], strides = [1]} : vector<16xi32> to vector<1xi32>
    %squeeze3A_2756 = vector.extract %slice3A_2755[0] : i32 from vector<1xi32>
    %mul3A_2757 = arith.constant 16 : i32
    %mul3A_2758 = arith.muli %squeeze3A_2756, %mul3A_2757 : i32
    %add3A_2759 = arith.constant 8192 : i32
    %add3A_2760 = arith.addi %add3A_2759, %mul3A_2758 : i32
    %get3A_2761 = arith.index_cast %add3A_2760 : i32 to index
    %get3A_2762 = tpu.vector_load %arg6[%get3A_2761] {strides = array<i32>} : memref<12288xf32, #tpu.memory_space<vmem>>, vector<16xf32>,
    %slice3A_2763 = vector.extract_strided_slice %bitcast_convert_type3A_2596 {offsets = [12], sizes = [1], strides = [1]} : vector<16xf32> to vector<1xf32>
    %squeeze3A_2764 = vector.extract %slice3A_2763[0] : f32 from vector<1xf32>
    %mul3A_2765 = vector.broadcast %squeeze3A_2764 : f32 to vector<16xf32>
    %mul3A_2766 = arith.mulf %get3A_2762, %mul3A_2765 : vector<16xf32>
    %add3A_2767 = arith.addf %add3A_2754, %mul3A_2766 : vector<16xf32>
    %slice3A_2768 = vector.extract_strided_slice %and3A_2592 {offsets = [13], sizes = [1], strides = [1]} : vector<16xi32> to vector<1xi32>
    %squeeze3A_2769 = vector.extract %slice3A_2768[0] : i32 from vector<1xi32>
    %mul3A_2770 = arith.constant 16 : i32
    %mul3A_2771 = arith.muli %squeeze3A_2769, %mul3A_2770 : i32
    %add3A_2772 = arith.constant 8192 : i32
    %add3A_2773 = arith.addi %add3A_2772, %mul3A_2771 : i32
    %get3A_2774 = arith.index_cast %add3A_2773 : i32 to index
    %get3A_2775 = tpu.vector_load %arg6[%get3A_2774] {strides = array<i32>} : memref<12288xf32, #tpu.memory_space<vmem>>, vector<16xf32>,
    %slice3A_2776 = vector.extract_strided_slice %bitcast_convert_type3A_2596 {offsets = [13], sizes = [1], strides = [1]} : vector<16xf32> to vector<1xf32>
    %squeeze3A_2777 = vector.extract %slice3A_2776[0] : f32 from vector<1xf32>
    %mul3A_2778 = vector.broadcast %squeeze3A_2777 : f32 to vector<16xf32>
    %mul3A_2779 = arith.mulf %get3A_2775, %mul3A_2778 : vector<16xf32>
    %add3A_2780 = arith.addf %add3A_2767, %mul3A_2779 : vector<16xf32>
    %slice3A_2781 = vector.extract_strided_slice %and3A_2592 {offsets = [14], sizes = [1], strides = [1]} : vector<16xi32> to vector<1xi32>
    %squeeze3A_2782 = vector.extract %slice3A_2781[0] : i32 from vector<1xi32>
    %mul3A_2783 = arith.constant 16 : i32
    %mul3A_2784 = arith.muli %squeeze3A_2782, %mul3A_2783 : i32
    %add3A_2785 = arith.constant 8192 : i32
    %add3A_2786 = arith.addi %add3A_2785, %mul3A_2784 : i32
    %get3A_2787 = arith.index_cast %add3A_2786 : i32 to index
    %get3A_2788 = tpu.vector_load %arg6[%get3A_2787] {strides = array<i32>} : memref<12288xf32, #tpu.memory_space<vmem>>, vector<16xf32>,
    %slice3A_2789 = vector.extract_strided_slice %bitcast_convert_type3A_2596 {offsets = [14], sizes = [1], strides = [1]} : vector<16xf32> to vector<1xf32>
    %squeeze3A_2790 = vector.extract %slice3A_2789[0] : f32 from vector<1xf32>
    %mul3A_2791 = vector.broadcast %squeeze3A_2790 : f32 to vector<16xf32>
    %mul3A_2792 = arith.mulf %get3A_2788, %mul3A_2791 : vector<16xf32>
    %add3A_2793 = arith.addf %add3A_2780, %mul3A_2792 : vector<16xf32>
    %slice3A_2794 = vector.extract_strided_slice %and3A_2592 {offsets = [15], sizes = [1], strides = [1]} : vector<16xi32> to vector<1xi32>
    %squeeze3A_2795 = vector.extract %slice3A_2794[0] : i32 from vector<1xi32>
    %mul3A_2796 = arith.constant 16 : i32
    %mul3A_2797 = arith.muli %squeeze3A_2795, %mul3A_2796 : i32
    %add3A_2798 = arith.constant 8192 : i32
    %add3A_2799 = arith.addi %add3A_2798, %mul3A_2797 : i32
    %get3A_2800 = arith.index_cast %add3A_2799 : i32 to index
    %get3A_2801 = tpu.vector_load %arg6[%get3A_2800] {strides = array<i32>} : memref<12288xf32, #tpu.memory_space<vmem>>, vector<16xf32>,
    %slice3A_2802 = vector.extract_strided_slice %bitcast_convert_type3A_2596 {offsets = [15], sizes = [1], strides = [1]} : vector<16xf32> to vector<1xf32>
    %squeeze3A_2803 = vector.extract %slice3A_2802[0] : f32 from vector<1xf32>
    %mul3A_2804 = vector.broadcast %squeeze3A_2803 : f32 to vector<16xf32>
    %mul3A_2805 = arith.mulf %get3A_2801, %mul3A_2804 : vector<16xf32>
    %add3A_2806 = arith.addf %add3A_2793, %mul3A_2805 : vector<16xf32>
    %add3A_2807 = arith.addf %add3A_2806, %add3A_2338 : vector<16xf32>
    %bitcast_convert_type3A_2808 = tpu.bitcast %add3A_2807 : vector<16xf32> -> vector<16xi32>
    %add3A_2809 = arith.constant 32767 : i32
    %add3A_2810 = vector.broadcast %add3A_2809 : i32 to vector<16xi32>
    %add3A_2811 = arith.addi %bitcast_convert_type3A_2808, %add3A_2810 : vector<16xi32>
    %shift_right_arithmetic3A_2812 = arith.constant 16 : i32
    %shift_right_arithmetic3A_2813 = vector.broadcast %shift_right_arithmetic3A_2812 : i32 to vector<16xi32>
    %shift_right_arithmetic3A_2814 = arith.shrsi %bitcast_convert_type3A_2808, %shift_right_arithmetic3A_2813 : vector<16xi32>
    %and3A_2815 = arith.constant 1 : i32
    %and3A_2816 = vector.broadcast %and3A_2815 : i32 to vector<16xi32>
    %and3A_2817 = arith.andi %shift_right_arithmetic3A_2814, %and3A_2816 : vector<16xi32>
    %add3A_2818 = arith.addi %add3A_2811, %and3A_2817 : vector<16xi32>
    %and3A_2819 = arith.constant -65536 : i32
    %and3A_2820 = vector.broadcast %and3A_2819 : i32 to vector<16xi32>
    %and3A_2821 = arith.andi %add3A_2818, %and3A_2820 : vector<16xi32>
    %shift_right_arithmetic3A_2822 = arith.constant 16 : i32
    %shift_right_arithmetic3A_2823 = vector.broadcast %shift_right_arithmetic3A_2822 : i32 to vector<16xi32>
    %shift_right_arithmetic3A_2824 = arith.shrsi %and3A_2821, %shift_right_arithmetic3A_2823 : vector<16xi32>
    %and3A_2825 = arith.constant 127 : i32
    %and3A_2826 = vector.broadcast %and3A_2825 : i32 to vector<16xi32>
    %and3A_2827 = arith.andi %shift_right_arithmetic3A_2824, %and3A_2826 : vector<16xi32>
    %and3A_2828 = arith.constant -8388608 : i32
    %and3A_2829 = vector.broadcast %and3A_2828 : i32 to vector<16xi32>
    %and3A_2830 = arith.andi %and3A_2821, %and3A_2829 : vector<16xi32>
    %bitcast_convert_type3A_2831 = tpu.bitcast %and3A_2830 : vector<16xi32> -> vector<16xf32>
    %broadcast_in_dim3A_2832 = arith.constant 0.000000e+00 : f32
    %broadcast_in_dim3A_2833 = vector.broadcast %broadcast_in_dim3A_2832 : f32 to vector<16xf32>
    %slice3A_2834 = vector.extract_strided_slice %and3A_2827 {offsets = [0], sizes = [1], strides = [1]} : vector<16xi32> to vector<1xi32>
    %squeeze3A_2835 = vector.extract %slice3A_2834[0] : i32 from vector<1xi32>
    %mul3A_2836 = arith.constant 16 : i32
    %mul3A_2837 = arith.muli %squeeze3A_2835, %mul3A_2836 : i32
    %add3A_2838 = arith.constant 10240 : i32
    %add3A_2839 = arith.addi %add3A_2838, %mul3A_2837 : i32
    %get3A_2840 = arith.index_cast %add3A_2839 : i32 to index
    %get3A_2841 = tpu.vector_load %arg6[%get3A_2840] {strides = array<i32>} : memref<12288xf32, #tpu.memory_space<vmem>>, vector<16xf32>,
    %slice3A_2842 = vector.extract_strided_slice %bitcast_convert_type3A_2831 {offsets = [0], sizes = [1], strides = [1]} : vector<16xf32> to vector<1xf32>
    %squeeze3A_2843 = vector.extract %slice3A_2842[0] : f32 from vector<1xf32>
    %mul3A_2844 = vector.broadcast %squeeze3A_2843 : f32 to vector<16xf32>
    %mul3A_2845 = arith.mulf %get3A_2841, %mul3A_2844 : vector<16xf32>
    %add3A_2846 = arith.addf %broadcast_in_dim3A_2833, %mul3A_2845 : vector<16xf32>
    %slice3A_2847 = vector.extract_strided_slice %and3A_2827 {offsets = [1], sizes = [1], strides = [1]} : vector<16xi32> to vector<1xi32>
    %squeeze3A_2848 = vector.extract %slice3A_2847[0] : i32 from vector<1xi32>
    %mul3A_2849 = arith.constant 16 : i32
    %mul3A_2850 = arith.muli %squeeze3A_2848, %mul3A_2849 : i32
    %add3A_2851 = arith.constant 10240 : i32
    %add3A_2852 = arith.addi %add3A_2851, %mul3A_2850 : i32
    %get3A_2853 = arith.index_cast %add3A_2852 : i32 to index
    %get3A_2854 = tpu.vector_load %arg6[%get3A_2853] {strides = array<i32>} : memref<12288xf32, #tpu.memory_space<vmem>>, vector<16xf32>,
    %slice3A_2855 = vector.extract_strided_slice %bitcast_convert_type3A_2831 {offsets = [1], sizes = [1], strides = [1]} : vector<16xf32> to vector<1xf32>
    %squeeze3A_2856 = vector.extract %slice3A_2855[0] : f32 from vector<1xf32>
    %mul3A_2857 = vector.broadcast %squeeze3A_2856 : f32 to vector<16xf32>
    %mul3A_2858 = arith.mulf %get3A_2854, %mul3A_2857 : vector<16xf32>
    %add3A_2859 = arith.addf %add3A_2846, %mul3A_2858 : vector<16xf32>
    %slice3A_2860 = vector.extract_strided_slice %and3A_2827 {offsets = [2], sizes = [1], strides = [1]} : vector<16xi32> to vector<1xi32>
    %squeeze3A_2861 = vector.extract %slice3A_2860[0] : i32 from vector<1xi32>
    %mul3A_2862 = arith.constant 16 : i32
    %mul3A_2863 = arith.muli %squeeze3A_2861, %mul3A_2862 : i32
    %add3A_2864 = arith.constant 10240 : i32
    %add3A_2865 = arith.addi %add3A_2864, %mul3A_2863 : i32
    %get3A_2866 = arith.index_cast %add3A_2865 : i32 to index
    %get3A_2867 = tpu.vector_load %arg6[%get3A_2866] {strides = array<i32>} : memref<12288xf32, #tpu.memory_space<vmem>>, vector<16xf32>,
    %slice3A_2868 = vector.extract_strided_slice %bitcast_convert_type3A_2831 {offsets = [2], sizes = [1], strides = [1]} : vector<16xf32> to vector<1xf32>
    %squeeze3A_2869 = vector.extract %slice3A_2868[0] : f32 from vector<1xf32>
    %mul3A_2870 = vector.broadcast %squeeze3A_2869 : f32 to vector<16xf32>
    %mul3A_2871 = arith.mulf %get3A_2867, %mul3A_2870 : vector<16xf32>
    %add3A_2872 = arith.addf %add3A_2859, %mul3A_2871 : vector<16xf32>
    %slice3A_2873 = vector.extract_strided_slice %and3A_2827 {offsets = [3], sizes = [1], strides = [1]} : vector<16xi32> to vector<1xi32>
    %squeeze3A_2874 = vector.extract %slice3A_2873[0] : i32 from vector<1xi32>
    %mul3A_2875 = arith.constant 16 : i32
    %mul3A_2876 = arith.muli %squeeze3A_2874, %mul3A_2875 : i32
    %add3A_2877 = arith.constant 10240 : i32
    %add3A_2878 = arith.addi %add3A_2877, %mul3A_2876 : i32
    %get3A_2879 = arith.index_cast %add3A_2878 : i32 to index
    %get3A_2880 = tpu.vector_load %arg6[%get3A_2879] {strides = array<i32>} : memref<12288xf32, #tpu.memory_space<vmem>>, vector<16xf32>,
    %slice3A_2881 = vector.extract_strided_slice %bitcast_convert_type3A_2831 {offsets = [3], sizes = [1], strides = [1]} : vector<16xf32> to vector<1xf32>
    %squeeze3A_2882 = vector.extract %slice3A_2881[0] : f32 from vector<1xf32>
    %mul3A_2883 = vector.broadcast %squeeze3A_2882 : f32 to vector<16xf32>
    %mul3A_2884 = arith.mulf %get3A_2880, %mul3A_2883 : vector<16xf32>
    %add3A_2885 = arith.addf %add3A_2872, %mul3A_2884 : vector<16xf32>
    %slice3A_2886 = vector.extract_strided_slice %and3A_2827 {offsets = [4], sizes = [1], strides = [1]} : vector<16xi32> to vector<1xi32>
    %squeeze3A_2887 = vector.extract %slice3A_2886[0] : i32 from vector<1xi32>
    %mul3A_2888 = arith.constant 16 : i32
    %mul3A_2889 = arith.muli %squeeze3A_2887, %mul3A_2888 : i32
    %add3A_2890 = arith.constant 10240 : i32
    %add3A_2891 = arith.addi %add3A_2890, %mul3A_2889 : i32
    %get3A_2892 = arith.index_cast %add3A_2891 : i32 to index
    %get3A_2893 = tpu.vector_load %arg6[%get3A_2892] {strides = array<i32>} : memref<12288xf32, #tpu.memory_space<vmem>>, vector<16xf32>,
    %slice3A_2894 = vector.extract_strided_slice %bitcast_convert_type3A_2831 {offsets = [4], sizes = [1], strides = [1]} : vector<16xf32> to vector<1xf32>
    %squeeze3A_2895 = vector.extract %slice3A_2894[0] : f32 from vector<1xf32>
    %mul3A_2896 = vector.broadcast %squeeze3A_2895 : f32 to vector<16xf32>
    %mul3A_2897 = arith.mulf %get3A_2893, %mul3A_2896 : vector<16xf32>
    %add3A_2898 = arith.addf %add3A_2885, %mul3A_2897 : vector<16xf32>
    %slice3A_2899 = vector.extract_strided_slice %and3A_2827 {offsets = [5], sizes = [1], strides = [1]} : vector<16xi32> to vector<1xi32>
    %squeeze3A_2900 = vector.extract %slice3A_2899[0] : i32 from vector<1xi32>
    %mul3A_2901 = arith.constant 16 : i32
    %mul3A_2902 = arith.muli %squeeze3A_2900, %mul3A_2901 : i32
    %add3A_2903 = arith.constant 10240 : i32
    %add3A_2904 = arith.addi %add3A_2903, %mul3A_2902 : i32
    %get3A_2905 = arith.index_cast %add3A_2904 : i32 to index
    %get3A_2906 = tpu.vector_load %arg6[%get3A_2905] {strides = array<i32>} : memref<12288xf32, #tpu.memory_space<vmem>>, vector<16xf32>,
    %slice3A_2907 = vector.extract_strided_slice %bitcast_convert_type3A_2831 {offsets = [5], sizes = [1], strides = [1]} : vector<16xf32> to vector<1xf32>
    %squeeze3A_2908 = vector.extract %slice3A_2907[0] : f32 from vector<1xf32>
    %mul3A_2909 = vector.broadcast %squeeze3A_2908 : f32 to vector<16xf32>
    %mul3A_2910 = arith.mulf %get3A_2906, %mul3A_2909 : vector<16xf32>
    %add3A_2911 = arith.addf %add3A_2898, %mul3A_2910 : vector<16xf32>
    %slice3A_2912 = vector.extract_strided_slice %and3A_2827 {offsets = [6], sizes = [1], strides = [1]} : vector<16xi32> to vector<1xi32>
    %squeeze3A_2913 = vector.extract %slice3A_2912[0] : i32 from vector<1xi32>
    %mul3A_2914 = arith.constant 16 : i32
    %mul3A_2915 = arith.muli %squeeze3A_2913, %mul3A_2914 : i32
    %add3A_2916 = arith.constant 10240 : i32
    %add3A_2917 = arith.addi %add3A_2916, %mul3A_2915 : i32
    %get3A_2918 = arith.index_cast %add3A_2917 : i32 to index
    %get3A_2919 = tpu.vector_load %arg6[%get3A_2918] {strides = array<i32>} : memref<12288xf32, #tpu.memory_space<vmem>>, vector<16xf32>,
    %slice3A_2920 = vector.extract_strided_slice %bitcast_convert_type3A_2831 {offsets = [6], sizes = [1], strides = [1]} : vector<16xf32> to vector<1xf32>
    %squeeze3A_2921 = vector.extract %slice3A_2920[0] : f32 from vector<1xf32>
    %mul3A_2922 = vector.broadcast %squeeze3A_2921 : f32 to vector<16xf32>
    %mul3A_2923 = arith.mulf %get3A_2919, %mul3A_2922 : vector<16xf32>
    %add3A_2924 = arith.addf %add3A_2911, %mul3A_2923 : vector<16xf32>
    %slice3A_2925 = vector.extract_strided_slice %and3A_2827 {offsets = [7], sizes = [1], strides = [1]} : vector<16xi32> to vector<1xi32>
    %squeeze3A_2926 = vector.extract %slice3A_2925[0] : i32 from vector<1xi32>
    %mul3A_2927 = arith.constant 16 : i32
    %mul3A_2928 = arith.muli %squeeze3A_2926, %mul3A_2927 : i32
    %add3A_2929 = arith.constant 10240 : i32
    %add3A_2930 = arith.addi %add3A_2929, %mul3A_2928 : i32
    %get3A_2931 = arith.index_cast %add3A_2930 : i32 to index
    %get3A_2932 = tpu.vector_load %arg6[%get3A_2931] {strides = array<i32>} : memref<12288xf32, #tpu.memory_space<vmem>>, vector<16xf32>,
    %slice3A_2933 = vector.extract_strided_slice %bitcast_convert_type3A_2831 {offsets = [7], sizes = [1], strides = [1]} : vector<16xf32> to vector<1xf32>
    %squeeze3A_2934 = vector.extract %slice3A_2933[0] : f32 from vector<1xf32>
    %mul3A_2935 = vector.broadcast %squeeze3A_2934 : f32 to vector<16xf32>
    %mul3A_2936 = arith.mulf %get3A_2932, %mul3A_2935 : vector<16xf32>
    %add3A_2937 = arith.addf %add3A_2924, %mul3A_2936 : vector<16xf32>
    %slice3A_2938 = vector.extract_strided_slice %and3A_2827 {offsets = [8], sizes = [1], strides = [1]} : vector<16xi32> to vector<1xi32>
    %squeeze3A_2939 = vector.extract %slice3A_2938[0] : i32 from vector<1xi32>
    %mul3A_2940 = arith.constant 16 : i32
    %mul3A_2941 = arith.muli %squeeze3A_2939, %mul3A_2940 : i32
    %add3A_2942 = arith.constant 10240 : i32
    %add3A_2943 = arith.addi %add3A_2942, %mul3A_2941 : i32
    %get3A_2944 = arith.index_cast %add3A_2943 : i32 to index
    %get3A_2945 = tpu.vector_load %arg6[%get3A_2944] {strides = array<i32>} : memref<12288xf32, #tpu.memory_space<vmem>>, vector<16xf32>,
    %slice3A_2946 = vector.extract_strided_slice %bitcast_convert_type3A_2831 {offsets = [8], sizes = [1], strides = [1]} : vector<16xf32> to vector<1xf32>
    %squeeze3A_2947 = vector.extract %slice3A_2946[0] : f32 from vector<1xf32>
    %mul3A_2948 = vector.broadcast %squeeze3A_2947 : f32 to vector<16xf32>
    %mul3A_2949 = arith.mulf %get3A_2945, %mul3A_2948 : vector<16xf32>
    %add3A_2950 = arith.addf %add3A_2937, %mul3A_2949 : vector<16xf32>
    %slice3A_2951 = vector.extract_strided_slice %and3A_2827 {offsets = [9], sizes = [1], strides = [1]} : vector<16xi32> to vector<1xi32>
    %squeeze3A_2952 = vector.extract %slice3A_2951[0] : i32 from vector<1xi32>
    %mul3A_2953 = arith.constant 16 : i32
    %mul3A_2954 = arith.muli %squeeze3A_2952, %mul3A_2953 : i32
    %add3A_2955 = arith.constant 10240 : i32
    %add3A_2956 = arith.addi %add3A_2955, %mul3A_2954 : i32
    %get3A_2957 = arith.index_cast %add3A_2956 : i32 to index
    %get3A_2958 = tpu.vector_load %arg6[%get3A_2957] {strides = array<i32>} : memref<12288xf32, #tpu.memory_space<vmem>>, vector<16xf32>,
    %slice3A_2959 = vector.extract_strided_slice %bitcast_convert_type3A_2831 {offsets = [9], sizes = [1], strides = [1]} : vector<16xf32> to vector<1xf32>
    %squeeze3A_2960 = vector.extract %slice3A_2959[0] : f32 from vector<1xf32>
    %mul3A_2961 = vector.broadcast %squeeze3A_2960 : f32 to vector<16xf32>
    %mul3A_2962 = arith.mulf %get3A_2958, %mul3A_2961 : vector<16xf32>
    %add3A_2963 = arith.addf %add3A_2950, %mul3A_2962 : vector<16xf32>
    %slice3A_2964 = vector.extract_strided_slice %and3A_2827 {offsets = [10], sizes = [1], strides = [1]} : vector<16xi32> to vector<1xi32>
    %squeeze3A_2965 = vector.extract %slice3A_2964[0] : i32 from vector<1xi32>
    %mul3A_2966 = arith.constant 16 : i32
    %mul3A_2967 = arith.muli %squeeze3A_2965, %mul3A_2966 : i32
    %add3A_2968 = arith.constant 10240 : i32
    %add3A_2969 = arith.addi %add3A_2968, %mul3A_2967 : i32
    %get3A_2970 = arith.index_cast %add3A_2969 : i32 to index
    %get3A_2971 = tpu.vector_load %arg6[%get3A_2970] {strides = array<i32>} : memref<12288xf32, #tpu.memory_space<vmem>>, vector<16xf32>,
    %slice3A_2972 = vector.extract_strided_slice %bitcast_convert_type3A_2831 {offsets = [10], sizes = [1], strides = [1]} : vector<16xf32> to vector<1xf32>
    %squeeze3A_2973 = vector.extract %slice3A_2972[0] : f32 from vector<1xf32>
    %mul3A_2974 = vector.broadcast %squeeze3A_2973 : f32 to vector<16xf32>
    %mul3A_2975 = arith.mulf %get3A_2971, %mul3A_2974 : vector<16xf32>
    %add3A_2976 = arith.addf %add3A_2963, %mul3A_2975 : vector<16xf32>
    %slice3A_2977 = vector.extract_strided_slice %and3A_2827 {offsets = [11], sizes = [1], strides = [1]} : vector<16xi32> to vector<1xi32>
    %squeeze3A_2978 = vector.extract %slice3A_2977[0] : i32 from vector<1xi32>
    %mul3A_2979 = arith.constant 16 : i32
    %mul3A_2980 = arith.muli %squeeze3A_2978, %mul3A_2979 : i32
    %add3A_2981 = arith.constant 10240 : i32
    %add3A_2982 = arith.addi %add3A_2981, %mul3A_2980 : i32
    %get3A_2983 = arith.index_cast %add3A_2982 : i32 to index
    %get3A_2984 = tpu.vector_load %arg6[%get3A_2983] {strides = array<i32>} : memref<12288xf32, #tpu.memory_space<vmem>>, vector<16xf32>,
    %slice3A_2985 = vector.extract_strided_slice %bitcast_convert_type3A_2831 {offsets = [11], sizes = [1], strides = [1]} : vector<16xf32> to vector<1xf32>
    %squeeze3A_2986 = vector.extract %slice3A_2985[0] : f32 from vector<1xf32>
    %mul3A_2987 = vector.broadcast %squeeze3A_2986 : f32 to vector<16xf32>
    %mul3A_2988 = arith.mulf %get3A_2984, %mul3A_2987 : vector<16xf32>
    %add3A_2989 = arith.addf %add3A_2976, %mul3A_2988 : vector<16xf32>
    %slice3A_2990 = vector.extract_strided_slice %and3A_2827 {offsets = [12], sizes = [1], strides = [1]} : vector<16xi32> to vector<1xi32>
    %squeeze3A_2991 = vector.extract %slice3A_2990[0] : i32 from vector<1xi32>
    %mul3A_2992 = arith.constant 16 : i32
    %mul3A_2993 = arith.muli %squeeze3A_2991, %mul3A_2992 : i32
    %add3A_2994 = arith.constant 10240 : i32
    %add3A_2995 = arith.addi %add3A_2994, %mul3A_2993 : i32
    %get3A_2996 = arith.index_cast %add3A_2995 : i32 to index
    %get3A_2997 = tpu.vector_load %arg6[%get3A_2996] {strides = array<i32>} : memref<12288xf32, #tpu.memory_space<vmem>>, vector<16xf32>,
    %slice3A_2998 = vector.extract_strided_slice %bitcast_convert_type3A_2831 {offsets = [12], sizes = [1], strides = [1]} : vector<16xf32> to vector<1xf32>
    %squeeze3A_2999 = vector.extract %slice3A_2998[0] : f32 from vector<1xf32>
    %mul3A_3000 = vector.broadcast %squeeze3A_2999 : f32 to vector<16xf32>
    %mul3A_3001 = arith.mulf %get3A_2997, %mul3A_3000 : vector<16xf32>
    %add3A_3002 = arith.addf %add3A_2989, %mul3A_3001 : vector<16xf32>
    %slice3A_3003 = vector.extract_strided_slice %and3A_2827 {offsets = [13], sizes = [1], strides = [1]} : vector<16xi32> to vector<1xi32>
    %squeeze3A_3004 = vector.extract %slice3A_3003[0] : i32 from vector<1xi32>
    %mul3A_3005 = arith.constant 16 : i32
    %mul3A_3006 = arith.muli %squeeze3A_3004, %mul3A_3005 : i32
    %add3A_3007 = arith.constant 10240 : i32
    %add3A_3008 = arith.addi %add3A_3007, %mul3A_3006 : i32
    %get3A_3009 = arith.index_cast %add3A_3008 : i32 to index
    %get3A_3010 = tpu.vector_load %arg6[%get3A_3009] {strides = array<i32>} : memref<12288xf32, #tpu.memory_space<vmem>>, vector<16xf32>,
    %slice3A_3011 = vector.extract_strided_slice %bitcast_convert_type3A_2831 {offsets = [13], sizes = [1], strides = [1]} : vector<16xf32> to vector<1xf32>
    %squeeze3A_3012 = vector.extract %slice3A_3011[0] : f32 from vector<1xf32>
    %mul3A_3013 = vector.broadcast %squeeze3A_3012 : f32 to vector<16xf32>
    %mul3A_3014 = arith.mulf %get3A_3010, %mul3A_3013 : vector<16xf32>
    %add3A_3015 = arith.addf %add3A_3002, %mul3A_3014 : vector<16xf32>
    %slice3A_3016 = vector.extract_strided_slice %and3A_2827 {offsets = [14], sizes = [1], strides = [1]} : vector<16xi32> to vector<1xi32>
    %squeeze3A_3017 = vector.extract %slice3A_3016[0] : i32 from vector<1xi32>
    %mul3A_3018 = arith.constant 16 : i32
    %mul3A_3019 = arith.muli %squeeze3A_3017, %mul3A_3018 : i32
    %add3A_3020 = arith.constant 10240 : i32
    %add3A_3021 = arith.addi %add3A_3020, %mul3A_3019 : i32
    %get3A_3022 = arith.index_cast %add3A_3021 : i32 to index
    %get3A_3023 = tpu.vector_load %arg6[%get3A_3022] {strides = array<i32>} : memref<12288xf32, #tpu.memory_space<vmem>>, vector<16xf32>,
    %slice3A_3024 = vector.extract_strided_slice %bitcast_convert_type3A_2831 {offsets = [14], sizes = [1], strides = [1]} : vector<16xf32> to vector<1xf32>
    %squeeze3A_3025 = vector.extract %slice3A_3024[0] : f32 from vector<1xf32>
    %mul3A_3026 = vector.broadcast %squeeze3A_3025 : f32 to vector<16xf32>
    %mul3A_3027 = arith.mulf %get3A_3023, %mul3A_3026 : vector<16xf32>
    %add3A_3028 = arith.addf %add3A_3015, %mul3A_3027 : vector<16xf32>
    %slice3A_3029 = vector.extract_strided_slice %and3A_2827 {offsets = [15], sizes = [1], strides = [1]} : vector<16xi32> to vector<1xi32>
    %squeeze3A_3030 = vector.extract %slice3A_3029[0] : i32 from vector<1xi32>
    %mul3A_3031 = arith.constant 16 : i32
    %mul3A_3032 = arith.muli %squeeze3A_3030, %mul3A_3031 : i32
    %add3A_3033 = arith.constant 10240 : i32
    %add3A_3034 = arith.addi %add3A_3033, %mul3A_3032 : i32
    %get3A_3035 = arith.index_cast %add3A_3034 : i32 to index
    %get3A_3036 = tpu.vector_load %arg6[%get3A_3035] {strides = array<i32>} : memref<12288xf32, #tpu.memory_space<vmem>>, vector<16xf32>,
    %slice3A_3037 = vector.extract_strided_slice %bitcast_convert_type3A_2831 {offsets = [15], sizes = [1], strides = [1]} : vector<16xf32> to vector<1xf32>
    %squeeze3A_3038 = vector.extract %slice3A_3037[0] : f32 from vector<1xf32>
    %mul3A_3039 = vector.broadcast %squeeze3A_3038 : f32 to vector<16xf32>
    %mul3A_3040 = arith.mulf %get3A_3036, %mul3A_3039 : vector<16xf32>
    %add3A_3041 = arith.addf %add3A_3028, %mul3A_3040 : vector<16xf32>
    %swap3A = arith.constant 0 : index
    %swap3A_3042 = tpu.vector_load %arg7[%swap3A] {strides = array<i32>} : memref<16xf32, #tpu.memory_space<vmem>>, vector<16xf32>,
    tpu.vector_store %arg7[%swap3A], %add3A_3041 {strides = array<i32>} : memref<16xf32, #tpu.memory_space<vmem>>, vector<16xf32>,
    %mul3A_3043 = arith.constant 16 : i32
    %mul3A_3044 = arith.muli %add3A, %mul3A_3043 : i32
    "tpu.region"() ({
      %run_scoped3A = tpu.sem_alloc : memref<!tpu.dma_semaphore, #tpu.memory_space<semaphore_mem>>
      %dma_start3A = tpu.memref_slice %arg4[%mul3A_3044] : memref<512xf32, #tpu.memory_space<hbm>> -> memref<16xf32, #tpu.memory_space<hbm>>
      %dma_start3A_3045 = tpu.memref_slice %arg4[%mul3A_3044] : memref<512xf32, #tpu.memory_space<hbm>> -> memref<16xf32, #tpu.memory_space<hbm>>
      tpu.enqueue_dma source(%arg7 : memref<16xf32, #tpu.memory_space<vmem>>) target(%dma_start3A_3045 : memref<16xf32, #tpu.memory_space<hbm>>) target_semaphore(%run_scoped3A : memref<!tpu.dma_semaphore, #tpu.memory_space<semaphore_mem>>)
      %dma_wait3A = tpu.memref_slice %arg4[%mul3A_3044] : memref<512xf32, #tpu.memory_space<hbm>> -> memref<16xf32, #tpu.memory_space<hbm>>
      %dma_wait3A_3046 = tpu.memref_slice %arg4[%mul3A_3044] : memref<512xf32, #tpu.memory_space<hbm>> -> memref<16xf32, #tpu.memory_space<hbm>>
      tpu.wait_dma2 semaphore(%run_scoped3A : memref<!tpu.dma_semaphore, #tpu.memory_space<semaphore_mem>>) src(%arg7 : memref<16xf32, #tpu.memory_space<vmem>>) dst(%dma_wait3A_3046 : memref<16xf32, #tpu.memory_space<hbm>>)
      tpu.yield
    }) : () -> ()
    return
  }
}

module attributes {stable_mosaic.version = 14 : i64} {
  func.func @_tables_body(%arg0: memref<2048x20xf32, #tpu.memory_space<vmem>>, %arg1: memref<2048x16xf32, #tpu.memory_space<vmem>>, %arg2: memref<2048x4xf32, #tpu.memory_space<vmem>>, %arg3: memref<1024x20xf32, #tpu.memory_space<vmem>>, %arg4: memref<1024x16xf32, #tpu.memory_space<vmem>>, %arg5: memref<1024x4xf32, #tpu.memory_space<vmem>>, %arg6: memref<256x20xf32, #tpu.memory_space<vmem>>, %arg7: memref<256x16xf32, #tpu.memory_space<vmem>>, %arg8: memref<256x4xf32, #tpu.memory_space<vmem>>, %arg9: memref<768x16xf32, #tpu.memory_space<vmem>>) attributes {dimension_semantics = [], scalar_prefetch = 0 : i64, scratch_operands = 0 : i64, tpu.core_type = #tpu.core_type<tc>} {
    %iota3A = tpu.iota {dimensions = array<i32: 1>} : vector<1x128xi32>
    %convert_element_type3A = arith.sitofp %iota3A : vector<1x128xi32> to vector<1x128xf32>
    %mul3A = arith.constant 7.812500e-03 : f32
    %mul3A_0 = vector.broadcast %mul3A : f32 to vector<1x128xf32>
    %mul3A_1 = arith.mulf %convert_element_type3A, %mul3A_0 : vector<1x128xf32>
    %add3A = arith.constant 1.000000e+00 : f32
    %add3A_2 = vector.broadcast %add3A : f32 to vector<1x128xf32>
    %add3A_3 = arith.addf %add3A_2, %mul3A_1 : vector<1x128xf32>
    %get3A = arith.constant 0 : index
    %get3A_4 = arith.constant 0 : index
    %get3A_5 = vector.load %arg0[%get3A, %get3A_4] : memref<2048x20xf32, #tpu.memory_space<vmem>>, vector<2048x20xf32>
    %bitcast_convert_type3A = tpu.bitcast %get3A_5 : vector<2048x20xf32> -> vector<2048x20xi32>
    %add3A_6 = arith.constant 32767 : i32
    %add3A_7 = vector.broadcast %add3A_6 : i32 to vector<2048x20xi32>
    %add3A_8 = arith.addi %bitcast_convert_type3A, %add3A_7 : vector<2048x20xi32>
    %shift_right_arithmetic3A = arith.constant 16 : i32
    %shift_right_arithmetic3A_9 = vector.broadcast %shift_right_arithmetic3A : i32 to vector<2048x20xi32>
    %shift_right_arithmetic3A_10 = arith.shrsi %bitcast_convert_type3A, %shift_right_arithmetic3A_9 : vector<2048x20xi32>
    %and3A = arith.constant 1 : i32
    %and3A_11 = vector.broadcast %and3A : i32 to vector<2048x20xi32>
    %and3A_12 = arith.andi %shift_right_arithmetic3A_10, %and3A_11 : vector<2048x20xi32>
    %add3A_13 = arith.addi %add3A_8, %and3A_12 : vector<2048x20xi32>
    %and3A_14 = arith.constant -65536 : i32
    %and3A_15 = vector.broadcast %and3A_14 : i32 to vector<2048x20xi32>
    %and3A_16 = arith.andi %add3A_13, %and3A_15 : vector<2048x20xi32>
    %bitcast_convert_type3A_17 = tpu.bitcast %and3A_16 : vector<2048x20xi32> -> vector<2048x20xf32>
    %get3A_18 = arith.constant 0 : index
    %get3A_19 = arith.constant 0 : index
    %get3A_20 = vector.load %arg1[%get3A_18, %get3A_19] : memref<2048x16xf32, #tpu.memory_space<vmem>>, vector<2048x16xf32>
    %bitcast_convert_type3A_21 = tpu.bitcast %get3A_20 : vector<2048x16xf32> -> vector<2048x16xi32>
    %add3A_22 = arith.constant 32767 : i32
    %add3A_23 = vector.broadcast %add3A_22 : i32 to vector<2048x16xi32>
    %add3A_24 = arith.addi %bitcast_convert_type3A_21, %add3A_23 : vector<2048x16xi32>
    %shift_right_arithmetic3A_25 = arith.constant 16 : i32
    %shift_right_arithmetic3A_26 = vector.broadcast %shift_right_arithmetic3A_25 : i32 to vector<2048x16xi32>
    %shift_right_arithmetic3A_27 = arith.shrsi %bitcast_convert_type3A_21, %shift_right_arithmetic3A_26 : vector<2048x16xi32>
    %and3A_28 = arith.constant 1 : i32
    %and3A_29 = vector.broadcast %and3A_28 : i32 to vector<2048x16xi32>
    %and3A_30 = arith.andi %shift_right_arithmetic3A_27, %and3A_29 : vector<2048x16xi32>
    %add3A_31 = arith.addi %add3A_24, %and3A_30 : vector<2048x16xi32>
    %and3A_32 = arith.constant -65536 : i32
    %and3A_33 = vector.broadcast %and3A_32 : i32 to vector<2048x16xi32>
    %and3A_34 = arith.andi %add3A_31, %and3A_33 : vector<2048x16xi32>
    %bitcast_convert_type3A_35 = tpu.bitcast %and3A_34 : vector<2048x16xi32> -> vector<2048x16xf32>
    %get3A_36 = arith.constant 0 : index
    %get3A_37 = arith.constant 0 : index
    %get3A_38 = vector.load %arg2[%get3A_36, %get3A_37] : memref<2048x4xf32, #tpu.memory_space<vmem>>, vector<2048x4xf32>
    %bitcast_convert_type3A_39 = tpu.bitcast %get3A_38 : vector<2048x4xf32> -> vector<2048x4xi32>
    %add3A_40 = arith.constant 32767 : i32
    %add3A_41 = vector.broadcast %add3A_40 : i32 to vector<2048x4xi32>
    %add3A_42 = arith.addi %bitcast_convert_type3A_39, %add3A_41 : vector<2048x4xi32>
    %shift_right_arithmetic3A_43 = arith.constant 16 : i32
    %shift_right_arithmetic3A_44 = vector.broadcast %shift_right_arithmetic3A_43 : i32 to vector<2048x4xi32>
    %shift_right_arithmetic3A_45 = arith.shrsi %bitcast_convert_type3A_39, %shift_right_arithmetic3A_44 : vector<2048x4xi32>
    %and3A_46 = arith.constant 1 : i32
    %and3A_47 = vector.broadcast %and3A_46 : i32 to vector<2048x4xi32>
    %and3A_48 = arith.andi %shift_right_arithmetic3A_45, %and3A_47 : vector<2048x4xi32>
    %add3A_49 = arith.addi %add3A_42, %and3A_48 : vector<2048x4xi32>
    %and3A_50 = arith.constant -65536 : i32
    %and3A_51 = vector.broadcast %and3A_50 : i32 to vector<2048x4xi32>
    %and3A_52 = arith.andi %add3A_49, %and3A_51 : vector<2048x4xi32>
    %bitcast_convert_type3A_53 = tpu.bitcast %and3A_52 : vector<2048x4xi32> -> vector<2048x4xf32>
    %slice3A = vector.extract_strided_slice %bitcast_convert_type3A_17 {offsets = [0, 4], sizes = [2048, 1], strides = [1, 1]} : vector<2048x20xf32> to vector<2048x1xf32>
    %mul3A_54 = vector.broadcast %slice3A : vector<2048x1xf32> to vector<2048x128xf32>
    %mul3A_55 = vector.broadcast %add3A_3 : vector<1x128xf32> to vector<2048x128xf32>
    %mul3A_56 = arith.mulf %mul3A_54, %mul3A_55 : vector<2048x128xf32>
    %bitcast_convert_type3A_57 = tpu.bitcast %mul3A_56 : vector<2048x128xf32> -> vector<2048x128xi32>
    %add3A_58 = arith.constant 32767 : i32
    %add3A_59 = vector.broadcast %add3A_58 : i32 to vector<2048x128xi32>
    %add3A_60 = arith.addi %bitcast_convert_type3A_57, %add3A_59 : vector<2048x128xi32>
    %shift_right_arithmetic3A_61 = arith.constant 16 : i32
    %shift_right_arithmetic3A_62 = vector.broadcast %shift_right_arithmetic3A_61 : i32 to vector<2048x128xi32>
    %shift_right_arithmetic3A_63 = arith.shrsi %bitcast_convert_type3A_57, %shift_right_arithmetic3A_62 : vector<2048x128xi32>
    %and3A_64 = arith.constant 1 : i32
    %and3A_65 = vector.broadcast %and3A_64 : i32 to vector<2048x128xi32>
    %and3A_66 = arith.andi %shift_right_arithmetic3A_63, %and3A_65 : vector<2048x128xi32>
    %add3A_67 = arith.addi %add3A_60, %and3A_66 : vector<2048x128xi32>
    %and3A_68 = arith.constant -65536 : i32
    %and3A_69 = vector.broadcast %and3A_68 : i32 to vector<2048x128xi32>
    %and3A_70 = arith.andi %add3A_67, %and3A_69 : vector<2048x128xi32>
    %bitcast_convert_type3A_71 = tpu.bitcast %and3A_70 : vector<2048x128xi32> -> vector<2048x128xf32>
    %slice3A_72 = vector.extract_strided_slice %bitcast_convert_type3A_17 {offsets = [0, 9], sizes = [2048, 1], strides = [1, 1]} : vector<2048x20xf32> to vector<2048x1xf32>
    %mul3A_73 = vector.broadcast %slice3A_72 : vector<2048x1xf32> to vector<2048x128xf32>
    %mul3A_74 = vector.broadcast %add3A_3 : vector<1x128xf32> to vector<2048x128xf32>
    %mul3A_75 = arith.mulf %mul3A_73, %mul3A_74 : vector<2048x128xf32>
    %bitcast_convert_type3A_76 = tpu.bitcast %mul3A_75 : vector<2048x128xf32> -> vector<2048x128xi32>
    %add3A_77 = arith.constant 32767 : i32
    %add3A_78 = vector.broadcast %add3A_77 : i32 to vector<2048x128xi32>
    %add3A_79 = arith.addi %bitcast_convert_type3A_76, %add3A_78 : vector<2048x128xi32>
    %shift_right_arithmetic3A_80 = arith.constant 16 : i32
    %shift_right_arithmetic3A_81 = vector.broadcast %shift_right_arithmetic3A_80 : i32 to vector<2048x128xi32>
    %shift_right_arithmetic3A_82 = arith.shrsi %bitcast_convert_type3A_76, %shift_right_arithmetic3A_81 : vector<2048x128xi32>
    %and3A_83 = arith.constant 1 : i32
    %and3A_84 = vector.broadcast %and3A_83 : i32 to vector<2048x128xi32>
    %and3A_85 = arith.andi %shift_right_arithmetic3A_82, %and3A_84 : vector<2048x128xi32>
    %add3A_86 = arith.addi %add3A_79, %and3A_85 : vector<2048x128xi32>
    %and3A_87 = arith.constant -65536 : i32
    %and3A_88 = vector.broadcast %and3A_87 : i32 to vector<2048x128xi32>
    %and3A_89 = arith.andi %add3A_86, %and3A_88 : vector<2048x128xi32>
    %bitcast_convert_type3A_90 = tpu.bitcast %and3A_89 : vector<2048x128xi32> -> vector<2048x128xf32>
    %slice3A_91 = vector.extract_strided_slice %bitcast_convert_type3A_17 {offsets = [0, 14], sizes = [2048, 1], strides = [1, 1]} : vector<2048x20xf32> to vector<2048x1xf32>
    %mul3A_92 = vector.broadcast %slice3A_91 : vector<2048x1xf32> to vector<2048x128xf32>
    %mul3A_93 = vector.broadcast %add3A_3 : vector<1x128xf32> to vector<2048x128xf32>
    %mul3A_94 = arith.mulf %mul3A_92, %mul3A_93 : vector<2048x128xf32>
    %bitcast_convert_type3A_95 = tpu.bitcast %mul3A_94 : vector<2048x128xf32> -> vector<2048x128xi32>
    %add3A_96 = arith.constant 32767 : i32
    %add3A_97 = vector.broadcast %add3A_96 : i32 to vector<2048x128xi32>
    %add3A_98 = arith.addi %bitcast_convert_type3A_95, %add3A_97 : vector<2048x128xi32>
    %shift_right_arithmetic3A_99 = arith.constant 16 : i32
    %shift_right_arithmetic3A_100 = vector.broadcast %shift_right_arithmetic3A_99 : i32 to vector<2048x128xi32>
    %shift_right_arithmetic3A_101 = arith.shrsi %bitcast_convert_type3A_95, %shift_right_arithmetic3A_100 : vector<2048x128xi32>
    %and3A_102 = arith.constant 1 : i32
    %and3A_103 = vector.broadcast %and3A_102 : i32 to vector<2048x128xi32>
    %and3A_104 = arith.andi %shift_right_arithmetic3A_101, %and3A_103 : vector<2048x128xi32>
    %add3A_105 = arith.addi %add3A_98, %and3A_104 : vector<2048x128xi32>
    %and3A_106 = arith.constant -65536 : i32
    %and3A_107 = vector.broadcast %and3A_106 : i32 to vector<2048x128xi32>
    %and3A_108 = arith.andi %add3A_105, %and3A_107 : vector<2048x128xi32>
    %bitcast_convert_type3A_109 = tpu.bitcast %and3A_108 : vector<2048x128xi32> -> vector<2048x128xf32>
    %slice3A_110 = vector.extract_strided_slice %bitcast_convert_type3A_17 {offsets = [0, 19], sizes = [2048, 1], strides = [1, 1]} : vector<2048x20xf32> to vector<2048x1xf32>
    %mul3A_111 = vector.broadcast %slice3A_110 : vector<2048x1xf32> to vector<2048x128xf32>
    %mul3A_112 = vector.broadcast %add3A_3 : vector<1x128xf32> to vector<2048x128xf32>
    %mul3A_113 = arith.mulf %mul3A_111, %mul3A_112 : vector<2048x128xf32>
    %bitcast_convert_type3A_114 = tpu.bitcast %mul3A_113 : vector<2048x128xf32> -> vector<2048x128xi32>
    %add3A_115 = arith.constant 32767 : i32
    %add3A_116 = vector.broadcast %add3A_115 : i32 to vector<2048x128xi32>
    %add3A_117 = arith.addi %bitcast_convert_type3A_114, %add3A_116 : vector<2048x128xi32>
    %shift_right_arithmetic3A_118 = arith.constant 16 : i32
    %shift_right_arithmetic3A_119 = vector.broadcast %shift_right_arithmetic3A_118 : i32 to vector<2048x128xi32>
    %shift_right_arithmetic3A_120 = arith.shrsi %bitcast_convert_type3A_114, %shift_right_arithmetic3A_119 : vector<2048x128xi32>
    %and3A_121 = arith.constant 1 : i32
    %and3A_122 = vector.broadcast %and3A_121 : i32 to vector<2048x128xi32>
    %and3A_123 = arith.andi %shift_right_arithmetic3A_120, %and3A_122 : vector<2048x128xi32>
    %add3A_124 = arith.addi %add3A_117, %and3A_123 : vector<2048x128xi32>
    %and3A_125 = arith.constant -65536 : i32
    %and3A_126 = vector.broadcast %and3A_125 : i32 to vector<2048x128xi32>
    %and3A_127 = arith.andi %add3A_124, %and3A_126 : vector<2048x128xi32>
    %bitcast_convert_type3A_128 = tpu.bitcast %and3A_127 : vector<2048x128xi32> -> vector<2048x128xf32>
    %slice3A_129 = vector.extract_strided_slice %bitcast_convert_type3A_35 {offsets = [0, 0], sizes = [2048, 1], strides = [1, 1]} : vector<2048x16xf32> to vector<2048x1xf32>
    %mul3A_130 = vector.broadcast %slice3A_129 : vector<2048x1xf32> to vector<2048x128xf32>
    %mul3A_131 = arith.mulf %mul3A_130, %bitcast_convert_type3A_71 : vector<2048x128xf32>
    %slice3A_132 = vector.extract_strided_slice %bitcast_convert_type3A_35 {offsets = [0, 1], sizes = [2048, 1], strides = [1, 1]} : vector<2048x16xf32> to vector<2048x1xf32>
    %mul3A_133 = vector.broadcast %slice3A_132 : vector<2048x1xf32> to vector<2048x128xf32>
    %mul3A_134 = arith.mulf %mul3A_133, %bitcast_convert_type3A_90 : vector<2048x128xf32>
    %add3A_135 = arith.addf %mul3A_131, %mul3A_134 : vector<2048x128xf32>
    %slice3A_136 = vector.extract_strided_slice %bitcast_convert_type3A_35 {offsets = [0, 2], sizes = [2048, 1], strides = [1, 1]} : vector<2048x16xf32> to vector<2048x1xf32>
    %mul3A_137 = vector.broadcast %slice3A_136 : vector<2048x1xf32> to vector<2048x128xf32>
    %mul3A_138 = arith.mulf %mul3A_137, %bitcast_convert_type3A_109 : vector<2048x128xf32>
    %add3A_139 = arith.addf %add3A_135, %mul3A_138 : vector<2048x128xf32>
    %slice3A_140 = vector.extract_strided_slice %bitcast_convert_type3A_35 {offsets = [0, 3], sizes = [2048, 1], strides = [1, 1]} : vector<2048x16xf32> to vector<2048x1xf32>
    %mul3A_141 = vector.broadcast %slice3A_140 : vector<2048x1xf32> to vector<2048x128xf32>
    %mul3A_142 = arith.mulf %mul3A_141, %bitcast_convert_type3A_128 : vector<2048x128xf32>
    %add3A_143 = arith.addf %add3A_139, %mul3A_142 : vector<2048x128xf32>
    %bitcast_convert_type3A_144 = tpu.bitcast %add3A_143 : vector<2048x128xf32> -> vector<2048x128xi32>
    %add3A_145 = arith.constant 32767 : i32
    %add3A_146 = vector.broadcast %add3A_145 : i32 to vector<2048x128xi32>
    %add3A_147 = arith.addi %bitcast_convert_type3A_144, %add3A_146 : vector<2048x128xi32>
    %shift_right_arithmetic3A_148 = arith.constant 16 : i32
    %shift_right_arithmetic3A_149 = vector.broadcast %shift_right_arithmetic3A_148 : i32 to vector<2048x128xi32>
    %shift_right_arithmetic3A_150 = arith.shrsi %bitcast_convert_type3A_144, %shift_right_arithmetic3A_149 : vector<2048x128xi32>
    %and3A_151 = arith.constant 1 : i32
    %and3A_152 = vector.broadcast %and3A_151 : i32 to vector<2048x128xi32>
    %and3A_153 = arith.andi %shift_right_arithmetic3A_150, %and3A_152 : vector<2048x128xi32>
    %add3A_154 = arith.addi %add3A_147, %and3A_153 : vector<2048x128xi32>
    %and3A_155 = arith.constant -65536 : i32
    %and3A_156 = vector.broadcast %and3A_155 : i32 to vector<2048x128xi32>
    %and3A_157 = arith.andi %add3A_154, %and3A_156 : vector<2048x128xi32>
    %bitcast_convert_type3A_158 = tpu.bitcast %and3A_157 : vector<2048x128xi32> -> vector<2048x128xf32>
    %slice3A_159 = vector.extract_strided_slice %bitcast_convert_type3A_35 {offsets = [0, 4], sizes = [2048, 1], strides = [1, 1]} : vector<2048x16xf32> to vector<2048x1xf32>
    %mul3A_160 = vector.broadcast %slice3A_159 : vector<2048x1xf32> to vector<2048x128xf32>
    %mul3A_161 = arith.mulf %mul3A_160, %bitcast_convert_type3A_71 : vector<2048x128xf32>
    %slice3A_162 = vector.extract_strided_slice %bitcast_convert_type3A_35 {offsets = [0, 5], sizes = [2048, 1], strides = [1, 1]} : vector<2048x16xf32> to vector<2048x1xf32>
    %mul3A_163 = vector.broadcast %slice3A_162 : vector<2048x1xf32> to vector<2048x128xf32>
    %mul3A_164 = arith.mulf %mul3A_163, %bitcast_convert_type3A_90 : vector<2048x128xf32>
    %add3A_165 = arith.addf %mul3A_161, %mul3A_164 : vector<2048x128xf32>
    %slice3A_166 = vector.extract_strided_slice %bitcast_convert_type3A_35 {offsets = [0, 6], sizes = [2048, 1], strides = [1, 1]} : vector<2048x16xf32> to vector<2048x1xf32>
    %mul3A_167 = vector.broadcast %slice3A_166 : vector<2048x1xf32> to vector<2048x128xf32>
    %mul3A_168 = arith.mulf %mul3A_167, %bitcast_convert_type3A_109 : vector<2048x128xf32>
    %add3A_169 = arith.addf %add3A_165, %mul3A_168 : vector<2048x128xf32>
    %slice3A_170 = vector.extract_strided_slice %bitcast_convert_type3A_35 {offsets = [0, 7], sizes = [2048, 1], strides = [1, 1]} : vector<2048x16xf32> to vector<2048x1xf32>
    %mul3A_171 = vector.broadcast %slice3A_170 : vector<2048x1xf32> to vector<2048x128xf32>
    %mul3A_172 = arith.mulf %mul3A_171, %bitcast_convert_type3A_128 : vector<2048x128xf32>
    %add3A_173 = arith.addf %add3A_169, %mul3A_172 : vector<2048x128xf32>
    %bitcast_convert_type3A_174 = tpu.bitcast %add3A_173 : vector<2048x128xf32> -> vector<2048x128xi32>
    %add3A_175 = arith.constant 32767 : i32
    %add3A_176 = vector.broadcast %add3A_175 : i32 to vector<2048x128xi32>
    %add3A_177 = arith.addi %bitcast_convert_type3A_174, %add3A_176 : vector<2048x128xi32>
    %shift_right_arithmetic3A_178 = arith.constant 16 : i32
    %shift_right_arithmetic3A_179 = vector.broadcast %shift_right_arithmetic3A_178 : i32 to vector<2048x128xi32>
    %shift_right_arithmetic3A_180 = arith.shrsi %bitcast_convert_type3A_174, %shift_right_arithmetic3A_179 : vector<2048x128xi32>
    %and3A_181 = arith.constant 1 : i32
    %and3A_182 = vector.broadcast %and3A_181 : i32 to vector<2048x128xi32>
    %and3A_183 = arith.andi %shift_right_arithmetic3A_180, %and3A_182 : vector<2048x128xi32>
    %add3A_184 = arith.addi %add3A_177, %and3A_183 : vector<2048x128xi32>
    %and3A_185 = arith.constant -65536 : i32
    %and3A_186 = vector.broadcast %and3A_185 : i32 to vector<2048x128xi32>
    %and3A_187 = arith.andi %add3A_184, %and3A_186 : vector<2048x128xi32>
    %bitcast_convert_type3A_188 = tpu.bitcast %and3A_187 : vector<2048x128xi32> -> vector<2048x128xf32>
    %slice3A_189 = vector.extract_strided_slice %bitcast_convert_type3A_35 {offsets = [0, 8], sizes = [2048, 1], strides = [1, 1]} : vector<2048x16xf32> to vector<2048x1xf32>
    %mul3A_190 = vector.broadcast %slice3A_189 : vector<2048x1xf32> to vector<2048x128xf32>
    %mul3A_191 = arith.mulf %mul3A_190, %bitcast_convert_type3A_71 : vector<2048x128xf32>
    %slice3A_192 = vector.extract_strided_slice %bitcast_convert_type3A_35 {offsets = [0, 9], sizes = [2048, 1], strides = [1, 1]} : vector<2048x16xf32> to vector<2048x1xf32>
    %mul3A_193 = vector.broadcast %slice3A_192 : vector<2048x1xf32> to vector<2048x128xf32>
    %mul3A_194 = arith.mulf %mul3A_193, %bitcast_convert_type3A_90 : vector<2048x128xf32>
    %add3A_195 = arith.addf %mul3A_191, %mul3A_194 : vector<2048x128xf32>
    %slice3A_196 = vector.extract_strided_slice %bitcast_convert_type3A_35 {offsets = [0, 10], sizes = [2048, 1], strides = [1, 1]} : vector<2048x16xf32> to vector<2048x1xf32>
    %mul3A_197 = vector.broadcast %slice3A_196 : vector<2048x1xf32> to vector<2048x128xf32>
    %mul3A_198 = arith.mulf %mul3A_197, %bitcast_convert_type3A_109 : vector<2048x128xf32>
    %add3A_199 = arith.addf %add3A_195, %mul3A_198 : vector<2048x128xf32>
    %slice3A_200 = vector.extract_strided_slice %bitcast_convert_type3A_35 {offsets = [0, 11], sizes = [2048, 1], strides = [1, 1]} : vector<2048x16xf32> to vector<2048x1xf32>
    %mul3A_201 = vector.broadcast %slice3A_200 : vector<2048x1xf32> to vector<2048x128xf32>
    %mul3A_202 = arith.mulf %mul3A_201, %bitcast_convert_type3A_128 : vector<2048x128xf32>
    %add3A_203 = arith.addf %add3A_199, %mul3A_202 : vector<2048x128xf32>
    %bitcast_convert_type3A_204 = tpu.bitcast %add3A_203 : vector<2048x128xf32> -> vector<2048x128xi32>
    %add3A_205 = arith.constant 32767 : i32
    %add3A_206 = vector.broadcast %add3A_205 : i32 to vector<2048x128xi32>
    %add3A_207 = arith.addi %bitcast_convert_type3A_204, %add3A_206 : vector<2048x128xi32>
    %shift_right_arithmetic3A_208 = arith.constant 16 : i32
    %shift_right_arithmetic3A_209 = vector.broadcast %shift_right_arithmetic3A_208 : i32 to vector<2048x128xi32>
    %shift_right_arithmetic3A_210 = arith.shrsi %bitcast_convert_type3A_204, %shift_right_arithmetic3A_209 : vector<2048x128xi32>
    %and3A_211 = arith.constant 1 : i32
    %and3A_212 = vector.broadcast %and3A_211 : i32 to vector<2048x128xi32>
    %and3A_213 = arith.andi %shift_right_arithmetic3A_210, %and3A_212 : vector<2048x128xi32>
    %add3A_214 = arith.addi %add3A_207, %and3A_213 : vector<2048x128xi32>
    %and3A_215 = arith.constant -65536 : i32
    %and3A_216 = vector.broadcast %and3A_215 : i32 to vector<2048x128xi32>
    %and3A_217 = arith.andi %add3A_214, %and3A_216 : vector<2048x128xi32>
    %bitcast_convert_type3A_218 = tpu.bitcast %and3A_217 : vector<2048x128xi32> -> vector<2048x128xf32>
    %slice3A_219 = vector.extract_strided_slice %bitcast_convert_type3A_35 {offsets = [0, 12], sizes = [2048, 1], strides = [1, 1]} : vector<2048x16xf32> to vector<2048x1xf32>
    %mul3A_220 = vector.broadcast %slice3A_219 : vector<2048x1xf32> to vector<2048x128xf32>
    %mul3A_221 = arith.mulf %mul3A_220, %bitcast_convert_type3A_71 : vector<2048x128xf32>
    %slice3A_222 = vector.extract_strided_slice %bitcast_convert_type3A_35 {offsets = [0, 13], sizes = [2048, 1], strides = [1, 1]} : vector<2048x16xf32> to vector<2048x1xf32>
    %mul3A_223 = vector.broadcast %slice3A_222 : vector<2048x1xf32> to vector<2048x128xf32>
    %mul3A_224 = arith.mulf %mul3A_223, %bitcast_convert_type3A_90 : vector<2048x128xf32>
    %add3A_225 = arith.addf %mul3A_221, %mul3A_224 : vector<2048x128xf32>
    %slice3A_226 = vector.extract_strided_slice %bitcast_convert_type3A_35 {offsets = [0, 14], sizes = [2048, 1], strides = [1, 1]} : vector<2048x16xf32> to vector<2048x1xf32>
    %mul3A_227 = vector.broadcast %slice3A_226 : vector<2048x1xf32> to vector<2048x128xf32>
    %mul3A_228 = arith.mulf %mul3A_227, %bitcast_convert_type3A_109 : vector<2048x128xf32>
    %add3A_229 = arith.addf %add3A_225, %mul3A_228 : vector<2048x128xf32>
    %slice3A_230 = vector.extract_strided_slice %bitcast_convert_type3A_35 {offsets = [0, 15], sizes = [2048, 1], strides = [1, 1]} : vector<2048x16xf32> to vector<2048x1xf32>
    %mul3A_231 = vector.broadcast %slice3A_230 : vector<2048x1xf32> to vector<2048x128xf32>
    %mul3A_232 = arith.mulf %mul3A_231, %bitcast_convert_type3A_128 : vector<2048x128xf32>
    %add3A_233 = arith.addf %add3A_229, %mul3A_232 : vector<2048x128xf32>
    %bitcast_convert_type3A_234 = tpu.bitcast %add3A_233 : vector<2048x128xf32> -> vector<2048x128xi32>
    %add3A_235 = arith.constant 32767 : i32
    %add3A_236 = vector.broadcast %add3A_235 : i32 to vector<2048x128xi32>
    %add3A_237 = arith.addi %bitcast_convert_type3A_234, %add3A_236 : vector<2048x128xi32>
    %shift_right_arithmetic3A_238 = arith.constant 16 : i32
    %shift_right_arithmetic3A_239 = vector.broadcast %shift_right_arithmetic3A_238 : i32 to vector<2048x128xi32>
    %shift_right_arithmetic3A_240 = arith.shrsi %bitcast_convert_type3A_234, %shift_right_arithmetic3A_239 : vector<2048x128xi32>
    %and3A_241 = arith.constant 1 : i32
    %and3A_242 = vector.broadcast %and3A_241 : i32 to vector<2048x128xi32>
    %and3A_243 = arith.andi %shift_right_arithmetic3A_240, %and3A_242 : vector<2048x128xi32>
    %add3A_244 = arith.addi %add3A_237, %and3A_243 : vector<2048x128xi32>
    %and3A_245 = arith.constant -65536 : i32
    %and3A_246 = vector.broadcast %and3A_245 : i32 to vector<2048x128xi32>
    %and3A_247 = arith.andi %add3A_244, %and3A_246 : vector<2048x128xi32>
    %bitcast_convert_type3A_248 = tpu.bitcast %and3A_247 : vector<2048x128xi32> -> vector<2048x128xf32>
    %slice3A_249 = vector.extract_strided_slice %bitcast_convert_type3A_53 {offsets = [0, 0], sizes = [2048, 1], strides = [1, 1]} : vector<2048x4xf32> to vector<2048x1xf32>
    %mul3A_250 = vector.broadcast %slice3A_249 : vector<2048x1xf32> to vector<2048x128xf32>
    %mul3A_251 = arith.mulf %mul3A_250, %bitcast_convert_type3A_158 : vector<2048x128xf32>
    %slice3A_252 = vector.extract_strided_slice %bitcast_convert_type3A_53 {offsets = [0, 1], sizes = [2048, 1], strides = [1, 1]} : vector<2048x4xf32> to vector<2048x1xf32>
    %mul3A_253 = vector.broadcast %slice3A_252 : vector<2048x1xf32> to vector<2048x128xf32>
    %mul3A_254 = arith.mulf %mul3A_253, %bitcast_convert_type3A_188 : vector<2048x128xf32>
    %add3A_255 = arith.addf %mul3A_251, %mul3A_254 : vector<2048x128xf32>
    %slice3A_256 = vector.extract_strided_slice %bitcast_convert_type3A_53 {offsets = [0, 2], sizes = [2048, 1], strides = [1, 1]} : vector<2048x4xf32> to vector<2048x1xf32>
    %mul3A_257 = vector.broadcast %slice3A_256 : vector<2048x1xf32> to vector<2048x128xf32>
    %mul3A_258 = arith.mulf %mul3A_257, %bitcast_convert_type3A_218 : vector<2048x128xf32>
    %add3A_259 = arith.addf %add3A_255, %mul3A_258 : vector<2048x128xf32>
    %slice3A_260 = vector.extract_strided_slice %bitcast_convert_type3A_53 {offsets = [0, 3], sizes = [2048, 1], strides = [1, 1]} : vector<2048x4xf32> to vector<2048x1xf32>
    %mul3A_261 = vector.broadcast %slice3A_260 : vector<2048x1xf32> to vector<2048x128xf32>
    %mul3A_262 = arith.mulf %mul3A_261, %bitcast_convert_type3A_248 : vector<2048x128xf32>
    %add3A_263 = arith.addf %add3A_259, %mul3A_262 : vector<2048x128xf32>
    %get3A_264 = arith.constant 0 : index
    %get3A_265 = arith.constant 0 : index
    %get3A_266 = vector.load %arg3[%get3A_264, %get3A_265] : memref<1024x20xf32, #tpu.memory_space<vmem>>, vector<1024x20xf32>
    %bitcast_convert_type3A_267 = tpu.bitcast %get3A_266 : vector<1024x20xf32> -> vector<1024x20xi32>
    %add3A_268 = arith.constant 32767 : i32
    %add3A_269 = vector.broadcast %add3A_268 : i32 to vector<1024x20xi32>
    %add3A_270 = arith.addi %bitcast_convert_type3A_267, %add3A_269 : vector<1024x20xi32>
    %shift_right_arithmetic3A_271 = arith.constant 16 : i32
    %shift_right_arithmetic3A_272 = vector.broadcast %shift_right_arithmetic3A_271 : i32 to vector<1024x20xi32>
    %shift_right_arithmetic3A_273 = arith.shrsi %bitcast_convert_type3A_267, %shift_right_arithmetic3A_272 : vector<1024x20xi32>
    %and3A_274 = arith.constant 1 : i32
    %and3A_275 = vector.broadcast %and3A_274 : i32 to vector<1024x20xi32>
    %and3A_276 = arith.andi %shift_right_arithmetic3A_273, %and3A_275 : vector<1024x20xi32>
    %add3A_277 = arith.addi %add3A_270, %and3A_276 : vector<1024x20xi32>
    %and3A_278 = arith.constant -65536 : i32
    %and3A_279 = vector.broadcast %and3A_278 : i32 to vector<1024x20xi32>
    %and3A_280 = arith.andi %add3A_277, %and3A_279 : vector<1024x20xi32>
    %bitcast_convert_type3A_281 = tpu.bitcast %and3A_280 : vector<1024x20xi32> -> vector<1024x20xf32>
    %get3A_282 = arith.constant 0 : index
    %get3A_283 = arith.constant 0 : index
    %get3A_284 = vector.load %arg4[%get3A_282, %get3A_283] : memref<1024x16xf32, #tpu.memory_space<vmem>>, vector<1024x16xf32>
    %bitcast_convert_type3A_285 = tpu.bitcast %get3A_284 : vector<1024x16xf32> -> vector<1024x16xi32>
    %add3A_286 = arith.constant 32767 : i32
    %add3A_287 = vector.broadcast %add3A_286 : i32 to vector<1024x16xi32>
    %add3A_288 = arith.addi %bitcast_convert_type3A_285, %add3A_287 : vector<1024x16xi32>
    %shift_right_arithmetic3A_289 = arith.constant 16 : i32
    %shift_right_arithmetic3A_290 = vector.broadcast %shift_right_arithmetic3A_289 : i32 to vector<1024x16xi32>
    %shift_right_arithmetic3A_291 = arith.shrsi %bitcast_convert_type3A_285, %shift_right_arithmetic3A_290 : vector<1024x16xi32>
    %and3A_292 = arith.constant 1 : i32
    %and3A_293 = vector.broadcast %and3A_292 : i32 to vector<1024x16xi32>
    %and3A_294 = arith.andi %shift_right_arithmetic3A_291, %and3A_293 : vector<1024x16xi32>
    %add3A_295 = arith.addi %add3A_288, %and3A_294 : vector<1024x16xi32>
    %and3A_296 = arith.constant -65536 : i32
    %and3A_297 = vector.broadcast %and3A_296 : i32 to vector<1024x16xi32>
    %and3A_298 = arith.andi %add3A_295, %and3A_297 : vector<1024x16xi32>
    %bitcast_convert_type3A_299 = tpu.bitcast %and3A_298 : vector<1024x16xi32> -> vector<1024x16xf32>
    %get3A_300 = arith.constant 0 : index
    %get3A_301 = arith.constant 0 : index
    %get3A_302 = vector.load %arg5[%get3A_300, %get3A_301] : memref<1024x4xf32, #tpu.memory_space<vmem>>, vector<1024x4xf32>
    %bitcast_convert_type3A_303 = tpu.bitcast %get3A_302 : vector<1024x4xf32> -> vector<1024x4xi32>
    %add3A_304 = arith.constant 32767 : i32
    %add3A_305 = vector.broadcast %add3A_304 : i32 to vector<1024x4xi32>
    %add3A_306 = arith.addi %bitcast_convert_type3A_303, %add3A_305 : vector<1024x4xi32>
    %shift_right_arithmetic3A_307 = arith.constant 16 : i32
    %shift_right_arithmetic3A_308 = vector.broadcast %shift_right_arithmetic3A_307 : i32 to vector<1024x4xi32>
    %shift_right_arithmetic3A_309 = arith.shrsi %bitcast_convert_type3A_303, %shift_right_arithmetic3A_308 : vector<1024x4xi32>
    %and3A_310 = arith.constant 1 : i32
    %and3A_311 = vector.broadcast %and3A_310 : i32 to vector<1024x4xi32>
    %and3A_312 = arith.andi %shift_right_arithmetic3A_309, %and3A_311 : vector<1024x4xi32>
    %add3A_313 = arith.addi %add3A_306, %and3A_312 : vector<1024x4xi32>
    %and3A_314 = arith.constant -65536 : i32
    %and3A_315 = vector.broadcast %and3A_314 : i32 to vector<1024x4xi32>
    %and3A_316 = arith.andi %add3A_313, %and3A_315 : vector<1024x4xi32>
    %bitcast_convert_type3A_317 = tpu.bitcast %and3A_316 : vector<1024x4xi32> -> vector<1024x4xf32>
    %slice3A_318 = vector.extract_strided_slice %bitcast_convert_type3A_281 {offsets = [0, 4], sizes = [1024, 1], strides = [1, 1]} : vector<1024x20xf32> to vector<1024x1xf32>
    %mul3A_319 = vector.broadcast %slice3A_318 : vector<1024x1xf32> to vector<1024x128xf32>
    %mul3A_320 = vector.broadcast %add3A_3 : vector<1x128xf32> to vector<1024x128xf32>
    %mul3A_321 = arith.mulf %mul3A_319, %mul3A_320 : vector<1024x128xf32>
    %bitcast_convert_type3A_322 = tpu.bitcast %mul3A_321 : vector<1024x128xf32> -> vector<1024x128xi32>
    %add3A_323 = arith.constant 32767 : i32
    %add3A_324 = vector.broadcast %add3A_323 : i32 to vector<1024x128xi32>
    %add3A_325 = arith.addi %bitcast_convert_type3A_322, %add3A_324 : vector<1024x128xi32>
    %shift_right_arithmetic3A_326 = arith.constant 16 : i32
    %shift_right_arithmetic3A_327 = vector.broadcast %shift_right_arithmetic3A_326 : i32 to vector<1024x128xi32>
    %shift_right_arithmetic3A_328 = arith.shrsi %bitcast_convert_type3A_322, %shift_right_arithmetic3A_327 : vector<1024x128xi32>
    %and3A_329 = arith.constant 1 : i32
    %and3A_330 = vector.broadcast %and3A_329 : i32 to vector<1024x128xi32>
    %and3A_331 = arith.andi %shift_right_arithmetic3A_328, %and3A_330 : vector<1024x128xi32>
    %add3A_332 = arith.addi %add3A_325, %and3A_331 : vector<1024x128xi32>
    %and3A_333 = arith.constant -65536 : i32
    %and3A_334 = vector.broadcast %and3A_333 : i32 to vector<1024x128xi32>
    %and3A_335 = arith.andi %add3A_332, %and3A_334 : vector<1024x128xi32>
    %bitcast_convert_type3A_336 = tpu.bitcast %and3A_335 : vector<1024x128xi32> -> vector<1024x128xf32>
    %slice3A_337 = vector.extract_strided_slice %bitcast_convert_type3A_281 {offsets = [0, 9], sizes = [1024, 1], strides = [1, 1]} : vector<1024x20xf32> to vector<1024x1xf32>
    %mul3A_338 = vector.broadcast %slice3A_337 : vector<1024x1xf32> to vector<1024x128xf32>
    %mul3A_339 = vector.broadcast %add3A_3 : vector<1x128xf32> to vector<1024x128xf32>
    %mul3A_340 = arith.mulf %mul3A_338, %mul3A_339 : vector<1024x128xf32>
    %bitcast_convert_type3A_341 = tpu.bitcast %mul3A_340 : vector<1024x128xf32> -> vector<1024x128xi32>
    %add3A_342 = arith.constant 32767 : i32
    %add3A_343 = vector.broadcast %add3A_342 : i32 to vector<1024x128xi32>
    %add3A_344 = arith.addi %bitcast_convert_type3A_341, %add3A_343 : vector<1024x128xi32>
    %shift_right_arithmetic3A_345 = arith.constant 16 : i32
    %shift_right_arithmetic3A_346 = vector.broadcast %shift_right_arithmetic3A_345 : i32 to vector<1024x128xi32>
    %shift_right_arithmetic3A_347 = arith.shrsi %bitcast_convert_type3A_341, %shift_right_arithmetic3A_346 : vector<1024x128xi32>
    %and3A_348 = arith.constant 1 : i32
    %and3A_349 = vector.broadcast %and3A_348 : i32 to vector<1024x128xi32>
    %and3A_350 = arith.andi %shift_right_arithmetic3A_347, %and3A_349 : vector<1024x128xi32>
    %add3A_351 = arith.addi %add3A_344, %and3A_350 : vector<1024x128xi32>
    %and3A_352 = arith.constant -65536 : i32
    %and3A_353 = vector.broadcast %and3A_352 : i32 to vector<1024x128xi32>
    %and3A_354 = arith.andi %add3A_351, %and3A_353 : vector<1024x128xi32>
    %bitcast_convert_type3A_355 = tpu.bitcast %and3A_354 : vector<1024x128xi32> -> vector<1024x128xf32>
    %slice3A_356 = vector.extract_strided_slice %bitcast_convert_type3A_281 {offsets = [0, 14], sizes = [1024, 1], strides = [1, 1]} : vector<1024x20xf32> to vector<1024x1xf32>
    %mul3A_357 = vector.broadcast %slice3A_356 : vector<1024x1xf32> to vector<1024x128xf32>
    %mul3A_358 = vector.broadcast %add3A_3 : vector<1x128xf32> to vector<1024x128xf32>
    %mul3A_359 = arith.mulf %mul3A_357, %mul3A_358 : vector<1024x128xf32>
    %bitcast_convert_type3A_360 = tpu.bitcast %mul3A_359 : vector<1024x128xf32> -> vector<1024x128xi32>
    %add3A_361 = arith.constant 32767 : i32
    %add3A_362 = vector.broadcast %add3A_361 : i32 to vector<1024x128xi32>
    %add3A_363 = arith.addi %bitcast_convert_type3A_360, %add3A_362 : vector<1024x128xi32>
    %shift_right_arithmetic3A_364 = arith.constant 16 : i32
    %shift_right_arithmetic3A_365 = vector.broadcast %shift_right_arithmetic3A_364 : i32 to vector<1024x128xi32>
    %shift_right_arithmetic3A_366 = arith.shrsi %bitcast_convert_type3A_360, %shift_right_arithmetic3A_365 : vector<1024x128xi32>
    %and3A_367 = arith.constant 1 : i32
    %and3A_368 = vector.broadcast %and3A_367 : i32 to vector<1024x128xi32>
    %and3A_369 = arith.andi %shift_right_arithmetic3A_366, %and3A_368 : vector<1024x128xi32>
    %add3A_370 = arith.addi %add3A_363, %and3A_369 : vector<1024x128xi32>
    %and3A_371 = arith.constant -65536 : i32
    %and3A_372 = vector.broadcast %and3A_371 : i32 to vector<1024x128xi32>
    %and3A_373 = arith.andi %add3A_370, %and3A_372 : vector<1024x128xi32>
    %bitcast_convert_type3A_374 = tpu.bitcast %and3A_373 : vector<1024x128xi32> -> vector<1024x128xf32>
    %slice3A_375 = vector.extract_strided_slice %bitcast_convert_type3A_281 {offsets = [0, 19], sizes = [1024, 1], strides = [1, 1]} : vector<1024x20xf32> to vector<1024x1xf32>
    %mul3A_376 = vector.broadcast %slice3A_375 : vector<1024x1xf32> to vector<1024x128xf32>
    %mul3A_377 = vector.broadcast %add3A_3 : vector<1x128xf32> to vector<1024x128xf32>
    %mul3A_378 = arith.mulf %mul3A_376, %mul3A_377 : vector<1024x128xf32>
    %bitcast_convert_type3A_379 = tpu.bitcast %mul3A_378 : vector<1024x128xf32> -> vector<1024x128xi32>
    %add3A_380 = arith.constant 32767 : i32
    %add3A_381 = vector.broadcast %add3A_380 : i32 to vector<1024x128xi32>
    %add3A_382 = arith.addi %bitcast_convert_type3A_379, %add3A_381 : vector<1024x128xi32>
    %shift_right_arithmetic3A_383 = arith.constant 16 : i32
    %shift_right_arithmetic3A_384 = vector.broadcast %shift_right_arithmetic3A_383 : i32 to vector<1024x128xi32>
    %shift_right_arithmetic3A_385 = arith.shrsi %bitcast_convert_type3A_379, %shift_right_arithmetic3A_384 : vector<1024x128xi32>
    %and3A_386 = arith.constant 1 : i32
    %and3A_387 = vector.broadcast %and3A_386 : i32 to vector<1024x128xi32>
    %and3A_388 = arith.andi %shift_right_arithmetic3A_385, %and3A_387 : vector<1024x128xi32>
    %add3A_389 = arith.addi %add3A_382, %and3A_388 : vector<1024x128xi32>
    %and3A_390 = arith.constant -65536 : i32
    %and3A_391 = vector.broadcast %and3A_390 : i32 to vector<1024x128xi32>
    %and3A_392 = arith.andi %add3A_389, %and3A_391 : vector<1024x128xi32>
    %bitcast_convert_type3A_393 = tpu.bitcast %and3A_392 : vector<1024x128xi32> -> vector<1024x128xf32>
    %slice3A_394 = vector.extract_strided_slice %bitcast_convert_type3A_299 {offsets = [0, 0], sizes = [1024, 1], strides = [1, 1]} : vector<1024x16xf32> to vector<1024x1xf32>
    %mul3A_395 = vector.broadcast %slice3A_394 : vector<1024x1xf32> to vector<1024x128xf32>
    %mul3A_396 = arith.mulf %mul3A_395, %bitcast_convert_type3A_336 : vector<1024x128xf32>
    %slice3A_397 = vector.extract_strided_slice %bitcast_convert_type3A_299 {offsets = [0, 1], sizes = [1024, 1], strides = [1, 1]} : vector<1024x16xf32> to vector<1024x1xf32>
    %mul3A_398 = vector.broadcast %slice3A_397 : vector<1024x1xf32> to vector<1024x128xf32>
    %mul3A_399 = arith.mulf %mul3A_398, %bitcast_convert_type3A_355 : vector<1024x128xf32>
    %add3A_400 = arith.addf %mul3A_396, %mul3A_399 : vector<1024x128xf32>
    %slice3A_401 = vector.extract_strided_slice %bitcast_convert_type3A_299 {offsets = [0, 2], sizes = [1024, 1], strides = [1, 1]} : vector<1024x16xf32> to vector<1024x1xf32>
    %mul3A_402 = vector.broadcast %slice3A_401 : vector<1024x1xf32> to vector<1024x128xf32>
    %mul3A_403 = arith.mulf %mul3A_402, %bitcast_convert_type3A_374 : vector<1024x128xf32>
    %add3A_404 = arith.addf %add3A_400, %mul3A_403 : vector<1024x128xf32>
    %slice3A_405 = vector.extract_strided_slice %bitcast_convert_type3A_299 {offsets = [0, 3], sizes = [1024, 1], strides = [1, 1]} : vector<1024x16xf32> to vector<1024x1xf32>
    %mul3A_406 = vector.broadcast %slice3A_405 : vector<1024x1xf32> to vector<1024x128xf32>
    %mul3A_407 = arith.mulf %mul3A_406, %bitcast_convert_type3A_393 : vector<1024x128xf32>
    %add3A_408 = arith.addf %add3A_404, %mul3A_407 : vector<1024x128xf32>
    %bitcast_convert_type3A_409 = tpu.bitcast %add3A_408 : vector<1024x128xf32> -> vector<1024x128xi32>
    %add3A_410 = arith.constant 32767 : i32
    %add3A_411 = vector.broadcast %add3A_410 : i32 to vector<1024x128xi32>
    %add3A_412 = arith.addi %bitcast_convert_type3A_409, %add3A_411 : vector<1024x128xi32>
    %shift_right_arithmetic3A_413 = arith.constant 16 : i32
    %shift_right_arithmetic3A_414 = vector.broadcast %shift_right_arithmetic3A_413 : i32 to vector<1024x128xi32>
    %shift_right_arithmetic3A_415 = arith.shrsi %bitcast_convert_type3A_409, %shift_right_arithmetic3A_414 : vector<1024x128xi32>
    %and3A_416 = arith.constant 1 : i32
    %and3A_417 = vector.broadcast %and3A_416 : i32 to vector<1024x128xi32>
    %and3A_418 = arith.andi %shift_right_arithmetic3A_415, %and3A_417 : vector<1024x128xi32>
    %add3A_419 = arith.addi %add3A_412, %and3A_418 : vector<1024x128xi32>
    %and3A_420 = arith.constant -65536 : i32
    %and3A_421 = vector.broadcast %and3A_420 : i32 to vector<1024x128xi32>
    %and3A_422 = arith.andi %add3A_419, %and3A_421 : vector<1024x128xi32>
    %bitcast_convert_type3A_423 = tpu.bitcast %and3A_422 : vector<1024x128xi32> -> vector<1024x128xf32>
    %slice3A_424 = vector.extract_strided_slice %bitcast_convert_type3A_299 {offsets = [0, 4], sizes = [1024, 1], strides = [1, 1]} : vector<1024x16xf32> to vector<1024x1xf32>
    %mul3A_425 = vector.broadcast %slice3A_424 : vector<1024x1xf32> to vector<1024x128xf32>
    %mul3A_426 = arith.mulf %mul3A_425, %bitcast_convert_type3A_336 : vector<1024x128xf32>
    %slice3A_427 = vector.extract_strided_slice %bitcast_convert_type3A_299 {offsets = [0, 5], sizes = [1024, 1], strides = [1, 1]} : vector<1024x16xf32> to vector<1024x1xf32>
    %mul3A_428 = vector.broadcast %slice3A_427 : vector<1024x1xf32> to vector<1024x128xf32>
    %mul3A_429 = arith.mulf %mul3A_428, %bitcast_convert_type3A_355 : vector<1024x128xf32>
    %add3A_430 = arith.addf %mul3A_426, %mul3A_429 : vector<1024x128xf32>
    %slice3A_431 = vector.extract_strided_slice %bitcast_convert_type3A_299 {offsets = [0, 6], sizes = [1024, 1], strides = [1, 1]} : vector<1024x16xf32> to vector<1024x1xf32>
    %mul3A_432 = vector.broadcast %slice3A_431 : vector<1024x1xf32> to vector<1024x128xf32>
    %mul3A_433 = arith.mulf %mul3A_432, %bitcast_convert_type3A_374 : vector<1024x128xf32>
    %add3A_434 = arith.addf %add3A_430, %mul3A_433 : vector<1024x128xf32>
    %slice3A_435 = vector.extract_strided_slice %bitcast_convert_type3A_299 {offsets = [0, 7], sizes = [1024, 1], strides = [1, 1]} : vector<1024x16xf32> to vector<1024x1xf32>
    %mul3A_436 = vector.broadcast %slice3A_435 : vector<1024x1xf32> to vector<1024x128xf32>
    %mul3A_437 = arith.mulf %mul3A_436, %bitcast_convert_type3A_393 : vector<1024x128xf32>
    %add3A_438 = arith.addf %add3A_434, %mul3A_437 : vector<1024x128xf32>
    %bitcast_convert_type3A_439 = tpu.bitcast %add3A_438 : vector<1024x128xf32> -> vector<1024x128xi32>
    %add3A_440 = arith.constant 32767 : i32
    %add3A_441 = vector.broadcast %add3A_440 : i32 to vector<1024x128xi32>
    %add3A_442 = arith.addi %bitcast_convert_type3A_439, %add3A_441 : vector<1024x128xi32>
    %shift_right_arithmetic3A_443 = arith.constant 16 : i32
    %shift_right_arithmetic3A_444 = vector.broadcast %shift_right_arithmetic3A_443 : i32 to vector<1024x128xi32>
    %shift_right_arithmetic3A_445 = arith.shrsi %bitcast_convert_type3A_439, %shift_right_arithmetic3A_444 : vector<1024x128xi32>
    %and3A_446 = arith.constant 1 : i32
    %and3A_447 = vector.broadcast %and3A_446 : i32 to vector<1024x128xi32>
    %and3A_448 = arith.andi %shift_right_arithmetic3A_445, %and3A_447 : vector<1024x128xi32>
    %add3A_449 = arith.addi %add3A_442, %and3A_448 : vector<1024x128xi32>
    %and3A_450 = arith.constant -65536 : i32
    %and3A_451 = vector.broadcast %and3A_450 : i32 to vector<1024x128xi32>
    %and3A_452 = arith.andi %add3A_449, %and3A_451 : vector<1024x128xi32>
    %bitcast_convert_type3A_453 = tpu.bitcast %and3A_452 : vector<1024x128xi32> -> vector<1024x128xf32>
    %slice3A_454 = vector.extract_strided_slice %bitcast_convert_type3A_299 {offsets = [0, 8], sizes = [1024, 1], strides = [1, 1]} : vector<1024x16xf32> to vector<1024x1xf32>
    %mul3A_455 = vector.broadcast %slice3A_454 : vector<1024x1xf32> to vector<1024x128xf32>
    %mul3A_456 = arith.mulf %mul3A_455, %bitcast_convert_type3A_336 : vector<1024x128xf32>
    %slice3A_457 = vector.extract_strided_slice %bitcast_convert_type3A_299 {offsets = [0, 9], sizes = [1024, 1], strides = [1, 1]} : vector<1024x16xf32> to vector<1024x1xf32>
    %mul3A_458 = vector.broadcast %slice3A_457 : vector<1024x1xf32> to vector<1024x128xf32>
    %mul3A_459 = arith.mulf %mul3A_458, %bitcast_convert_type3A_355 : vector<1024x128xf32>
    %add3A_460 = arith.addf %mul3A_456, %mul3A_459 : vector<1024x128xf32>
    %slice3A_461 = vector.extract_strided_slice %bitcast_convert_type3A_299 {offsets = [0, 10], sizes = [1024, 1], strides = [1, 1]} : vector<1024x16xf32> to vector<1024x1xf32>
    %mul3A_462 = vector.broadcast %slice3A_461 : vector<1024x1xf32> to vector<1024x128xf32>
    %mul3A_463 = arith.mulf %mul3A_462, %bitcast_convert_type3A_374 : vector<1024x128xf32>
    %add3A_464 = arith.addf %add3A_460, %mul3A_463 : vector<1024x128xf32>
    %slice3A_465 = vector.extract_strided_slice %bitcast_convert_type3A_299 {offsets = [0, 11], sizes = [1024, 1], strides = [1, 1]} : vector<1024x16xf32> to vector<1024x1xf32>
    %mul3A_466 = vector.broadcast %slice3A_465 : vector<1024x1xf32> to vector<1024x128xf32>
    %mul3A_467 = arith.mulf %mul3A_466, %bitcast_convert_type3A_393 : vector<1024x128xf32>
    %add3A_468 = arith.addf %add3A_464, %mul3A_467 : vector<1024x128xf32>
    %bitcast_convert_type3A_469 = tpu.bitcast %add3A_468 : vector<1024x128xf32> -> vector<1024x128xi32>
    %add3A_470 = arith.constant 32767 : i32
    %add3A_471 = vector.broadcast %add3A_470 : i32 to vector<1024x128xi32>
    %add3A_472 = arith.addi %bitcast_convert_type3A_469, %add3A_471 : vector<1024x128xi32>
    %shift_right_arithmetic3A_473 = arith.constant 16 : i32
    %shift_right_arithmetic3A_474 = vector.broadcast %shift_right_arithmetic3A_473 : i32 to vector<1024x128xi32>
    %shift_right_arithmetic3A_475 = arith.shrsi %bitcast_convert_type3A_469, %shift_right_arithmetic3A_474 : vector<1024x128xi32>
    %and3A_476 = arith.constant 1 : i32
    %and3A_477 = vector.broadcast %and3A_476 : i32 to vector<1024x128xi32>
    %and3A_478 = arith.andi %shift_right_arithmetic3A_475, %and3A_477 : vector<1024x128xi32>
    %add3A_479 = arith.addi %add3A_472, %and3A_478 : vector<1024x128xi32>
    %and3A_480 = arith.constant -65536 : i32
    %and3A_481 = vector.broadcast %and3A_480 : i32 to vector<1024x128xi32>
    %and3A_482 = arith.andi %add3A_479, %and3A_481 : vector<1024x128xi32>
    %bitcast_convert_type3A_483 = tpu.bitcast %and3A_482 : vector<1024x128xi32> -> vector<1024x128xf32>
    %slice3A_484 = vector.extract_strided_slice %bitcast_convert_type3A_299 {offsets = [0, 12], sizes = [1024, 1], strides = [1, 1]} : vector<1024x16xf32> to vector<1024x1xf32>
    %mul3A_485 = vector.broadcast %slice3A_484 : vector<1024x1xf32> to vector<1024x128xf32>
    %mul3A_486 = arith.mulf %mul3A_485, %bitcast_convert_type3A_336 : vector<1024x128xf32>
    %slice3A_487 = vector.extract_strided_slice %bitcast_convert_type3A_299 {offsets = [0, 13], sizes = [1024, 1], strides = [1, 1]} : vector<1024x16xf32> to vector<1024x1xf32>
    %mul3A_488 = vector.broadcast %slice3A_487 : vector<1024x1xf32> to vector<1024x128xf32>
    %mul3A_489 = arith.mulf %mul3A_488, %bitcast_convert_type3A_355 : vector<1024x128xf32>
    %add3A_490 = arith.addf %mul3A_486, %mul3A_489 : vector<1024x128xf32>
    %slice3A_491 = vector.extract_strided_slice %bitcast_convert_type3A_299 {offsets = [0, 14], sizes = [1024, 1], strides = [1, 1]} : vector<1024x16xf32> to vector<1024x1xf32>
    %mul3A_492 = vector.broadcast %slice3A_491 : vector<1024x1xf32> to vector<1024x128xf32>
    %mul3A_493 = arith.mulf %mul3A_492, %bitcast_convert_type3A_374 : vector<1024x128xf32>
    %add3A_494 = arith.addf %add3A_490, %mul3A_493 : vector<1024x128xf32>
    %slice3A_495 = vector.extract_strided_slice %bitcast_convert_type3A_299 {offsets = [0, 15], sizes = [1024, 1], strides = [1, 1]} : vector<1024x16xf32> to vector<1024x1xf32>
    %mul3A_496 = vector.broadcast %slice3A_495 : vector<1024x1xf32> to vector<1024x128xf32>
    %mul3A_497 = arith.mulf %mul3A_496, %bitcast_convert_type3A_393 : vector<1024x128xf32>
    %add3A_498 = arith.addf %add3A_494, %mul3A_497 : vector<1024x128xf32>
    %bitcast_convert_type3A_499 = tpu.bitcast %add3A_498 : vector<1024x128xf32> -> vector<1024x128xi32>
    %add3A_500 = arith.constant 32767 : i32
    %add3A_501 = vector.broadcast %add3A_500 : i32 to vector<1024x128xi32>
    %add3A_502 = arith.addi %bitcast_convert_type3A_499, %add3A_501 : vector<1024x128xi32>
    %shift_right_arithmetic3A_503 = arith.constant 16 : i32
    %shift_right_arithmetic3A_504 = vector.broadcast %shift_right_arithmetic3A_503 : i32 to vector<1024x128xi32>
    %shift_right_arithmetic3A_505 = arith.shrsi %bitcast_convert_type3A_499, %shift_right_arithmetic3A_504 : vector<1024x128xi32>
    %and3A_506 = arith.constant 1 : i32
    %and3A_507 = vector.broadcast %and3A_506 : i32 to vector<1024x128xi32>
    %and3A_508 = arith.andi %shift_right_arithmetic3A_505, %and3A_507 : vector<1024x128xi32>
    %add3A_509 = arith.addi %add3A_502, %and3A_508 : vector<1024x128xi32>
    %and3A_510 = arith.constant -65536 : i32
    %and3A_511 = vector.broadcast %and3A_510 : i32 to vector<1024x128xi32>
    %and3A_512 = arith.andi %add3A_509, %and3A_511 : vector<1024x128xi32>
    %bitcast_convert_type3A_513 = tpu.bitcast %and3A_512 : vector<1024x128xi32> -> vector<1024x128xf32>
    %slice3A_514 = vector.extract_strided_slice %bitcast_convert_type3A_317 {offsets = [0, 0], sizes = [1024, 1], strides = [1, 1]} : vector<1024x4xf32> to vector<1024x1xf32>
    %mul3A_515 = vector.broadcast %slice3A_514 : vector<1024x1xf32> to vector<1024x128xf32>
    %mul3A_516 = arith.mulf %mul3A_515, %bitcast_convert_type3A_423 : vector<1024x128xf32>
    %slice3A_517 = vector.extract_strided_slice %bitcast_convert_type3A_317 {offsets = [0, 1], sizes = [1024, 1], strides = [1, 1]} : vector<1024x4xf32> to vector<1024x1xf32>
    %mul3A_518 = vector.broadcast %slice3A_517 : vector<1024x1xf32> to vector<1024x128xf32>
    %mul3A_519 = arith.mulf %mul3A_518, %bitcast_convert_type3A_453 : vector<1024x128xf32>
    %add3A_520 = arith.addf %mul3A_516, %mul3A_519 : vector<1024x128xf32>
    %slice3A_521 = vector.extract_strided_slice %bitcast_convert_type3A_317 {offsets = [0, 2], sizes = [1024, 1], strides = [1, 1]} : vector<1024x4xf32> to vector<1024x1xf32>
    %mul3A_522 = vector.broadcast %slice3A_521 : vector<1024x1xf32> to vector<1024x128xf32>
    %mul3A_523 = arith.mulf %mul3A_522, %bitcast_convert_type3A_483 : vector<1024x128xf32>
    %add3A_524 = arith.addf %add3A_520, %mul3A_523 : vector<1024x128xf32>
    %slice3A_525 = vector.extract_strided_slice %bitcast_convert_type3A_317 {offsets = [0, 3], sizes = [1024, 1], strides = [1, 1]} : vector<1024x4xf32> to vector<1024x1xf32>
    %mul3A_526 = vector.broadcast %slice3A_525 : vector<1024x1xf32> to vector<1024x128xf32>
    %mul3A_527 = arith.mulf %mul3A_526, %bitcast_convert_type3A_513 : vector<1024x128xf32>
    %add3A_528 = arith.addf %add3A_524, %mul3A_527 : vector<1024x128xf32>
    %get3A_529 = arith.constant 0 : index
    %get3A_530 = arith.constant 0 : index
    %get3A_531 = vector.load %arg6[%get3A_529, %get3A_530] : memref<256x20xf32, #tpu.memory_space<vmem>>, vector<256x20xf32>
    %bitcast_convert_type3A_532 = tpu.bitcast %get3A_531 : vector<256x20xf32> -> vector<256x20xi32>
    %add3A_533 = arith.constant 32767 : i32
    %add3A_534 = vector.broadcast %add3A_533 : i32 to vector<256x20xi32>
    %add3A_535 = arith.addi %bitcast_convert_type3A_532, %add3A_534 : vector<256x20xi32>
    %shift_right_arithmetic3A_536 = arith.constant 16 : i32
    %shift_right_arithmetic3A_537 = vector.broadcast %shift_right_arithmetic3A_536 : i32 to vector<256x20xi32>
    %shift_right_arithmetic3A_538 = arith.shrsi %bitcast_convert_type3A_532, %shift_right_arithmetic3A_537 : vector<256x20xi32>
    %and3A_539 = arith.constant 1 : i32
    %and3A_540 = vector.broadcast %and3A_539 : i32 to vector<256x20xi32>
    %and3A_541 = arith.andi %shift_right_arithmetic3A_538, %and3A_540 : vector<256x20xi32>
    %add3A_542 = arith.addi %add3A_535, %and3A_541 : vector<256x20xi32>
    %and3A_543 = arith.constant -65536 : i32
    %and3A_544 = vector.broadcast %and3A_543 : i32 to vector<256x20xi32>
    %and3A_545 = arith.andi %add3A_542, %and3A_544 : vector<256x20xi32>
    %bitcast_convert_type3A_546 = tpu.bitcast %and3A_545 : vector<256x20xi32> -> vector<256x20xf32>
    %get3A_547 = arith.constant 0 : index
    %get3A_548 = arith.constant 0 : index
    %get3A_549 = vector.load %arg7[%get3A_547, %get3A_548] : memref<256x16xf32, #tpu.memory_space<vmem>>, vector<256x16xf32>
    %bitcast_convert_type3A_550 = tpu.bitcast %get3A_549 : vector<256x16xf32> -> vector<256x16xi32>
    %add3A_551 = arith.constant 32767 : i32
    %add3A_552 = vector.broadcast %add3A_551 : i32 to vector<256x16xi32>
    %add3A_553 = arith.addi %bitcast_convert_type3A_550, %add3A_552 : vector<256x16xi32>
    %shift_right_arithmetic3A_554 = arith.constant 16 : i32
    %shift_right_arithmetic3A_555 = vector.broadcast %shift_right_arithmetic3A_554 : i32 to vector<256x16xi32>
    %shift_right_arithmetic3A_556 = arith.shrsi %bitcast_convert_type3A_550, %shift_right_arithmetic3A_555 : vector<256x16xi32>
    %and3A_557 = arith.constant 1 : i32
    %and3A_558 = vector.broadcast %and3A_557 : i32 to vector<256x16xi32>
    %and3A_559 = arith.andi %shift_right_arithmetic3A_556, %and3A_558 : vector<256x16xi32>
    %add3A_560 = arith.addi %add3A_553, %and3A_559 : vector<256x16xi32>
    %and3A_561 = arith.constant -65536 : i32
    %and3A_562 = vector.broadcast %and3A_561 : i32 to vector<256x16xi32>
    %and3A_563 = arith.andi %add3A_560, %and3A_562 : vector<256x16xi32>
    %bitcast_convert_type3A_564 = tpu.bitcast %and3A_563 : vector<256x16xi32> -> vector<256x16xf32>
    %get3A_565 = arith.constant 0 : index
    %get3A_566 = arith.constant 0 : index
    %get3A_567 = vector.load %arg8[%get3A_565, %get3A_566] : memref<256x4xf32, #tpu.memory_space<vmem>>, vector<256x4xf32>
    %bitcast_convert_type3A_568 = tpu.bitcast %get3A_567 : vector<256x4xf32> -> vector<256x4xi32>
    %add3A_569 = arith.constant 32767 : i32
    %add3A_570 = vector.broadcast %add3A_569 : i32 to vector<256x4xi32>
    %add3A_571 = arith.addi %bitcast_convert_type3A_568, %add3A_570 : vector<256x4xi32>
    %shift_right_arithmetic3A_572 = arith.constant 16 : i32
    %shift_right_arithmetic3A_573 = vector.broadcast %shift_right_arithmetic3A_572 : i32 to vector<256x4xi32>
    %shift_right_arithmetic3A_574 = arith.shrsi %bitcast_convert_type3A_568, %shift_right_arithmetic3A_573 : vector<256x4xi32>
    %and3A_575 = arith.constant 1 : i32
    %and3A_576 = vector.broadcast %and3A_575 : i32 to vector<256x4xi32>
    %and3A_577 = arith.andi %shift_right_arithmetic3A_574, %and3A_576 : vector<256x4xi32>
    %add3A_578 = arith.addi %add3A_571, %and3A_577 : vector<256x4xi32>
    %and3A_579 = arith.constant -65536 : i32
    %and3A_580 = vector.broadcast %and3A_579 : i32 to vector<256x4xi32>
    %and3A_581 = arith.andi %add3A_578, %and3A_580 : vector<256x4xi32>
    %bitcast_convert_type3A_582 = tpu.bitcast %and3A_581 : vector<256x4xi32> -> vector<256x4xf32>
    %slice3A_583 = vector.extract_strided_slice %bitcast_convert_type3A_546 {offsets = [0, 4], sizes = [256, 1], strides = [1, 1]} : vector<256x20xf32> to vector<256x1xf32>
    %mul3A_584 = vector.broadcast %slice3A_583 : vector<256x1xf32> to vector<256x128xf32>
    %mul3A_585 = vector.broadcast %add3A_3 : vector<1x128xf32> to vector<256x128xf32>
    %mul3A_586 = arith.mulf %mul3A_584, %mul3A_585 : vector<256x128xf32>
    %bitcast_convert_type3A_587 = tpu.bitcast %mul3A_586 : vector<256x128xf32> -> vector<256x128xi32>
    %add3A_588 = arith.constant 32767 : i32
    %add3A_589 = vector.broadcast %add3A_588 : i32 to vector<256x128xi32>
    %add3A_590 = arith.addi %bitcast_convert_type3A_587, %add3A_589 : vector<256x128xi32>
    %shift_right_arithmetic3A_591 = arith.constant 16 : i32
    %shift_right_arithmetic3A_592 = vector.broadcast %shift_right_arithmetic3A_591 : i32 to vector<256x128xi32>
    %shift_right_arithmetic3A_593 = arith.shrsi %bitcast_convert_type3A_587, %shift_right_arithmetic3A_592 : vector<256x128xi32>
    %and3A_594 = arith.constant 1 : i32
    %and3A_595 = vector.broadcast %and3A_594 : i32 to vector<256x128xi32>
    %and3A_596 = arith.andi %shift_right_arithmetic3A_593, %and3A_595 : vector<256x128xi32>
    %add3A_597 = arith.addi %add3A_590, %and3A_596 : vector<256x128xi32>
    %and3A_598 = arith.constant -65536 : i32
    %and3A_599 = vector.broadcast %and3A_598 : i32 to vector<256x128xi32>
    %and3A_600 = arith.andi %add3A_597, %and3A_599 : vector<256x128xi32>
    %bitcast_convert_type3A_601 = tpu.bitcast %and3A_600 : vector<256x128xi32> -> vector<256x128xf32>
    %slice3A_602 = vector.extract_strided_slice %bitcast_convert_type3A_546 {offsets = [0, 9], sizes = [256, 1], strides = [1, 1]} : vector<256x20xf32> to vector<256x1xf32>
    %mul3A_603 = vector.broadcast %slice3A_602 : vector<256x1xf32> to vector<256x128xf32>
    %mul3A_604 = vector.broadcast %add3A_3 : vector<1x128xf32> to vector<256x128xf32>
    %mul3A_605 = arith.mulf %mul3A_603, %mul3A_604 : vector<256x128xf32>
    %bitcast_convert_type3A_606 = tpu.bitcast %mul3A_605 : vector<256x128xf32> -> vector<256x128xi32>
    %add3A_607 = arith.constant 32767 : i32
    %add3A_608 = vector.broadcast %add3A_607 : i32 to vector<256x128xi32>
    %add3A_609 = arith.addi %bitcast_convert_type3A_606, %add3A_608 : vector<256x128xi32>
    %shift_right_arithmetic3A_610 = arith.constant 16 : i32
    %shift_right_arithmetic3A_611 = vector.broadcast %shift_right_arithmetic3A_610 : i32 to vector<256x128xi32>
    %shift_right_arithmetic3A_612 = arith.shrsi %bitcast_convert_type3A_606, %shift_right_arithmetic3A_611 : vector<256x128xi32>
    %and3A_613 = arith.constant 1 : i32
    %and3A_614 = vector.broadcast %and3A_613 : i32 to vector<256x128xi32>
    %and3A_615 = arith.andi %shift_right_arithmetic3A_612, %and3A_614 : vector<256x128xi32>
    %add3A_616 = arith.addi %add3A_609, %and3A_615 : vector<256x128xi32>
    %and3A_617 = arith.constant -65536 : i32
    %and3A_618 = vector.broadcast %and3A_617 : i32 to vector<256x128xi32>
    %and3A_619 = arith.andi %add3A_616, %and3A_618 : vector<256x128xi32>
    %bitcast_convert_type3A_620 = tpu.bitcast %and3A_619 : vector<256x128xi32> -> vector<256x128xf32>
    %slice3A_621 = vector.extract_strided_slice %bitcast_convert_type3A_546 {offsets = [0, 14], sizes = [256, 1], strides = [1, 1]} : vector<256x20xf32> to vector<256x1xf32>
    %mul3A_622 = vector.broadcast %slice3A_621 : vector<256x1xf32> to vector<256x128xf32>
    %mul3A_623 = vector.broadcast %add3A_3 : vector<1x128xf32> to vector<256x128xf32>
    %mul3A_624 = arith.mulf %mul3A_622, %mul3A_623 : vector<256x128xf32>
    %bitcast_convert_type3A_625 = tpu.bitcast %mul3A_624 : vector<256x128xf32> -> vector<256x128xi32>
    %add3A_626 = arith.constant 32767 : i32
    %add3A_627 = vector.broadcast %add3A_626 : i32 to vector<256x128xi32>
    %add3A_628 = arith.addi %bitcast_convert_type3A_625, %add3A_627 : vector<256x128xi32>
    %shift_right_arithmetic3A_629 = arith.constant 16 : i32
    %shift_right_arithmetic3A_630 = vector.broadcast %shift_right_arithmetic3A_629 : i32 to vector<256x128xi32>
    %shift_right_arithmetic3A_631 = arith.shrsi %bitcast_convert_type3A_625, %shift_right_arithmetic3A_630 : vector<256x128xi32>
    %and3A_632 = arith.constant 1 : i32
    %and3A_633 = vector.broadcast %and3A_632 : i32 to vector<256x128xi32>
    %and3A_634 = arith.andi %shift_right_arithmetic3A_631, %and3A_633 : vector<256x128xi32>
    %add3A_635 = arith.addi %add3A_628, %and3A_634 : vector<256x128xi32>
    %and3A_636 = arith.constant -65536 : i32
    %and3A_637 = vector.broadcast %and3A_636 : i32 to vector<256x128xi32>
    %and3A_638 = arith.andi %add3A_635, %and3A_637 : vector<256x128xi32>
    %bitcast_convert_type3A_639 = tpu.bitcast %and3A_638 : vector<256x128xi32> -> vector<256x128xf32>
    %slice3A_640 = vector.extract_strided_slice %bitcast_convert_type3A_546 {offsets = [0, 19], sizes = [256, 1], strides = [1, 1]} : vector<256x20xf32> to vector<256x1xf32>
    %mul3A_641 = vector.broadcast %slice3A_640 : vector<256x1xf32> to vector<256x128xf32>
    %mul3A_642 = vector.broadcast %add3A_3 : vector<1x128xf32> to vector<256x128xf32>
    %mul3A_643 = arith.mulf %mul3A_641, %mul3A_642 : vector<256x128xf32>
    %bitcast_convert_type3A_644 = tpu.bitcast %mul3A_643 : vector<256x128xf32> -> vector<256x128xi32>
    %add3A_645 = arith.constant 32767 : i32
    %add3A_646 = vector.broadcast %add3A_645 : i32 to vector<256x128xi32>
    %add3A_647 = arith.addi %bitcast_convert_type3A_644, %add3A_646 : vector<256x128xi32>
    %shift_right_arithmetic3A_648 = arith.constant 16 : i32
    %shift_right_arithmetic3A_649 = vector.broadcast %shift_right_arithmetic3A_648 : i32 to vector<256x128xi32>
    %shift_right_arithmetic3A_650 = arith.shrsi %bitcast_convert_type3A_644, %shift_right_arithmetic3A_649 : vector<256x128xi32>
    %and3A_651 = arith.constant 1 : i32
    %and3A_652 = vector.broadcast %and3A_651 : i32 to vector<256x128xi32>
    %and3A_653 = arith.andi %shift_right_arithmetic3A_650, %and3A_652 : vector<256x128xi32>
    %add3A_654 = arith.addi %add3A_647, %and3A_653 : vector<256x128xi32>
    %and3A_655 = arith.constant -65536 : i32
    %and3A_656 = vector.broadcast %and3A_655 : i32 to vector<256x128xi32>
    %and3A_657 = arith.andi %add3A_654, %and3A_656 : vector<256x128xi32>
    %bitcast_convert_type3A_658 = tpu.bitcast %and3A_657 : vector<256x128xi32> -> vector<256x128xf32>
    %slice3A_659 = vector.extract_strided_slice %bitcast_convert_type3A_564 {offsets = [0, 0], sizes = [256, 1], strides = [1, 1]} : vector<256x16xf32> to vector<256x1xf32>
    %mul3A_660 = vector.broadcast %slice3A_659 : vector<256x1xf32> to vector<256x128xf32>
    %mul3A_661 = arith.mulf %mul3A_660, %bitcast_convert_type3A_601 : vector<256x128xf32>
    %slice3A_662 = vector.extract_strided_slice %bitcast_convert_type3A_564 {offsets = [0, 1], sizes = [256, 1], strides = [1, 1]} : vector<256x16xf32> to vector<256x1xf32>
    %mul3A_663 = vector.broadcast %slice3A_662 : vector<256x1xf32> to vector<256x128xf32>
    %mul3A_664 = arith.mulf %mul3A_663, %bitcast_convert_type3A_620 : vector<256x128xf32>
    %add3A_665 = arith.addf %mul3A_661, %mul3A_664 : vector<256x128xf32>
    %slice3A_666 = vector.extract_strided_slice %bitcast_convert_type3A_564 {offsets = [0, 2], sizes = [256, 1], strides = [1, 1]} : vector<256x16xf32> to vector<256x1xf32>
    %mul3A_667 = vector.broadcast %slice3A_666 : vector<256x1xf32> to vector<256x128xf32>
    %mul3A_668 = arith.mulf %mul3A_667, %bitcast_convert_type3A_639 : vector<256x128xf32>
    %add3A_669 = arith.addf %add3A_665, %mul3A_668 : vector<256x128xf32>
    %slice3A_670 = vector.extract_strided_slice %bitcast_convert_type3A_564 {offsets = [0, 3], sizes = [256, 1], strides = [1, 1]} : vector<256x16xf32> to vector<256x1xf32>
    %mul3A_671 = vector.broadcast %slice3A_670 : vector<256x1xf32> to vector<256x128xf32>
    %mul3A_672 = arith.mulf %mul3A_671, %bitcast_convert_type3A_658 : vector<256x128xf32>
    %add3A_673 = arith.addf %add3A_669, %mul3A_672 : vector<256x128xf32>
    %bitcast_convert_type3A_674 = tpu.bitcast %add3A_673 : vector<256x128xf32> -> vector<256x128xi32>
    %add3A_675 = arith.constant 32767 : i32
    %add3A_676 = vector.broadcast %add3A_675 : i32 to vector<256x128xi32>
    %add3A_677 = arith.addi %bitcast_convert_type3A_674, %add3A_676 : vector<256x128xi32>
    %shift_right_arithmetic3A_678 = arith.constant 16 : i32
    %shift_right_arithmetic3A_679 = vector.broadcast %shift_right_arithmetic3A_678 : i32 to vector<256x128xi32>
    %shift_right_arithmetic3A_680 = arith.shrsi %bitcast_convert_type3A_674, %shift_right_arithmetic3A_679 : vector<256x128xi32>
    %and3A_681 = arith.constant 1 : i32
    %and3A_682 = vector.broadcast %and3A_681 : i32 to vector<256x128xi32>
    %and3A_683 = arith.andi %shift_right_arithmetic3A_680, %and3A_682 : vector<256x128xi32>
    %add3A_684 = arith.addi %add3A_677, %and3A_683 : vector<256x128xi32>
    %and3A_685 = arith.constant -65536 : i32
    %and3A_686 = vector.broadcast %and3A_685 : i32 to vector<256x128xi32>
    %and3A_687 = arith.andi %add3A_684, %and3A_686 : vector<256x128xi32>
    %bitcast_convert_type3A_688 = tpu.bitcast %and3A_687 : vector<256x128xi32> -> vector<256x128xf32>
    %slice3A_689 = vector.extract_strided_slice %bitcast_convert_type3A_564 {offsets = [0, 4], sizes = [256, 1], strides = [1, 1]} : vector<256x16xf32> to vector<256x1xf32>
    %mul3A_690 = vector.broadcast %slice3A_689 : vector<256x1xf32> to vector<256x128xf32>
    %mul3A_691 = arith.mulf %mul3A_690, %bitcast_convert_type3A_601 : vector<256x128xf32>
    %slice3A_692 = vector.extract_strided_slice %bitcast_convert_type3A_564 {offsets = [0, 5], sizes = [256, 1], strides = [1, 1]} : vector<256x16xf32> to vector<256x1xf32>
    %mul3A_693 = vector.broadcast %slice3A_692 : vector<256x1xf32> to vector<256x128xf32>
    %mul3A_694 = arith.mulf %mul3A_693, %bitcast_convert_type3A_620 : vector<256x128xf32>
    %add3A_695 = arith.addf %mul3A_691, %mul3A_694 : vector<256x128xf32>
    %slice3A_696 = vector.extract_strided_slice %bitcast_convert_type3A_564 {offsets = [0, 6], sizes = [256, 1], strides = [1, 1]} : vector<256x16xf32> to vector<256x1xf32>
    %mul3A_697 = vector.broadcast %slice3A_696 : vector<256x1xf32> to vector<256x128xf32>
    %mul3A_698 = arith.mulf %mul3A_697, %bitcast_convert_type3A_639 : vector<256x128xf32>
    %add3A_699 = arith.addf %add3A_695, %mul3A_698 : vector<256x128xf32>
    %slice3A_700 = vector.extract_strided_slice %bitcast_convert_type3A_564 {offsets = [0, 7], sizes = [256, 1], strides = [1, 1]} : vector<256x16xf32> to vector<256x1xf32>
    %mul3A_701 = vector.broadcast %slice3A_700 : vector<256x1xf32> to vector<256x128xf32>
    %mul3A_702 = arith.mulf %mul3A_701, %bitcast_convert_type3A_658 : vector<256x128xf32>
    %add3A_703 = arith.addf %add3A_699, %mul3A_702 : vector<256x128xf32>
    %bitcast_convert_type3A_704 = tpu.bitcast %add3A_703 : vector<256x128xf32> -> vector<256x128xi32>
    %add3A_705 = arith.constant 32767 : i32
    %add3A_706 = vector.broadcast %add3A_705 : i32 to vector<256x128xi32>
    %add3A_707 = arith.addi %bitcast_convert_type3A_704, %add3A_706 : vector<256x128xi32>
    %shift_right_arithmetic3A_708 = arith.constant 16 : i32
    %shift_right_arithmetic3A_709 = vector.broadcast %shift_right_arithmetic3A_708 : i32 to vector<256x128xi32>
    %shift_right_arithmetic3A_710 = arith.shrsi %bitcast_convert_type3A_704, %shift_right_arithmetic3A_709 : vector<256x128xi32>
    %and3A_711 = arith.constant 1 : i32
    %and3A_712 = vector.broadcast %and3A_711 : i32 to vector<256x128xi32>
    %and3A_713 = arith.andi %shift_right_arithmetic3A_710, %and3A_712 : vector<256x128xi32>
    %add3A_714 = arith.addi %add3A_707, %and3A_713 : vector<256x128xi32>
    %and3A_715 = arith.constant -65536 : i32
    %and3A_716 = vector.broadcast %and3A_715 : i32 to vector<256x128xi32>
    %and3A_717 = arith.andi %add3A_714, %and3A_716 : vector<256x128xi32>
    %bitcast_convert_type3A_718 = tpu.bitcast %and3A_717 : vector<256x128xi32> -> vector<256x128xf32>
    %slice3A_719 = vector.extract_strided_slice %bitcast_convert_type3A_564 {offsets = [0, 8], sizes = [256, 1], strides = [1, 1]} : vector<256x16xf32> to vector<256x1xf32>
    %mul3A_720 = vector.broadcast %slice3A_719 : vector<256x1xf32> to vector<256x128xf32>
    %mul3A_721 = arith.mulf %mul3A_720, %bitcast_convert_type3A_601 : vector<256x128xf32>
    %slice3A_722 = vector.extract_strided_slice %bitcast_convert_type3A_564 {offsets = [0, 9], sizes = [256, 1], strides = [1, 1]} : vector<256x16xf32> to vector<256x1xf32>
    %mul3A_723 = vector.broadcast %slice3A_722 : vector<256x1xf32> to vector<256x128xf32>
    %mul3A_724 = arith.mulf %mul3A_723, %bitcast_convert_type3A_620 : vector<256x128xf32>
    %add3A_725 = arith.addf %mul3A_721, %mul3A_724 : vector<256x128xf32>
    %slice3A_726 = vector.extract_strided_slice %bitcast_convert_type3A_564 {offsets = [0, 10], sizes = [256, 1], strides = [1, 1]} : vector<256x16xf32> to vector<256x1xf32>
    %mul3A_727 = vector.broadcast %slice3A_726 : vector<256x1xf32> to vector<256x128xf32>
    %mul3A_728 = arith.mulf %mul3A_727, %bitcast_convert_type3A_639 : vector<256x128xf32>
    %add3A_729 = arith.addf %add3A_725, %mul3A_728 : vector<256x128xf32>
    %slice3A_730 = vector.extract_strided_slice %bitcast_convert_type3A_564 {offsets = [0, 11], sizes = [256, 1], strides = [1, 1]} : vector<256x16xf32> to vector<256x1xf32>
    %mul3A_731 = vector.broadcast %slice3A_730 : vector<256x1xf32> to vector<256x128xf32>
    %mul3A_732 = arith.mulf %mul3A_731, %bitcast_convert_type3A_658 : vector<256x128xf32>
    %add3A_733 = arith.addf %add3A_729, %mul3A_732 : vector<256x128xf32>
    %bitcast_convert_type3A_734 = tpu.bitcast %add3A_733 : vector<256x128xf32> -> vector<256x128xi32>
    %add3A_735 = arith.constant 32767 : i32
    %add3A_736 = vector.broadcast %add3A_735 : i32 to vector<256x128xi32>
    %add3A_737 = arith.addi %bitcast_convert_type3A_734, %add3A_736 : vector<256x128xi32>
    %shift_right_arithmetic3A_738 = arith.constant 16 : i32
    %shift_right_arithmetic3A_739 = vector.broadcast %shift_right_arithmetic3A_738 : i32 to vector<256x128xi32>
    %shift_right_arithmetic3A_740 = arith.shrsi %bitcast_convert_type3A_734, %shift_right_arithmetic3A_739 : vector<256x128xi32>
    %and3A_741 = arith.constant 1 : i32
    %and3A_742 = vector.broadcast %and3A_741 : i32 to vector<256x128xi32>
    %and3A_743 = arith.andi %shift_right_arithmetic3A_740, %and3A_742 : vector<256x128xi32>
    %add3A_744 = arith.addi %add3A_737, %and3A_743 : vector<256x128xi32>
    %and3A_745 = arith.constant -65536 : i32
    %and3A_746 = vector.broadcast %and3A_745 : i32 to vector<256x128xi32>
    %and3A_747 = arith.andi %add3A_744, %and3A_746 : vector<256x128xi32>
    %bitcast_convert_type3A_748 = tpu.bitcast %and3A_747 : vector<256x128xi32> -> vector<256x128xf32>
    %slice3A_749 = vector.extract_strided_slice %bitcast_convert_type3A_564 {offsets = [0, 12], sizes = [256, 1], strides = [1, 1]} : vector<256x16xf32> to vector<256x1xf32>
    %mul3A_750 = vector.broadcast %slice3A_749 : vector<256x1xf32> to vector<256x128xf32>
    %mul3A_751 = arith.mulf %mul3A_750, %bitcast_convert_type3A_601 : vector<256x128xf32>
    %slice3A_752 = vector.extract_strided_slice %bitcast_convert_type3A_564 {offsets = [0, 13], sizes = [256, 1], strides = [1, 1]} : vector<256x16xf32> to vector<256x1xf32>
    %mul3A_753 = vector.broadcast %slice3A_752 : vector<256x1xf32> to vector<256x128xf32>
    %mul3A_754 = arith.mulf %mul3A_753, %bitcast_convert_type3A_620 : vector<256x128xf32>
    %add3A_755 = arith.addf %mul3A_751, %mul3A_754 : vector<256x128xf32>
    %slice3A_756 = vector.extract_strided_slice %bitcast_convert_type3A_564 {offsets = [0, 14], sizes = [256, 1], strides = [1, 1]} : vector<256x16xf32> to vector<256x1xf32>
    %mul3A_757 = vector.broadcast %slice3A_756 : vector<256x1xf32> to vector<256x128xf32>
    %mul3A_758 = arith.mulf %mul3A_757, %bitcast_convert_type3A_639 : vector<256x128xf32>
    %add3A_759 = arith.addf %add3A_755, %mul3A_758 : vector<256x128xf32>
    %slice3A_760 = vector.extract_strided_slice %bitcast_convert_type3A_564 {offsets = [0, 15], sizes = [256, 1], strides = [1, 1]} : vector<256x16xf32> to vector<256x1xf32>
    %mul3A_761 = vector.broadcast %slice3A_760 : vector<256x1xf32> to vector<256x128xf32>
    %mul3A_762 = arith.mulf %mul3A_761, %bitcast_convert_type3A_658 : vector<256x128xf32>
    %add3A_763 = arith.addf %add3A_759, %mul3A_762 : vector<256x128xf32>
    %bitcast_convert_type3A_764 = tpu.bitcast %add3A_763 : vector<256x128xf32> -> vector<256x128xi32>
    %add3A_765 = arith.constant 32767 : i32
    %add3A_766 = vector.broadcast %add3A_765 : i32 to vector<256x128xi32>
    %add3A_767 = arith.addi %bitcast_convert_type3A_764, %add3A_766 : vector<256x128xi32>
    %shift_right_arithmetic3A_768 = arith.constant 16 : i32
    %shift_right_arithmetic3A_769 = vector.broadcast %shift_right_arithmetic3A_768 : i32 to vector<256x128xi32>
    %shift_right_arithmetic3A_770 = arith.shrsi %bitcast_convert_type3A_764, %shift_right_arithmetic3A_769 : vector<256x128xi32>
    %and3A_771 = arith.constant 1 : i32
    %and3A_772 = vector.broadcast %and3A_771 : i32 to vector<256x128xi32>
    %and3A_773 = arith.andi %shift_right_arithmetic3A_770, %and3A_772 : vector<256x128xi32>
    %add3A_774 = arith.addi %add3A_767, %and3A_773 : vector<256x128xi32>
    %and3A_775 = arith.constant -65536 : i32
    %and3A_776 = vector.broadcast %and3A_775 : i32 to vector<256x128xi32>
    %and3A_777 = arith.andi %add3A_774, %and3A_776 : vector<256x128xi32>
    %bitcast_convert_type3A_778 = tpu.bitcast %and3A_777 : vector<256x128xi32> -> vector<256x128xf32>
    %slice3A_779 = vector.extract_strided_slice %bitcast_convert_type3A_582 {offsets = [0, 0], sizes = [256, 1], strides = [1, 1]} : vector<256x4xf32> to vector<256x1xf32>
    %mul3A_780 = vector.broadcast %slice3A_779 : vector<256x1xf32> to vector<256x128xf32>
    %mul3A_781 = arith.mulf %mul3A_780, %bitcast_convert_type3A_688 : vector<256x128xf32>
    %slice3A_782 = vector.extract_strided_slice %bitcast_convert_type3A_582 {offsets = [0, 1], sizes = [256, 1], strides = [1, 1]} : vector<256x4xf32> to vector<256x1xf32>
    %mul3A_783 = vector.broadcast %slice3A_782 : vector<256x1xf32> to vector<256x128xf32>
    %mul3A_784 = arith.mulf %mul3A_783, %bitcast_convert_type3A_718 : vector<256x128xf32>
    %add3A_785 = arith.addf %mul3A_781, %mul3A_784 : vector<256x128xf32>
    %slice3A_786 = vector.extract_strided_slice %bitcast_convert_type3A_582 {offsets = [0, 2], sizes = [256, 1], strides = [1, 1]} : vector<256x4xf32> to vector<256x1xf32>
    %mul3A_787 = vector.broadcast %slice3A_786 : vector<256x1xf32> to vector<256x128xf32>
    %mul3A_788 = arith.mulf %mul3A_787, %bitcast_convert_type3A_748 : vector<256x128xf32>
    %add3A_789 = arith.addf %add3A_785, %mul3A_788 : vector<256x128xf32>
    %slice3A_790 = vector.extract_strided_slice %bitcast_convert_type3A_582 {offsets = [0, 3], sizes = [256, 1], strides = [1, 1]} : vector<256x4xf32> to vector<256x1xf32>
    %mul3A_791 = vector.broadcast %slice3A_790 : vector<256x1xf32> to vector<256x128xf32>
    %mul3A_792 = arith.mulf %mul3A_791, %bitcast_convert_type3A_778 : vector<256x128xf32>
    %add3A_793 = arith.addf %add3A_789, %mul3A_792 : vector<256x128xf32>
    %slice3A_794 = vector.extract_strided_slice %add3A_263 {offsets = [0, 0], sizes = [128, 128], strides = [1, 1]} : vector<2048x128xf32> to vector<128x128xf32>
    %reduce_sum3A = arith.constant dense<0.000000e+00> : vector<128xf32>
    %reduce_sum3A_795 = vector.multi_reduction <add>, %slice3A_794, %reduce_sum3A [0] : vector<128x128xf32> to vector<128xf32>
    %broadcast_in_dim3A = vector.shape_cast %reduce_sum3A_795 : vector<128xf32> to vector<1x128xf32>
    %slice3A_796 = vector.extract_strided_slice %add3A_263 {offsets = [128, 0], sizes = [128, 128], strides = [1, 1]} : vector<2048x128xf32> to vector<128x128xf32>
    %reduce_sum3A_797 = arith.constant dense<0.000000e+00> : vector<128xf32>
    %reduce_sum3A_798 = vector.multi_reduction <add>, %slice3A_796, %reduce_sum3A_797 [0] : vector<128x128xf32> to vector<128xf32>
    %broadcast_in_dim3A_799 = vector.shape_cast %reduce_sum3A_798 : vector<128xf32> to vector<1x128xf32>
    %slice3A_800 = vector.extract_strided_slice %add3A_263 {offsets = [256, 0], sizes = [128, 128], strides = [1, 1]} : vector<2048x128xf32> to vector<128x128xf32>
    %reduce_sum3A_801 = arith.constant dense<0.000000e+00> : vector<128xf32>
    %reduce_sum3A_802 = vector.multi_reduction <add>, %slice3A_800, %reduce_sum3A_801 [0] : vector<128x128xf32> to vector<128xf32>
    %broadcast_in_dim3A_803 = vector.shape_cast %reduce_sum3A_802 : vector<128xf32> to vector<1x128xf32>
    %slice3A_804 = vector.extract_strided_slice %add3A_263 {offsets = [384, 0], sizes = [128, 128], strides = [1, 1]} : vector<2048x128xf32> to vector<128x128xf32>
    %reduce_sum3A_805 = arith.constant dense<0.000000e+00> : vector<128xf32>
    %reduce_sum3A_806 = vector.multi_reduction <add>, %slice3A_804, %reduce_sum3A_805 [0] : vector<128x128xf32> to vector<128xf32>
    %broadcast_in_dim3A_807 = vector.shape_cast %reduce_sum3A_806 : vector<128xf32> to vector<1x128xf32>
    %slice3A_808 = vector.extract_strided_slice %add3A_263 {offsets = [512, 0], sizes = [128, 128], strides = [1, 1]} : vector<2048x128xf32> to vector<128x128xf32>
    %reduce_sum3A_809 = arith.constant dense<0.000000e+00> : vector<128xf32>
    %reduce_sum3A_810 = vector.multi_reduction <add>, %slice3A_808, %reduce_sum3A_809 [0] : vector<128x128xf32> to vector<128xf32>
    %broadcast_in_dim3A_811 = vector.shape_cast %reduce_sum3A_810 : vector<128xf32> to vector<1x128xf32>
    %slice3A_812 = vector.extract_strided_slice %add3A_263 {offsets = [640, 0], sizes = [128, 128], strides = [1, 1]} : vector<2048x128xf32> to vector<128x128xf32>
    %reduce_sum3A_813 = arith.constant dense<0.000000e+00> : vector<128xf32>
    %reduce_sum3A_814 = vector.multi_reduction <add>, %slice3A_812, %reduce_sum3A_813 [0] : vector<128x128xf32> to vector<128xf32>
    %broadcast_in_dim3A_815 = vector.shape_cast %reduce_sum3A_814 : vector<128xf32> to vector<1x128xf32>
    %slice3A_816 = vector.extract_strided_slice %add3A_263 {offsets = [768, 0], sizes = [128, 128], strides = [1, 1]} : vector<2048x128xf32> to vector<128x128xf32>
    %reduce_sum3A_817 = arith.constant dense<0.000000e+00> : vector<128xf32>
    %reduce_sum3A_818 = vector.multi_reduction <add>, %slice3A_816, %reduce_sum3A_817 [0] : vector<128x128xf32> to vector<128xf32>
    %broadcast_in_dim3A_819 = vector.shape_cast %reduce_sum3A_818 : vector<128xf32> to vector<1x128xf32>
    %slice3A_820 = vector.extract_strided_slice %add3A_263 {offsets = [896, 0], sizes = [128, 128], strides = [1, 1]} : vector<2048x128xf32> to vector<128x128xf32>
    %reduce_sum3A_821 = arith.constant dense<0.000000e+00> : vector<128xf32>
    %reduce_sum3A_822 = vector.multi_reduction <add>, %slice3A_820, %reduce_sum3A_821 [0] : vector<128x128xf32> to vector<128xf32>
    %broadcast_in_dim3A_823 = vector.shape_cast %reduce_sum3A_822 : vector<128xf32> to vector<1x128xf32>
    %slice3A_824 = vector.extract_strided_slice %add3A_263 {offsets = [1024, 0], sizes = [128, 128], strides = [1, 1]} : vector<2048x128xf32> to vector<128x128xf32>
    %reduce_sum3A_825 = arith.constant dense<0.000000e+00> : vector<128xf32>
    %reduce_sum3A_826 = vector.multi_reduction <add>, %slice3A_824, %reduce_sum3A_825 [0] : vector<128x128xf32> to vector<128xf32>
    %broadcast_in_dim3A_827 = vector.shape_cast %reduce_sum3A_826 : vector<128xf32> to vector<1x128xf32>
    %slice3A_828 = vector.extract_strided_slice %add3A_263 {offsets = [1152, 0], sizes = [128, 128], strides = [1, 1]} : vector<2048x128xf32> to vector<128x128xf32>
    %reduce_sum3A_829 = arith.constant dense<0.000000e+00> : vector<128xf32>
    %reduce_sum3A_830 = vector.multi_reduction <add>, %slice3A_828, %reduce_sum3A_829 [0] : vector<128x128xf32> to vector<128xf32>
    %broadcast_in_dim3A_831 = vector.shape_cast %reduce_sum3A_830 : vector<128xf32> to vector<1x128xf32>
    %slice3A_832 = vector.extract_strided_slice %add3A_263 {offsets = [1280, 0], sizes = [128, 128], strides = [1, 1]} : vector<2048x128xf32> to vector<128x128xf32>
    %reduce_sum3A_833 = arith.constant dense<0.000000e+00> : vector<128xf32>
    %reduce_sum3A_834 = vector.multi_reduction <add>, %slice3A_832, %reduce_sum3A_833 [0] : vector<128x128xf32> to vector<128xf32>
    %broadcast_in_dim3A_835 = vector.shape_cast %reduce_sum3A_834 : vector<128xf32> to vector<1x128xf32>
    %slice3A_836 = vector.extract_strided_slice %add3A_263 {offsets = [1408, 0], sizes = [128, 128], strides = [1, 1]} : vector<2048x128xf32> to vector<128x128xf32>
    %reduce_sum3A_837 = arith.constant dense<0.000000e+00> : vector<128xf32>
    %reduce_sum3A_838 = vector.multi_reduction <add>, %slice3A_836, %reduce_sum3A_837 [0] : vector<128x128xf32> to vector<128xf32>
    %broadcast_in_dim3A_839 = vector.shape_cast %reduce_sum3A_838 : vector<128xf32> to vector<1x128xf32>
    %slice3A_840 = vector.extract_strided_slice %add3A_263 {offsets = [1536, 0], sizes = [128, 128], strides = [1, 1]} : vector<2048x128xf32> to vector<128x128xf32>
    %reduce_sum3A_841 = arith.constant dense<0.000000e+00> : vector<128xf32>
    %reduce_sum3A_842 = vector.multi_reduction <add>, %slice3A_840, %reduce_sum3A_841 [0] : vector<128x128xf32> to vector<128xf32>
    %broadcast_in_dim3A_843 = vector.shape_cast %reduce_sum3A_842 : vector<128xf32> to vector<1x128xf32>
    %slice3A_844 = vector.extract_strided_slice %add3A_263 {offsets = [1664, 0], sizes = [128, 128], strides = [1, 1]} : vector<2048x128xf32> to vector<128x128xf32>
    %reduce_sum3A_845 = arith.constant dense<0.000000e+00> : vector<128xf32>
    %reduce_sum3A_846 = vector.multi_reduction <add>, %slice3A_844, %reduce_sum3A_845 [0] : vector<128x128xf32> to vector<128xf32>
    %broadcast_in_dim3A_847 = vector.shape_cast %reduce_sum3A_846 : vector<128xf32> to vector<1x128xf32>
    %slice3A_848 = vector.extract_strided_slice %add3A_263 {offsets = [1792, 0], sizes = [128, 128], strides = [1, 1]} : vector<2048x128xf32> to vector<128x128xf32>
    %reduce_sum3A_849 = arith.constant dense<0.000000e+00> : vector<128xf32>
    %reduce_sum3A_850 = vector.multi_reduction <add>, %slice3A_848, %reduce_sum3A_849 [0] : vector<128x128xf32> to vector<128xf32>
    %broadcast_in_dim3A_851 = vector.shape_cast %reduce_sum3A_850 : vector<128xf32> to vector<1x128xf32>
    %slice3A_852 = vector.extract_strided_slice %add3A_263 {offsets = [1920, 0], sizes = [128, 128], strides = [1, 1]} : vector<2048x128xf32> to vector<128x128xf32>
    %reduce_sum3A_853 = arith.constant dense<0.000000e+00> : vector<128xf32>
    %reduce_sum3A_854 = vector.multi_reduction <add>, %slice3A_852, %reduce_sum3A_853 [0] : vector<128x128xf32> to vector<128xf32>
    %broadcast_in_dim3A_855 = vector.shape_cast %reduce_sum3A_854 : vector<128xf32> to vector<1x128xf32>
    %concatenate3A = tpu.concatenate %broadcast_in_dim3A, %broadcast_in_dim3A_799, %broadcast_in_dim3A_803, %broadcast_in_dim3A_807, %broadcast_in_dim3A_811, %broadcast_in_dim3A_815, %broadcast_in_dim3A_819, %broadcast_in_dim3A_823, %broadcast_in_dim3A_827, %broadcast_in_dim3A_831, %broadcast_in_dim3A_835, %broadcast_in_dim3A_839, %broadcast_in_dim3A_843, %broadcast_in_dim3A_847, %broadcast_in_dim3A_851, %broadcast_in_dim3A_855 in 0 : vector<1x128xf32>, vector<1x128xf32>, vector<1x128xf32>, vector<1x128xf32>, vector<1x128xf32>, vector<1x128xf32>, vector<1x128xf32>, vector<1x128xf32>, vector<1x128xf32>, vector<1x128xf32>, vector<1x128xf32>, vector<1x128xf32>, vector<1x128xf32>, vector<1x128xf32>, vector<1x128xf32>, vector<1x128xf32> -> vector<16x128xf32>
    %transpose3A = tpu.transpose %concatenate3A, [1, 0] : vector<16x128xf32> -> vector<128x16xf32>
    %swap3A = arith.constant 0 : index
    %swap3A_856 = arith.constant 0 : index
    %swap3A_857 = vector.load %arg9[%swap3A, %swap3A_856] : memref<768x16xf32, #tpu.memory_space<vmem>>, vector<128x16xf32>
    tpu.vector_store %arg9[%swap3A, %swap3A_856], %transpose3A {strides = array<i32>} : memref<768x16xf32, #tpu.memory_space<vmem>>, vector<128x16xf32>,
    %slice3A_858 = vector.extract_strided_slice %add3A_528 {offsets = [0, 0], sizes = [16, 128], strides = [1, 1]} : vector<1024x128xf32> to vector<16x128xf32>
    %reduce_sum3A_859 = arith.constant dense<0.000000e+00> : vector<128xf32>
    %reduce_sum3A_860 = vector.multi_reduction <add>, %slice3A_858, %reduce_sum3A_859 [0] : vector<16x128xf32> to vector<128xf32>
    %broadcast_in_dim3A_861 = vector.shape_cast %reduce_sum3A_860 : vector<128xf32> to vector<1x128xf32>
    %slice3A_862 = vector.extract_strided_slice %add3A_528 {offsets = [16, 0], sizes = [16, 128], strides = [1, 1]} : vector<1024x128xf32> to vector<16x128xf32>
    %reduce_sum3A_863 = arith.constant dense<0.000000e+00> : vector<128xf32>
    %reduce_sum3A_864 = vector.multi_reduction <add>, %slice3A_862, %reduce_sum3A_863 [0] : vector<16x128xf32> to vector<128xf32>
    %broadcast_in_dim3A_865 = vector.shape_cast %reduce_sum3A_864 : vector<128xf32> to vector<1x128xf32>
    %slice3A_866 = vector.extract_strided_slice %add3A_528 {offsets = [32, 0], sizes = [16, 128], strides = [1, 1]} : vector<1024x128xf32> to vector<16x128xf32>
    %reduce_sum3A_867 = arith.constant dense<0.000000e+00> : vector<128xf32>
    %reduce_sum3A_868 = vector.multi_reduction <add>, %slice3A_866, %reduce_sum3A_867 [0] : vector<16x128xf32> to vector<128xf32>
    %broadcast_in_dim3A_869 = vector.shape_cast %reduce_sum3A_868 : vector<128xf32> to vector<1x128xf32>
    %slice3A_870 = vector.extract_strided_slice %add3A_528 {offsets = [48, 0], sizes = [16, 128], strides = [1, 1]} : vector<1024x128xf32> to vector<16x128xf32>
    %reduce_sum3A_871 = arith.constant dense<0.000000e+00> : vector<128xf32>
    %reduce_sum3A_872 = vector.multi_reduction <add>, %slice3A_870, %reduce_sum3A_871 [0] : vector<16x128xf32> to vector<128xf32>
    %broadcast_in_dim3A_873 = vector.shape_cast %reduce_sum3A_872 : vector<128xf32> to vector<1x128xf32>
    %slice3A_874 = vector.extract_strided_slice %add3A_528 {offsets = [64, 0], sizes = [16, 128], strides = [1, 1]} : vector<1024x128xf32> to vector<16x128xf32>
    %reduce_sum3A_875 = arith.constant dense<0.000000e+00> : vector<128xf32>
    %reduce_sum3A_876 = vector.multi_reduction <add>, %slice3A_874, %reduce_sum3A_875 [0] : vector<16x128xf32> to vector<128xf32>
    %broadcast_in_dim3A_877 = vector.shape_cast %reduce_sum3A_876 : vector<128xf32> to vector<1x128xf32>
    %slice3A_878 = vector.extract_strided_slice %add3A_528 {offsets = [80, 0], sizes = [16, 128], strides = [1, 1]} : vector<1024x128xf32> to vector<16x128xf32>
    %reduce_sum3A_879 = arith.constant dense<0.000000e+00> : vector<128xf32>
    %reduce_sum3A_880 = vector.multi_reduction <add>, %slice3A_878, %reduce_sum3A_879 [0] : vector<16x128xf32> to vector<128xf32>
    %broadcast_in_dim3A_881 = vector.shape_cast %reduce_sum3A_880 : vector<128xf32> to vector<1x128xf32>
    %slice3A_882 = vector.extract_strided_slice %add3A_528 {offsets = [96, 0], sizes = [16, 128], strides = [1, 1]} : vector<1024x128xf32> to vector<16x128xf32>
    %reduce_sum3A_883 = arith.constant dense<0.000000e+00> : vector<128xf32>
    %reduce_sum3A_884 = vector.multi_reduction <add>, %slice3A_882, %reduce_sum3A_883 [0] : vector<16x128xf32> to vector<128xf32>
    %broadcast_in_dim3A_885 = vector.shape_cast %reduce_sum3A_884 : vector<128xf32> to vector<1x128xf32>
    %slice3A_886 = vector.extract_strided_slice %add3A_528 {offsets = [112, 0], sizes = [16, 128], strides = [1, 1]} : vector<1024x128xf32> to vector<16x128xf32>
    %reduce_sum3A_887 = arith.constant dense<0.000000e+00> : vector<128xf32>
    %reduce_sum3A_888 = vector.multi_reduction <add>, %slice3A_886, %reduce_sum3A_887 [0] : vector<16x128xf32> to vector<128xf32>
    %broadcast_in_dim3A_889 = vector.shape_cast %reduce_sum3A_888 : vector<128xf32> to vector<1x128xf32>
    %slice3A_890 = vector.extract_strided_slice %add3A_528 {offsets = [128, 0], sizes = [16, 128], strides = [1, 1]} : vector<1024x128xf32> to vector<16x128xf32>
    %reduce_sum3A_891 = arith.constant dense<0.000000e+00> : vector<128xf32>
    %reduce_sum3A_892 = vector.multi_reduction <add>, %slice3A_890, %reduce_sum3A_891 [0] : vector<16x128xf32> to vector<128xf32>
    %broadcast_in_dim3A_893 = vector.shape_cast %reduce_sum3A_892 : vector<128xf32> to vector<1x128xf32>
    %slice3A_894 = vector.extract_strided_slice %add3A_528 {offsets = [144, 0], sizes = [16, 128], strides = [1, 1]} : vector<1024x128xf32> to vector<16x128xf32>
    %reduce_sum3A_895 = arith.constant dense<0.000000e+00> : vector<128xf32>
    %reduce_sum3A_896 = vector.multi_reduction <add>, %slice3A_894, %reduce_sum3A_895 [0] : vector<16x128xf32> to vector<128xf32>
    %broadcast_in_dim3A_897 = vector.shape_cast %reduce_sum3A_896 : vector<128xf32> to vector<1x128xf32>
    %slice3A_898 = vector.extract_strided_slice %add3A_528 {offsets = [160, 0], sizes = [16, 128], strides = [1, 1]} : vector<1024x128xf32> to vector<16x128xf32>
    %reduce_sum3A_899 = arith.constant dense<0.000000e+00> : vector<128xf32>
    %reduce_sum3A_900 = vector.multi_reduction <add>, %slice3A_898, %reduce_sum3A_899 [0] : vector<16x128xf32> to vector<128xf32>
    %broadcast_in_dim3A_901 = vector.shape_cast %reduce_sum3A_900 : vector<128xf32> to vector<1x128xf32>
    %slice3A_902 = vector.extract_strided_slice %add3A_528 {offsets = [176, 0], sizes = [16, 128], strides = [1, 1]} : vector<1024x128xf32> to vector<16x128xf32>
    %reduce_sum3A_903 = arith.constant dense<0.000000e+00> : vector<128xf32>
    %reduce_sum3A_904 = vector.multi_reduction <add>, %slice3A_902, %reduce_sum3A_903 [0] : vector<16x128xf32> to vector<128xf32>
    %broadcast_in_dim3A_905 = vector.shape_cast %reduce_sum3A_904 : vector<128xf32> to vector<1x128xf32>
    %slice3A_906 = vector.extract_strided_slice %add3A_528 {offsets = [192, 0], sizes = [16, 128], strides = [1, 1]} : vector<1024x128xf32> to vector<16x128xf32>
    %reduce_sum3A_907 = arith.constant dense<0.000000e+00> : vector<128xf32>
    %reduce_sum3A_908 = vector.multi_reduction <add>, %slice3A_906, %reduce_sum3A_907 [0] : vector<16x128xf32> to vector<128xf32>
    %broadcast_in_dim3A_909 = vector.shape_cast %reduce_sum3A_908 : vector<128xf32> to vector<1x128xf32>
    %slice3A_910 = vector.extract_strided_slice %add3A_528 {offsets = [208, 0], sizes = [16, 128], strides = [1, 1]} : vector<1024x128xf32> to vector<16x128xf32>
    %reduce_sum3A_911 = arith.constant dense<0.000000e+00> : vector<128xf32>
    %reduce_sum3A_912 = vector.multi_reduction <add>, %slice3A_910, %reduce_sum3A_911 [0] : vector<16x128xf32> to vector<128xf32>
    %broadcast_in_dim3A_913 = vector.shape_cast %reduce_sum3A_912 : vector<128xf32> to vector<1x128xf32>
    %slice3A_914 = vector.extract_strided_slice %add3A_528 {offsets = [224, 0], sizes = [16, 128], strides = [1, 1]} : vector<1024x128xf32> to vector<16x128xf32>
    %reduce_sum3A_915 = arith.constant dense<0.000000e+00> : vector<128xf32>
    %reduce_sum3A_916 = vector.multi_reduction <add>, %slice3A_914, %reduce_sum3A_915 [0] : vector<16x128xf32> to vector<128xf32>
    %broadcast_in_dim3A_917 = vector.shape_cast %reduce_sum3A_916 : vector<128xf32> to vector<1x128xf32>
    %slice3A_918 = vector.extract_strided_slice %add3A_528 {offsets = [240, 0], sizes = [16, 128], strides = [1, 1]} : vector<1024x128xf32> to vector<16x128xf32>
    %reduce_sum3A_919 = arith.constant dense<0.000000e+00> : vector<128xf32>
    %reduce_sum3A_920 = vector.multi_reduction <add>, %slice3A_918, %reduce_sum3A_919 [0] : vector<16x128xf32> to vector<128xf32>
    %broadcast_in_dim3A_921 = vector.shape_cast %reduce_sum3A_920 : vector<128xf32> to vector<1x128xf32>
    %concatenate3A_922 = tpu.concatenate %broadcast_in_dim3A_861, %broadcast_in_dim3A_865, %broadcast_in_dim3A_869, %broadcast_in_dim3A_873, %broadcast_in_dim3A_877, %broadcast_in_dim3A_881, %broadcast_in_dim3A_885, %broadcast_in_dim3A_889, %broadcast_in_dim3A_893, %broadcast_in_dim3A_897, %broadcast_in_dim3A_901, %broadcast_in_dim3A_905, %broadcast_in_dim3A_909, %broadcast_in_dim3A_913, %broadcast_in_dim3A_917, %broadcast_in_dim3A_921 in 0 : vector<1x128xf32>, vector<1x128xf32>, vector<1x128xf32>, vector<1x128xf32>, vector<1x128xf32>, vector<1x128xf32>, vector<1x128xf32>, vector<1x128xf32>, vector<1x128xf32>, vector<1x128xf32>, vector<1x128xf32>, vector<1x128xf32>, vector<1x128xf32>, vector<1x128xf32>, vector<1x128xf32>, vector<1x128xf32> -> vector<16x128xf32>
    %transpose3A_923 = tpu.transpose %concatenate3A_922, [1, 0] : vector<16x128xf32> -> vector<128x16xf32>
    %swap3A_924 = arith.constant 128 : index
    %swap3A_925 = arith.constant 0 : index
    %swap3A_926 = vector.load %arg9[%swap3A_924, %swap3A_925] : memref<768x16xf32, #tpu.memory_space<vmem>>, vector<128x16xf32>
    tpu.vector_store %arg9[%swap3A_924, %swap3A_925], %transpose3A_923 {strides = array<i32>} : memref<768x16xf32, #tpu.memory_space<vmem>>, vector<128x16xf32>,
    %slice3A_927 = vector.extract_strided_slice %add3A_528 {offsets = [256, 0], sizes = [16, 128], strides = [1, 1]} : vector<1024x128xf32> to vector<16x128xf32>
    %reduce_sum3A_928 = arith.constant dense<0.000000e+00> : vector<128xf32>
    %reduce_sum3A_929 = vector.multi_reduction <add>, %slice3A_927, %reduce_sum3A_928 [0] : vector<16x128xf32> to vector<128xf32>
    %broadcast_in_dim3A_930 = vector.shape_cast %reduce_sum3A_929 : vector<128xf32> to vector<1x128xf32>
    %slice3A_931 = vector.extract_strided_slice %add3A_528 {offsets = [272, 0], sizes = [16, 128], strides = [1, 1]} : vector<1024x128xf32> to vector<16x128xf32>
    %reduce_sum3A_932 = arith.constant dense<0.000000e+00> : vector<128xf32>
    %reduce_sum3A_933 = vector.multi_reduction <add>, %slice3A_931, %reduce_sum3A_932 [0] : vector<16x128xf32> to vector<128xf32>
    %broadcast_in_dim3A_934 = vector.shape_cast %reduce_sum3A_933 : vector<128xf32> to vector<1x128xf32>
    %slice3A_935 = vector.extract_strided_slice %add3A_528 {offsets = [288, 0], sizes = [16, 128], strides = [1, 1]} : vector<1024x128xf32> to vector<16x128xf32>
    %reduce_sum3A_936 = arith.constant dense<0.000000e+00> : vector<128xf32>
    %reduce_sum3A_937 = vector.multi_reduction <add>, %slice3A_935, %reduce_sum3A_936 [0] : vector<16x128xf32> to vector<128xf32>
    %broadcast_in_dim3A_938 = vector.shape_cast %reduce_sum3A_937 : vector<128xf32> to vector<1x128xf32>
    %slice3A_939 = vector.extract_strided_slice %add3A_528 {offsets = [304, 0], sizes = [16, 128], strides = [1, 1]} : vector<1024x128xf32> to vector<16x128xf32>
    %reduce_sum3A_940 = arith.constant dense<0.000000e+00> : vector<128xf32>
    %reduce_sum3A_941 = vector.multi_reduction <add>, %slice3A_939, %reduce_sum3A_940 [0] : vector<16x128xf32> to vector<128xf32>
    %broadcast_in_dim3A_942 = vector.shape_cast %reduce_sum3A_941 : vector<128xf32> to vector<1x128xf32>
    %slice3A_943 = vector.extract_strided_slice %add3A_528 {offsets = [320, 0], sizes = [16, 128], strides = [1, 1]} : vector<1024x128xf32> to vector<16x128xf32>
    %reduce_sum3A_944 = arith.constant dense<0.000000e+00> : vector<128xf32>
    %reduce_sum3A_945 = vector.multi_reduction <add>, %slice3A_943, %reduce_sum3A_944 [0] : vector<16x128xf32> to vector<128xf32>
    %broadcast_in_dim3A_946 = vector.shape_cast %reduce_sum3A_945 : vector<128xf32> to vector<1x128xf32>
    %slice3A_947 = vector.extract_strided_slice %add3A_528 {offsets = [336, 0], sizes = [16, 128], strides = [1, 1]} : vector<1024x128xf32> to vector<16x128xf32>
    %reduce_sum3A_948 = arith.constant dense<0.000000e+00> : vector<128xf32>
    %reduce_sum3A_949 = vector.multi_reduction <add>, %slice3A_947, %reduce_sum3A_948 [0] : vector<16x128xf32> to vector<128xf32>
    %broadcast_in_dim3A_950 = vector.shape_cast %reduce_sum3A_949 : vector<128xf32> to vector<1x128xf32>
    %slice3A_951 = vector.extract_strided_slice %add3A_528 {offsets = [352, 0], sizes = [16, 128], strides = [1, 1]} : vector<1024x128xf32> to vector<16x128xf32>
    %reduce_sum3A_952 = arith.constant dense<0.000000e+00> : vector<128xf32>
    %reduce_sum3A_953 = vector.multi_reduction <add>, %slice3A_951, %reduce_sum3A_952 [0] : vector<16x128xf32> to vector<128xf32>
    %broadcast_in_dim3A_954 = vector.shape_cast %reduce_sum3A_953 : vector<128xf32> to vector<1x128xf32>
    %slice3A_955 = vector.extract_strided_slice %add3A_528 {offsets = [368, 0], sizes = [16, 128], strides = [1, 1]} : vector<1024x128xf32> to vector<16x128xf32>
    %reduce_sum3A_956 = arith.constant dense<0.000000e+00> : vector<128xf32>
    %reduce_sum3A_957 = vector.multi_reduction <add>, %slice3A_955, %reduce_sum3A_956 [0] : vector<16x128xf32> to vector<128xf32>
    %broadcast_in_dim3A_958 = vector.shape_cast %reduce_sum3A_957 : vector<128xf32> to vector<1x128xf32>
    %slice3A_959 = vector.extract_strided_slice %add3A_528 {offsets = [384, 0], sizes = [16, 128], strides = [1, 1]} : vector<1024x128xf32> to vector<16x128xf32>
    %reduce_sum3A_960 = arith.constant dense<0.000000e+00> : vector<128xf32>
    %reduce_sum3A_961 = vector.multi_reduction <add>, %slice3A_959, %reduce_sum3A_960 [0] : vector<16x128xf32> to vector<128xf32>
    %broadcast_in_dim3A_962 = vector.shape_cast %reduce_sum3A_961 : vector<128xf32> to vector<1x128xf32>
    %slice3A_963 = vector.extract_strided_slice %add3A_528 {offsets = [400, 0], sizes = [16, 128], strides = [1, 1]} : vector<1024x128xf32> to vector<16x128xf32>
    %reduce_sum3A_964 = arith.constant dense<0.000000e+00> : vector<128xf32>
    %reduce_sum3A_965 = vector.multi_reduction <add>, %slice3A_963, %reduce_sum3A_964 [0] : vector<16x128xf32> to vector<128xf32>
    %broadcast_in_dim3A_966 = vector.shape_cast %reduce_sum3A_965 : vector<128xf32> to vector<1x128xf32>
    %slice3A_967 = vector.extract_strided_slice %add3A_528 {offsets = [416, 0], sizes = [16, 128], strides = [1, 1]} : vector<1024x128xf32> to vector<16x128xf32>
    %reduce_sum3A_968 = arith.constant dense<0.000000e+00> : vector<128xf32>
    %reduce_sum3A_969 = vector.multi_reduction <add>, %slice3A_967, %reduce_sum3A_968 [0] : vector<16x128xf32> to vector<128xf32>
    %broadcast_in_dim3A_970 = vector.shape_cast %reduce_sum3A_969 : vector<128xf32> to vector<1x128xf32>
    %slice3A_971 = vector.extract_strided_slice %add3A_528 {offsets = [432, 0], sizes = [16, 128], strides = [1, 1]} : vector<1024x128xf32> to vector<16x128xf32>
    %reduce_sum3A_972 = arith.constant dense<0.000000e+00> : vector<128xf32>
    %reduce_sum3A_973 = vector.multi_reduction <add>, %slice3A_971, %reduce_sum3A_972 [0] : vector<16x128xf32> to vector<128xf32>
    %broadcast_in_dim3A_974 = vector.shape_cast %reduce_sum3A_973 : vector<128xf32> to vector<1x128xf32>
    %slice3A_975 = vector.extract_strided_slice %add3A_528 {offsets = [448, 0], sizes = [16, 128], strides = [1, 1]} : vector<1024x128xf32> to vector<16x128xf32>
    %reduce_sum3A_976 = arith.constant dense<0.000000e+00> : vector<128xf32>
    %reduce_sum3A_977 = vector.multi_reduction <add>, %slice3A_975, %reduce_sum3A_976 [0] : vector<16x128xf32> to vector<128xf32>
    %broadcast_in_dim3A_978 = vector.shape_cast %reduce_sum3A_977 : vector<128xf32> to vector<1x128xf32>
    %slice3A_979 = vector.extract_strided_slice %add3A_528 {offsets = [464, 0], sizes = [16, 128], strides = [1, 1]} : vector<1024x128xf32> to vector<16x128xf32>
    %reduce_sum3A_980 = arith.constant dense<0.000000e+00> : vector<128xf32>
    %reduce_sum3A_981 = vector.multi_reduction <add>, %slice3A_979, %reduce_sum3A_980 [0] : vector<16x128xf32> to vector<128xf32>
    %broadcast_in_dim3A_982 = vector.shape_cast %reduce_sum3A_981 : vector<128xf32> to vector<1x128xf32>
    %slice3A_983 = vector.extract_strided_slice %add3A_528 {offsets = [480, 0], sizes = [16, 128], strides = [1, 1]} : vector<1024x128xf32> to vector<16x128xf32>
    %reduce_sum3A_984 = arith.constant dense<0.000000e+00> : vector<128xf32>
    %reduce_sum3A_985 = vector.multi_reduction <add>, %slice3A_983, %reduce_sum3A_984 [0] : vector<16x128xf32> to vector<128xf32>
    %broadcast_in_dim3A_986 = vector.shape_cast %reduce_sum3A_985 : vector<128xf32> to vector<1x128xf32>
    %slice3A_987 = vector.extract_strided_slice %add3A_528 {offsets = [496, 0], sizes = [16, 128], strides = [1, 1]} : vector<1024x128xf32> to vector<16x128xf32>
    %reduce_sum3A_988 = arith.constant dense<0.000000e+00> : vector<128xf32>
    %reduce_sum3A_989 = vector.multi_reduction <add>, %slice3A_987, %reduce_sum3A_988 [0] : vector<16x128xf32> to vector<128xf32>
    %broadcast_in_dim3A_990 = vector.shape_cast %reduce_sum3A_989 : vector<128xf32> to vector<1x128xf32>
    %concatenate3A_991 = tpu.concatenate %broadcast_in_dim3A_930, %broadcast_in_dim3A_934, %broadcast_in_dim3A_938, %broadcast_in_dim3A_942, %broadcast_in_dim3A_946, %broadcast_in_dim3A_950, %broadcast_in_dim3A_954, %broadcast_in_dim3A_958, %broadcast_in_dim3A_962, %broadcast_in_dim3A_966, %broadcast_in_dim3A_970, %broadcast_in_dim3A_974, %broadcast_in_dim3A_978, %broadcast_in_dim3A_982, %broadcast_in_dim3A_986, %broadcast_in_dim3A_990 in 0 : vector<1x128xf32>, vector<1x128xf32>, vector<1x128xf32>, vector<1x128xf32>, vector<1x128xf32>, vector<1x128xf32>, vector<1x128xf32>, vector<1x128xf32>, vector<1x128xf32>, vector<1x128xf32>, vector<1x128xf32>, vector<1x128xf32>, vector<1x128xf32>, vector<1x128xf32>, vector<1x128xf32>, vector<1x128xf32> -> vector<16x128xf32>
    %transpose3A_992 = tpu.transpose %concatenate3A_991, [1, 0] : vector<16x128xf32> -> vector<128x16xf32>
    %swap3A_993 = arith.constant 256 : index
    %swap3A_994 = arith.constant 0 : index
    %swap3A_995 = vector.load %arg9[%swap3A_993, %swap3A_994] : memref<768x16xf32, #tpu.memory_space<vmem>>, vector<128x16xf32>
    tpu.vector_store %arg9[%swap3A_993, %swap3A_994], %transpose3A_992 {strides = array<i32>} : memref<768x16xf32, #tpu.memory_space<vmem>>, vector<128x16xf32>,
    %slice3A_996 = vector.extract_strided_slice %add3A_528 {offsets = [512, 0], sizes = [16, 128], strides = [1, 1]} : vector<1024x128xf32> to vector<16x128xf32>
    %reduce_sum3A_997 = arith.constant dense<0.000000e+00> : vector<128xf32>
    %reduce_sum3A_998 = vector.multi_reduction <add>, %slice3A_996, %reduce_sum3A_997 [0] : vector<16x128xf32> to vector<128xf32>
    %broadcast_in_dim3A_999 = vector.shape_cast %reduce_sum3A_998 : vector<128xf32> to vector<1x128xf32>
    %slice3A_1000 = vector.extract_strided_slice %add3A_528 {offsets = [528, 0], sizes = [16, 128], strides = [1, 1]} : vector<1024x128xf32> to vector<16x128xf32>
    %reduce_sum3A_1001 = arith.constant dense<0.000000e+00> : vector<128xf32>
    %reduce_sum3A_1002 = vector.multi_reduction <add>, %slice3A_1000, %reduce_sum3A_1001 [0] : vector<16x128xf32> to vector<128xf32>
    %broadcast_in_dim3A_1003 = vector.shape_cast %reduce_sum3A_1002 : vector<128xf32> to vector<1x128xf32>
    %slice3A_1004 = vector.extract_strided_slice %add3A_528 {offsets = [544, 0], sizes = [16, 128], strides = [1, 1]} : vector<1024x128xf32> to vector<16x128xf32>
    %reduce_sum3A_1005 = arith.constant dense<0.000000e+00> : vector<128xf32>
    %reduce_sum3A_1006 = vector.multi_reduction <add>, %slice3A_1004, %reduce_sum3A_1005 [0] : vector<16x128xf32> to vector<128xf32>
    %broadcast_in_dim3A_1007 = vector.shape_cast %reduce_sum3A_1006 : vector<128xf32> to vector<1x128xf32>
    %slice3A_1008 = vector.extract_strided_slice %add3A_528 {offsets = [560, 0], sizes = [16, 128], strides = [1, 1]} : vector<1024x128xf32> to vector<16x128xf32>
    %reduce_sum3A_1009 = arith.constant dense<0.000000e+00> : vector<128xf32>
    %reduce_sum3A_1010 = vector.multi_reduction <add>, %slice3A_1008, %reduce_sum3A_1009 [0] : vector<16x128xf32> to vector<128xf32>
    %broadcast_in_dim3A_1011 = vector.shape_cast %reduce_sum3A_1010 : vector<128xf32> to vector<1x128xf32>
    %slice3A_1012 = vector.extract_strided_slice %add3A_528 {offsets = [576, 0], sizes = [16, 128], strides = [1, 1]} : vector<1024x128xf32> to vector<16x128xf32>
    %reduce_sum3A_1013 = arith.constant dense<0.000000e+00> : vector<128xf32>
    %reduce_sum3A_1014 = vector.multi_reduction <add>, %slice3A_1012, %reduce_sum3A_1013 [0] : vector<16x128xf32> to vector<128xf32>
    %broadcast_in_dim3A_1015 = vector.shape_cast %reduce_sum3A_1014 : vector<128xf32> to vector<1x128xf32>
    %slice3A_1016 = vector.extract_strided_slice %add3A_528 {offsets = [592, 0], sizes = [16, 128], strides = [1, 1]} : vector<1024x128xf32> to vector<16x128xf32>
    %reduce_sum3A_1017 = arith.constant dense<0.000000e+00> : vector<128xf32>
    %reduce_sum3A_1018 = vector.multi_reduction <add>, %slice3A_1016, %reduce_sum3A_1017 [0] : vector<16x128xf32> to vector<128xf32>
    %broadcast_in_dim3A_1019 = vector.shape_cast %reduce_sum3A_1018 : vector<128xf32> to vector<1x128xf32>
    %slice3A_1020 = vector.extract_strided_slice %add3A_528 {offsets = [608, 0], sizes = [16, 128], strides = [1, 1]} : vector<1024x128xf32> to vector<16x128xf32>
    %reduce_sum3A_1021 = arith.constant dense<0.000000e+00> : vector<128xf32>
    %reduce_sum3A_1022 = vector.multi_reduction <add>, %slice3A_1020, %reduce_sum3A_1021 [0] : vector<16x128xf32> to vector<128xf32>
    %broadcast_in_dim3A_1023 = vector.shape_cast %reduce_sum3A_1022 : vector<128xf32> to vector<1x128xf32>
    %slice3A_1024 = vector.extract_strided_slice %add3A_528 {offsets = [624, 0], sizes = [16, 128], strides = [1, 1]} : vector<1024x128xf32> to vector<16x128xf32>
    %reduce_sum3A_1025 = arith.constant dense<0.000000e+00> : vector<128xf32>
    %reduce_sum3A_1026 = vector.multi_reduction <add>, %slice3A_1024, %reduce_sum3A_1025 [0] : vector<16x128xf32> to vector<128xf32>
    %broadcast_in_dim3A_1027 = vector.shape_cast %reduce_sum3A_1026 : vector<128xf32> to vector<1x128xf32>
    %slice3A_1028 = vector.extract_strided_slice %add3A_528 {offsets = [640, 0], sizes = [16, 128], strides = [1, 1]} : vector<1024x128xf32> to vector<16x128xf32>
    %reduce_sum3A_1029 = arith.constant dense<0.000000e+00> : vector<128xf32>
    %reduce_sum3A_1030 = vector.multi_reduction <add>, %slice3A_1028, %reduce_sum3A_1029 [0] : vector<16x128xf32> to vector<128xf32>
    %broadcast_in_dim3A_1031 = vector.shape_cast %reduce_sum3A_1030 : vector<128xf32> to vector<1x128xf32>
    %slice3A_1032 = vector.extract_strided_slice %add3A_528 {offsets = [656, 0], sizes = [16, 128], strides = [1, 1]} : vector<1024x128xf32> to vector<16x128xf32>
    %reduce_sum3A_1033 = arith.constant dense<0.000000e+00> : vector<128xf32>
    %reduce_sum3A_1034 = vector.multi_reduction <add>, %slice3A_1032, %reduce_sum3A_1033 [0] : vector<16x128xf32> to vector<128xf32>
    %broadcast_in_dim3A_1035 = vector.shape_cast %reduce_sum3A_1034 : vector<128xf32> to vector<1x128xf32>
    %slice3A_1036 = vector.extract_strided_slice %add3A_528 {offsets = [672, 0], sizes = [16, 128], strides = [1, 1]} : vector<1024x128xf32> to vector<16x128xf32>
    %reduce_sum3A_1037 = arith.constant dense<0.000000e+00> : vector<128xf32>
    %reduce_sum3A_1038 = vector.multi_reduction <add>, %slice3A_1036, %reduce_sum3A_1037 [0] : vector<16x128xf32> to vector<128xf32>
    %broadcast_in_dim3A_1039 = vector.shape_cast %reduce_sum3A_1038 : vector<128xf32> to vector<1x128xf32>
    %slice3A_1040 = vector.extract_strided_slice %add3A_528 {offsets = [688, 0], sizes = [16, 128], strides = [1, 1]} : vector<1024x128xf32> to vector<16x128xf32>
    %reduce_sum3A_1041 = arith.constant dense<0.000000e+00> : vector<128xf32>
    %reduce_sum3A_1042 = vector.multi_reduction <add>, %slice3A_1040, %reduce_sum3A_1041 [0] : vector<16x128xf32> to vector<128xf32>
    %broadcast_in_dim3A_1043 = vector.shape_cast %reduce_sum3A_1042 : vector<128xf32> to vector<1x128xf32>
    %slice3A_1044 = vector.extract_strided_slice %add3A_528 {offsets = [704, 0], sizes = [16, 128], strides = [1, 1]} : vector<1024x128xf32> to vector<16x128xf32>
    %reduce_sum3A_1045 = arith.constant dense<0.000000e+00> : vector<128xf32>
    %reduce_sum3A_1046 = vector.multi_reduction <add>, %slice3A_1044, %reduce_sum3A_1045 [0] : vector<16x128xf32> to vector<128xf32>
    %broadcast_in_dim3A_1047 = vector.shape_cast %reduce_sum3A_1046 : vector<128xf32> to vector<1x128xf32>
    %slice3A_1048 = vector.extract_strided_slice %add3A_528 {offsets = [720, 0], sizes = [16, 128], strides = [1, 1]} : vector<1024x128xf32> to vector<16x128xf32>
    %reduce_sum3A_1049 = arith.constant dense<0.000000e+00> : vector<128xf32>
    %reduce_sum3A_1050 = vector.multi_reduction <add>, %slice3A_1048, %reduce_sum3A_1049 [0] : vector<16x128xf32> to vector<128xf32>
    %broadcast_in_dim3A_1051 = vector.shape_cast %reduce_sum3A_1050 : vector<128xf32> to vector<1x128xf32>
    %slice3A_1052 = vector.extract_strided_slice %add3A_528 {offsets = [736, 0], sizes = [16, 128], strides = [1, 1]} : vector<1024x128xf32> to vector<16x128xf32>
    %reduce_sum3A_1053 = arith.constant dense<0.000000e+00> : vector<128xf32>
    %reduce_sum3A_1054 = vector.multi_reduction <add>, %slice3A_1052, %reduce_sum3A_1053 [0] : vector<16x128xf32> to vector<128xf32>
    %broadcast_in_dim3A_1055 = vector.shape_cast %reduce_sum3A_1054 : vector<128xf32> to vector<1x128xf32>
    %slice3A_1056 = vector.extract_strided_slice %add3A_528 {offsets = [752, 0], sizes = [16, 128], strides = [1, 1]} : vector<1024x128xf32> to vector<16x128xf32>
    %reduce_sum3A_1057 = arith.constant dense<0.000000e+00> : vector<128xf32>
    %reduce_sum3A_1058 = vector.multi_reduction <add>, %slice3A_1056, %reduce_sum3A_1057 [0] : vector<16x128xf32> to vector<128xf32>
    %broadcast_in_dim3A_1059 = vector.shape_cast %reduce_sum3A_1058 : vector<128xf32> to vector<1x128xf32>
    %concatenate3A_1060 = tpu.concatenate %broadcast_in_dim3A_999, %broadcast_in_dim3A_1003, %broadcast_in_dim3A_1007, %broadcast_in_dim3A_1011, %broadcast_in_dim3A_1015, %broadcast_in_dim3A_1019, %broadcast_in_dim3A_1023, %broadcast_in_dim3A_1027, %broadcast_in_dim3A_1031, %broadcast_in_dim3A_1035, %broadcast_in_dim3A_1039, %broadcast_in_dim3A_1043, %broadcast_in_dim3A_1047, %broadcast_in_dim3A_1051, %broadcast_in_dim3A_1055, %broadcast_in_dim3A_1059 in 0 : vector<1x128xf32>, vector<1x128xf32>, vector<1x128xf32>, vector<1x128xf32>, vector<1x128xf32>, vector<1x128xf32>, vector<1x128xf32>, vector<1x128xf32>, vector<1x128xf32>, vector<1x128xf32>, vector<1x128xf32>, vector<1x128xf32>, vector<1x128xf32>, vector<1x128xf32>, vector<1x128xf32>, vector<1x128xf32> -> vector<16x128xf32>
    %transpose3A_1061 = tpu.transpose %concatenate3A_1060, [1, 0] : vector<16x128xf32> -> vector<128x16xf32>
    %swap3A_1062 = arith.constant 384 : index
    %swap3A_1063 = arith.constant 0 : index
    %swap3A_1064 = vector.load %arg9[%swap3A_1062, %swap3A_1063] : memref<768x16xf32, #tpu.memory_space<vmem>>, vector<128x16xf32>
    tpu.vector_store %arg9[%swap3A_1062, %swap3A_1063], %transpose3A_1061 {strides = array<i32>} : memref<768x16xf32, #tpu.memory_space<vmem>>, vector<128x16xf32>,
    %slice3A_1065 = vector.extract_strided_slice %add3A_528 {offsets = [768, 0], sizes = [16, 128], strides = [1, 1]} : vector<1024x128xf32> to vector<16x128xf32>
    %reduce_sum3A_1066 = arith.constant dense<0.000000e+00> : vector<128xf32>
    %reduce_sum3A_1067 = vector.multi_reduction <add>, %slice3A_1065, %reduce_sum3A_1066 [0] : vector<16x128xf32> to vector<128xf32>
    %broadcast_in_dim3A_1068 = vector.shape_cast %reduce_sum3A_1067 : vector<128xf32> to vector<1x128xf32>
    %slice3A_1069 = vector.extract_strided_slice %add3A_528 {offsets = [784, 0], sizes = [16, 128], strides = [1, 1]} : vector<1024x128xf32> to vector<16x128xf32>
    %reduce_sum3A_1070 = arith.constant dense<0.000000e+00> : vector<128xf32>
    %reduce_sum3A_1071 = vector.multi_reduction <add>, %slice3A_1069, %reduce_sum3A_1070 [0] : vector<16x128xf32> to vector<128xf32>
    %broadcast_in_dim3A_1072 = vector.shape_cast %reduce_sum3A_1071 : vector<128xf32> to vector<1x128xf32>
    %slice3A_1073 = vector.extract_strided_slice %add3A_528 {offsets = [800, 0], sizes = [16, 128], strides = [1, 1]} : vector<1024x128xf32> to vector<16x128xf32>
    %reduce_sum3A_1074 = arith.constant dense<0.000000e+00> : vector<128xf32>
    %reduce_sum3A_1075 = vector.multi_reduction <add>, %slice3A_1073, %reduce_sum3A_1074 [0] : vector<16x128xf32> to vector<128xf32>
    %broadcast_in_dim3A_1076 = vector.shape_cast %reduce_sum3A_1075 : vector<128xf32> to vector<1x128xf32>
    %slice3A_1077 = vector.extract_strided_slice %add3A_528 {offsets = [816, 0], sizes = [16, 128], strides = [1, 1]} : vector<1024x128xf32> to vector<16x128xf32>
    %reduce_sum3A_1078 = arith.constant dense<0.000000e+00> : vector<128xf32>
    %reduce_sum3A_1079 = vector.multi_reduction <add>, %slice3A_1077, %reduce_sum3A_1078 [0] : vector<16x128xf32> to vector<128xf32>
    %broadcast_in_dim3A_1080 = vector.shape_cast %reduce_sum3A_1079 : vector<128xf32> to vector<1x128xf32>
    %slice3A_1081 = vector.extract_strided_slice %add3A_528 {offsets = [832, 0], sizes = [16, 128], strides = [1, 1]} : vector<1024x128xf32> to vector<16x128xf32>
    %reduce_sum3A_1082 = arith.constant dense<0.000000e+00> : vector<128xf32>
    %reduce_sum3A_1083 = vector.multi_reduction <add>, %slice3A_1081, %reduce_sum3A_1082 [0] : vector<16x128xf32> to vector<128xf32>
    %broadcast_in_dim3A_1084 = vector.shape_cast %reduce_sum3A_1083 : vector<128xf32> to vector<1x128xf32>
    %slice3A_1085 = vector.extract_strided_slice %add3A_528 {offsets = [848, 0], sizes = [16, 128], strides = [1, 1]} : vector<1024x128xf32> to vector<16x128xf32>
    %reduce_sum3A_1086 = arith.constant dense<0.000000e+00> : vector<128xf32>
    %reduce_sum3A_1087 = vector.multi_reduction <add>, %slice3A_1085, %reduce_sum3A_1086 [0] : vector<16x128xf32> to vector<128xf32>
    %broadcast_in_dim3A_1088 = vector.shape_cast %reduce_sum3A_1087 : vector<128xf32> to vector<1x128xf32>
    %slice3A_1089 = vector.extract_strided_slice %add3A_528 {offsets = [864, 0], sizes = [16, 128], strides = [1, 1]} : vector<1024x128xf32> to vector<16x128xf32>
    %reduce_sum3A_1090 = arith.constant dense<0.000000e+00> : vector<128xf32>
    %reduce_sum3A_1091 = vector.multi_reduction <add>, %slice3A_1089, %reduce_sum3A_1090 [0] : vector<16x128xf32> to vector<128xf32>
    %broadcast_in_dim3A_1092 = vector.shape_cast %reduce_sum3A_1091 : vector<128xf32> to vector<1x128xf32>
    %slice3A_1093 = vector.extract_strided_slice %add3A_528 {offsets = [880, 0], sizes = [16, 128], strides = [1, 1]} : vector<1024x128xf32> to vector<16x128xf32>
    %reduce_sum3A_1094 = arith.constant dense<0.000000e+00> : vector<128xf32>
    %reduce_sum3A_1095 = vector.multi_reduction <add>, %slice3A_1093, %reduce_sum3A_1094 [0] : vector<16x128xf32> to vector<128xf32>
    %broadcast_in_dim3A_1096 = vector.shape_cast %reduce_sum3A_1095 : vector<128xf32> to vector<1x128xf32>
    %slice3A_1097 = vector.extract_strided_slice %add3A_528 {offsets = [896, 0], sizes = [16, 128], strides = [1, 1]} : vector<1024x128xf32> to vector<16x128xf32>
    %reduce_sum3A_1098 = arith.constant dense<0.000000e+00> : vector<128xf32>
    %reduce_sum3A_1099 = vector.multi_reduction <add>, %slice3A_1097, %reduce_sum3A_1098 [0] : vector<16x128xf32> to vector<128xf32>
    %broadcast_in_dim3A_1100 = vector.shape_cast %reduce_sum3A_1099 : vector<128xf32> to vector<1x128xf32>
    %slice3A_1101 = vector.extract_strided_slice %add3A_528 {offsets = [912, 0], sizes = [16, 128], strides = [1, 1]} : vector<1024x128xf32> to vector<16x128xf32>
    %reduce_sum3A_1102 = arith.constant dense<0.000000e+00> : vector<128xf32>
    %reduce_sum3A_1103 = vector.multi_reduction <add>, %slice3A_1101, %reduce_sum3A_1102 [0] : vector<16x128xf32> to vector<128xf32>
    %broadcast_in_dim3A_1104 = vector.shape_cast %reduce_sum3A_1103 : vector<128xf32> to vector<1x128xf32>
    %slice3A_1105 = vector.extract_strided_slice %add3A_528 {offsets = [928, 0], sizes = [16, 128], strides = [1, 1]} : vector<1024x128xf32> to vector<16x128xf32>
    %reduce_sum3A_1106 = arith.constant dense<0.000000e+00> : vector<128xf32>
    %reduce_sum3A_1107 = vector.multi_reduction <add>, %slice3A_1105, %reduce_sum3A_1106 [0] : vector<16x128xf32> to vector<128xf32>
    %broadcast_in_dim3A_1108 = vector.shape_cast %reduce_sum3A_1107 : vector<128xf32> to vector<1x128xf32>
    %slice3A_1109 = vector.extract_strided_slice %add3A_528 {offsets = [944, 0], sizes = [16, 128], strides = [1, 1]} : vector<1024x128xf32> to vector<16x128xf32>
    %reduce_sum3A_1110 = arith.constant dense<0.000000e+00> : vector<128xf32>
    %reduce_sum3A_1111 = vector.multi_reduction <add>, %slice3A_1109, %reduce_sum3A_1110 [0] : vector<16x128xf32> to vector<128xf32>
    %broadcast_in_dim3A_1112 = vector.shape_cast %reduce_sum3A_1111 : vector<128xf32> to vector<1x128xf32>
    %slice3A_1113 = vector.extract_strided_slice %add3A_528 {offsets = [960, 0], sizes = [16, 128], strides = [1, 1]} : vector<1024x128xf32> to vector<16x128xf32>
    %reduce_sum3A_1114 = arith.constant dense<0.000000e+00> : vector<128xf32>
    %reduce_sum3A_1115 = vector.multi_reduction <add>, %slice3A_1113, %reduce_sum3A_1114 [0] : vector<16x128xf32> to vector<128xf32>
    %broadcast_in_dim3A_1116 = vector.shape_cast %reduce_sum3A_1115 : vector<128xf32> to vector<1x128xf32>
    %slice3A_1117 = vector.extract_strided_slice %add3A_528 {offsets = [976, 0], sizes = [16, 128], strides = [1, 1]} : vector<1024x128xf32> to vector<16x128xf32>
    %reduce_sum3A_1118 = arith.constant dense<0.000000e+00> : vector<128xf32>
    %reduce_sum3A_1119 = vector.multi_reduction <add>, %slice3A_1117, %reduce_sum3A_1118 [0] : vector<16x128xf32> to vector<128xf32>
    %broadcast_in_dim3A_1120 = vector.shape_cast %reduce_sum3A_1119 : vector<128xf32> to vector<1x128xf32>
    %slice3A_1121 = vector.extract_strided_slice %add3A_528 {offsets = [992, 0], sizes = [16, 128], strides = [1, 1]} : vector<1024x128xf32> to vector<16x128xf32>
    %reduce_sum3A_1122 = arith.constant dense<0.000000e+00> : vector<128xf32>
    %reduce_sum3A_1123 = vector.multi_reduction <add>, %slice3A_1121, %reduce_sum3A_1122 [0] : vector<16x128xf32> to vector<128xf32>
    %broadcast_in_dim3A_1124 = vector.shape_cast %reduce_sum3A_1123 : vector<128xf32> to vector<1x128xf32>
    %slice3A_1125 = vector.extract_strided_slice %add3A_528 {offsets = [1008, 0], sizes = [16, 128], strides = [1, 1]} : vector<1024x128xf32> to vector<16x128xf32>
    %reduce_sum3A_1126 = arith.constant dense<0.000000e+00> : vector<128xf32>
    %reduce_sum3A_1127 = vector.multi_reduction <add>, %slice3A_1125, %reduce_sum3A_1126 [0] : vector<16x128xf32> to vector<128xf32>
    %broadcast_in_dim3A_1128 = vector.shape_cast %reduce_sum3A_1127 : vector<128xf32> to vector<1x128xf32>
    %concatenate3A_1129 = tpu.concatenate %broadcast_in_dim3A_1068, %broadcast_in_dim3A_1072, %broadcast_in_dim3A_1076, %broadcast_in_dim3A_1080, %broadcast_in_dim3A_1084, %broadcast_in_dim3A_1088, %broadcast_in_dim3A_1092, %broadcast_in_dim3A_1096, %broadcast_in_dim3A_1100, %broadcast_in_dim3A_1104, %broadcast_in_dim3A_1108, %broadcast_in_dim3A_1112, %broadcast_in_dim3A_1116, %broadcast_in_dim3A_1120, %broadcast_in_dim3A_1124, %broadcast_in_dim3A_1128 in 0 : vector<1x128xf32>, vector<1x128xf32>, vector<1x128xf32>, vector<1x128xf32>, vector<1x128xf32>, vector<1x128xf32>, vector<1x128xf32>, vector<1x128xf32>, vector<1x128xf32>, vector<1x128xf32>, vector<1x128xf32>, vector<1x128xf32>, vector<1x128xf32>, vector<1x128xf32>, vector<1x128xf32>, vector<1x128xf32> -> vector<16x128xf32>
    %transpose3A_1130 = tpu.transpose %concatenate3A_1129, [1, 0] : vector<16x128xf32> -> vector<128x16xf32>
    %swap3A_1131 = arith.constant 512 : index
    %swap3A_1132 = arith.constant 0 : index
    %swap3A_1133 = vector.load %arg9[%swap3A_1131, %swap3A_1132] : memref<768x16xf32, #tpu.memory_space<vmem>>, vector<128x16xf32>
    tpu.vector_store %arg9[%swap3A_1131, %swap3A_1132], %transpose3A_1130 {strides = array<i32>} : memref<768x16xf32, #tpu.memory_space<vmem>>, vector<128x16xf32>,
    %slice3A_1134 = vector.extract_strided_slice %add3A_793 {offsets = [0, 0], sizes = [16, 128], strides = [1, 1]} : vector<256x128xf32> to vector<16x128xf32>
    %reduce_sum3A_1135 = arith.constant dense<0.000000e+00> : vector<128xf32>
    %reduce_sum3A_1136 = vector.multi_reduction <add>, %slice3A_1134, %reduce_sum3A_1135 [0] : vector<16x128xf32> to vector<128xf32>
    %broadcast_in_dim3A_1137 = vector.shape_cast %reduce_sum3A_1136 : vector<128xf32> to vector<1x128xf32>
    %slice3A_1138 = vector.extract_strided_slice %add3A_793 {offsets = [16, 0], sizes = [16, 128], strides = [1, 1]} : vector<256x128xf32> to vector<16x128xf32>
    %reduce_sum3A_1139 = arith.constant dense<0.000000e+00> : vector<128xf32>
    %reduce_sum3A_1140 = vector.multi_reduction <add>, %slice3A_1138, %reduce_sum3A_1139 [0] : vector<16x128xf32> to vector<128xf32>
    %broadcast_in_dim3A_1141 = vector.shape_cast %reduce_sum3A_1140 : vector<128xf32> to vector<1x128xf32>
    %slice3A_1142 = vector.extract_strided_slice %add3A_793 {offsets = [32, 0], sizes = [16, 128], strides = [1, 1]} : vector<256x128xf32> to vector<16x128xf32>
    %reduce_sum3A_1143 = arith.constant dense<0.000000e+00> : vector<128xf32>
    %reduce_sum3A_1144 = vector.multi_reduction <add>, %slice3A_1142, %reduce_sum3A_1143 [0] : vector<16x128xf32> to vector<128xf32>
    %broadcast_in_dim3A_1145 = vector.shape_cast %reduce_sum3A_1144 : vector<128xf32> to vector<1x128xf32>
    %slice3A_1146 = vector.extract_strided_slice %add3A_793 {offsets = [48, 0], sizes = [16, 128], strides = [1, 1]} : vector<256x128xf32> to vector<16x128xf32>
    %reduce_sum3A_1147 = arith.constant dense<0.000000e+00> : vector<128xf32>
    %reduce_sum3A_1148 = vector.multi_reduction <add>, %slice3A_1146, %reduce_sum3A_1147 [0] : vector<16x128xf32> to vector<128xf32>
    %broadcast_in_dim3A_1149 = vector.shape_cast %reduce_sum3A_1148 : vector<128xf32> to vector<1x128xf32>
    %slice3A_1150 = vector.extract_strided_slice %add3A_793 {offsets = [64, 0], sizes = [16, 128], strides = [1, 1]} : vector<256x128xf32> to vector<16x128xf32>
    %reduce_sum3A_1151 = arith.constant dense<0.000000e+00> : vector<128xf32>
    %reduce_sum3A_1152 = vector.multi_reduction <add>, %slice3A_1150, %reduce_sum3A_1151 [0] : vector<16x128xf32> to vector<128xf32>
    %broadcast_in_dim3A_1153 = vector.shape_cast %reduce_sum3A_1152 : vector<128xf32> to vector<1x128xf32>
    %slice3A_1154 = vector.extract_strided_slice %add3A_793 {offsets = [80, 0], sizes = [16, 128], strides = [1, 1]} : vector<256x128xf32> to vector<16x128xf32>
    %reduce_sum3A_1155 = arith.constant dense<0.000000e+00> : vector<128xf32>
    %reduce_sum3A_1156 = vector.multi_reduction <add>, %slice3A_1154, %reduce_sum3A_1155 [0] : vector<16x128xf32> to vector<128xf32>
    %broadcast_in_dim3A_1157 = vector.shape_cast %reduce_sum3A_1156 : vector<128xf32> to vector<1x128xf32>
    %slice3A_1158 = vector.extract_strided_slice %add3A_793 {offsets = [96, 0], sizes = [16, 128], strides = [1, 1]} : vector<256x128xf32> to vector<16x128xf32>
    %reduce_sum3A_1159 = arith.constant dense<0.000000e+00> : vector<128xf32>
    %reduce_sum3A_1160 = vector.multi_reduction <add>, %slice3A_1158, %reduce_sum3A_1159 [0] : vector<16x128xf32> to vector<128xf32>
    %broadcast_in_dim3A_1161 = vector.shape_cast %reduce_sum3A_1160 : vector<128xf32> to vector<1x128xf32>
    %slice3A_1162 = vector.extract_strided_slice %add3A_793 {offsets = [112, 0], sizes = [16, 128], strides = [1, 1]} : vector<256x128xf32> to vector<16x128xf32>
    %reduce_sum3A_1163 = arith.constant dense<0.000000e+00> : vector<128xf32>
    %reduce_sum3A_1164 = vector.multi_reduction <add>, %slice3A_1162, %reduce_sum3A_1163 [0] : vector<16x128xf32> to vector<128xf32>
    %broadcast_in_dim3A_1165 = vector.shape_cast %reduce_sum3A_1164 : vector<128xf32> to vector<1x128xf32>
    %slice3A_1166 = vector.extract_strided_slice %add3A_793 {offsets = [128, 0], sizes = [16, 128], strides = [1, 1]} : vector<256x128xf32> to vector<16x128xf32>
    %reduce_sum3A_1167 = arith.constant dense<0.000000e+00> : vector<128xf32>
    %reduce_sum3A_1168 = vector.multi_reduction <add>, %slice3A_1166, %reduce_sum3A_1167 [0] : vector<16x128xf32> to vector<128xf32>
    %broadcast_in_dim3A_1169 = vector.shape_cast %reduce_sum3A_1168 : vector<128xf32> to vector<1x128xf32>
    %slice3A_1170 = vector.extract_strided_slice %add3A_793 {offsets = [144, 0], sizes = [16, 128], strides = [1, 1]} : vector<256x128xf32> to vector<16x128xf32>
    %reduce_sum3A_1171 = arith.constant dense<0.000000e+00> : vector<128xf32>
    %reduce_sum3A_1172 = vector.multi_reduction <add>, %slice3A_1170, %reduce_sum3A_1171 [0] : vector<16x128xf32> to vector<128xf32>
    %broadcast_in_dim3A_1173 = vector.shape_cast %reduce_sum3A_1172 : vector<128xf32> to vector<1x128xf32>
    %slice3A_1174 = vector.extract_strided_slice %add3A_793 {offsets = [160, 0], sizes = [16, 128], strides = [1, 1]} : vector<256x128xf32> to vector<16x128xf32>
    %reduce_sum3A_1175 = arith.constant dense<0.000000e+00> : vector<128xf32>
    %reduce_sum3A_1176 = vector.multi_reduction <add>, %slice3A_1174, %reduce_sum3A_1175 [0] : vector<16x128xf32> to vector<128xf32>
    %broadcast_in_dim3A_1177 = vector.shape_cast %reduce_sum3A_1176 : vector<128xf32> to vector<1x128xf32>
    %slice3A_1178 = vector.extract_strided_slice %add3A_793 {offsets = [176, 0], sizes = [16, 128], strides = [1, 1]} : vector<256x128xf32> to vector<16x128xf32>
    %reduce_sum3A_1179 = arith.constant dense<0.000000e+00> : vector<128xf32>
    %reduce_sum3A_1180 = vector.multi_reduction <add>, %slice3A_1178, %reduce_sum3A_1179 [0] : vector<16x128xf32> to vector<128xf32>
    %broadcast_in_dim3A_1181 = vector.shape_cast %reduce_sum3A_1180 : vector<128xf32> to vector<1x128xf32>
    %slice3A_1182 = vector.extract_strided_slice %add3A_793 {offsets = [192, 0], sizes = [16, 128], strides = [1, 1]} : vector<256x128xf32> to vector<16x128xf32>
    %reduce_sum3A_1183 = arith.constant dense<0.000000e+00> : vector<128xf32>
    %reduce_sum3A_1184 = vector.multi_reduction <add>, %slice3A_1182, %reduce_sum3A_1183 [0] : vector<16x128xf32> to vector<128xf32>
    %broadcast_in_dim3A_1185 = vector.shape_cast %reduce_sum3A_1184 : vector<128xf32> to vector<1x128xf32>
    %slice3A_1186 = vector.extract_strided_slice %add3A_793 {offsets = [208, 0], sizes = [16, 128], strides = [1, 1]} : vector<256x128xf32> to vector<16x128xf32>
    %reduce_sum3A_1187 = arith.constant dense<0.000000e+00> : vector<128xf32>
    %reduce_sum3A_1188 = vector.multi_reduction <add>, %slice3A_1186, %reduce_sum3A_1187 [0] : vector<16x128xf32> to vector<128xf32>
    %broadcast_in_dim3A_1189 = vector.shape_cast %reduce_sum3A_1188 : vector<128xf32> to vector<1x128xf32>
    %slice3A_1190 = vector.extract_strided_slice %add3A_793 {offsets = [224, 0], sizes = [16, 128], strides = [1, 1]} : vector<256x128xf32> to vector<16x128xf32>
    %reduce_sum3A_1191 = arith.constant dense<0.000000e+00> : vector<128xf32>
    %reduce_sum3A_1192 = vector.multi_reduction <add>, %slice3A_1190, %reduce_sum3A_1191 [0] : vector<16x128xf32> to vector<128xf32>
    %broadcast_in_dim3A_1193 = vector.shape_cast %reduce_sum3A_1192 : vector<128xf32> to vector<1x128xf32>
    %slice3A_1194 = vector.extract_strided_slice %add3A_793 {offsets = [240, 0], sizes = [16, 128], strides = [1, 1]} : vector<256x128xf32> to vector<16x128xf32>
    %reduce_sum3A_1195 = arith.constant dense<0.000000e+00> : vector<128xf32>
    %reduce_sum3A_1196 = vector.multi_reduction <add>, %slice3A_1194, %reduce_sum3A_1195 [0] : vector<16x128xf32> to vector<128xf32>
    %broadcast_in_dim3A_1197 = vector.shape_cast %reduce_sum3A_1196 : vector<128xf32> to vector<1x128xf32>
    %concatenate3A_1198 = tpu.concatenate %broadcast_in_dim3A_1137, %broadcast_in_dim3A_1141, %broadcast_in_dim3A_1145, %broadcast_in_dim3A_1149, %broadcast_in_dim3A_1153, %broadcast_in_dim3A_1157, %broadcast_in_dim3A_1161, %broadcast_in_dim3A_1165, %broadcast_in_dim3A_1169, %broadcast_in_dim3A_1173, %broadcast_in_dim3A_1177, %broadcast_in_dim3A_1181, %broadcast_in_dim3A_1185, %broadcast_in_dim3A_1189, %broadcast_in_dim3A_1193, %broadcast_in_dim3A_1197 in 0 : vector<1x128xf32>, vector<1x128xf32>, vector<1x128xf32>, vector<1x128xf32>, vector<1x128xf32>, vector<1x128xf32>, vector<1x128xf32>, vector<1x128xf32>, vector<1x128xf32>, vector<1x128xf32>, vector<1x128xf32>, vector<1x128xf32>, vector<1x128xf32>, vector<1x128xf32>, vector<1x128xf32>, vector<1x128xf32> -> vector<16x128xf32>
    %transpose3A_1199 = tpu.transpose %concatenate3A_1198, [1, 0] : vector<16x128xf32> -> vector<128x16xf32>
    %swap3A_1200 = arith.constant 640 : index
    %swap3A_1201 = arith.constant 0 : index
    %swap3A_1202 = vector.load %arg9[%swap3A_1200, %swap3A_1201] : memref<768x16xf32, #tpu.memory_space<vmem>>, vector<128x16xf32>
    tpu.vector_store %arg9[%swap3A_1200, %swap3A_1201], %transpose3A_1199 {strides = array<i32>} : memref<768x16xf32, #tpu.memory_space<vmem>>, vector<128x16xf32>,
    return
  }
}

</mosaic_0001>

<sc_bundles>
// kernel: kernel.4.cloned.1.call-start
scs
__scs_entry_jumppad:
0x0: {  	(pc) =	sbr.rel $0x88, $3  }
0x1: {  	(tag) =	ssettag $0x0;
	lr =	simm.s32 $0x1  }
0x2: {  	[smem:$0x3F97] =	sst lr;
	_ =	strace $0xD0000000  }
0x3: {  	_ = 	snop  }
0x4: {  	_ = 	snop  }
0x5: {  	_ = 	snop  }
0x6: {  	_ = 	snop  }
0x7: {  	_ = 	snop  }
__scs_overlays_trampoline_lowered:
0x8: {  	[smem:$0x3FA6] =	sst s0  }
0x9: {  	[smem:$0x3FA7] =	sst s1  }
0xa: {  	[smem:$0x3FA8] =	sst s2  }
0xb: {  	[smem:$0x3FA9] =	sst s3  }
0xc: {  	[smem:$0x3FAA] =	sst s4  }
0xd: {  	[smem:$0x3FAB] =	sst s5  }
0xe: {  	[smem:$0x3FAC] =	sst s6  }
0xf: {  	[smem:$0x3FAD] =	sst s7  }
0x10: {  	[smem:$0x3FAE] =	sst s8  }
0x11: {  	[smem:$0x3FAF] =	sst s9;
	s0 =	simm.s32 @!p0 $0x0  }
0x12: {  	s1 =	sld [smem:$0x3F95];
	s0 =	simm.s32 @p0 $0x1  }
0x13: {  	[smem:$0x3FB0] =	sst s0;
	s0 =	simm.s32 @!p1 $0x0  }
0x14: {  	s2 =	sld [smem:$0x3F94];
	s0 =	simm.s32 @p1 $0x1  }
0x15: {  	[smem:$0x3FB1] =	sst s0;
	s0 =	simm.s32 @!p2 $0x0  }
0x16: {  	s3 =	sld [smem:$0x3FDB];
	s0 =	simm.s32 @p2 $0x1  }
0x17: {  	s4 =	simm.s32 $0x1BF5;
	[smem:$0x3FB3] =	sst s0  }
0x18: {  	s0 =	sld [smem:$0x3F96];
	_ =	swait.ge [sflag:s4], $0x0  }
0x19: {  	s7 =	sld [smem:$0x3F97]  }
0x1a: {  	s8 =	sadd.s32 $0xFFFFE003, lr  }
0x1b: {  	s9 =	sadd.s32 $0xFFFFFEF7, lr;
	s5 =	simm.s32 $0xFFFFFFFF;
	p2 =	slt.u32 s8, $0xFFFFF086  }
0x1c: {  	p1 =	slt.u32 s9, $0xF7A;
	s5 =	simm.s32 @!p2 $0x0  }
0x1d: {  	s5 =	simm.s32 @p1 $0x1;
	p0 =	seq.s32 s7, s2  }
0x1e: {  	s7 =	smul.u32 @!p0 $0xF7A, s2;
	p2 =	seq.s32 @!p0 s5, $0x0  }
0x1f: {  	s9 =	smul.u32 $0xF7A, s1;
	s8 =	simm.s32 @!p0 $0x1BF5;
	p2 =	por !p2, p0  }
0x20: {  	[sflag:s8] =	ssyncset.s32 @!p0 $0xFFFFF086;
	s6 =	sadd.s32 @!p0 s3, s7;
	s7 =	simm.s32 @!p0 $0x108  }
0x21: {  	s3 =	sadd.s32 s3, s9;
	s6 =	sadd.s32 @!p0 $0x88, s6;
	s7 =	simm.s32 @p2 $0x1082  }
0x22: {  	[simem:s7], [sflag:s8] =	dma.local @!p0 [hbm:s6], $0xF7A  }
0x23: {  	s9 =	sor.u32 $0xD0000000, s2;
	s6 =	simm.s32 $0x108;
	_ =	swait.ge @!p0 [sflag:s8], $0x0  }
0x24: {  	s3 =	sadd.s32 $0x88, s3;
	s6 =	simm.s32 @!p1 $0x1082;
	[sflag:s4] =	ssyncset.s32 $0xFFFFF086  }
0x25: {  	[simem:s6], [sflag:s4] =	dma.local [hbm:s3], $0xF7A  }
0x26: {  	[smem:$0x3F97] =	sst s1;
	(tag) =	ssettag s2;
	_ =	strace s9  }
0x27: {  	s1 =	sld [smem:$0x3FA7]  }
0x28: {  	s2 =	sld [smem:$0x3FA8]  }
0x29: {  	s4 =	sld [smem:$0x3FAA]  }
0x2a: {  	p0 =	seq.s32 s5, $0x0;
	s5 =	sld [smem:$0x3FAB]  }
0x2b: {  	s6 =	sld [smem:$0x3FAC]  }
0x2c: {  	s7 =	sld [smem:$0x3FAD]  }
0x2d: {  	s3 =	simm.s32 $0x108;
	s8 =	sld [smem:$0x3FAE]  }
0x2e: {  	s3 =	simm.s32 @!p0 $0x1082;
	s9 =	sld [smem:$0x3FAF]  }
0x2f: {  	lr =	sadd.s32 s0, s3;
	s0 =	sld [smem:$0x3FA6]  }
0x30: {  	s3 =	sld [smem:$0x3FA9]  }
0x31: {  	[smem:$0x3FB2] =	sst s10  }
0x32: {  	s10 =	sld [smem:$0x3FB0];
	_ =	sdelay $0x3  }
0x33: {  	p0 =	seq.s32 s10, $0x1;
	s10 =	sld [smem:$0x3FB2];
	_ =	sdelay $0x3  }
0x34: {  	[smem:$0x3FB2] =	sst s10  }
0x35: {  	s10 =	sld [smem:$0x3FB1];
	_ =	sdelay $0x3  }
0x36: {  	p1 =	seq.s32 s10, $0x1;
	s10 =	sld [smem:$0x3FB2];
	_ =	sdelay $0x3  }
0x37: {  	[smem:$0x3FB2] =	sst s10  }
0x38: {  	s10 =	sld [smem:$0x3FB3]  }
0x39: {  	_ = 	snop;
	(pc) =	sbr.ind lr, $3  }
0x3a: {  	_ = 	snop  }
0x3b: {  	_ = 	snop  }
0x3c: {  	p2 =	seq.s32 s10, $0x1;
	s10 =	sld [smem:$0x3FB2]  }
0x3d: {  	_ =	shalt  }
0x3e: {  	_ =	shalt  }
0x3f: {  	_ =	shalt  }
0x40: {  	_ =	shalt  }
0x41: {  	_ =	shalt  }
0x42: {  	_ =	shalt  }
0x43: {  	_ =	shalt  }
0x44: {  	_ =	shalt  }
0x45: {  	_ =	shalt  }
0x46: {  	_ =	shalt  }
0x47: {  	_ =	shalt  }
0x48: {  	_ =	shalt  }
0x49: {  	_ =	shalt  }
0x4a: {  	_ =	shalt  }
0x4b: {  	_ =	shalt  }
0x4c: {  	_ =	shalt  }
0x4d: {  	_ =	shalt  }
0x4e: {  	_ =	shalt  }
0x4f: {  	_ =	shalt  }
0x50: {  	_ =	shalt  }
0x51: {  	_ =	shalt  }
0x52: {  	_ =	shalt  }
0x53: {  	_ =	shalt  }
0x54: {  	_ =	shalt  }
0x55: {  	_ =	shalt  }
0x56: {  	_ =	shalt  }
0x57: {  	_ =	shalt  }
0x58: {  	_ =	shalt  }
0x59: {  	_ =	shalt  }
0x5a: {  	_ =	shalt  }
0x5b: {  	_ =	shalt  }
0x5c: {  	_ =	shalt  }
0x5d: {  	_ =	shalt  }
0x5e: {  	_ =	shalt  }
0x5f: {  	_ =	shalt  }
0x60: {  	_ =	shalt  }
0x61: {  	_ =	shalt  }
0x62: {  	_ =	shalt  }
0x63: {  	_ =	shalt  }
0x64: {  	_ =	shalt  }
0x65: {  	_ =	shalt  }
0x66: {  	_ =	shalt  }
0x67: {  	_ =	shalt  }
0x68: {  	_ =	shalt  }
0x69: {  	_ =	shalt  }
0x6a: {  	_ =	shalt  }
0x6b: {  	_ =	shalt  }
0x6c: {  	_ =	shalt  }
0x6d: {  	_ =	shalt  }
0x6e: {  	_ =	shalt  }
0x6f: {  	_ =	shalt  }
0x70: {  	_ =	shalt  }
0x71: {  	_ =	shalt  }
0x72: {  	_ =	shalt  }
0x73: {  	_ =	shalt  }
0x74: {  	_ =	shalt  }
0x75: {  	_ =	shalt  }
0x76: {  	_ =	shalt  }
0x77: {  	_ =	shalt  }
0x78: {  	_ =	shalt  }
0x79: {  	_ =	shalt  }
0x7a: {  	_ =	shalt  }
0x7b: {  	_ =	shalt  }
0x7c: {  	_ =	shalt  }
0x7d: {  	_ =	shalt  }
0x7e: {  	_ =	shalt  }
0x7f: {  	_ =	shalt  }
0x80: {  	_ =	shalt  }
0x81: {  	_ =	shalt  }
0x82: {  	_ =	shalt  }
0x83: {  	_ =	shalt  }
0x84: {  	_ =	shalt  }
0x85: {  	_ =	shalt  }
0x86: {  	_ =	shalt  }
0x87: {  	_ =	shalt  }
.Lfunc_end0:
.L_simem_size_0:
called_computation_lowered:
.L_overlay_start_0:
0x88: {  	s2 =	sld [smem:$0x3FD9]  }
0x89: {  	s3 =	sld [smem:$0x3FFE];
	_ =	sdelay $0x1  }
0x8a: {  	s1 =	srdreg.scid  }
0x8b: {  	s0 =	sand.u32 $0x1, s1  }
0x8c: {  	s17 =	sshll.u32 s0, $0xA;
	s2 =	sadd.s32 s3, s2  }
0x8d: {  	s2 =	sadd.s32 s2, s17  }
0x8e: {  	[smem:$0x3FBE] =	sst s2  }
0x8f: {  	_ = 	snop  }
0x90: {  	s2 =	sld [smem:$0x3FC9]  }
0x91: {  	s18 =	sld [smem:$0x3FD0];
	(tm) =	ssettm $0x1  }
0x92: {  	s4 =	sld [smem:$0x3FFB];
	_ =	sdelay $0x3  }
0x93: {  	_ =	strace s4  }
0x94: {  	s4 =	sld [smem:$0x3FFC];
	_ =	sdelay $0x3  }
0x95: {  	_ =	strace s4  }
0x96: {  	s4 =	sld [smem:$0x3FFD];
	_ =	sdelay $0x3  }
0x97: {  	_ =	strace s4  }
0x98: {  	_ =	strace $0x8FFFFFFF  }
0x99: {  	s19 =	sld [smem:$0x3FDB];
	_ =	sdelay $0x1  }
0x9a: {  	s5 =	simm.s32 $_scs_section_size  }
0x9b: {  	s6 =	simm.s32 $_size__tile_overlayer_lowered;
	s7 =	simm.s32 $_tile_overlayer_lowered  }
0x9c: {  	s22 =	simm.s32 $0x1BFF;
	s21 =	sshll.u32 s7, $0x1;
	s4 =	sadd.s32 s5, s19  }
0x9d: {  	s8 =	simm.s32 $0x0;
	s20 =	sshll.u32 s6, $0x1;
	s6 =	sadd.s32 s21, s4  }
0x9e: {  	[timem:s8], [sflag:s22] =	dma.local [hbm:s6], s20  }
0x9f: {  	_ =	swait.ge [sflag:s22], s20  }
0xa0: {  	s5 =	ssub.s32 $0x0, s20;
	[sflag:s22] =	ssyncset.done $0x0  }
0xa1: {  	[sflag:s22] =	ssyncadd.s32 s5;
	_ =	sdelay $0x1  }
0xa2: {  	s23 =	simm.s32 $0x1B8B  }
0xa3: {  	_ =	swait.ge [sflag:s23], $0x1  }
0xa4: {  	[sflag:s23] =	ssyncset.done $0x0  }
0xa5: {  	s25 =	simm.s32 $0x1B8E;
	s24 =	sld [smem:$0x3FFE];
	[sflag:s23] =	ssyncadd.s32 $0xFFFFFFFF  }
0xa6: {  	s26 =	simm.s32 $execute0_lowered;
	[smem:$0x3FD2] =	sst s25  }
0xa7: {  	s6 =	sshll.u32 s26, $0x1;
	_ =	strace $0x80000046;
	[dreg:$0x1] =	wrdreg $0xFFFFFFFF  }
0xa8: {  	s28 =	simm.s32 $_size_execute0_lowered;
	s4 =	sadd.s32 s4, s6;
	[dreg:$0x0] =	wrdreg $0x0  }
0xa9: {  	s6 =	sshll.u32 s28, $0x1;
	[dreg:$0x2] =	wrdreg s4  }
0xaa: {  	[dreg:$0x3] =	wrdreg s6  }
0xab: {  	[dreg:$0x4] =	wrdreg $0xC0  }
0xac: {  	_ =	task [dreg:s8], $0x5FFFF  }
0xad: {  	[dreg:$0x1] =	wrdreg $0xFFFFFFFF  }
0xae: {  	[dreg:$0x0] =	wrdreg $0x60  }
0xaf: {  	[dreg:$0x2] =	wrdreg s2  }
0xb0: {  	[dreg:$0x3] =	wrdreg s24  }
0xb1: {  	[dreg:$0x4] =	wrdreg s18  }
0xb2: {  	[dreg:$0x5] =	wrdreg $0x9  }
0xb3: {  	_ =	task.clear_ibuf [dreg:s8], $0x6FFFF;
	_ =	strace $0x90000046  }
0xb4: {  	s29 =	simm.s32 $0x9;
	_ =	strace $0x80000048  }
0xb5: {  	_ =	swait.ge [sflag:s29], $0x1  }
0xb6: {  	[sflag:s29] =	ssyncadd.s32 $0xFFFFFFFF  }
0xb7: {  	_ =	strace $0x90000048  }
0xb8: {  	_ =	sfence  }
0xb9: {  	s30 =	sld [smem:$0x0];
	_ =	sdelay $0x2  }
0xba: {  	s31 =	sshll.u32 s1, $0xD;
	s1 =	sshrl.u32 s1, $0x2  }
0xbb: {  	s3 =	sand.u32 $0x4000, s31;
	s1 =	sadd.s32 s1, s30  }
0xbc: {  	s0 =	sor.u32 s3, s0;
	s1 =	sshll.u32 s1, $0x11  }
0xbd: {  	s0 =	sor.u32 s1, s0  }
0xbe: {  	s0 =	sadd.s32 $0x8F2B, s0  }
0xbf: {  	[sflag:s0] =	ssyncadd.remote.s32 $0x1  }
0xc0: {  	_ =	sfence.sel $0xFFFF  }
0xc1: {  	[dreg:$0x0] =	wrdreg $0xFFFFFFFF;
	(pc) =	sbr.abs _section_cstart, $3  }
0xc2: {  	[dreg:$0x1] =	wrdreg $0xFFFFFFFF  }
0xc3: {  	_ =	task.clear_ibuf [dreg:s8], $0x2FFFF;
	_ =	strace $0x9FFFFFFF  }
0xc4: {  	(tm) =	ssettm $0x7FFFFFFF  }
0xc5: {  	_ =	shalt  }
tec
execute0_lowered:
.L_overlay_start_1:
0x0: {  	(tag) =	ssettag $0x1  }
0x1: {  	s3 =	rddreg [dreg:$0x0]  }
0x2: {  	s4 =	rddreg [dreg:$0x1]  }
0x3: {  	s5 =	rddreg [dreg:$0x2]  }
0x4: {  	s1 =	srdreg.scid;
	s0 =	rddreg [dreg:$0x3]  }
0x5: {  	s2 =	simm.s32 $0x0;
	s30 =	simm.s32 $0x80;
	s6 =	sand.u32 $0x1, s1  }
0x6: {  	s1 =	stileid.u32;
	[smem:$0x7FF] =	sst s2;
	s4 =	sadd.s32 $0x1400, s4  }
0x7: {  	s7 =	sshll.u32 s6, $0x4;
	_ =	strace $0x80000047;
	[dreg:$0x6] =	wrdreg s4  }
0x8: {  	s31 =	simm.s32 $0x3080;
	[dreg:$0x5] =	wrdreg s30;
	s7 =	sor.u32 s1, s7  }
0x9: {  	s6 =	ssub.s32 $0x2, s6;
	[dreg:$0x8] =	wrdreg s31;
	s8 =	sshll.u32 s7, $0x4  }
0xa: {  	s29 =	sshrl.u32 s6, $0x1;
	s26 =	sshll.u32 s7, $0x1;
	s3 =	sadd.s32 s3, s8  }
0xb: {  	s4 =	ssub.s32 s6, s29;
	s28 =	sadd.s32 s5, s26;
	[dreg:$0x4] =	wrdreg s3  }
0xc: {  	[dreg:$0x7] =	wrdreg s28;
	s3 =	smax.u32 s4, $0x1;
	s4 =	simm.s32 $0x1  }
.LBB2_1:
0xd: {  	s5 =	rddreg [dreg:$0x4]  }
0xe: {  	[tilespmem:s2], [sflag:$0x1] =	stream.linear.gather [hbm4b:s5+s2], $0x80, $0x38;
	[tilespmem:$0x3100] =	vst v63  }
0xf: {  	_ =	swait.ge [sflag:s4], $0x80  }
0x10: {  	s13 =	rddreg [dreg:$0x5];
	[sflag:s4] =	ssyncset.done $0x0  }
0x11: {  	s6 =	rddreg [dreg:$0x6];
	[sflag:s4] =	ssyncadd.s32 $0xFFFFFF80  }
0x12: {  	[tilespmem:s13], [sflag:$0x1] =	stream.linear.gather [hbm4b:s6+s2], $0x3000, $0x38;
	[tilespmem:$0x3100] =	vst v63  }
0x13: {  	_ =	swait.ge [sflag:s4], $0x3000  }
0x14: {  	[sflag:s4] =	ssyncset.done $0x0  }
0x15: {  	[sflag:s4] =	ssyncadd.s32 $0xFFFFD000  }
0x16: {  	v0 =	vld [tilespmem:$0x0];
	_ =	sdelay $0x4  }
0x17: {  	v1 =	vshrl.u32 v0, $0x10  }
0x18: {  	v1 =	vand.u32 $0x1, v1  }
0x19: {  	v0 =	vadd.s32 v1, v0  }
0x1a: {  	v0 =	vadd.s32 $0x7FFF, v0  }
0x1b: {  	v43 =	vshrl.u32 v0, $0x10  }
0x1c: {  	v1 =	vand.u32 $0x7F, v43  }
0x1d: {  	v1 =	vshll.u32 v1, $0x4  }
0x1e: {  	v1 =	vadd.s32 $0x80, v1  }
0x1f: {  	(v2sf) =	vpush v1, $0x1  }
0x20: {  	(v2sf) =	vpush v1, $0x0;
	_ =	sdelay $0x2  }
0x21: {  	(v2sf) =	vpush v1, $0x3  }
0x22: {  	(v2sf) =	vpush v1, $0x2;
	_ =	sdelay $0x2  }
0x23: {  	(v2sf) =	vpush v1, $0x5  }
0x24: {  	(v2sf) =	vpush v1, $0x4;
	_ =	sdelay $0x2  }
0x25: {  	(v2sf) =	vpush v1, $0x7  }
0x26: {  	(v2sf) =	vpush v1, $0x6;
	_ =	sdelay $0x1  }
0x27: {  	s14 =	spop (v2sf)  }
0x28: {  	v47 =	vld [tilespmem:$0x10];
	(v2sf) =	vpush v1, $0x9;
	s15 =	spop (v2sf)  }
0x29: {  	(v2sf) =	vpush v1, $0x8;
	v2 =	vld [tilespmem:s15+$0x0];
	_ =	sdelay $0x1  }
0x2a: {  	v0 =	vand.u32 $0xFF800000, v0;
	v4 =	vld [tilespmem:s14+$0x0];
	s16 =	spop (v2sf)  }
0x2b: {  	v3 =	vbroadcast v0, $0x0;
	(v2sf) =	vpush v1, $0xB;
	s17 =	spop (v2sf)  }
0x2c: {  	(v2sf) =	vpush v1, $0xA;
	v44 =	vld [tilespmem:s17+$0x0]  }
0x2d: {  	v8 =	vshrl.u32 v47, $0x10;
	v5 =	vbroadcast v0, $0x1;
	v2 =	vmul.f32 v3, v2  }
0x2e: {  	v8 =	vand.u32 $0x1, v8;
	v45 =	vbroadcast v0, $0x2;
	v6 =	vld [tilespmem:s16+$0x0];
	s18 =	spop (v2sf)  }
0x2f: {  	(v2sf) =	vpush v1, $0xD;
	s19 =	spop (v2sf);
	v4 =	vmul.f32 v5, v4;
	v2 =	vadd.f32 $0.0e+00, v2  }
0x30: {  	v55 =	vadd.s32 v8, v47;
	(v2sf) =	vpush v1, $0xC;
	v7 =	vld [tilespmem:s19+$0x0]  }
0x31: {  	v46 =	vbroadcast v0, $0x3;
	v3 =	vmul.f32 v45, v44;
	v2 =	vadd.f32 v2, v4  }
0x32: {  	v50 =	vbroadcast v0, $0x4;
	(v2sf) =	vpush v1, $0xF;
	v49 =	vld [tilespmem:s18+$0x0];
	s20 =	spop (v2sf);
	v4 =	vadd.s32 $0x7FFF, v55  }
0x33: {  	s21 =	spop (v2sf);
	v48 =	vmul.f32 v46, v6;
	v58 =	vshrl.u32 v4, $0x10;
	v2 =	vadd.f32 v2, v3  }
0x34: {  	v52 =	vbroadcast v0, $0x5;
	(v2sf) =	vpush v1, $0xE;
	v53 =	vld [tilespmem:s21+$0x0];
	v1 =	vand.u32 $0x7F, v58  }
0x35: {  	v51 =	vmul.f32 v50, v7;
	v1 =	vshll.u32 v1, $0x4;
	v2 =	vadd.f32 v2, v48  }
0x36: {  	v56 =	vbroadcast v0, $0x6;
	v57 =	vld [tilespmem:s20+$0x0];
	s22 =	spop (v2sf);
	v1 =	vadd.s32 $0x80, v1  }
0x37: {  	s23 =	spop (v2sf);
	v54 =	vmul.f32 v52, v49;
	(v2sf) =	vpush v1, $0x1;
	v2 =	vadd.f32 v2, v51  }
0x38: {  	v60 =	vld [tilespmem:s23+$0x0];
	(v2sf) =	vpush v1, $0x0  }
0x39: {  	v61 =	vbroadcast v0, $0x7;
	v59 =	vmul.f32 v53, v56;
	v2 =	vadd.f32 v2, v54  }
0x3a: {  	v9 =	vld [tilespmem:s22+$0x0];
	s24 =	spop (v2sf)  }
0x3b: {  	v63 =	vbroadcast v0, $0x8;
	s25 =	spop (v2sf);
	v62 =	vmul.f32 v57, v61;
	v2 =	vadd.f32 v2, v59  }
0x3c: {  	v11 =	vld [tilespmem:s25+$0x0]  }
0x3d: {  	v12 =	vbroadcast v0, $0x9;
	v10 =	vmul.f32 v60, v63;
	v2 =	vadd.f32 v2, v62  }
0x3e: {  	v14 =	vbroadcast v0, $0xA;
	v13 =	vld [tilespmem:s24+$0x0];
	s26 =	spop (v2sf);
	(v2sf) =	vpush v1, $0x3  }
0x3f: {  	s28 =	spop (v2sf);
	v6 =	vmul.f32 v9, v12;
	(v2sf) =	vpush v1, $0x2;
	v2 =	vadd.f32 v2, v10  }
0x40: {  	v16 =	vld [tilespmem:s28+$0x0]  }
0x41: {  	v15 =	vbroadcast v0, $0xB;
	v5 =	vmul.f32 v11, v14;
	v2 =	vadd.f32 v2, v6  }
0x42: {  	v17 =	vld [tilespmem:s26+$0x0];
	s29 =	spop (v2sf)  }
0x43: {  	v18 =	vbroadcast v0, $0xC;
	v3 =	vmul.f32 v13, v15;
	s30 =	spop (v2sf);
	v2 =	vadd.f32 v2, v5  }
0x44: {  	v21 =	vld [tilespmem:s30+$0x0]  }
0x45: {  	v20 =	vbroadcast v0, $0xD;
	v19 =	vmul.f32 v16, v18;
	v2 =	vadd.f32 v2, v3  }
0x46: {  	v24 =	vbroadcast v0, $0xE;
	v23 =	vld [tilespmem:s29+$0x0];
	s31 =	spop (v2sf)  }
0x47: {  	v22 =	vmul.f32 v17, v20;
	(v2sf) =	vpush v1, $0x5;
	s7 =	spop (v2sf);
	v2 =	vadd.f32 v2, v19  }
0x48: {  	v0 =	vbroadcast v0, $0xF;
	v26 =	vld [tilespmem:s7+$0x0]  }
0x49: {  	(v2sf) =	vpush v1, $0x4;
	v25 =	vmul.f32 v21, v24;
	v2 =	vadd.f32 v2, v22  }
0x4a: {  	v27 =	vand.u32 $0xFF800000, v4;
	(v2sf) =	vpush v1, $0x7;
	v28 =	vld [tilespmem:s31+$0x0]  }
0x4b: {  	v32 =	vld [tilespmem:$0x20];
	v29 =	vbroadcast v27, $0x0;
	v0 =	vmul.f32 v23, v0;
	v2 =	vadd.f32 v2, v25  }
0x4c: {  	v31 =	vbroadcast v27, $0x1  }
0x4d: {  	(v2sf) =	vpush v1, $0x6;
	s8 =	spop (v2sf);
	v5 =	vmul.f32 v29, v26;
	v0 =	vadd.f32 v2, v0  }
0x4e: {  	(v2sf) =	vpush v1, $0x9;
	s9 =	spop (v2sf)  }
0x4f: {  	(v2sf) =	vpush v1, $0x8;
	v30 =	vld [tilespmem:s9+$0x0];
	v4 =	vmul.f32 v31, v28;
	v0 =	vadd.f32 v5, v0  }
0x50: {  	v35 =	vshrl.u32 v32, $0x10  }
0x51: {  	(v2sf) =	vpush v1, $0xB;
	v0 =	vadd.f32 v0, v4;
	v4 =	vand.u32 $0x1, v35  }
0x52: {  	v33 =	vbroadcast v27, $0x2;
	(v2sf) =	vpush v1, $0xA;
	v4 =	vadd.s32 v4, v32  }
0x53: {  	(v2sf) =	vpush v1, $0xD;
	v4 =	vadd.s32 $0x7FFF, v4  }
0x54: {  	(v2sf) =	vpush v1, $0xC;
	v2 =	vmul.f32 v33, v30;
	v41 =	vshrl.u32 v4, $0x10  }
0x55: {  	(v2sf) =	vpush v1, $0xF;
	v42 =	vand.u32 $0x7F, v41  }
0x56: {  	s10 =	spop (v2sf);
	(v2sf) =	vpush v1, $0xE;
	v0 =	vadd.f32 v0, v2;
	v2 =	vshll.u32 v42, $0x4  }
0x57: {  	v45 =	vadd.s32 $0x80, v2  }
0x58: {  	s11 =	spop (v2sf);
	(v2sf) =	vpush v45, $0x1  }
0x59: {  	s12 =	spop (v2sf);
	(v2sf) =	vpush v45, $0x0  }
0x5a: {  	(v2sf) =	vpush v45, $0x3  }
0x5b: {  	v34 =	vld [tilespmem:s8+$0x0];
	(v2sf) =	vpush v45, $0x2  }
0x5c: {  	s13 =	spop (v2sf);
	(v2sf) =	vpush v45, $0x5  }
0x5d: {  	v37 =	vld [tilespmem:s11+$0x0];
	s14 =	spop (v2sf);
	(v2sf) =	vpush v45, $0x4  }
0x5e: {  	v36 =	vbroadcast v27, $0x3;
	v40 =	vld [tilespmem:s10+$0x0];
	s15 =	spop (v2sf);
	(v2sf) =	vpush v45, $0x7  }
0x5f: {  	v47 =	vld [tilespmem:s12+$0x0];
	(v2sf) =	vpush v45, $0x6  }
0x60: {  	v39 =	vbroadcast v27, $0x4;
	v38 =	vmul.f32 v36, v34;
	v44 =	vld [tilespmem:s13+$0x0];
	s16 =	spop (v2sf);
	(v2sf) =	vpush v45, $0x9  }
0x61: {  	v43 =	vbroadcast v27, $0x5;
	v53 =	vld [tilespmem:s14+$0x0];
	s17 =	spop (v2sf);
	(v2sf) =	vpush v45, $0x8  }
0x62: {  	v5 =	vmul.f32 v39, v37;
	v0 =	vadd.f32 v0, v38;
	v51 =	vld [tilespmem:s15+$0x0];
	s18 =	spop (v2sf);
	(v2sf) =	vpush v45, $0xB  }
0x63: {  	v48 =	vbroadcast v27, $0x6;
	v59 =	vld [tilespmem:s16+$0x0];
	s19 =	spop (v2sf);
	(v2sf) =	vpush v45, $0xA  }
0x64: {  	v46 =	vmul.f32 v43, v40;
	v0 =	vadd.f32 v0, v5;
	v57 =	vld [tilespmem:s17+$0x0];
	s20 =	spop (v2sf);
	(v2sf) =	vpush v45, $0xD  }
0x65: {  	v63 =	vld [tilespmem:s18+$0x0];
	s21 =	spop (v2sf);
	(v2sf) =	vpush v45, $0xC  }
0x66: {  	v50 =	vbroadcast v27, $0x7;
	v49 =	vmul.f32 v44, v48;
	v0 =	vadd.f32 v0, v46;
	v61 =	vld [tilespmem:s19+$0x0]  }
0x67: {  	v10 =	vld [tilespmem:s20+$0x0];
	s22 =	spop (v2sf)  }
0x68: {  	v54 =	vbroadcast v27, $0x8;
	v52 =	vmul.f32 v47, v50;
	v0 =	vadd.f32 v0, v49;
	v9 =	vld [tilespmem:s21+$0x0];
	s23 =	spop (v2sf)  }
0x69: {  	v11 =	vld [tilespmem:s22+$0x0];
	s24 =	spop (v2sf)  }
0x6a: {  	v56 =	vbroadcast v27, $0x9;
	v55 =	vmul.f32 v51, v54;
	v0 =	vadd.f32 v0, v52;
	v16 =	vld [tilespmem:s23+$0x0];
	s25 =	spop (v2sf)  }
0x6b: {  	v12 =	vld [tilespmem:s24+$0x0];
	s26 =	spop (v2sf)  }
0x6c: {  	v60 =	vbroadcast v27, $0xA;
	v58 =	vmul.f32 v53, v56;
	v0 =	vadd.f32 v0, v55;
	v18 =	vld [tilespmem:s25+$0x0];
	s28 =	spop (v2sf)  }
0x6d: {  	v15 =	vbroadcast v27, $0xC;
	v17 =	vbroadcast v27, $0xD;
	v23 =	vld [tilespmem:s26+$0x0];
	s29 =	spop (v2sf)  }
0x6e: {  	v62 =	vbroadcast v27, $0xB;
	v6 =	vmul.f32 v57, v60;
	v0 =	vadd.f32 v0, v58;
	v21 =	vld [tilespmem:s28+$0x0];
	s30 =	spop (v2sf)  }
0x6f: {  	v20 =	vbroadcast v27, $0xE;
	v3 =	vbroadcast v27, $0xF;
	v27 =	vld [tilespmem:s29+$0x0];
	s31 =	spop (v2sf)  }
0x70: {  	v5 =	vmul.f32 v59, v62;
	v0 =	vadd.f32 v0, v6;
	v24 =	vld [tilespmem:s30+$0x0];
	s7 =	spop (v2sf)  }
0x71: {  	v30 =	vld [tilespmem:s31+$0x0];
	s8 =	spop (v2sf)  }
0x72: {  	v2 =	vmul.f32 v61, v15;
	v0 =	vadd.f32 v0, v5;
	v13 =	vld [tilespmem:s7+$0x0];
	s9 =	spop (v2sf)  }
0x73: {  	v33 =	vld [tilespmem:s8+$0x0];
	s10 =	spop (v2sf)  }
0x74: {  	v19 =	vmul.f32 v63, v17;
	v0 =	vadd.f32 v0, v2;
	v14 =	vld [tilespmem:s9+$0x0];
	s6 =	spop (v2sf)  }
0x75: {  	v36 =	vld [tilespmem:$0x30]  }
0x76: {  	v22 =	vmul.f32 v9, v20;
	v0 =	vadd.f32 v0, v19  }
0x77: {  	v4 =	vand.u32 $0xFF800000, v4  }
0x78: {  	v26 =	vbroadcast v4, $0x0;
	v25 =	vmul.f32 v10, v3;
	v0 =	vadd.f32 v0, v22  }
0x79: {  	v29 =	vbroadcast v4, $0x1  }
0x7a: {  	v0 =	vadd.f32 v0, v25;
	v28 =	vmul.f32 v26, v16;
	v41 =	vshrl.u32 v36, $0x10  }
0x7b: {  	v32 =	vbroadcast v4, $0x2;
	v35 =	vbroadcast v4, $0x3;
	v8 =	vand.u32 $0x1, v41  }
0x7c: {  	v31 =	vmul.f32 v29, v11;
	v0 =	vadd.f32 v28, v0;
	v43 =	vadd.s32 v8, v36  }
0x7d: {  	v34 =	vmul.f32 v32, v18;
	(v2sf) =	vpush v45, $0xF;
	v3 =	vadd.s32 $0x7FFF, v43  }
0x7e: {  	v0 =	vadd.f32 v0, v31;
	(v2sf) =	vpush v45, $0xE;
	v45 =	vshrl.u32 v3, $0x10  }
0x7f: {  	v38 =	vbroadcast v4, $0x4;
	v1 =	vand.u32 $0x7F, v45  }
0x80: {  	v37 =	vmul.f32 v35, v12;
	v0 =	vadd.f32 v0, v34;
	v1 =	vshll.u32 v1, $0x4  }
0x81: {  	v40 =	vbroadcast v4, $0x5;
	v1 =	vadd.s32 $0x80, v1  }
0x82: {  	v39 =	vmul.f32 v38, v21;
	v0 =	vadd.f32 v0, v37;
	(v2sf) =	vpush v1, $0x1  }
0x83: {  	v44 =	vbroadcast v4, $0x6;
	(v2sf) =	vpush v1, $0x0  }
0x84: {  	v42 =	vmul.f32 v40, v23;
	v0 =	vadd.f32 v0, v39;
	(v2sf) =	vpush v1, $0x3  }
0x85: {  	v47 =	vbroadcast v4, $0x7;
	(v2sf) =	vpush v1, $0x2  }
0x86: {  	v46 =	vmul.f32 v24, v44;
	v0 =	vadd.f32 v0, v42;
	(v2sf) =	vpush v1, $0x5  }
0x87: {  	(v2sf) =	vpush v1, $0x4  }
0x88: {  	v49 =	vbroadcast v4, $0x8;
	v48 =	vmul.f32 v27, v47;
	v0 =	vadd.f32 v0, v46;
	_ =	sdelay $0x1  }
0x89: {  	v51 =	vbroadcast v4, $0x9;
	v50 =	vmul.f32 v13, v49;
	v0 =	vadd.f32 v0, v48;
	_ =	sdelay $0x1  }
0x8a: {  	v53 =	vbroadcast v4, $0xA;
	v52 =	vmul.f32 v30, v51;
	v0 =	vadd.f32 v0, v50  }
0x8b: {  	v55 =	vld [tilespmem:s6+$0x0]  }
0x8c: {  	v56 =	vbroadcast v4, $0xB;
	v54 =	vmul.f32 v14, v53;
	v0 =	vadd.f32 v0, v52  }
0x8d: {  	v58 =	vbroadcast v4, $0xC;
	v59 =	vld [tilespmem:s10+$0x0];
	s11 =	spop (v2sf)  }
0x8e: {  	v57 =	vmul.f32 v33, v56;
	v0 =	vadd.f32 v0, v54;
	s12 =	spop (v2sf);
	(v2sf) =	vpush v1, $0x7  }
0x8f: {  	v62 =	vbroadcast v4, $0xD;
	v61 =	vld [tilespmem:s12+$0x0];
	s13 =	spop (v2sf);
	(v2sf) =	vpush v1, $0x6  }
0x90: {  	v60 =	vmul.f32 v55, v58;
	v0 =	vadd.f32 v0, v57;
	s14 =	spop (v2sf);
	(v2sf) =	vpush v1, $0x9  }
0x91: {  	v10 =	vld [tilespmem:s11+$0x0];
	s15 =	spop (v2sf);
	(v2sf) =	vpush v1, $0x8  }
0x92: {  	v9 =	vbroadcast v4, $0xE;
	v63 =	vmul.f32 v59, v62;
	v0 =	vadd.f32 v0, v60;
	s16 =	spop (v2sf)  }
0x93: {  	v4 =	vbroadcast v4, $0xF;
	v12 =	vld [tilespmem:s14+$0x0];
	s17 =	spop (v2sf)  }
0x94: {  	v0 =	vadd.f32 v0, v63;
	v11 =	vmul.f32 v61, v9;
	s18 =	spop (v2sf);
	(v2sf) =	vpush v1, $0xB  }
0x95: {  	v13 =	vand.u32 $0xFF800000, v3;
	v16 =	vld [tilespmem:s13+$0x0]  }
0x96: {  	v24 =	vld [tilespmem:$0x40];
	v15 =	vbroadcast v13, $0x0;
	v14 =	vmul.f32 v10, v4;
	v0 =	vadd.f32 v0, v11  }
0x97: {  	v19 =	vbroadcast v13, $0x1;
	v18 =	vld [tilespmem:s16+$0x0];
	(v2sf) =	vpush v1, $0xA  }
0x98: {  	v0 =	vadd.f32 v0, v14;
	v17 =	vmul.f32 v15, v12;
	(v2sf) =	vpush v1, $0xD;
	_ =	sdelay $0x1  }
0x99: {  	v21 =	vbroadcast v13, $0x2;
	v5 =	vmul.f32 v19, v16;
	v0 =	vadd.f32 v17, v0  }
0x9a: {  	v30 =	vshrl.u32 v24, $0x10  }
0x9b: {  	v8 =	vand.u32 $0x1, v30;
	v4 =	vmul.f32 v21, v18;
	v0 =	vadd.f32 v0, v5  }
0x9c: {  	v32 =	vadd.s32 v8, v24;
	s19 =	spop (v2sf)  }
0x9d: {  	(v2sf) =	vpush v1, $0xC;
	v0 =	vadd.f32 v0, v4;
	v4 =	vadd.s32 $0x7FFF, v32;
	s20 =	spop (v2sf)  }
0x9e: {  	v35 =	vshrl.u32 v4, $0x10;
	s21 =	spop (v2sf);
	(v2sf) =	vpush v1, $0xF  }
0x9f: {  	s22 =	spop (v2sf);
	(v2sf) =	vpush v1, $0xE;
	v1 =	vand.u32 $0x7F, v35  }
0xa0: {  	v1 =	vshll.u32 v1, $0x4  }
0xa1: {  	v20 =	vld [tilespmem:s15+$0x0];
	v1 =	vadd.s32 $0x80, v1  }
0xa2: {  	s23 =	spop (v2sf);
	(v2sf) =	vpush v1, $0x1  }
0xa3: {  	v22 =	vld [tilespmem:s18+$0x0]  }
0xa4: {  	v23 =	vbroadcast v13, $0x3  }
0xa5: {  	v25 =	vld [tilespmem:s17+$0x0];
	s24 =	spop (v2sf);
	(v2sf) =	vpush v1, $0x0  }
0xa6: {  	v26 =	vbroadcast v13, $0x4;
	v3 =	vmul.f32 v23, v20;
	s25 =	spop (v2sf);
	(v2sf) =	vpush v1, $0x3  }
0xa7: {  	v29 =	vld [tilespmem:s20+$0x0]  }
0xa8: {  	v28 =	vbroadcast v13, $0x5;
	v27 =	vmul.f32 v26, v22;
	v0 =	vadd.f32 v0, v3  }
0xa9: {  	v33 =	vbroadcast v13, $0x6;
	v34 =	vld [tilespmem:s19+$0x0]  }
0xaa: {  	v31 =	vmul.f32 v28, v25;
	v0 =	vadd.f32 v0, v27;
	(v2sf) =	vpush v1, $0x2  }
0xab: {  	v38 =	vbroadcast v13, $0x7;
	v37 =	vld [tilespmem:s22+$0x0]  }
0xac: {  	v0 =	vadd.f32 v0, v31;
	v36 =	vmul.f32 v29, v33;
	s26 =	spop (v2sf);
	(v2sf) =	vpush v1, $0x5  }
0xad: {  	v41 =	vld [tilespmem:s21+$0x0];
	s28 =	spop (v2sf);
	(v2sf) =	vpush v1, $0x4  }
0xae: {  	v40 =	vbroadcast v13, $0x8;
	v39 =	vmul.f32 v34, v38;
	v0 =	vadd.f32 v0, v36  }
0xaf: {  	v43 =	vld [tilespmem:s24+$0x0]  }
0xb0: {  	v44 =	vbroadcast v13, $0x9;
	v42 =	vmul.f32 v37, v40;
	v0 =	vadd.f32 v0, v39;
	s29 =	spop (v2sf)  }
0xb1: {  	v47 =	vld [tilespmem:s23+$0x0];
	s30 =	spop (v2sf);
	(v2sf) =	vpush v1, $0x7  }
0xb2: {  	v46 =	vbroadcast v13, $0xA;
	v45 =	vmul.f32 v41, v44;
	v0 =	vadd.f32 v0, v42  }
0xb3: {  	v50 =	vbroadcast v13, $0xB;
	v49 =	vld [tilespmem:s26+$0x0]  }
0xb4: {  	v48 =	vmul.f32 v43, v46;
	v0 =	vadd.f32 v0, v45;
	s31 =	spop (v2sf);
	(v2sf) =	vpush v1, $0x6  }
0xb5: {  	v53 =	vld [tilespmem:s25+$0x0];
	s7 =	spop (v2sf);
	(v2sf) =	vpush v1, $0x9  }
0xb6: {  	v52 =	vbroadcast v13, $0xC;
	v51 =	vmul.f32 v47, v50;
	v0 =	vadd.f32 v0, v48  }
0xb7: {  	v55 =	vld [tilespmem:s29+$0x0]  }
0xb8: {  	v56 =	vbroadcast v13, $0xD;
	v54 =	vmul.f32 v49, v52;
	v0 =	vadd.f32 v0, v51  }
0xb9: {  	v59 =	vld [tilespmem:s28+$0x0];
	s8 =	spop (v2sf);
	(v2sf) =	vpush v1, $0x8  }
0xba: {  	v58 =	vbroadcast v13, $0xE;
	v57 =	vmul.f32 v53, v56;
	v0 =	vadd.f32 v0, v54  }
0xbb: {  	v2 =	vbroadcast v13, $0xF;
	v61 =	vld [tilespmem:s31+$0x0];
	s9 =	spop (v2sf)  }
0xbc: {  	v15 =	vld [tilespmem:$0x50];
	v0 =	vadd.f32 v0, v57;
	v60 =	vmul.f32 v55, v58;
	s10 =	spop (v2sf);
	(v2sf) =	vpush v1, $0xB  }
0xbd: {  	v62 =	vand.u32 $0xFF800000, v4;
	v63 =	vld [tilespmem:s30+$0x0]  }
0xbe: {  	v4 =	vbroadcast v62, $0x0;
	v2 =	vmul.f32 v59, v2;
	v9 =	vld [tilespmem:s8+$0x0];
	v0 =	vadd.f32 v0, v60  }
0xbf: {  	v10 =	vbroadcast v62, $0x1;
	(v2sf) =	vpush v1, $0xA  }
0xc0: {  	v0 =	vadd.f32 v0, v2;
	v8 =	vmul.f32 v4, v61;
	s11 =	spop (v2sf);
	(v2sf) =	vpush v1, $0xD  }
0xc1: {  	v12 =	vbroadcast v62, $0x2  }
0xc2: {  	v5 =	vmul.f32 v10, v63;
	v0 =	vadd.f32 v8, v0  }
0xc3: {  	v21 =	vshrl.u32 v15, $0x10;
	v4 =	vmul.f32 v12, v9;
	s12 =	spop (v2sf);
	(v2sf) =	vpush v1, $0xC  }
0xc4: {  	v8 =	vand.u32 $0x1, v21;
	v0 =	vadd.f32 v0, v5;
	s13 =	spop (v2sf);
	(v2sf) =	vpush v1, $0xF  }
0xc5: {  	v23 =	vadd.s32 v8, v15  }
0xc6: {  	v0 =	vadd.f32 v0, v4;
	v4 =	vadd.s32 $0x7FFF, v23  }
0xc7: {  	v11 =	vld [tilespmem:s7+$0x0];
	v26 =	vshrl.u32 v4, $0x10  }
0xc8: {  	s14 =	spop (v2sf);
	(v2sf) =	vpush v1, $0xE;
	v1 =	vand.u32 $0x7F, v26  }
0xc9: {  	v13 =	vld [tilespmem:s10+$0x0];
	v1 =	vshll.u32 v1, $0x4  }
0xca: {  	v14 =	vbroadcast v62, $0x3;
	v1 =	vadd.s32 $0x80, v1  }
0xcb: {  	v16 =	vld [tilespmem:s9+$0x0];
	s15 =	spop (v2sf);
	(v2sf) =	vpush v1, $0x1  }
0xcc: {  	v17 =	vbroadcast v62, $0x4;
	v2 =	vmul.f32 v14, v11  }
0xcd: {  	v19 =	vbroadcast v62, $0x5;
	v20 =	vld [tilespmem:s12+$0x0]  }
0xce: {  	v0 =	vadd.f32 v0, v2;
	v18 =	vmul.f32 v17, v13;
	s16 =	spop (v2sf);
	(v2sf) =	vpush v1, $0x0  }
0xcf: {  	v24 =	vbroadcast v62, $0x6;
	v25 =	vld [tilespmem:s11+$0x0];
	s17 =	spop (v2sf);
	(v2sf) =	vpush v1, $0x3  }
0xd0: {  	v22 =	vmul.f32 v19, v16;
	v0 =	vadd.f32 v0, v18;
	(v2sf) =	vpush v1, $0x2  }
0xd1: {  	v29 =	vbroadcast v62, $0x7;
	v28 =	vld [tilespmem:s14+$0x0]  }
0xd2: {  	v0 =	vadd.f32 v0, v22;
	v27 =	vmul.f32 v20, v24;
	s18 =	spop (v2sf);
	(v2sf) =	vpush v1, $0x5  }
0xd3: {  	v32 =	vld [tilespmem:s13+$0x0];
	s19 =	spop (v2sf);
	(v2sf) =	vpush v1, $0x4  }
0xd4: {  	v31 =	vbroadcast v62, $0x8;
	v30 =	vmul.f32 v25, v29;
	v0 =	vadd.f32 v0, v27  }
0xd5: {  	v34 =	vld [tilespmem:s16+$0x0]  }
0xd6: {  	v35 =	vbroadcast v62, $0x9;
	v33 =	vmul.f32 v28, v31;
	v0 =	vadd.f32 v0, v30  }
0xd7: {  	v38 =	vld [tilespmem:s15+$0x0]  }
0xd8: {  	v37 =	vbroadcast v62, $0xA;
	v36 =	vmul.f32 v32, v35;
	v0 =	vadd.f32 v0, v33  }
0xd9: {  	v41 =	vbroadcast v62, $0xB;
	v40 =	vld [tilespmem:s18+$0x0];
	s20 =	spop (v2sf)  }
0xda: {  	v0 =	vadd.f32 v0, v36;
	v39 =	vmul.f32 v34, v37;
	s21 =	spop (v2sf);
	(v2sf) =	vpush v1, $0x7  }
0xdb: {  	v44 =	vld [tilespmem:s17+$0x0]  }
0xdc: {  	v43 =	vbroadcast v62, $0xC;
	v42 =	vmul.f32 v38, v41;
	v0 =	vadd.f32 v0, v39  }
0xdd: {  	v47 =	vbroadcast v62, $0xD;
	v46 =	vld [tilespmem:s20+$0x0];
	s22 =	spop (v2sf);
	(v2sf) =	vpush v1, $0x6  }
0xde: {  	v0 =	vadd.f32 v0, v42;
	v45 =	vmul.f32 v40, v43;
	s23 =	spop (v2sf);
	(v2sf) =	vpush v1, $0x9  }
0xdf: {  	v50 =	vld [tilespmem:s19+$0x0];
	s24 =	spop (v2sf);
	(v2sf) =	vpush v1, $0x8  }
0xe0: {  	v49 =	vbroadcast v62, $0xE;
	v48 =	vmul.f32 v44, v47;
	v0 =	vadd.f32 v0, v45  }
0xe1: {  	v3 =	vbroadcast v62, $0xF;
	v52 =	vld [tilespmem:s22+$0x0];
	s25 =	spop (v2sf)  }
0xe2: {  	v51 =	vmul.f32 v46, v49;
	v0 =	vadd.f32 v0, v48;
	s26 =	spop (v2sf);
	(v2sf) =	vpush v1, $0xB  }
0xe3: {  	v53 =	vand.u32 $0xFF800000, v4;
	v54 =	vld [tilespmem:s21+$0x0]  }
0xe4: {  	v62 =	vld [tilespmem:$0x60];
	v4 =	vbroadcast v53, $0x0;
	v3 =	vmul.f32 v50, v3;
	v0 =	vadd.f32 v0, v51  }
0xe5: {  	v56 =	vld [tilespmem:s24+$0x0];
	(v2sf) =	vpush v1, $0xA  }
0xe6: {  	v57 =	vbroadcast v53, $0x1;
	v0 =	vadd.f32 v0, v3;
	v55 =	vmul.f32 v4, v52;
	_ =	sdelay $0x1  }
0xe7: {  	v59 =	vbroadcast v53, $0x2;
	v5 =	vmul.f32 v57, v54;
	v0 =	vadd.f32 v55, v0  }
0xe8: {  	v15 =	vshrl.u32 v62, $0x10;
	s28 =	spop (v2sf);
	(v2sf) =	vpush v1, $0xD  }
0xe9: {  	v8 =	vand.u32 $0x1, v15;
	v0 =	vadd.f32 v0, v5;
	v4 =	vmul.f32 v59, v56  }
0xea: {  	v17 =	vadd.s32 v8, v62  }
0xeb: {  	v0 =	vadd.f32 v0, v4;
	v4 =	vadd.s32 $0x7FFF, v17;
	s29 =	spop (v2sf);
	(v2sf) =	vpush v1, $0xC  }
0xec: {  	v20 =	vshrl.u32 v4, $0x10;
	s30 =	spop (v2sf);
	(v2sf) =	vpush v1, $0xF  }
0xed: {  	s31 =	spop (v2sf);
	(v2sf) =	vpush v1, $0xE;
	v1 =	vand.u32 $0x7F, v20  }
0xee: {  	v58 =	vld [tilespmem:s23+$0x0];
	v1 =	vshll.u32 v1, $0x4  }
0xef: {  	v1 =	vadd.s32 $0x80, v1  }
0xf0: {  	v60 =	vld [tilespmem:s26+$0x0];
	s7 =	spop (v2sf);
	(v2sf) =	vpush v1, $0x1  }
0xf1: {  	v61 =	vbroadcast v53, $0x3  }
0xf2: {  	v63 =	vld [tilespmem:s25+$0x0]  }
0xf3: {  	v11 =	vbroadcast v53, $0x4;
	v3 =	vmul.f32 v61, v58;
	s8 =	spop (v2sf);
	(v2sf) =	vpush v1, $0x0  }
0xf4: {  	v14 =	vld [tilespmem:s29+$0x0];
	(v2sf) =	vpush v1, $0x3  }
0xf5: {  	v13 =	vbroadcast v53, $0x5;
	v12 =	vmul.f32 v11, v60;
	v0 =	vadd.f32 v0, v3  }
0xf6: {  	v18 =	vbroadcast v53, $0x6;
	v19 =	vld [tilespmem:s28+$0x0]  }
0xf7: {  	v16 =	vmul.f32 v13, v63;
	v0 =	vadd.f32 v0, v12;
	s9 =	spop (v2sf);
	(v2sf) =	vpush v1, $0x2  }
0xf8: {  	v22 =	vld [tilespmem:s31+$0x0]  }
0xf9: {  	v23 =	vbroadcast v53, $0x7;
	v0 =	vadd.f32 v0, v16;
	v21 =	vmul.f32 v14, v18  }
0xfa: {  	v26 =	vld [tilespmem:s30+$0x0]  }
0xfb: {  	v25 =	vbroadcast v53, $0x8;
	v24 =	vmul.f32 v19, v23;
	v0 =	vadd.f32 v0, v21  }
0xfc: {  	v29 =	vbroadcast v53, $0x9;
	v28 =	vld [tilespmem:s8+$0x0];
	s10 =	spop (v2sf)  }
0xfd: {  	v0 =	vadd.f32 v0, v24;
	v27 =	vmul.f32 v22, v25;
	(v2sf) =	vpush v1, $0x5;
	s11 =	spop (v2sf)  }
0xfe: {  	v31 =	vbroadcast v53, $0xA;
	v32 =	vld [tilespmem:s7+$0x0];
	(v2sf) =	vpush v1, $0x4;
	s12 =	spop (v2sf)  }
0xff: {  	v30 =	vmul.f32 v26, v29;
	v0 =	vadd.f32 v0, v27;
	s13 =	spop (v2sf);
	(v2sf) =	vpush v1, $0x7  }
0x100: {  	v34 =	vld [tilespmem:s10+$0x0]  }
0x101: {  	v35 =	vbroadcast v53, $0xB;
	v33 =	vmul.f32 v28, v31;
	v0 =	vadd.f32 v0, v30  }
0x102: {  	v37 =	vbroadcast v53, $0xC;
	v38 =	vld [tilespmem:s9+$0x0];
	s14 =	spop (v2sf);
	(v2sf) =	vpush v1, $0x6  }
0x103: {  	v36 =	vmul.f32 v32, v35;
	v0 =	vadd.f32 v0, v33;
	s15 =	spop (v2sf);
	(v2sf) =	vpush v1, $0x9  }
0x104: {  	v40 =	vld [tilespmem:s12+$0x0]  }
0x105: {  	v41 =	vbroadcast v53, $0xD;
	v0 =	vadd.f32 v0, v36;
	v39 =	vmul.f32 v34, v37  }
0x106: {  	v44 =	vld [tilespmem:s11+$0x0];
	s16 =	spop (v2sf);
	(v2sf) =	vpush v1, $0x8  }
0x107: {  	v43 =	vbroadcast v53, $0xE;
	v42 =	vmul.f32 v38, v41;
	v0 =	vadd.f32 v0, v39  }
0x108: {  	v46 =	vld [tilespmem:s14+$0x0]  }
0x109: {  	v2 =	vbroadcast v53, $0xF;
	v56 =	vld [tilespmem:$0x70];
	v0 =	vadd.f32 v0, v42;
	v45 =	vmul.f32 v40, v43  }
0x10a: {  	v47 =	vand.u32 $0xFF800000, v4;
	v48 =	vld [tilespmem:s13+$0x0];
	(v2sf) =	vpush v1, $0xB  }
0x10b: {  	v4 =	vbroadcast v47, $0x0;
	v2 =	vmul.f32 v44, v2;
	v0 =	vadd.f32 v0, v45  }
0x10c: {  	v51 =	vbroadcast v47, $0x1;
	v50 =	vld [tilespmem:s16+$0x0];
	s17 =	spop (v2sf)  }
0x10d: {  	v0 =	vadd.f32 v0, v2;
	v49 =	vmul.f32 v4, v46;
	(v2sf) =	vpush v1, $0xA;
	s18 =	spop (v2sf)  }
0x10e: {  	v53 =	vbroadcast v47, $0x2;
	s19 =	spop (v2sf);
	(v2sf) =	vpush v1, $0xD  }
0x10f: {  	v62 =	vshrl.u32 v56, $0x10;
	v52 =	vld [tilespmem:s15+$0x0];
	v5 =	vmul.f32 v51, v48;
	v0 =	vadd.f32 v49, v0  }
0x110: {  	v8 =	vand.u32 $0x1, v62  }
0x111: {  	v0 =	vadd.f32 v0, v5;
	v54 =	vld [tilespmem:s18+$0x0];
	v4 =	vmul.f32 v53, v50;
	s20 =	spop (v2sf);
	(v2sf) =	vpush v1, $0xC  }
0x112: {  	v55 =	vbroadcast v47, $0x3;
	v9 =	vadd.s32 v8, v56;
	s21 =	spop (v2sf);
	(v2sf) =	vpush v1, $0xF  }
0x113: {  	v57 =	vld [tilespmem:s17+$0x0];
	v0 =	vadd.f32 v0, v4;
	v4 =	vadd.s32 $0x7FFF, v9  }
0x114: {  	v58 =	vbroadcast v47, $0x4;
	v2 =	vmul.f32 v55, v52;
	v12 =	vshrl.u32 v4, $0x10  }
0x115: {  	v60 =	vbroadcast v47, $0x5;
	v61 =	vld [tilespmem:s20+$0x0];
	s22 =	spop (v2sf);
	(v2sf) =	vpush v1, $0xE;
	v1 =	vand.u32 $0x7F, v12  }
0x116: {  	v0 =	vadd.f32 v0, v2;
	v59 =	vmul.f32 v58, v54;
	v1 =	vshll.u32 v1, $0x4  }
0x117: {  	v10 =	vbroadcast v47, $0x6;
	v11 =	vld [tilespmem:s19+$0x0];
	v1 =	vadd.s32 $0x80, v1  }
0x118: {  	v63 =	vmul.f32 v60, v57;
	v0 =	vadd.f32 v0, v59;
	(v2sf) =	vpush v1, $0x1  }
0x119: {  	v14 =	vld [tilespmem:s22+$0x0];
	s23 =	spop (v2sf);
	(v2sf) =	vpush v1, $0x0  }
0x11a: {  	v15 =	vbroadcast v47, $0x7;
	v0 =	vadd.f32 v0, v63;
	v13 =	vmul.f32 v61, v10  }
0x11b: {  	v17 =	vbroadcast v47, $0x8;
	v18 =	vld [tilespmem:s21+$0x0]  }
0x11c: {  	v16 =	vmul.f32 v11, v15;
	v0 =	vadd.f32 v0, v13;
	s24 =	spop (v2sf);
	(v2sf) =	vpush v1, $0x3  }
0x11d: {  	v20 =	vld [tilespmem:s24+$0x0];
	s25 =	spop (v2sf);
	(v2sf) =	vpush v1, $0x2  }
0x11e: {  	v21 =	vbroadcast v47, $0x9;
	v0 =	vadd.f32 v0, v16;
	v19 =	vmul.f32 v14, v17  }
0x11f: {  	v23 =	vbroadcast v47, $0xA;
	v24 =	vld [tilespmem:s23+$0x0]  }
0x120: {  	v22 =	vmul.f32 v18, v21;
	v0 =	vadd.f32 v0, v19;
	s26 =	spop (v2sf);
	(v2sf) =	vpush v1, $0x5  }
0x121: {  	v26 =	vld [tilespmem:s26+$0x0];
	s28 =	spop (v2sf);
	(v2sf) =	vpush v1, $0x4  }
0x122: {  	v27 =	vbroadcast v47, $0xB;
	v25 =	vmul.f32 v20, v23;
	v0 =	vadd.f32 v0, v22  }
0x123: {  	v29 =	vbroadcast v47, $0xC;
	v28 =	vld [tilespmem:s25+$0x0]  }
0x124: {  	v6 =	vmul.f32 v24, v27;
	(v2sf) =	vpush v1, $0x7;
	v0 =	vadd.f32 v0, v25;
	s29 =	spop (v2sf)  }
0x125: {  	(v2sf) =	vpush v1, $0x6;
	v31 =	vld [tilespmem:s29+$0x0]  }
0x126: {  	v30 =	vbroadcast v47, $0xD;
	v0 =	vadd.f32 v0, v6;
	v5 =	vmul.f32 v26, v29  }
0x127: {  	v33 =	vbroadcast v47, $0xE;
	v32 =	vld [tilespmem:s28+$0x0];
	s30 =	spop (v2sf)  }
0x128: {  	v2 =	vmul.f32 v28, v30;
	v0 =	vadd.f32 v0, v5;
	(v2sf) =	vpush v1, $0x9;
	s31 =	spop (v2sf)  }
0x129: {  	v3 =	vbroadcast v47, $0xF;
	(v2sf) =	vpush v1, $0x8;
	v35 =	vld [tilespmem:s31+$0x0]  }
0x12a: {  	v37 =	vand.u32 $0xFF800000, v4;
	v0 =	vadd.f32 v0, v2;
	v34 =	vmul.f32 v31, v33  }
0x12b: {  	v39 =	vbroadcast v37, $0x0;
	v38 =	vld [tilespmem:s30+$0x0];
	s7 =	spop (v2sf)  }
0x12c: {  	v36 =	vmul.f32 v32, v3;
	v0 =	vadd.f32 v0, v34;
	s8 =	spop (v2sf);
	(v2sf) =	vpush v1, $0xB  }
0x12d: {  	v40 =	vld [tilespmem:s8+$0x0];
	(v2sf) =	vpush v1, $0xA  }
0x12e: {  	v41 =	vbroadcast v37, $0x1;
	v0 =	vadd.f32 v0, v36;
	v5 =	vmul.f32 v39, v35  }
0x12f: {  	v42 =	vbroadcast v37, $0x2;
	v43 =	vld [tilespmem:s7+$0x0];
	s9 =	spop (v2sf)  }
0x130: {  	v4 =	vmul.f32 v41, v38;
	s10 =	spop (v2sf);
	(v2sf) =	vpush v1, $0xD;
	v0 =	vadd.f32 v5, v0  }
0x131: {  	v44 =	vld [tilespmem:s10+$0x0];
	(v2sf) =	vpush v1, $0xC  }
0x132: {  	v45 =	vbroadcast v37, $0x3;
	v0 =	vadd.f32 v0, v4;
	v2 =	vmul.f32 v42, v40  }
0x133: {  	v47 =	vbroadcast v37, $0x4;
	v46 =	vld [tilespmem:s9+$0x0];
	s11 =	spop (v2sf)  }
0x134: {  	v5 =	vmul.f32 v45, v43;
	(v2sf) =	vpush v1, $0xF;
	s12 =	spop (v2sf);
	v0 =	vadd.f32 v0, v2  }
0x135: {  	(v2sf) =	vpush v1, $0xE;
	v48 =	vld [tilespmem:s12+$0x0]  }
0x136: {  	v50 =	vbroadcast v37, $0x5;
	v49 =	vmul.f32 v47, v44;
	v0 =	vadd.f32 v0, v5  }
0x137: {  	v51 =	vld [tilespmem:s11+$0x0];
	s13 =	spop (v2sf)  }
0x138: {  	v53 =	vbroadcast v37, $0x6;
	v52 =	vmul.f32 v50, v46;
	s14 =	spop (v2sf);
	v0 =	vadd.f32 v0, v49  }
0x139: {  	v54 =	vld [tilespmem:s14+$0x0]  }
0x13a: {  	v56 =	vbroadcast v37, $0x7;
	v55 =	vmul.f32 v48, v53;
	v0 =	vadd.f32 v0, v52  }
0x13b: {  	v57 =	vld [tilespmem:s13+$0x0];
	s15 =	spop (v2sf)  }
0x13c: {  	v59 =	vbroadcast v37, $0x8;
	v58 =	vmul.f32 v51, v56;
	v0 =	vadd.f32 v0, v55;
	s16 =	spop (v2sf)  }
0x13d: {  	v60 =	vld [tilespmem:s16+$0x0]  }
0x13e: {  	v62 =	vbroadcast v37, $0x9;
	v61 =	vmul.f32 v54, v59;
	v0 =	vadd.f32 v0, v58  }
0x13f: {  	v63 =	vld [tilespmem:s15+$0x0];
	s17 =	spop (v2sf)  }
0x140: {  	v10 =	vbroadcast v37, $0xA;
	v9 =	vmul.f32 v57, v62;
	s18 =	spop (v2sf);
	v0 =	vadd.f32 v0, v61  }
0x141: {  	v11 =	vld [tilespmem:s18+$0x0]  }
0x142: {  	v13 =	vbroadcast v37, $0xB;
	v0 =	vadd.f32 v0, v9;
	v12 =	vmul.f32 v60, v10  }
0x143: {  	v14 =	vld [tilespmem:s17+$0x0];
	s19 =	spop (v2sf)  }
0x144: {  	v16 =	vbroadcast v37, $0xC;
	v15 =	vmul.f32 v63, v13;
	s20 =	spop (v2sf);
	v0 =	vadd.f32 v0, v12  }
0x145: {  	v17 =	vld [tilespmem:s20+$0x0]  }
0x146: {  	v19 =	vbroadcast v37, $0xD;
	v18 =	vmul.f32 v11, v16;
	v0 =	vadd.f32 v0, v15  }
0x147: {  	v20 =	vld [tilespmem:s19+$0x0]  }
0x148: {  	v22 =	vbroadcast v37, $0xE;
	v21 =	vmul.f32 v14, v19;
	v0 =	vadd.f32 v0, v18;
	_ =	sdelay $0x1  }
0x149: {  	v24 =	vbroadcast v37, $0xF;
	v23 =	vmul.f32 v17, v22;
	v0 =	vadd.f32 v0, v21;
	_ =	sdelay $0x1  }
0x14a: {  	v25 =	vmul.f32 v20, v24;
	v0 =	vadd.f32 v0, v23;
	_ =	sdelay $0x1  }
0x14b: {  	v0 =	vadd.f32 v0, v25;
	_ =	sdelay $0x1  }
0x14c: {  	v1 =	vshrl.u32 v0, $0x10  }
0x14d: {  	v1 =	vand.u32 $0x1, v1  }
0x14e: {  	v1 =	vadd.s32 v1, v0  }
0x14f: {  	v1 =	vadd.s32 $0x7FFF, v1  }
0x150: {  	v26 =	vshrl.u32 v1, $0x10  }
0x151: {  	v2 =	vand.u32 $0x7F, v26  }
0x152: {  	v2 =	vshll.u32 v2, $0x4  }
0x153: {  	v2 =	vadd.s32 $0x880, v2  }
0x154: {  	(v2sf) =	vpush v2, $0x1  }
0x155: {  	(v2sf) =	vpush v2, $0x0;
	_ =	sdelay $0x2  }
0x156: {  	(v2sf) =	vpush v2, $0x3  }
0x157: {  	(v2sf) =	vpush v2, $0x2;
	_ =	sdelay $0x2  }
0x158: {  	(v2sf) =	vpush v2, $0x5  }
0x159: {  	(v2sf) =	vpush v2, $0x4;
	_ =	sdelay $0x2  }
0x15a: {  	(v2sf) =	vpush v2, $0x7  }
0x15b: {  	(v2sf) =	vpush v2, $0x6;
	_ =	sdelay $0x1  }
0x15c: {  	s21 =	spop (v2sf)  }
0x15d: {  	(v2sf) =	vpush v2, $0x9;
	s22 =	spop (v2sf)  }
0x15e: {  	(v2sf) =	vpush v2, $0x8;
	v27 =	vld [tilespmem:s22+$0x0];
	_ =	sdelay $0x1  }
0x15f: {  	v1 =	vand.u32 $0xFF800000, v1;
	v28 =	vld [tilespmem:s21+$0x0];
	s23 =	spop (v2sf)  }
0x160: {  	v29 =	vbroadcast v1, $0x0;
	(v2sf) =	vpush v2, $0xB;
	s24 =	spop (v2sf)  }
0x161: {  	(v2sf) =	vpush v2, $0xA;
	v30 =	vld [tilespmem:s24+$0x0]  }
0x162: {  	v31 =	vbroadcast v1, $0x1;
	v3 =	vmul.f32 v29, v27  }
0x163: {  	v32 =	vbroadcast v1, $0x2;
	v33 =	vld [tilespmem:s23+$0x0];
	s25 =	spop (v2sf)  }
0x164: {  	(v2sf) =	vpush v2, $0xD;
	s26 =	spop (v2sf);
	v4 =	vmul.f32 v31, v28;
	v3 =	vadd.f32 $0.0e+00, v3  }
0x165: {  	(v2sf) =	vpush v2, $0xC;
	v35 =	vld [tilespmem:s26+$0x0]  }
0x166: {  	v36 =	vbroadcast v1, $0x3;
	v34 =	vmul.f32 v32, v30;
	v3 =	vadd.f32 v3, v4  }
0x167: {  	v38 =	vbroadcast v1, $0x4;
	v37 =	vld [tilespmem:s25+$0x0];
	s28 =	spop (v2sf)  }
0x168: {  	(v2sf) =	vpush v2, $0xF;
	s29 =	spop (v2sf);
	v6 =	vmul.f32 v36, v33;
	v3 =	vadd.f32 v3, v34  }
0x169: {  	(v2sf) =	vpush v2, $0xE;
	v39 =	vld [tilespmem:s29+$0x0]  }
0x16a: {  	v40 =	vbroadcast v1, $0x5;
	v5 =	vmul.f32 v38, v35;
	v3 =	vadd.f32 v3, v6  }
0x16b: {  	v41 =	vld [tilespmem:s28+$0x0];
	s30 =	spop (v2sf)  }
0x16c: {  	v42 =	vbroadcast v1, $0x6;
	v4 =	vmul.f32 v40, v37;
	s31 =	spop (v2sf);
	v3 =	vadd.f32 v3, v5  }
0x16d: {  	v43 =	vld [tilespmem:s31+$0x0]  }
0x16e: {  	v44 =	vbroadcast v1, $0x7;
	v2 =	vmul.f32 v42, v39;
	v3 =	vadd.f32 v3, v4  }
0x16f: {  	v45 =	vld [tilespmem:s30+$0x0];
	s7 =	spop (v2sf)  }
0x170: {  	v47 =	vbroadcast v1, $0x8;
	v46 =	vmul.f32 v44, v41;
	s8 =	spop (v2sf);
	v2 =	vadd.f32 v3, v2  }
0x171: {  	v48 =	vld [tilespmem:s8+$0x0]  }
0x172: {  	v50 =	vbroadcast v1, $0x9;
	v49 =	vmul.f32 v47, v43;
	v2 =	vadd.f32 v2, v46  }
0x173: {  	v51 =	vld [tilespmem:s7+$0x0];
	s9 =	spop (v2sf)  }
0x174: {  	v53 =	vbroadcast v1, $0xA;
	s10 =	spop (v2sf);
	v52 =	vmul.f32 v50, v45;
	v2 =	vadd.f32 v2, v49  }
0x175: {  	v54 =	vld [tilespmem:s10+$0x0]  }
0x176: {  	v56 =	vbroadcast v1, $0xB;
	v55 =	vmul.f32 v53, v48;
	v2 =	vadd.f32 v2, v52  }
0x177: {  	v57 =	vld [tilespmem:s9+$0x0];
	s11 =	spop (v2sf)  }
0x178: {  	v59 =	vbroadcast v1, $0xC;
	s12 =	spop (v2sf);
	v58 =	vmul.f32 v56, v51;
	v2 =	vadd.f32 v2, v55  }
0x179: {  	v60 =	vld [tilespmem:s12+$0x0]  }
0x17a: {  	v62 =	vbroadcast v1, $0xD;
	v61 =	vmul.f32 v59, v54;
	v2 =	vadd.f32 v2, v58  }
0x17b: {  	v63 =	vld [tilespmem:s11+$0x0]  }
0x17c: {  	v9 =	vbroadcast v1, $0xE;
	v8 =	vmul.f32 v62, v57;
	v2 =	vadd.f32 v2, v61;
	_ =	sdelay $0x1  }
0x17d: {  	v1 =	vbroadcast v1, $0xF;
	v10 =	vmul.f32 v60, v9;
	v2 =	vadd.f32 v2, v8;
	_ =	sdelay $0x1  }
0x17e: {  	v1 =	vmul.f32 v63, v1;
	v2 =	vadd.f32 v2, v10;
	_ =	sdelay $0x1  }
0x17f: {  	v1 =	vadd.f32 v2, v1;
	_ =	sdelay $0x1  }
0x180: {  	v2 =	vshrl.u32 v1, $0x10  }
0x181: {  	v2 =	vand.u32 $0x1, v2  }
0x182: {  	v1 =	vadd.s32 v2, v1  }
0x183: {  	v1 =	vadd.s32 $0x7FFF, v1  }
0x184: {  	v11 =	vshrl.u32 v1, $0x10  }
0x185: {  	v2 =	vand.u32 $0x7F, v11  }
0x186: {  	v2 =	vshll.u32 v2, $0x4  }
0x187: {  	v2 =	vadd.s32 $0x1080, v2  }
0x188: {  	(v2sf) =	vpush v2, $0x1  }
0x189: {  	(v2sf) =	vpush v2, $0x0;
	_ =	sdelay $0x2  }
0x18a: {  	(v2sf) =	vpush v2, $0x3  }
0x18b: {  	(v2sf) =	vpush v2, $0x2;
	_ =	sdelay $0x2  }
0x18c: {  	(v2sf) =	vpush v2, $0x5  }
0x18d: {  	(v2sf) =	vpush v2, $0x4;
	_ =	sdelay $0x2  }
0x18e: {  	(v2sf) =	vpush v2, $0x7  }
0x18f: {  	(v2sf) =	vpush v2, $0x6;
	_ =	sdelay $0x1  }
0x190: {  	s13 =	spop (v2sf)  }
0x191: {  	(v2sf) =	vpush v2, $0x9;
	s14 =	spop (v2sf)  }
0x192: {  	(v2sf) =	vpush v2, $0x8;
	v12 =	vld [tilespmem:s14+$0x0];
	_ =	sdelay $0x1  }
0x193: {  	v1 =	vand.u32 $0xFF800000, v1;
	v13 =	vld [tilespmem:s13+$0x0];
	s15 =	spop (v2sf)  }
0x194: {  	v14 =	vbroadcast v1, $0x0;
	(v2sf) =	vpush v2, $0xB;
	s16 =	spop (v2sf)  }
0x195: {  	(v2sf) =	vpush v2, $0xA;
	v15 =	vld [tilespmem:s16+$0x0]  }
0x196: {  	v16 =	vbroadcast v1, $0x1;
	v3 =	vmul.f32 v14, v12  }
0x197: {  	v17 =	vbroadcast v1, $0x2;
	v18 =	vld [tilespmem:s15+$0x0];
	s17 =	spop (v2sf)  }
0x198: {  	(v2sf) =	vpush v2, $0xD;
	s18 =	spop (v2sf);
	v4 =	vmul.f32 v16, v13;
	v3 =	vadd.f32 $0.0e+00, v3  }
0x199: {  	(v2sf) =	vpush v2, $0xC;
	v20 =	vld [tilespmem:s18+$0x0]  }
0x19a: {  	v21 =	vbroadcast v1, $0x3;
	v19 =	vmul.f32 v17, v15;
	v3 =	vadd.f32 v3, v4  }
0x19b: {  	v23 =	vbroadcast v1, $0x4;
	v22 =	vld [tilespmem:s17+$0x0];
	s19 =	spop (v2sf)  }
0x19c: {  	(v2sf) =	vpush v2, $0xF;
	s20 =	spop (v2sf);
	v6 =	vmul.f32 v21, v18;
	v3 =	vadd.f32 v3, v19  }
0x19d: {  	(v2sf) =	vpush v2, $0xE;
	v24 =	vld [tilespmem:s20+$0x0]  }
0x19e: {  	v25 =	vbroadcast v1, $0x5;
	v5 =	vmul.f32 v23, v20;
	v3 =	vadd.f32 v3, v6  }
0x19f: {  	v26 =	vld [tilespmem:s19+$0x0];
	s21 =	spop (v2sf)  }
0x1a0: {  	v27 =	vbroadcast v1, $0x6;
	v4 =	vmul.f32 v25, v22;
	s22 =	spop (v2sf);
	v3 =	vadd.f32 v3, v5  }
0x1a1: {  	v28 =	vld [tilespmem:s22+$0x0]  }
0x1a2: {  	v29 =	vbroadcast v1, $0x7;
	v2 =	vmul.f32 v27, v24;
	v3 =	vadd.f32 v3, v4  }
0x1a3: {  	v30 =	vld [tilespmem:s21+$0x0];
	s23 =	spop (v2sf)  }
0x1a4: {  	v32 =	vbroadcast v1, $0x8;
	v31 =	vmul.f32 v29, v26;
	s24 =	spop (v2sf);
	v2 =	vadd.f32 v3, v2  }
0x1a5: {  	v33 =	vld [tilespmem:s24+$0x0]  }
0x1a6: {  	v35 =	vbroadcast v1, $0x9;
	v34 =	vmul.f32 v32, v28;
	v2 =	vadd.f32 v2, v31  }
0x1a7: {  	v36 =	vld [tilespmem:s23+$0x0];
	s25 =	spop (v2sf)  }
0x1a8: {  	v38 =	vbroadcast v1, $0xA;
	s26 =	spop (v2sf);
	v37 =	vmul.f32 v35, v30;
	v2 =	vadd.f32 v2, v34  }
0x1a9: {  	v39 =	vld [tilespmem:s26+$0x0]  }
0x1aa: {  	v41 =	vbroadcast v1, $0xB;
	v40 =	vmul.f32 v38, v33;
	v2 =	vadd.f32 v2, v37  }
0x1ab: {  	v42 =	vld [tilespmem:s25+$0x0];
	s28 =	spop (v2sf)  }
0x1ac: {  	v44 =	vbroadcast v1, $0xC;
	s29 =	spop (v2sf);
	v43 =	vmul.f32 v41, v36;
	v2 =	vadd.f32 v2, v40  }
0x1ad: {  	v45 =	vld [tilespmem:s29+$0x0]  }
0x1ae: {  	v47 =	vbroadcast v1, $0xD;
	v46 =	vmul.f32 v44, v39;
	v2 =	vadd.f32 v2, v43  }
0x1af: {  	v48 =	vld [tilespmem:s28+$0x0]  }
0x1b0: {  	v50 =	vbroadcast v1, $0xE;
	v49 =	vmul.f32 v47, v42;
	v2 =	vadd.f32 v2, v46;
	_ =	sdelay $0x1  }
0x1b1: {  	v1 =	vbroadcast v1, $0xF;
	v51 =	vmul.f32 v50, v45;
	v2 =	vadd.f32 v2, v49;
	_ =	sdelay $0x1  }
0x1b2: {  	v1 =	vmul.f32 v1, v48;
	v2 =	vadd.f32 v2, v51;
	_ =	sdelay $0x1  }
0x1b3: {  	v1 =	vadd.f32 v2, v1;
	_ =	sdelay $0x1  }
0x1b4: {  	v0 =	vadd.f32 v1, v0;
	_ =	sdelay $0x1  }
0x1b5: {  	v1 =	vshrl.u32 v0, $0x10  }
0x1b6: {  	v1 =	vand.u32 $0x1, v1  }
0x1b7: {  	v1 =	vadd.s32 v1, v0  }
0x1b8: {  	v1 =	vadd.s32 $0x7FFF, v1  }
0x1b9: {  	v52 =	vshrl.u32 v1, $0x10  }
0x1ba: {  	v2 =	vand.u32 $0x7F, v52  }
0x1bb: {  	v2 =	vshll.u32 v2, $0x4  }
0x1bc: {  	v2 =	vadd.s32 $0x1880, v2  }
0x1bd: {  	(v2sf) =	vpush v2, $0x1  }
0x1be: {  	(v2sf) =	vpush v2, $0x0;
	_ =	sdelay $0x2  }
0x1bf: {  	(v2sf) =	vpush v2, $0x3  }
0x1c0: {  	(v2sf) =	vpush v2, $0x2;
	_ =	sdelay $0x2  }
0x1c1: {  	(v2sf) =	vpush v2, $0x5  }
0x1c2: {  	(v2sf) =	vpush v2, $0x4;
	_ =	sdelay $0x2  }
0x1c3: {  	(v2sf) =	vpush v2, $0x7  }
0x1c4: {  	(v2sf) =	vpush v2, $0x6;
	_ =	sdelay $0x1  }
0x1c5: {  	s30 =	spop (v2sf)  }
0x1c6: {  	(v2sf) =	vpush v2, $0x9;
	s31 =	spop (v2sf)  }
0x1c7: {  	(v2sf) =	vpush v2, $0x8;
	v53 =	vld [tilespmem:s31+$0x0];
	_ =	sdelay $0x1  }
0x1c8: {  	v1 =	vand.u32 $0xFF800000, v1;
	v54 =	vld [tilespmem:s30+$0x0];
	s7 =	spop (v2sf)  }
0x1c9: {  	v55 =	vbroadcast v1, $0x0;
	(v2sf) =	vpush v2, $0xB;
	s8 =	spop (v2sf)  }
0x1ca: {  	(v2sf) =	vpush v2, $0xA;
	v56 =	vld [tilespmem:s8+$0x0]  }
0x1cb: {  	v57 =	vbroadcast v1, $0x1;
	v3 =	vmul.f32 v55, v53  }
0x1cc: {  	v58 =	vbroadcast v1, $0x2;
	v59 =	vld [tilespmem:s7+$0x0];
	s9 =	spop (v2sf)  }
0x1cd: {  	(v2sf) =	vpush v2, $0xD;
	s10 =	spop (v2sf);
	v4 =	vmul.f32 v57, v54;
	v3 =	vadd.f32 $0.0e+00, v3  }
0x1ce: {  	(v2sf) =	vpush v2, $0xC;
	v61 =	vld [tilespmem:s10+$0x0]  }
0x1cf: {  	v62 =	vbroadcast v1, $0x3;
	v60 =	vmul.f32 v58, v56;
	v3 =	vadd.f32 v3, v4  }
0x1d0: {  	v9 =	vbroadcast v1, $0x4;
	v63 =	vld [tilespmem:s9+$0x0];
	s11 =	spop (v2sf)  }
0x1d1: {  	(v2sf) =	vpush v2, $0xF;
	s12 =	spop (v2sf);
	v6 =	vmul.f32 v62, v59;
	v3 =	vadd.f32 v3, v60  }
0x1d2: {  	(v2sf) =	vpush v2, $0xE;
	v10 =	vld [tilespmem:s12+$0x0]  }
0x1d3: {  	v11 =	vbroadcast v1, $0x5;
	v5 =	vmul.f32 v9, v61;
	v3 =	vadd.f32 v3, v6  }
0x1d4: {  	v12 =	vld [tilespmem:s11+$0x0];
	s13 =	spop (v2sf)  }
0x1d5: {  	v13 =	vbroadcast v1, $0x6;
	v4 =	vmul.f32 v11, v63;
	s14 =	spop (v2sf);
	v3 =	vadd.f32 v3, v5  }
0x1d6: {  	v14 =	vld [tilespmem:s14+$0x0]  }
0x1d7: {  	v15 =	vbroadcast v1, $0x7;
	v2 =	vmul.f32 v13, v10;
	v3 =	vadd.f32 v3, v4  }
0x1d8: {  	v16 =	vld [tilespmem:s13+$0x0];
	s15 =	spop (v2sf)  }
0x1d9: {  	v18 =	vbroadcast v1, $0x8;
	v17 =	vmul.f32 v15, v12;
	s16 =	spop (v2sf);
	v2 =	vadd.f32 v3, v2  }
0x1da: {  	v19 =	vld [tilespmem:s16+$0x0]  }
0x1db: {  	v21 =	vbroadcast v1, $0x9;
	v20 =	vmul.f32 v18, v14;
	v2 =	vadd.f32 v2, v17  }
0x1dc: {  	v22 =	vld [tilespmem:s15+$0x0];
	s17 =	spop (v2sf)  }
0x1dd: {  	v24 =	vbroadcast v1, $0xA;
	s18 =	spop (v2sf);
	v23 =	vmul.f32 v21, v16;
	v2 =	vadd.f32 v2, v20  }
0x1de: {  	v25 =	vld [tilespmem:s18+$0x0]  }
0x1df: {  	v27 =	vbroadcast v1, $0xB;
	v26 =	vmul.f32 v24, v19;
	v2 =	vadd.f32 v2, v23  }
0x1e0: {  	v28 =	vld [tilespmem:s17+$0x0];
	s19 =	spop (v2sf)  }
0x1e1: {  	v30 =	vbroadcast v1, $0xC;
	s20 =	spop (v2sf);
	v29 =	vmul.f32 v27, v22;
	v2 =	vadd.f32 v2, v26  }
0x1e2: {  	v31 =	vld [tilespmem:s20+$0x0]  }
0x1e3: {  	v33 =	vbroadcast v1, $0xD;
	v32 =	vmul.f32 v30, v25;
	v2 =	vadd.f32 v2, v29  }
0x1e4: {  	v34 =	vld [tilespmem:s19+$0x0]  }
0x1e5: {  	v36 =	vbroadcast v1, $0xE;
	v35 =	vmul.f32 v33, v28;
	v2 =	vadd.f32 v2, v32;
	_ =	sdelay $0x1  }
0x1e6: {  	v1 =	vbroadcast v1, $0xF;
	v37 =	vmul.f32 v36, v31;
	v2 =	vadd.f32 v2, v35;
	_ =	sdelay $0x1  }
0x1e7: {  	v1 =	vmul.f32 v1, v34;
	v2 =	vadd.f32 v2, v37;
	_ =	sdelay $0x1  }
0x1e8: {  	v1 =	vadd.f32 v2, v1;
	_ =	sdelay $0x1  }
0x1e9: {  	v2 =	vshrl.u32 v1, $0x10  }
0x1ea: {  	v2 =	vand.u32 $0x1, v2  }
0x1eb: {  	v1 =	vadd.s32 v2, v1  }
0x1ec: {  	v1 =	vadd.s32 $0x7FFF, v1  }
0x1ed: {  	v38 =	vshrl.u32 v1, $0x10  }
0x1ee: {  	v2 =	vand.u32 $0x7F, v38  }
0x1ef: {  	v2 =	vshll.u32 v2, $0x4  }
0x1f0: {  	v2 =	vadd.s32 $0x2080, v2  }
0x1f1: {  	(v2sf) =	vpush v2, $0x1  }
0x1f2: {  	(v2sf) =	vpush v2, $0x0;
	_ =	sdelay $0x2  }
0x1f3: {  	(v2sf) =	vpush v2, $0x3  }
0x1f4: {  	(v2sf) =	vpush v2, $0x2;
	_ =	sdelay $0x2  }
0x1f5: {  	(v2sf) =	vpush v2, $0x5  }
0x1f6: {  	(v2sf) =	vpush v2, $0x4;
	_ =	sdelay $0x2  }
0x1f7: {  	(v2sf) =	vpush v2, $0x7  }
0x1f8: {  	(v2sf) =	vpush v2, $0x6;
	_ =	sdelay $0x1  }
0x1f9: {  	s21 =	spop (v2sf)  }
0x1fa: {  	(v2sf) =	vpush v2, $0x9;
	s22 =	spop (v2sf)  }
0x1fb: {  	(v2sf) =	vpush v2, $0x8;
	v39 =	vld [tilespmem:s22+$0x0];
	_ =	sdelay $0x1  }
0x1fc: {  	v1 =	vand.u32 $0xFF800000, v1;
	v40 =	vld [tilespmem:s21+$0x0];
	s23 =	spop (v2sf)  }
0x1fd: {  	v41 =	vbroadcast v1, $0x0;
	(v2sf) =	vpush v2, $0xB;
	s24 =	spop (v2sf)  }
0x1fe: {  	(v2sf) =	vpush v2, $0xA;
	v42 =	vld [tilespmem:s24+$0x0]  }
0x1ff: {  	v43 =	vbroadcast v1, $0x1;
	v3 =	vmul.f32 v41, v39  }
0x200: {  	v44 =	vbroadcast v1, $0x2;
	v45 =	vld [tilespmem:s23+$0x0];
	s25 =	spop (v2sf)  }
0x201: {  	(v2sf) =	vpush v2, $0xD;
	s26 =	spop (v2sf);
	v4 =	vmul.f32 v43, v40;
	v3 =	vadd.f32 $0.0e+00, v3  }
0x202: {  	(v2sf) =	vpush v2, $0xC;
	v47 =	vld [tilespmem:s26+$0x0]  }
0x203: {  	v48 =	vbroadcast v1, $0x3;
	v46 =	vmul.f32 v44, v42;
	v3 =	vadd.f32 v3, v4  }
0x204: {  	v50 =	vbroadcast v1, $0x4;
	v49 =	vld [tilespmem:s25+$0x0];
	s28 =	spop (v2sf)  }
0x205: {  	(v2sf) =	vpush v2, $0xF;
	s29 =	spop (v2sf);
	v6 =	vmul.f32 v48, v45;
	v3 =	vadd.f32 v3, v46  }
0x206: {  	(v2sf) =	vpush v2, $0xE;
	v51 =	vld [tilespmem:s29+$0x0]  }
0x207: {  	v52 =	vbroadcast v1, $0x5;
	v5 =	vmul.f32 v50, v47;
	v3 =	vadd.f32 v3, v6  }
0x208: {  	v53 =	vld [tilespmem:s28+$0x0];
	s30 =	spop (v2sf)  }
0x209: {  	v54 =	vbroadcast v1, $0x6;
	v4 =	vmul.f32 v52, v49;
	s31 =	spop (v2sf);
	v3 =	vadd.f32 v3, v5  }
0x20a: {  	v55 =	vld [tilespmem:s31+$0x0]  }
0x20b: {  	v56 =	vbroadcast v1, $0x7;
	v2 =	vmul.f32 v54, v51;
	v3 =	vadd.f32 v3, v4  }
0x20c: {  	v57 =	vld [tilespmem:s30+$0x0];
	s7 =	spop (v2sf)  }
0x20d: {  	v59 =	vbroadcast v1, $0x8;
	v58 =	vmul.f32 v56, v53;
	s8 =	spop (v2sf);
	v2 =	vadd.f32 v3, v2  }
0x20e: {  	v60 =	vld [tilespmem:s8+$0x0]  }
0x20f: {  	v62 =	vbroadcast v1, $0x9;
	v61 =	vmul.f32 v59, v55;
	v2 =	vadd.f32 v2, v58  }
0x210: {  	v63 =	vld [tilespmem:s7+$0x0];
	s9 =	spop (v2sf)  }
0x211: {  	v9 =	vbroadcast v1, $0xA;
	s10 =	spop (v2sf);
	v8 =	vmul.f32 v62, v57;
	v2 =	vadd.f32 v2, v61  }
0x212: {  	v10 =	vld [tilespmem:s10+$0x0]  }
0x213: {  	v12 =	vbroadcast v1, $0xB;
	v11 =	vmul.f32 v9, v60;
	v2 =	vadd.f32 v2, v8  }
0x214: {  	v13 =	vld [tilespmem:s9+$0x0];
	s11 =	spop (v2sf)  }
0x215: {  	v15 =	vbroadcast v1, $0xC;
	s12 =	spop (v2sf);
	v14 =	vmul.f32 v12, v63;
	v2 =	vadd.f32 v2, v11  }
0x216: {  	v16 =	vld [tilespmem:s12+$0x0]  }
0x217: {  	v18 =	vbroadcast v1, $0xD;
	v17 =	vmul.f32 v15, v10;
	v2 =	vadd.f32 v2, v14  }
0x218: {  	v19 =	vld [tilespmem:s11+$0x0]  }
0x219: {  	v21 =	vbroadcast v1, $0xE;
	v20 =	vmul.f32 v18, v13;
	v2 =	vadd.f32 v2, v17;
	_ =	sdelay $0x1  }
0x21a: {  	v1 =	vbroadcast v1, $0xF;
	v22 =	vmul.f32 v21, v16;
	v2 =	vadd.f32 v2, v20;
	_ =	sdelay $0x1  }
0x21b: {  	v1 =	vmul.f32 v1, v19;
	v2 =	vadd.f32 v2, v22;
	_ =	sdelay $0x1  }
0x21c: {  	v1 =	vadd.f32 v2, v1;
	_ =	sdelay $0x1  }
0x21d: {  	v0 =	vadd.f32 v1, v0;
	_ =	sdelay $0x1  }
0x21e: {  	v1 =	vshrl.u32 v0, $0x10  }
0x21f: {  	v1 =	vand.u32 $0x1, v1  }
0x220: {  	v0 =	vadd.s32 v1, v0  }
0x221: {  	v0 =	vadd.s32 $0x7FFF, v0  }
0x222: {  	v23 =	vshrl.u32 v0, $0x10  }
0x223: {  	v1 =	vand.u32 $0x7F, v23  }
0x224: {  	v1 =	vshll.u32 v1, $0x4  }
0x225: {  	v1 =	vadd.s32 $0x2880, v1  }
0x226: {  	(v2sf) =	vpush v1, $0x1  }
0x227: {  	(v2sf) =	vpush v1, $0x0;
	_ =	sdelay $0x2  }
0x228: {  	(v2sf) =	vpush v1, $0x3  }
0x229: {  	(v2sf) =	vpush v1, $0x2;
	_ =	sdelay $0x2  }
0x22a: {  	(v2sf) =	vpush v1, $0x5  }
0x22b: {  	(v2sf) =	vpush v1, $0x4;
	_ =	sdelay $0x2  }
0x22c: {  	(v2sf) =	vpush v1, $0x7  }
0x22d: {  	(v2sf) =	vpush v1, $0x6;
	_ =	sdelay $0x1  }
0x22e: {  	s13 =	spop (v2sf)  }
0x22f: {  	(v2sf) =	vpush v1, $0x9;
	s14 =	spop (v2sf)  }
0x230: {  	(v2sf) =	vpush v1, $0x8;
	v24 =	vld [tilespmem:s14+$0x0];
	_ =	sdelay $0x1  }
0x231: {  	v0 =	vand.u32 $0xFF800000, v0;
	v25 =	vld [tilespmem:s13+$0x0];
	s15 =	spop (v2sf)  }
0x232: {  	v26 =	vbroadcast v0, $0x0;
	(v2sf) =	vpush v1, $0xB;
	s16 =	spop (v2sf)  }
0x233: {  	(v2sf) =	vpush v1, $0xA;
	v27 =	vld [tilespmem:s16+$0x0]  }
0x234: {  	v28 =	vbroadcast v0, $0x1;
	v2 =	vmul.f32 v26, v24  }
0x235: {  	v29 =	vbroadcast v0, $0x2;
	v30 =	vld [tilespmem:s15+$0x0];
	s17 =	spop (v2sf)  }
0x236: {  	(v2sf) =	vpush v1, $0xD;
	s18 =	spop (v2sf);
	v3 =	vmul.f32 v28, v25;
	v2 =	vadd.f32 $0.0e+00, v2  }
0x237: {  	(v2sf) =	vpush v1, $0xC;
	v32 =	vld [tilespmem:s18+$0x0]  }
0x238: {  	v33 =	vbroadcast v0, $0x3;
	v31 =	vmul.f32 v29, v27;
	v2 =	vadd.f32 v2, v3  }
0x239: {  	v35 =	vbroadcast v0, $0x4;
	v34 =	vld [tilespmem:s17+$0x0];
	s19 =	spop (v2sf)  }
0x23a: {  	(v2sf) =	vpush v1, $0xF;
	s20 =	spop (v2sf);
	v5 =	vmul.f32 v33, v30;
	v2 =	vadd.f32 v2, v31  }
0x23b: {  	(v2sf) =	vpush v1, $0xE;
	v36 =	vld [tilespmem:s20+$0x0]  }
0x23c: {  	v37 =	vbroadcast v0, $0x5;
	v4 =	vmul.f32 v35, v32;
	v2 =	vadd.f32 v2, v5  }
0x23d: {  	v38 =	vld [tilespmem:s19+$0x0];
	s21 =	spop (v2sf)  }
0x23e: {  	v39 =	vbroadcast v0, $0x6;
	v3 =	vmul.f32 v37, v34;
	s22 =	spop (v2sf);
	v2 =	vadd.f32 v2, v4  }
0x23f: {  	v40 =	vld [tilespmem:s22+$0x0]  }
0x240: {  	v41 =	vbroadcast v0, $0x7;
	v1 =	vmul.f32 v39, v36;
	v2 =	vadd.f32 v2, v3  }
0x241: {  	v42 =	vld [tilespmem:s21+$0x0];
	s23 =	spop (v2sf)  }
0x242: {  	v44 =	vbroadcast v0, $0x8;
	v43 =	vmul.f32 v41, v38;
	s24 =	spop (v2sf);
	v1 =	vadd.f32 v2, v1  }
0x243: {  	v45 =	vld [tilespmem:s24+$0x0]  }
0x244: {  	v47 =	vbroadcast v0, $0x9;
	v46 =	vmul.f32 v44, v40;
	v1 =	vadd.f32 v1, v43  }
0x245: {  	v48 =	vld [tilespmem:s23+$0x0];
	s25 =	spop (v2sf)  }
0x246: {  	v50 =	vbroadcast v0, $0xA;
	s26 =	spop (v2sf);
	v49 =	vmul.f32 v47, v42;
	v1 =	vadd.f32 v1, v46  }
0x247: {  	v51 =	vld [tilespmem:s26+$0x0]  }
0x248: {  	v53 =	vbroadcast v0, $0xB;
	v52 =	vmul.f32 v50, v45;
	v1 =	vadd.f32 v1, v49  }
0x249: {  	v54 =	vld [tilespmem:s25+$0x0];
	s28 =	spop (v2sf)  }
0x24a: {  	v56 =	vbroadcast v0, $0xC;
	s29 =	spop (v2sf);
	v55 =	vmul.f32 v53, v48;
	v1 =	vadd.f32 v1, v52  }
0x24b: {  	v57 =	vld [tilespmem:s29+$0x0]  }
0x24c: {  	v59 =	vbroadcast v0, $0xD;
	v58 =	vmul.f32 v56, v51;
	v1 =	vadd.f32 v1, v55  }
0x24d: {  	v60 =	vld [tilespmem:s28+$0x0]  }
0x24e: {  	v62 =	vbroadcast v0, $0xE;
	v61 =	vmul.f32 v59, v54;
	v1 =	vadd.f32 v1, v58;
	_ =	sdelay $0x1  }
0x24f: {  	v0 =	vbroadcast v0, $0xF;
	v63 =	vmul.f32 v62, v57;
	v1 =	vadd.f32 v1, v61;
	_ =	sdelay $0x1  }
0x250: {  	v0 =	vmul.f32 v0, v60;
	v1 =	vadd.f32 v1, v63;
	_ =	sdelay $0x1  }
0x251: {  	v0 =	vadd.f32 v1, v0  }
0x252: {  	p0 =	sne.s32 s3, $0x1;
	s30 =	rddreg [dreg:$0x7]  }
.Ltmp0:
0x253: {  	s31 =	rddreg [dreg:$0x8];
	[tilespmem:$0x3080] =	vst v0;
	(pc) =	sbr.rel @p0 .LBB2_1-.Ltmp0, $4  }
0x254: {  	[hbm4b:s30+s2] =	stream.linear.scatter [tilespmem:s31], [sflag:$0x1], $0x10, $0x38;
	[tilespmem:$0x3100] =	vst v63  }
0x255: {  	_ =	swait.ge [sflag:s4], $0x10  }
0x256: {  	[sflag:s4] =	ssyncset.done $0x0  }
0x257: {  	s3 =	sadd.s32 $0xFFFFFFFF, s3;
	[sflag:s4] =	ssyncadd.s32 $0xFFFFFFF0  }
0x258: {  	_ =	sfence.sel $0x180000  }
0x259: {  	[bflag:$0x0] =	sbarrier.arrive $0xFFFF  }
0x25a: {  	p0 =	sne.s32 s1, $0x0;
	_ =	strace $0x90000047  }
0x25b: {  	s0 =	sadd.s32 @!p0 $0x100000, s0;
	[bflag:$0x2] =	sbarrier.arrive $0xFFFF  }
0x25c: {  	[sflag:s0] =	ssyncadd.tile.s32 @!p0 $0x1;
	_ =	shalt  }
.Lfunc_end2:
_tile_overlayer_lowered:
.L_overlay_start_2:
0x25d: {  	(tag) =	ssettag $0x2  }
0x25e: {  	s0 =	rddreg [dreg:$0x0];
	s2 =	stileid.u32  }
0x25f: {  	s1 =	rddreg [dreg:$0x1];
	p0 =	sne.s32 s2, $0x0  }
0x260: {  	s3 =	rddreg [dreg:$0x2];
	[bflag:$0x3] =	sbarrier.arrive $0xFFFF;
	s2 =	simm.s32 @!p0 $0x1C01  }
0x261: {  	[timem:s3], [sflag:s2] =	dma.local @!p0 [hbm:s0], s1  }
0x262: {  	s0 =	simm.s32 @!p0 $0x1  }
0x263: {  	_ =	swait.ge @!p0 [sflag:s0], s1  }
0x264: {  	s1 =	ssub.s32 @!p0 $0x0, s1;
	[sflag:s0] =	ssyncset.done @!p0 $0x0  }
0x265: {  	[sflag:s0] =	ssyncadd.s32 @!p0 s1  }
0x266: {  	[bflag:$0x3] =	sbarrier.arrive $0xFFFF  }
0x267: {  	_ =	shalt  }

</sc_bundles>
